<compile_context>
chip_gen: v7x
topology: tpu7x:2x2x1
jax: 0.10.2.dev20260603
libtpu: 0.0.44.dev20260713+nightly
codegen_flags: <defaults>
</compile_context>

<pallas_src>
import jax
import jax.numpy as jnp
from jax import lax
from jax.experimental import pallas as pl
from jax.experimental.pallas import tpu as pltpu
from jax.experimental.pallas import tpu_sc as plsc

DIM = 2048
BANK = 8192
BATCH = 4
SEQ = 2048
K = 512
NBLK = 16
BLK = BANK // NBLK



XROWS = (SEQ - 1 + NBLK - 1) // NBLK


def _logits_block_kernel(bt_ref, w_ref, b_ref, g_ref, x_ref, out_ref, xm_ref):
    acc = jax.lax.dot_general(
        bt_ref[...], w_ref[...], (((1,), (1,)), ((), ())),
        precision=None, preferred_element_type=jnp.float32)
    out_ref[...] = (acc + b_ref[...]) + g_ref[...]
    xm_ref[...] = x_ref[...]


def _logits_pallas(bt, W, b, g, x):
    return pl.pallas_call(
        _logits_block_kernel,
        grid=(NBLK,),
        in_specs=[
            pl.BlockSpec((BATCH, DIM), lambda i: (0, 0)),
            pl.BlockSpec((BLK, DIM), lambda i: (i, 0)),
            pl.BlockSpec((1, BLK), lambda i: (0, i)),
            pl.BlockSpec((BATCH, BLK), lambda i: (0, i)),
            pl.BlockSpec((BATCH, XROWS, DIM), lambda i: (0, i, 0)),
        ],
        out_specs=[
            pl.BlockSpec((BATCH, BLK), lambda i: (0, i)),
            pl.BlockSpec((BATCH, XROWS, DIM), lambda i: (0, i, 0)),
        ],
        out_shape=[
            jax.ShapeDtypeStruct((BATCH, BANK), jnp.float32),
            jax.ShapeDtypeStruct((BATCH, SEQ - 1, DIM), jnp.float32),
        ],
    )(bt, W, b[None, :], g, x)



def _exp_block_kernel(v_ref, e_ref):
    v = v_ref[...]
    m = jnp.max(v, axis=1, keepdims=True)
    e_ref[...] = jnp.exp(v - m)


def _exp_pallas(v):
    return pl.pallas_call(
        _exp_block_kernel,
        out_shape=jax.ShapeDtypeStruct((BATCH, BANK), jnp.float32),
    )(v)



NCHK = 16
CW = 512


def _butterfly(x, d, bitclear):
    return jnp.where(bitclear, jnp.roll(x, -d, axis=-1),
                     jnp.roll(x, d, axis=-1))


def _cex(y, i, lane, d, desc):
    bitclear = (lane & d) == 0
    py = _butterfly(y, d, bitclear)
    pi = _butterfly(i, d, bitclear)
    a_gt = (y > py) | ((y == py) & (i < pi))
    keep = jnp.logical_xor(jnp.logical_xor(bitclear, a_gt), desc)
    return jnp.where(keep, y, py), jnp.where(keep, i, pi)


def _flip(x, lane):
    for d in (256, 128, 64, 32, 16, 8, 4, 2, 1):
        x = _butterfly(x, d, (lane & d) == 0)
    return x


def _topk_kernel(e_ref, s_ref, sel_ref):
    y = e_ref[...] / s_ref[...]
    nr = BATCH * NCHK
    lane = jax.lax.broadcasted_iota(jnp.int32, (1, CW), 1)
    rowc = jax.lax.broadcasted_iota(jnp.int32, (nr, 1), 0) % NCHK
    idx = rowc * CW + lane
    k = 2
    while k <= CW:
        desc = (lane & k) == 0
        d = k // 2
        while d >= 1:
            y, idx = _cex(y, idx, lane, d, desc)
            d //= 2
        k *= 2
    dc = 1
    while dc < NCHK:
        bitc = (rowc & dc) == 0
        py = _flip(jnp.where(bitc, jnp.roll(y, -dc, axis=0),
                             jnp.roll(y, dc, axis=0)), lane)
        pi = _flip(jnp.where(bitc, jnp.roll(idx, -dc, axis=0),
                             jnp.roll(idx, dc, axis=0)), lane)
        a_gt = (y > py) | ((y == py) & (idx < pi))
        keep = jnp.logical_xor(a_gt, jnp.logical_not(bitc))
        y = jnp.where(keep, y, py)
        idx = jnp.where(keep, idx, pi)
        d = CW // 2
        while d >= 1:
            y, idx = _cex(y, idx, lane, d, True)
            d //= 2
        dc *= 2
    sel_ref[...] = jnp.concatenate(
        [idx[i * NCHK:i * NCHK + 1] for i in range(BATCH)], axis=0)


def _topk_pallas(e, S):
    s_rows = jnp.broadcast_to(S[:, None, :], (BATCH, NCHK, CW))
    return pl.pallas_call(
        _topk_kernel,
        out_shape=jax.ShapeDtypeStruct((BATCH, K), jnp.int32),
    )(e.reshape(BATCH * NCHK, CW), s_rows.reshape(BATCH * NCHK, CW))



B_TOT = BATCH * K
_NC = 2
_NS = 16
_NW = _NC * _NS
B_PER_W = B_TOT // _NW
CHUNK = 32
NCHUNK = B_PER_W // CHUNK


def _gather_sc_kernel(bank_hbm, idx_hbm, out_hbm, idx_v, rows_v, sem):
    wid = lax.axis_index("s") * _NC + lax.axis_index("c")
    base = wid * B_PER_W
    bslot = wid // (K // B_PER_W)
    kslot = (wid % (K // B_PER_W)) * B_PER_W
    for c in range(NCHUNK):
        pltpu.sync_copy(idx_hbm.at[pl.ds(base + c * CHUNK, CHUNK)],
                        idx_v.at[c])
    for c in range(NCHUNK):
        pltpu.async_copy(bank_hbm.at[idx_v.at[c]], rows_v, sem).wait()
        pltpu.sync_copy(rows_v,
                        out_hbm.at[bslot, pl.ds(kslot + c * CHUNK, CHUNK)])


def _gather_sc(bank, sel_flat):
    mesh = plsc.VectorSubcoreMesh(core_axis_name="c", subcore_axis_name="s")
    return pl.kernel(
        _gather_sc_kernel,
        mesh=mesh,
        out_type=jax.ShapeDtypeStruct((BATCH, K, DIM), jnp.float32),
        scratch_types=[
            pltpu.VMEM((NCHUNK, CHUNK), jnp.int32),
            pltpu.VMEM((CHUNK, DIM), jnp.float32),
            pltpu.SemaphoreType.DMA,
        ],
    )(bank, sel_flat)



def kernel(x, bank, W, b, num_compressed_tokens):
    bt = x[:, -1]
    gkey = jax.random.key(42)
    u = jax.random.uniform(gkey, (BATCH, BANK), minval=1e-20, maxval=1.0)
    g = -jnp.log(-jnp.log(u))
    v, x_main = _logits_pallas(bt, W, b, g, x)
    e = _exp_pallas(v)
    S = jnp.sum(e, axis=-1, keepdims=True)
    sel = _topk_pallas(e, S)
    rows = _gather_sc(bank, sel.reshape(B_TOT))
    return (x_main, rows)

# --- scband reference (transcript-rebuilt; emitter-appended) ---
"""Pipeline reference for scband-query-bank-21320217657787 (READ-ONLY COPY).

The authoritative reference and input builder live on the scoring server;
editing this copy changes nothing except your own understanding.
"""

import jax, jax.numpy as jnp
import numpy as np

DIM = 2048
BANKSIZE = 8192
BATCH = 4
SEQ = 2048

def setup_inputs(seed: int = 0) -> dict:
    key = jax.random.key(seed)
    k1, k2, k3 = jax.random.split(key, 3)
    x = jax.random.normal(k1, (BATCH, SEQ, DIM), dtype=jnp.float32)
    bank = jax.random.normal(k2, (BANKSIZE, DIM), dtype=jnp.float32)
    W = jax.random.normal(k3, (BANKSIZE, DIM), dtype=jnp.float32) * (1.0 / np.sqrt(DIM))
    b = jnp.zeros((BANKSIZE,), dtype=jnp.float32)
    return {"x": x, "bank": bank, "W": W, "b": b, "num_compressed_tokens": 512}

def _gumbel_softmax(logits, tau=1.0):
    gkey = jax.random.key(42)
    u = jax.random.uniform(gkey, logits.shape, minval=1e-20, maxval=1.0)
    g = -jnp.log(-jnp.log(u))
    return jax.nn.softmax((logits + g) / tau, axis=-1)

def reference(x, bank, W, b, num_compressed_tokens):
    x_main = x[:, 0:-1]
    bank_token = x[:, -1]
    logits = bank_token @ W.T + b
    y = _gumbel_softmax(logits, tau=1.0)
    order = jnp.argsort(-y, axis=-1)  # descending argsort
    start = num_compressed_tokens - num_compressed_tokens
    sel = jax.lax.dynamic_slice_in_dim(order, start, 512, axis=1)
    return (x_main, bank[sel])

if __name__ == "__main__":
    import jax
    _d = setup_inputs()
    print(jax.jit(kernel)(*tuple(_d.values())))

</pallas_src>

<mosaic_0001>
#map = affine_map<(d0, d1) -> (0, 0)>
#map1 = affine_map<(d0, d1) -> (0)>
#map2 = affine_map<(d0, d1) -> (0, 0, 0)>
module attributes {stable_mosaic.version = 14 : i64} {
  func.func @_gather_sc_kernel(%arg0: i32, %arg1: i32, %arg2: memref<8192x2048xf32, #tpu.memory_space<hbm>>, %arg3: memref<2048xi32, #tpu.memory_space<hbm>>, %arg4: memref<4x512x2048xf32, #tpu.memory_space<hbm>>, %arg5: memref<2x32xi32, #tpu.memory_space<vmem>>, %arg6: memref<32x2048xf32, #tpu.memory_space<vmem>>, %arg7: memref<!tpu.dma_semaphore, #tpu.memory_space<semaphore_mem>>) attributes {dimension_semantics = [#tpu.dimension_semantics<core_parallel>, #tpu.dimension_semantics<subcore_parallel>], iteration_bounds = array<i64: 2, 16>, scalar_prefetch = 0 : i64, scratch_operands = 3 : i64, tpu.core_type = #tpu.core_type<sc_vector_subcore>, window_params = [{transform_indices = #map}, {transform_indices = #map1}, {transform_indices = #map2}]} {
    %mul3A = arith.constant 2 : i32
    %mul3A_0 = arith.muli %arg1, %mul3A : i32
    %add3A = arith.addi %mul3A_0, %arg0 : i32
    %mul3A_1 = arith.constant 64 : i32
    %mul3A_2 = arith.muli %add3A, %mul3A_1 : i32
    %jit3A = arith.constant 8 : i32
    %div3A = arith.divsi %add3A, %jit3A : i32
    %sign3A = arith.constant 0 : i32
    %sign3A_3 = arith.cmpi sgt, %add3A, %sign3A : i32
    %sign3A_4 = arith.extui %sign3A_3 : i1 to i32
    %sign3A_5 = arith.constant 0 : i32
    %sign3A_6 = arith.cmpi slt, %add3A, %sign3A_5 : i32
    %sign3A_7 = arith.extui %sign3A_6 : i1 to i32
    %sign3A_8 = arith.subi %sign3A_4, %sign3A_7 : i32
    %sign3A_9 = arith.constant 0 : i32
    %sign3A_10 = arith.cmpi sgt, %jit3A, %sign3A_9 : i32
    %sign3A_11 = arith.extui %sign3A_10 : i1 to i32
    %sign3A_12 = arith.constant 0 : i32
    %sign3A_13 = arith.cmpi slt, %jit3A, %sign3A_12 : i32
    %sign3A_14 = arith.extui %sign3A_13 : i1 to i32
    %sign3A_15 = arith.subi %sign3A_11, %sign3A_14 : i32
    %ne3A = arith.cmpi ne, %sign3A_8, %sign3A_15 : i32
    %rem3A = arith.remsi %add3A, %jit3A : i32
    %ne3A_16 = arith.constant 0 : i32
    %ne3A_17 = arith.cmpi ne, %rem3A, %ne3A_16 : i32
    %and3A = arith.andi %ne3A, %ne3A_17 : i1
    %sub3A = arith.constant 1 : i32
    %sub3A_18 = arith.subi %div3A, %sub3A : i32
    %select_n3A = arith.select %and3A, %sub3A_18, %div3A : i32
    %jit3A_19 = arith.constant 8 : i32
    %eq3A = arith.constant 0 : i32
    %eq3A_20 = arith.cmpi eq, %jit3A_19, %eq3A : i32
    %jit3A_21 = arith.constant 1 : i32
    %select_n3A_22 = arith.select %eq3A_20, %jit3A_21, %jit3A_19 : i32
    %rem3A_23 = arith.remsi %add3A, %select_n3A_22 : i32
    %ne3A_24 = arith.constant 0 : i32
    %ne3A_25 = arith.cmpi ne, %rem3A_23, %ne3A_24 : i32
    %lt3A = arith.constant 0 : i32
    %lt3A_26 = arith.cmpi slt, %rem3A_23, %lt3A : i32
    %lt3A_27 = arith.constant 0 : i32
    %lt3A_28 = arith.cmpi slt, %select_n3A_22, %lt3A_27 : i32
    %ne3A_29 = arith.xori %lt3A_26, %lt3A_28 : i1
    %and3A_30 = arith.andi %ne3A_29, %ne3A_25 : i1
    %add3A_31 = arith.addi %rem3A_23, %select_n3A_22 : i32
    %select_n3A_32 = arith.select %and3A_30, %add3A_31, %rem3A_23 : i32
    %mul3A_33 = arith.constant 64 : i32
    %mul3A_34 = arith.muli %select_n3A_32, %mul3A_33 : i32
    %add3A_35 = arith.constant 0 : i32
    %add3A_36 = arith.addi %mul3A_2, %add3A_35 : i32
    %run_scoped3A = arith.constant 0 : i32
    "tpu.region"() ({
      %run_scoped3A_70 = tpu.sem_alloc : memref<!tpu.dma_semaphore, #tpu.memory_space<semaphore_mem>>
      %dma_start3A_71 = arith.constant 0 : i32
      %dma_start3A_72 = tpu.memref_slice %arg5[%run_scoped3A, %dma_start3A_71] : memref<2x32xi32, #tpu.memory_space<vmem>> -> memref<1x32xi32, #tpu.memory_space<vmem>>
      %dma_start3A_73 = tpu.memref_squeeze %dma_start3A_72 : memref<1x32xi32, #tpu.memory_space<vmem>> -> memref<32xi32, #tpu.memory_space<vmem>>
      %dma_start3A_74 = tpu.memref_slice %arg3[%add3A_36] : memref<2048xi32, #tpu.memory_space<hbm>> -> memref<32xi32, #tpu.memory_space<hbm>>
      %dma_start3A_75 = arith.constant 0 : i32
      %dma_start3A_76 = tpu.memref_slice %arg5[%run_scoped3A, %dma_start3A_75] : memref<2x32xi32, #tpu.memory_space<vmem>> -> memref<1x32xi32, #tpu.memory_space<vmem>>
      %dma_start3A_77 = tpu.memref_squeeze %dma_start3A_76 : memref<1x32xi32, #tpu.memory_space<vmem>> -> memref<32xi32, #tpu.memory_space<vmem>>
      %dma_start3A_78 = tpu.memref_slice %arg3[%add3A_36] : memref<2048xi32, #tpu.memory_space<hbm>> -> memref<32xi32, #tpu.memory_space<hbm>>
      tpu.enqueue_dma source(%dma_start3A_78 : memref<32xi32, #tpu.memory_space<hbm>>) target(%dma_start3A_77 : memref<32xi32, #tpu.memory_space<vmem>>) target_semaphore(%run_scoped3A_70 : memref<!tpu.dma_semaphore, #tpu.memory_space<semaphore_mem>>)
      %dma_wait3A_79 = arith.constant 0 : i32
      %dma_wait3A_80 = tpu.memref_slice %arg5[%run_scoped3A, %dma_wait3A_79] : memref<2x32xi32, #tpu.memory_space<vmem>> -> memref<1x32xi32, #tpu.memory_space<vmem>>
      %dma_wait3A_81 = tpu.memref_squeeze %dma_wait3A_80 : memref<1x32xi32, #tpu.memory_space<vmem>> -> memref<32xi32, #tpu.memory_space<vmem>>
      %dma_wait3A_82 = tpu.memref_slice %arg3[%add3A_36] : memref<2048xi32, #tpu.memory_space<hbm>> -> memref<32xi32, #tpu.memory_space<hbm>>
      %dma_wait3A_83 = arith.constant 0 : i32
      %dma_wait3A_84 = tpu.memref_slice %arg5[%run_scoped3A, %dma_wait3A_83] : memref<2x32xi32, #tpu.memory_space<vmem>> -> memref<1x32xi32, #tpu.memory_space<vmem>>
      %dma_wait3A_85 = tpu.memref_squeeze %dma_wait3A_84 : memref<1x32xi32, #tpu.memory_space<vmem>> -> memref<32xi32, #tpu.memory_space<vmem>>
      %dma_wait3A_86 = tpu.memref_slice %arg3[%add3A_36] : memref<2048xi32, #tpu.memory_space<hbm>> -> memref<32xi32, #tpu.memory_space<hbm>>
      tpu.wait_dma2 semaphore(%run_scoped3A_70 : memref<!tpu.dma_semaphore, #tpu.memory_space<semaphore_mem>>) src(%dma_wait3A_86 : memref<32xi32, #tpu.memory_space<hbm>>) dst(%dma_wait3A_85 : memref<32xi32, #tpu.memory_space<vmem>>)
      tpu.yield
    }) : () -> ()
    %add3A_37 = arith.constant 32 : i32
    %add3A_38 = arith.addi %mul3A_2, %add3A_37 : i32
    %run_scoped3A_39 = arith.constant 1 : i32
    "tpu.region"() ({
      %run_scoped3A_70 = tpu.sem_alloc : memref<!tpu.dma_semaphore, #tpu.memory_space<semaphore_mem>>
      %dma_start3A_71 = arith.constant 0 : i32
      %dma_start3A_72 = tpu.memref_slice %arg5[%run_scoped3A_39, %dma_start3A_71] : memref<2x32xi32, #tpu.memory_space<vmem>> -> memref<1x32xi32, #tpu.memory_space<vmem>>
      %dma_start3A_73 = tpu.memref_squeeze %dma_start3A_72 : memref<1x32xi32, #tpu.memory_space<vmem>> -> memref<32xi32, #tpu.memory_space<vmem>>
      %dma_start3A_74 = tpu.memref_slice %arg3[%add3A_38] : memref<2048xi32, #tpu.memory_space<hbm>> -> memref<32xi32, #tpu.memory_space<hbm>>
      %dma_start3A_75 = arith.constant 0 : i32
      %dma_start3A_76 = tpu.memref_slice %arg5[%run_scoped3A_39, %dma_start3A_75] : memref<2x32xi32, #tpu.memory_space<vmem>> -> memref<1x32xi32, #tpu.memory_space<vmem>>
      %dma_start3A_77 = tpu.memref_squeeze %dma_start3A_76 : memref<1x32xi32, #tpu.memory_space<vmem>> -> memref<32xi32, #tpu.memory_space<vmem>>
      %dma_start3A_78 = tpu.memref_slice %arg3[%add3A_38] : memref<2048xi32, #tpu.memory_space<hbm>> -> memref<32xi32, #tpu.memory_space<hbm>>
      tpu.enqueue_dma source(%dma_start3A_78 : memref<32xi32, #tpu.memory_space<hbm>>) target(%dma_start3A_77 : memref<32xi32, #tpu.memory_space<vmem>>) target_semaphore(%run_scoped3A_70 : memref<!tpu.dma_semaphore, #tpu.memory_space<semaphore_mem>>)
      %dma_wait3A_79 = arith.constant 0 : i32
      %dma_wait3A_80 = tpu.memref_slice %arg5[%run_scoped3A_39, %dma_wait3A_79] : memref<2x32xi32, #tpu.memory_space<vmem>> -> memref<1x32xi32, #tpu.memory_space<vmem>>
      %dma_wait3A_81 = tpu.memref_squeeze %dma_wait3A_80 : memref<1x32xi32, #tpu.memory_space<vmem>> -> memref<32xi32, #tpu.memory_space<vmem>>
      %dma_wait3A_82 = tpu.memref_slice %arg3[%add3A_38] : memref<2048xi32, #tpu.memory_space<hbm>> -> memref<32xi32, #tpu.memory_space<hbm>>
      %dma_wait3A_83 = arith.constant 0 : i32
      %dma_wait3A_84 = tpu.memref_slice %arg5[%run_scoped3A_39, %dma_wait3A_83] : memref<2x32xi32, #tpu.memory_space<vmem>> -> memref<1x32xi32, #tpu.memory_space<vmem>>
      %dma_wait3A_85 = tpu.memref_squeeze %dma_wait3A_84 : memref<1x32xi32, #tpu.memory_space<vmem>> -> memref<32xi32, #tpu.memory_space<vmem>>
      %dma_wait3A_86 = tpu.memref_slice %arg3[%add3A_38] : memref<2048xi32, #tpu.memory_space<hbm>> -> memref<32xi32, #tpu.memory_space<hbm>>
      tpu.wait_dma2 semaphore(%run_scoped3A_70 : memref<!tpu.dma_semaphore, #tpu.memory_space<semaphore_mem>>) src(%dma_wait3A_86 : memref<32xi32, #tpu.memory_space<hbm>>) dst(%dma_wait3A_85 : memref<32xi32, #tpu.memory_space<vmem>>)
      tpu.yield
    }) : () -> ()
    %dma_start3A = arith.constant 0 : i32
    %dma_start3A_40 = arith.constant 0 : i32
    %dma_start3A_41 = tpu.memref_slice %arg5[%dma_start3A, %dma_start3A_40] : memref<2x32xi32, #tpu.memory_space<vmem>> -> memref<1x32xi32, #tpu.memory_space<vmem>>
    %dma_start3A_42 = tpu.memref_squeeze %dma_start3A_41 : memref<1x32xi32, #tpu.memory_space<vmem>> -> memref<32xi32, #tpu.memory_space<vmem>>
    %dma_start3A_43 = arith.constant 0 : i32
    %dma_start3A_44 = arith.constant 0 : i32
    %dma_start3A_45 = tpu.memref_slice %arg2[%dma_start3A_43, %dma_start3A_44] : memref<8192x2048xf32, #tpu.memory_space<hbm>> -> memref<8192x2048xf32, #tpu.memory_space<hbm>>
    tpu.enqueue_indirect_dma source(%dma_start3A_45 : memref<8192x2048xf32, #tpu.memory_space<hbm>>) target(%arg6 : memref<32x2048xf32, #tpu.memory_space<vmem>>) offsets(%dma_start3A_42 : memref<32xi32, #tpu.memory_space<vmem>>) semaphore(%arg7 : memref<!tpu.dma_semaphore, #tpu.memory_space<semaphore_mem>>)
    %dma_wait3A = arith.constant 0 : i32
    %dma_wait3A_46 = arith.constant 0 : i32
    %dma_wait3A_47 = tpu.memref_slice %arg5[%dma_wait3A, %dma_wait3A_46] : memref<2x32xi32, #tpu.memory_space<vmem>> -> memref<1x32xi32, #tpu.memory_space<vmem>>
    %dma_wait3A_48 = tpu.memref_squeeze %dma_wait3A_47 : memref<1x32xi32, #tpu.memory_space<vmem>> -> memref<32xi32, #tpu.memory_space<vmem>>
    %dma_wait3A_49 = arith.constant 0 : i32
    %dma_wait3A_50 = arith.constant 0 : i32
    %dma_wait3A_51 = tpu.memref_slice %arg2[%dma_wait3A_49, %dma_wait3A_50] : memref<8192x2048xf32, #tpu.memory_space<hbm>> -> memref<8192x2048xf32, #tpu.memory_space<hbm>>
    tpu.wait_indirect_dma semaphore(%arg7 : memref<!tpu.dma_semaphore, #tpu.memory_space<semaphore_mem>>) src(%dma_wait3A_51 : memref<8192x2048xf32, #tpu.memory_space<hbm>>) dst(%arg6 : memref<32x2048xf32, #tpu.memory_space<vmem>>)
    %add3A_52 = arith.constant 0 : i32
    %add3A_53 = arith.addi %mul3A_34, %add3A_52 : i32
    "tpu.region"() ({
      %run_scoped3A_70 = tpu.sem_alloc : memref<!tpu.dma_semaphore, #tpu.memory_space<semaphore_mem>>
      %dma_start3A_71 = arith.constant 0 : i32
      %dma_start3A_72 = tpu.memref_slice %arg4[%select_n3A, %add3A_53, %dma_start3A_71] : memref<4x512x2048xf32, #tpu.memory_space<hbm>> -> memref<1x32x2048xf32, #tpu.memory_space<hbm>>
      %dma_start3A_73 = tpu.memref_squeeze %dma_start3A_72 : memref<1x32x2048xf32, #tpu.memory_space<hbm>> -> memref<32x2048xf32, #tpu.memory_space<hbm>>
      %dma_start3A_74 = arith.constant 0 : i32
      %dma_start3A_75 = tpu.memref_slice %arg4[%select_n3A, %add3A_53, %dma_start3A_74] : memref<4x512x2048xf32, #tpu.memory_space<hbm>> -> memref<1x32x2048xf32, #tpu.memory_space<hbm>>
      %dma_start3A_76 = tpu.memref_squeeze %dma_start3A_75 : memref<1x32x2048xf32, #tpu.memory_space<hbm>> -> memref<32x2048xf32, #tpu.memory_space<hbm>>
      tpu.enqueue_dma source(%arg6 : memref<32x2048xf32, #tpu.memory_space<vmem>>) target(%dma_start3A_76 : memref<32x2048xf32, #tpu.memory_space<hbm>>) target_semaphore(%run_scoped3A_70 : memref<!tpu.dma_semaphore, #tpu.memory_space<semaphore_mem>>)
      %dma_wait3A_77 = arith.constant 0 : i32
      %dma_wait3A_78 = tpu.memref_slice %arg4[%select_n3A, %add3A_53, %dma_wait3A_77] : memref<4x512x2048xf32, #tpu.memory_space<hbm>> -> memref<1x32x2048xf32, #tpu.memory_space<hbm>>
      %dma_wait3A_79 = tpu.memref_squeeze %dma_wait3A_78 : memref<1x32x2048xf32, #tpu.memory_space<hbm>> -> memref<32x2048xf32, #tpu.memory_space<hbm>>
      %dma_wait3A_80 = arith.constant 0 : i32
      %dma_wait3A_81 = tpu.memref_slice %arg4[%select_n3A, %add3A_53, %dma_wait3A_80] : memref<4x512x2048xf32, #tpu.memory_space<hbm>> -> memref<1x32x2048xf32, #tpu.memory_space<hbm>>
      %dma_wait3A_82 = tpu.memref_squeeze %dma_wait3A_81 : memref<1x32x2048xf32, #tpu.memory_space<hbm>> -> memref<32x2048xf32, #tpu.memory_space<hbm>>
      tpu.wait_dma2 semaphore(%run_scoped3A_70 : memref<!tpu.dma_semaphore, #tpu.memory_space<semaphore_mem>>) src(%arg6 : memref<32x2048xf32, #tpu.memory_space<vmem>>) dst(%dma_wait3A_82 : memref<32x2048xf32, #tpu.memory_space<hbm>>)
      tpu.yield
    }) : () -> ()
    %dma_start3A_54 = arith.constant 1 : i32
    %dma_start3A_55 = arith.constant 0 : i32
    %dma_start3A_56 = tpu.memref_slice %arg5[%dma_start3A_54, %dma_start3A_55] : memref<2x32xi32, #tpu.memory_space<vmem>> -> memref<1x32xi32, #tpu.memory_space<vmem>>
    %dma_start3A_57 = tpu.memref_squeeze %dma_start3A_56 : memref<1x32xi32, #tpu.memory_space<vmem>> -> memref<32xi32, #tpu.memory_space<vmem>>
    %dma_start3A_58 = arith.constant 0 : i32
    %dma_start3A_59 = arith.constant 0 : i32
    %dma_start3A_60 = tpu.memref_slice %arg2[%dma_start3A_58, %dma_start3A_59] : memref<8192x2048xf32, #tpu.memory_space<hbm>> -> memref<8192x2048xf32, #tpu.memory_space<hbm>>
    tpu.enqueue_indirect_dma source(%dma_start3A_60 : memref<8192x2048xf32, #tpu.memory_space<hbm>>) target(%arg6 : memref<32x2048xf32, #tpu.memory_space<vmem>>) offsets(%dma_start3A_57 : memref<32xi32, #tpu.memory_space<vmem>>) semaphore(%arg7 : memref<!tpu.dma_semaphore, #tpu.memory_space<semaphore_mem>>)
    %dma_wait3A_61 = arith.constant 1 : i32
    %dma_wait3A_62 = arith.constant 0 : i32
    %dma_wait3A_63 = tpu.memref_slice %arg5[%dma_wait3A_61, %dma_wait3A_62] : memref<2x32xi32, #tpu.memory_space<vmem>> -> memref<1x32xi32, #tpu.memory_space<vmem>>
    %dma_wait3A_64 = tpu.memref_squeeze %dma_wait3A_63 : memref<1x32xi32, #tpu.memory_space<vmem>> -> memref<32xi32, #tpu.memory_space<vmem>>
    %dma_wait3A_65 = arith.constant 0 : i32
    %dma_wait3A_66 = arith.constant 0 : i32
    %dma_wait3A_67 = tpu.memref_slice %arg2[%dma_wait3A_65, %dma_wait3A_66] : memref<8192x2048xf32, #tpu.memory_space<hbm>> -> memref<8192x2048xf32, #tpu.memory_space<hbm>>
    tpu.wait_indirect_dma semaphore(%arg7 : memref<!tpu.dma_semaphore, #tpu.memory_space<semaphore_mem>>) src(%dma_wait3A_67 : memref<8192x2048xf32, #tpu.memory_space<hbm>>) dst(%arg6 : memref<32x2048xf32, #tpu.memory_space<vmem>>)
    %add3A_68 = arith.constant 32 : i32
    %add3A_69 = arith.addi %mul3A_34, %add3A_68 : i32
    "tpu.region"() ({
      %run_scoped3A_70 = tpu.sem_alloc : memref<!tpu.dma_semaphore, #tpu.memory_space<semaphore_mem>>
      %dma_start3A_71 = arith.constant 0 : i32
      %dma_start3A_72 = tpu.memref_slice %arg4[%select_n3A, %add3A_69, %dma_start3A_71] : memref<4x512x2048xf32, #tpu.memory_space<hbm>> -> memref<1x32x2048xf32, #tpu.memory_space<hbm>>
      %dma_start3A_73 = tpu.memref_squeeze %dma_start3A_72 : memref<1x32x2048xf32, #tpu.memory_space<hbm>> -> memref<32x2048xf32, #tpu.memory_space<hbm>>
      %dma_start3A_74 = arith.constant 0 : i32
      %dma_start3A_75 = tpu.memref_slice %arg4[%select_n3A, %add3A_69, %dma_start3A_74] : memref<4x512x2048xf32, #tpu.memory_space<hbm>> -> memref<1x32x2048xf32, #tpu.memory_space<hbm>>
      %dma_start3A_76 = tpu.memref_squeeze %dma_start3A_75 : memref<1x32x2048xf32, #tpu.memory_space<hbm>> -> memref<32x2048xf32, #tpu.memory_space<hbm>>
      tpu.enqueue_dma source(%arg6 : memref<32x2048xf32, #tpu.memory_space<vmem>>) target(%dma_start3A_76 : memref<32x2048xf32, #tpu.memory_space<hbm>>) target_semaphore(%run_scoped3A_70 : memref<!tpu.dma_semaphore, #tpu.memory_space<semaphore_mem>>)
      %dma_wait3A_77 = arith.constant 0 : i32
      %dma_wait3A_78 = tpu.memref_slice %arg4[%select_n3A, %add3A_69, %dma_wait3A_77] : memref<4x512x2048xf32, #tpu.memory_space<hbm>> -> memref<1x32x2048xf32, #tpu.memory_space<hbm>>
      %dma_wait3A_79 = tpu.memref_squeeze %dma_wait3A_78 : memref<1x32x2048xf32, #tpu.memory_space<hbm>> -> memref<32x2048xf32, #tpu.memory_space<hbm>>
      %dma_wait3A_80 = arith.constant 0 : i32
      %dma_wait3A_81 = tpu.memref_slice %arg4[%select_n3A, %add3A_69, %dma_wait3A_80] : memref<4x512x2048xf32, #tpu.memory_space<hbm>> -> memref<1x32x2048xf32, #tpu.memory_space<hbm>>
      %dma_wait3A_82 = tpu.memref_squeeze %dma_wait3A_81 : memref<1x32x2048xf32, #tpu.memory_space<hbm>> -> memref<32x2048xf32, #tpu.memory_space<hbm>>
      tpu.wait_dma2 semaphore(%run_scoped3A_70 : memref<!tpu.dma_semaphore, #tpu.memory_space<semaphore_mem>>) src(%arg6 : memref<32x2048xf32, #tpu.memory_space<vmem>>) dst(%dma_wait3A_82 : memref<32x2048xf32, #tpu.memory_space<hbm>>)
      tpu.yield
    }) : () -> ()
    return
  }
}

module attributes {stable_mosaic.version = 14 : i64} {
  func.func @_exp_block_kernel(%arg0: memref<4x8192xf32, #tpu.memory_space<vmem>>, %arg1: memref<4x8192xf32, #tpu.memory_space<vmem>>) attributes {dimension_semantics = [], scalar_prefetch = 0 : i64, scratch_operands = 0 : i64, tpu.core_type = #tpu.core_type<tc>} {
    %get3A = arith.constant 0 : index
    %get3A_0 = arith.constant 0 : index
    %get3A_1 = vector.load %arg0[%get3A, %get3A_0] : memref<4x8192xf32, #tpu.memory_space<vmem>>, vector<4x8192xf32>
    %reduce_max3A = arith.constant dense<0xFF800000> : vector<4xf32>
    %reduce_max3A_2 = vector.multi_reduction <maximumf>, %get3A_1, %reduce_max3A [1] : vector<4x8192xf32> to vector<4xf32>
    %broadcast_in_dim3A = vector.shape_cast %reduce_max3A_2 : vector<4xf32> to vector<4x1xf32>
    %sub3A = vector.broadcast %broadcast_in_dim3A : vector<4x1xf32> to vector<4x8192xf32>
    %sub3A_3 = arith.subf %get3A_1, %sub3A : vector<4x8192xf32>
    %exp3A = math.exp %sub3A_3 : vector<4x8192xf32>
    %swap3A = arith.constant 0 : index
    %swap3A_4 = arith.constant 0 : index
    %swap3A_5 = vector.load %arg1[%swap3A, %swap3A_4] : memref<4x8192xf32, #tpu.memory_space<vmem>>, vector<4x8192xf32>
    tpu.vector_store %arg1[%swap3A, %swap3A_4], %exp3A {strides = array<i32>} : memref<4x8192xf32, #tpu.memory_space<vmem>>, vector<4x8192xf32>,
    return
  }
}

module attributes {stable_mosaic.version = 14 : i64} {
  func.func @_logits_block_kernel(%arg0: i32, %arg1: memref<4x2048xf32, #tpu.memory_space<vmem>>, %arg2: memref<512x2048xf32, #tpu.memory_space<vmem>>, %arg3: memref<1x512xf32, #tpu.memory_space<vmem>>, %arg4: memref<4x512xf32, #tpu.memory_space<vmem>>, %arg5: memref<4x128x2048xf32, #tpu.memory_space<vmem>>, %arg6: memref<4x512xf32, #tpu.memory_space<vmem>>, %arg7: memref<4x128x2048xf32, #tpu.memory_space<vmem>>) attributes {dimension_semantics = [#tpu.dimension_semantics<arbitrary>], iteration_bounds = array<i64: 16>, scalar_prefetch = 0 : i64, scratch_operands = 0 : i64, tpu.core_type = #tpu.core_type<tc>, window_params = [{pipeline_mode = #tpu.pipeline_mode<synchronous>, transform_indices = @transform_0, window_bounds = array<i64: 4, 2048>}, {transform_indices = @transform_1, window_bounds = array<i64: 512, 2048>}, {transform_indices = @transform_2, window_bounds = array<i64: 1, 512>}, {transform_indices = @transform_3, window_bounds = array<i64: 4, 512>}, {transform_indices = @transform_4, window_bounds = array<i64: 4, 128, 2048>}, {transform_indices = @transform_5, window_bounds = array<i64: 4, 512>}, {transform_indices = @transform_6, window_bounds = array<i64: 4, 128, 2048>}]} {
    %get3A = arith.constant 0 : index
    %get3A_0 = arith.constant 0 : index
    %get3A_1 = vector.load %arg1[%get3A, %get3A_0] : memref<4x2048xf32, #tpu.memory_space<vmem>>, vector<4x2048xf32>
    %get3A_2 = arith.constant 0 : index
    %get3A_3 = arith.constant 0 : index
    %get3A_4 = vector.load %arg2[%get3A_2, %get3A_3] : memref<512x2048xf32, #tpu.memory_space<vmem>>, vector<512x2048xf32>
    %dot_general3A = arith.constant dense<0.000000e+00> : vector<4x512xf32>
    %dot_general3A_5 = tpu.matmul %get3A_1, %get3A_4, %dot_general3A {dimension_numbers = #tpu.dot_dimension_numbers<[1], [1], [0], [0], [0, 0, 1, 0], [], []>, transpose_lhs_hint = false} : vector<4x2048xf32>, vector<512x2048xf32>, vector<4x512xf32> -> vector<4x512xf32>
    %get3A_6 = arith.constant 0 : index
    %get3A_7 = arith.constant 0 : index
    %get3A_8 = vector.load %arg3[%get3A_6, %get3A_7] : memref<1x512xf32, #tpu.memory_space<vmem>>, vector<1x512xf32>
    %add3A = vector.broadcast %get3A_8 : vector<1x512xf32> to vector<4x512xf32>
    %add3A_9 = arith.addf %dot_general3A_5, %add3A : vector<4x512xf32>
    %get3A_10 = arith.constant 0 : index
    %get3A_11 = arith.constant 0 : index
    %get3A_12 = vector.load %arg4[%get3A_10, %get3A_11] : memref<4x512xf32, #tpu.memory_space<vmem>>, vector<4x512xf32>
    %add3A_13 = arith.addf %add3A_9, %get3A_12 : vector<4x512xf32>
    %swap3A = arith.constant 0 : index
    %swap3A_14 = arith.constant 0 : index
    %swap3A_15 = vector.load %arg6[%swap3A, %swap3A_14] : memref<4x512xf32, #tpu.memory_space<vmem>>, vector<4x512xf32>
    tpu.vector_store %arg6[%swap3A, %swap3A_14], %add3A_13 {strides = array<i32>} : memref<4x512xf32, #tpu.memory_space<vmem>>, vector<4x512xf32>,
    %get3A_16 = arith.constant 0 : index
    %get3A_17 = arith.constant 0 : index
    %get3A_18 = arith.constant 0 : index
    %get3A_19 = vector.load %arg5[%get3A_16, %get3A_17, %get3A_18] : memref<4x128x2048xf32, #tpu.memory_space<vmem>>, vector<4x128x2048xf32>
    %swap3A_20 = arith.constant 0 : index
    %swap3A_21 = arith.constant 0 : index
    %swap3A_22 = arith.constant 0 : index
    %swap3A_23 = vector.load %arg7[%swap3A_20, %swap3A_21, %swap3A_22] : memref<4x128x2048xf32, #tpu.memory_space<vmem>>, vector<4x128x2048xf32>
    tpu.vector_store %arg7[%swap3A_20, %swap3A_21, %swap3A_22], %get3A_19 {strides = array<i32>} : memref<4x128x2048xf32, #tpu.memory_space<vmem>>, vector<4x128x2048xf32>,
    return
  }
  func.func @transform_0(%arg0: i32) -> (i32, i32) {
    %c0_i32 = arith.constant 0 : i32
    %c0_i32_0 = arith.constant 0 : i32
    %c0_i32_1 = arith.constant 0 : i32
    return %c0_i32, %c0_i32_0 : i32, i32
  }
  func.func @transform_1(%arg0: i32) -> (i32, i32) {
    %c0_i32 = arith.constant 0 : i32
    %c0_i32_0 = arith.constant 0 : i32
    return %arg0, %c0_i32 : i32, i32
  }
  func.func @transform_2(%arg0: i32) -> (i32, i32) {
    %c0_i32 = arith.constant 0 : i32
    %c0_i32_0 = arith.constant 0 : i32
    return %c0_i32, %arg0 : i32, i32
  }
  func.func @transform_3(%arg0: i32) -> (i32, i32) {
    %c0_i32 = arith.constant 0 : i32
    %c0_i32_0 = arith.constant 0 : i32
    return %c0_i32, %arg0 : i32, i32
  }
  func.func @transform_4(%arg0: i32) -> (i32, i32, i32) {
    %c0_i32 = arith.constant 0 : i32
    %c0_i32_0 = arith.constant 0 : i32
    %c0_i32_1 = arith.constant 0 : i32
    return %c0_i32, %arg0, %c0_i32_0 : i32, i32, i32
  }
  func.func @transform_5(%arg0: i32) -> (i32, i32) {
    %c0_i32 = arith.constant 0 : i32
    %c0_i32_0 = arith.constant 0 : i32
    return %c0_i32, %arg0 : i32, i32
  }
  func.func @transform_6(%arg0: i32) -> (i32, i32, i32) {
    %c0_i32 = arith.constant 0 : i32
    %c0_i32_0 = arith.constant 0 : i32
    %c0_i32_1 = arith.constant 0 : i32
    return %c0_i32, %arg0, %c0_i32_0 : i32, i32, i32
  }
}

module attributes {stable_mosaic.version = 14 : i64} {
  func.func @_topk_kernel(%arg0: memref<64x512xf32, #tpu.memory_space<vmem>>, %arg1: memref<64x512xf32, #tpu.memory_space<vmem>>, %arg2: memref<4x512xi32, #tpu.memory_space<vmem>>) attributes {dimension_semantics = [], scalar_prefetch = 0 : i64, scratch_operands = 0 : i64, tpu.core_type = #tpu.core_type<tc>} {
    %get3A = arith.constant 0 : index
    %get3A_0 = arith.constant 0 : index
    %get3A_1 = vector.load %arg0[%get3A, %get3A_0] : memref<64x512xf32, #tpu.memory_space<vmem>>, vector<64x512xf32>
    %get3A_2 = arith.constant 0 : index
    %get3A_3 = arith.constant 0 : index
    %get3A_4 = vector.load %arg1[%get3A_2, %get3A_3] : memref<64x512xf32, #tpu.memory_space<vmem>>, vector<64x512xf32>
    %div3A = arith.divf %get3A_1, %get3A_4 : vector<64x512xf32>
    %iota3A = tpu.iota {dimensions = array<i32: 1>} : vector<1x512xi32>
    %iota3A_5 = tpu.iota {dimensions = array<i32: 0>} : vector<64x1xi32>
    %jit3A = arith.constant 16 : i32
    %eq3A = arith.constant 0 : i32
    %eq3A_6 = arith.cmpi eq, %jit3A, %eq3A : i32
    %jit3A_7 = arith.constant 1 : i32
    %select_n3A = arith.select %eq3A_6, %jit3A_7, %jit3A : i32
    %rem3A = vector.broadcast %select_n3A : i32 to vector<64x1xi32>
    %rem3A_8 = arith.remsi %iota3A_5, %rem3A : vector<64x1xi32>
    %ne3A = arith.constant 0 : i32
    %ne3A_9 = vector.broadcast %ne3A : i32 to vector<64x1xi32>
    %ne3A_10 = arith.cmpi ne, %rem3A_8, %ne3A_9 : vector<64x1xi32>
    %lt3A = arith.constant 0 : i32
    %lt3A_11 = vector.broadcast %lt3A : i32 to vector<64x1xi32>
    %lt3A_12 = arith.cmpi slt, %rem3A_8, %lt3A_11 : vector<64x1xi32>
    %lt3A_13 = arith.constant 0 : i32
    %lt3A_14 = arith.cmpi slt, %select_n3A, %lt3A_13 : i32
    %ne3A_15 = vector.broadcast %lt3A_14 : i1 to vector<64x1xi1>
    %ne3A_16 = vector.broadcast %ne3A_15 : vector<64x1xi1> to vector<64x1xi1>
    %ne3A_17 = arith.xori %lt3A_12, %ne3A_16 : vector<64x1xi1>
    %and3A = arith.andi %ne3A_17, %ne3A_10 : vector<64x1xi1>
    %add3A = vector.broadcast %select_n3A : i32 to vector<64x1xi32>
    %add3A_18 = arith.addi %rem3A_8, %add3A : vector<64x1xi32>
    %select_n3A_19 = arith.select %and3A, %add3A_18, %rem3A_8 : vector<64x1xi1>, vector<64x1xi32>
    %mul3A = arith.constant 512 : i32
    %mul3A_20 = vector.broadcast %mul3A : i32 to vector<64x1xi32>
    %mul3A_21 = arith.muli %select_n3A_19, %mul3A_20 : vector<64x1xi32>
    %add3A_22 = vector.broadcast %mul3A_21 : vector<64x1xi32> to vector<64x512xi32>
    %add3A_23 = vector.broadcast %iota3A : vector<1x512xi32> to vector<64x512xi32>
    %add3A_24 = arith.addi %add3A_22, %add3A_23 : vector<64x512xi32>
    %and3A_25 = arith.constant 2 : i32
    %and3A_26 = vector.broadcast %and3A_25 : i32 to vector<1x512xi32>
    %and3A_27 = arith.andi %iota3A, %and3A_26 : vector<1x512xi32>
    %eq3A_28 = arith.constant 0 : i32
    %eq3A_29 = vector.broadcast %eq3A_28 : i32 to vector<1x512xi32>
    %eq3A_30 = arith.cmpi eq, %and3A_27, %eq3A_29 : vector<1x512xi32>
    %and3A_31 = arith.constant 1 : i32
    %and3A_32 = vector.broadcast %and3A_31 : i32 to vector<1x512xi32>
    %and3A_33 = arith.andi %iota3A, %and3A_32 : vector<1x512xi32>
    %eq3A_34 = arith.constant 0 : i32
    %eq3A_35 = vector.broadcast %eq3A_34 : i32 to vector<1x512xi32>
    %eq3A_36 = arith.cmpi eq, %and3A_33, %eq3A_35 : vector<1x512xi32>
    %slice3A = vector.extract_strided_slice %div3A {offsets = [0, 1], sizes = [64, 511], strides = [1, 1]} : vector<64x512xf32> to vector<64x511xf32>
    %slice3A_37 = vector.extract_strided_slice %div3A {offsets = [0, 0], sizes = [64, 1], strides = [1, 1]} : vector<64x512xf32> to vector<64x1xf32>
    %concatenate3A = tpu.concatenate %slice3A, %slice3A_37 in 1 : vector<64x511xf32>, vector<64x1xf32> -> vector<64x512xf32>
    %slice3A_38 = vector.extract_strided_slice %div3A {offsets = [0, 511], sizes = [64, 1], strides = [1, 1]} : vector<64x512xf32> to vector<64x1xf32>
    %slice3A_39 = vector.extract_strided_slice %div3A {offsets = [0, 0], sizes = [64, 511], strides = [1, 1]} : vector<64x512xf32> to vector<64x511xf32>
    %concatenate3A_40 = tpu.concatenate %slice3A_38, %slice3A_39 in 1 : vector<64x1xf32>, vector<64x511xf32> -> vector<64x512xf32>
    %broadcast_in_dim3A = vector.shape_cast %eq3A_36 : vector<1x512xi1> to vector<1x512xi1>
    %broadcast_in_dim3A_41 = vector.broadcast %broadcast_in_dim3A : vector<1x512xi1> to vector<64x512xi1>
    %select_n3A_42 = arith.select %broadcast_in_dim3A_41, %concatenate3A, %concatenate3A_40 : vector<64x512xi1>, vector<64x512xf32>
    %slice3A_43 = vector.extract_strided_slice %add3A_24 {offsets = [0, 1], sizes = [64, 511], strides = [1, 1]} : vector<64x512xi32> to vector<64x511xi32>
    %slice3A_44 = vector.extract_strided_slice %add3A_24 {offsets = [0, 0], sizes = [64, 1], strides = [1, 1]} : vector<64x512xi32> to vector<64x1xi32>
    %concatenate3A_45 = tpu.concatenate %slice3A_43, %slice3A_44 in 1 : vector<64x511xi32>, vector<64x1xi32> -> vector<64x512xi32>
    %slice3A_46 = vector.extract_strided_slice %add3A_24 {offsets = [0, 511], sizes = [64, 1], strides = [1, 1]} : vector<64x512xi32> to vector<64x1xi32>
    %slice3A_47 = vector.extract_strided_slice %add3A_24 {offsets = [0, 0], sizes = [64, 511], strides = [1, 1]} : vector<64x512xi32> to vector<64x511xi32>
    %concatenate3A_48 = tpu.concatenate %slice3A_46, %slice3A_47 in 1 : vector<64x1xi32>, vector<64x511xi32> -> vector<64x512xi32>
    %broadcast_in_dim3A_49 = vector.shape_cast %eq3A_36 : vector<1x512xi1> to vector<1x512xi1>
    %broadcast_in_dim3A_50 = vector.broadcast %broadcast_in_dim3A_49 : vector<1x512xi1> to vector<64x512xi1>
    %select_n3A_51 = arith.select %broadcast_in_dim3A_50, %concatenate3A_45, %concatenate3A_48 : vector<64x512xi1>, vector<64x512xi32>
    %gt3A = arith.cmpf ogt, %div3A, %select_n3A_42 : vector<64x512xf32>
    %eq3A_52 = arith.cmpf oeq, %div3A, %select_n3A_42 : vector<64x512xf32>
    %lt3A_53 = arith.cmpi slt, %add3A_24, %select_n3A_51 : vector<64x512xi32>
    %and3A_54 = arith.andi %eq3A_52, %lt3A_53 : vector<64x512xi1>
    %or3A = arith.ori %gt3A, %and3A_54 : vector<64x512xi1>
    %xor3A = vector.broadcast %eq3A_36 : vector<1x512xi1> to vector<64x512xi1>
    %xor3A_55 = arith.xori %xor3A, %or3A : vector<64x512xi1>
    %xor3A_56 = vector.broadcast %eq3A_30 : vector<1x512xi1> to vector<64x512xi1>
    %xor3A_57 = arith.xori %xor3A_55, %xor3A_56 : vector<64x512xi1>
    %select_n3A_58 = arith.select %xor3A_57, %div3A, %select_n3A_42 : vector<64x512xi1>, vector<64x512xf32>
    %select_n3A_59 = arith.select %xor3A_57, %add3A_24, %select_n3A_51 : vector<64x512xi1>, vector<64x512xi32>
    %and3A_60 = arith.constant 4 : i32
    %and3A_61 = vector.broadcast %and3A_60 : i32 to vector<1x512xi32>
    %and3A_62 = arith.andi %iota3A, %and3A_61 : vector<1x512xi32>
    %eq3A_63 = arith.constant 0 : i32
    %eq3A_64 = vector.broadcast %eq3A_63 : i32 to vector<1x512xi32>
    %eq3A_65 = arith.cmpi eq, %and3A_62, %eq3A_64 : vector<1x512xi32>
    %and3A_66 = arith.constant 2 : i32
    %and3A_67 = vector.broadcast %and3A_66 : i32 to vector<1x512xi32>
    %and3A_68 = arith.andi %iota3A, %and3A_67 : vector<1x512xi32>
    %eq3A_69 = arith.constant 0 : i32
    %eq3A_70 = vector.broadcast %eq3A_69 : i32 to vector<1x512xi32>
    %eq3A_71 = arith.cmpi eq, %and3A_68, %eq3A_70 : vector<1x512xi32>
    %slice3A_72 = vector.extract_strided_slice %select_n3A_58 {offsets = [0, 2], sizes = [64, 510], strides = [1, 1]} : vector<64x512xf32> to vector<64x510xf32>
    %slice3A_73 = vector.extract_strided_slice %select_n3A_58 {offsets = [0, 0], sizes = [64, 2], strides = [1, 1]} : vector<64x512xf32> to vector<64x2xf32>
    %concatenate3A_74 = tpu.concatenate %slice3A_72, %slice3A_73 in 1 : vector<64x510xf32>, vector<64x2xf32> -> vector<64x512xf32>
    %slice3A_75 = vector.extract_strided_slice %select_n3A_58 {offsets = [0, 510], sizes = [64, 2], strides = [1, 1]} : vector<64x512xf32> to vector<64x2xf32>
    %slice3A_76 = vector.extract_strided_slice %select_n3A_58 {offsets = [0, 0], sizes = [64, 510], strides = [1, 1]} : vector<64x512xf32> to vector<64x510xf32>
    %concatenate3A_77 = tpu.concatenate %slice3A_75, %slice3A_76 in 1 : vector<64x2xf32>, vector<64x510xf32> -> vector<64x512xf32>
    %broadcast_in_dim3A_78 = vector.shape_cast %eq3A_71 : vector<1x512xi1> to vector<1x512xi1>
    %broadcast_in_dim3A_79 = vector.broadcast %broadcast_in_dim3A_78 : vector<1x512xi1> to vector<64x512xi1>
    %select_n3A_80 = arith.select %broadcast_in_dim3A_79, %concatenate3A_74, %concatenate3A_77 : vector<64x512xi1>, vector<64x512xf32>
    %slice3A_81 = vector.extract_strided_slice %select_n3A_59 {offsets = [0, 2], sizes = [64, 510], strides = [1, 1]} : vector<64x512xi32> to vector<64x510xi32>
    %slice3A_82 = vector.extract_strided_slice %select_n3A_59 {offsets = [0, 0], sizes = [64, 2], strides = [1, 1]} : vector<64x512xi32> to vector<64x2xi32>
    %concatenate3A_83 = tpu.concatenate %slice3A_81, %slice3A_82 in 1 : vector<64x510xi32>, vector<64x2xi32> -> vector<64x512xi32>
    %slice3A_84 = vector.extract_strided_slice %select_n3A_59 {offsets = [0, 510], sizes = [64, 2], strides = [1, 1]} : vector<64x512xi32> to vector<64x2xi32>
    %slice3A_85 = vector.extract_strided_slice %select_n3A_59 {offsets = [0, 0], sizes = [64, 510], strides = [1, 1]} : vector<64x512xi32> to vector<64x510xi32>
    %concatenate3A_86 = tpu.concatenate %slice3A_84, %slice3A_85 in 1 : vector<64x2xi32>, vector<64x510xi32> -> vector<64x512xi32>
    %broadcast_in_dim3A_87 = vector.shape_cast %eq3A_71 : vector<1x512xi1> to vector<1x512xi1>
    %broadcast_in_dim3A_88 = vector.broadcast %broadcast_in_dim3A_87 : vector<1x512xi1> to vector<64x512xi1>
    %select_n3A_89 = arith.select %broadcast_in_dim3A_88, %concatenate3A_83, %concatenate3A_86 : vector<64x512xi1>, vector<64x512xi32>
    %gt3A_90 = arith.cmpf ogt, %select_n3A_58, %select_n3A_80 : vector<64x512xf32>
    %eq3A_91 = arith.cmpf oeq, %select_n3A_58, %select_n3A_80 : vector<64x512xf32>
    %lt3A_92 = arith.cmpi slt, %select_n3A_59, %select_n3A_89 : vector<64x512xi32>
    %and3A_93 = arith.andi %eq3A_91, %lt3A_92 : vector<64x512xi1>
    %or3A_94 = arith.ori %gt3A_90, %and3A_93 : vector<64x512xi1>
    %xor3A_95 = vector.broadcast %eq3A_71 : vector<1x512xi1> to vector<64x512xi1>
    %xor3A_96 = arith.xori %xor3A_95, %or3A_94 : vector<64x512xi1>
    %xor3A_97 = vector.broadcast %eq3A_65 : vector<1x512xi1> to vector<64x512xi1>
    %xor3A_98 = arith.xori %xor3A_96, %xor3A_97 : vector<64x512xi1>
    %select_n3A_99 = arith.select %xor3A_98, %select_n3A_58, %select_n3A_80 : vector<64x512xi1>, vector<64x512xf32>
    %select_n3A_100 = arith.select %xor3A_98, %select_n3A_59, %select_n3A_89 : vector<64x512xi1>, vector<64x512xi32>
    %and3A_101 = arith.constant 1 : i32
    %and3A_102 = vector.broadcast %and3A_101 : i32 to vector<1x512xi32>
    %and3A_103 = arith.andi %iota3A, %and3A_102 : vector<1x512xi32>
    %eq3A_104 = arith.constant 0 : i32
    %eq3A_105 = vector.broadcast %eq3A_104 : i32 to vector<1x512xi32>
    %eq3A_106 = arith.cmpi eq, %and3A_103, %eq3A_105 : vector<1x512xi32>
    %slice3A_107 = vector.extract_strided_slice %select_n3A_99 {offsets = [0, 1], sizes = [64, 511], strides = [1, 1]} : vector<64x512xf32> to vector<64x511xf32>
    %slice3A_108 = vector.extract_strided_slice %select_n3A_99 {offsets = [0, 0], sizes = [64, 1], strides = [1, 1]} : vector<64x512xf32> to vector<64x1xf32>
    %concatenate3A_109 = tpu.concatenate %slice3A_107, %slice3A_108 in 1 : vector<64x511xf32>, vector<64x1xf32> -> vector<64x512xf32>
    %slice3A_110 = vector.extract_strided_slice %select_n3A_99 {offsets = [0, 511], sizes = [64, 1], strides = [1, 1]} : vector<64x512xf32> to vector<64x1xf32>
    %slice3A_111 = vector.extract_strided_slice %select_n3A_99 {offsets = [0, 0], sizes = [64, 511], strides = [1, 1]} : vector<64x512xf32> to vector<64x511xf32>
    %concatenate3A_112 = tpu.concatenate %slice3A_110, %slice3A_111 in 1 : vector<64x1xf32>, vector<64x511xf32> -> vector<64x512xf32>
    %broadcast_in_dim3A_113 = vector.shape_cast %eq3A_106 : vector<1x512xi1> to vector<1x512xi1>
    %broadcast_in_dim3A_114 = vector.broadcast %broadcast_in_dim3A_113 : vector<1x512xi1> to vector<64x512xi1>
    %select_n3A_115 = arith.select %broadcast_in_dim3A_114, %concatenate3A_109, %concatenate3A_112 : vector<64x512xi1>, vector<64x512xf32>
    %slice3A_116 = vector.extract_strided_slice %select_n3A_100 {offsets = [0, 1], sizes = [64, 511], strides = [1, 1]} : vector<64x512xi32> to vector<64x511xi32>
    %slice3A_117 = vector.extract_strided_slice %select_n3A_100 {offsets = [0, 0], sizes = [64, 1], strides = [1, 1]} : vector<64x512xi32> to vector<64x1xi32>
    %concatenate3A_118 = tpu.concatenate %slice3A_116, %slice3A_117 in 1 : vector<64x511xi32>, vector<64x1xi32> -> vector<64x512xi32>
    %slice3A_119 = vector.extract_strided_slice %select_n3A_100 {offsets = [0, 511], sizes = [64, 1], strides = [1, 1]} : vector<64x512xi32> to vector<64x1xi32>
    %slice3A_120 = vector.extract_strided_slice %select_n3A_100 {offsets = [0, 0], sizes = [64, 511], strides = [1, 1]} : vector<64x512xi32> to vector<64x511xi32>
    %concatenate3A_121 = tpu.concatenate %slice3A_119, %slice3A_120 in 1 : vector<64x1xi32>, vector<64x511xi32> -> vector<64x512xi32>
    %broadcast_in_dim3A_122 = vector.shape_cast %eq3A_106 : vector<1x512xi1> to vector<1x512xi1>
    %broadcast_in_dim3A_123 = vector.broadcast %broadcast_in_dim3A_122 : vector<1x512xi1> to vector<64x512xi1>
    %select_n3A_124 = arith.select %broadcast_in_dim3A_123, %concatenate3A_118, %concatenate3A_121 : vector<64x512xi1>, vector<64x512xi32>
    %gt3A_125 = arith.cmpf ogt, %select_n3A_99, %select_n3A_115 : vector<64x512xf32>
    %eq3A_126 = arith.cmpf oeq, %select_n3A_99, %select_n3A_115 : vector<64x512xf32>
    %lt3A_127 = arith.cmpi slt, %select_n3A_100, %select_n3A_124 : vector<64x512xi32>
    %and3A_128 = arith.andi %eq3A_126, %lt3A_127 : vector<64x512xi1>
    %or3A_129 = arith.ori %gt3A_125, %and3A_128 : vector<64x512xi1>
    %xor3A_130 = vector.broadcast %eq3A_106 : vector<1x512xi1> to vector<64x512xi1>
    %xor3A_131 = arith.xori %xor3A_130, %or3A_129 : vector<64x512xi1>
    %xor3A_132 = vector.broadcast %eq3A_65 : vector<1x512xi1> to vector<64x512xi1>
    %xor3A_133 = arith.xori %xor3A_131, %xor3A_132 : vector<64x512xi1>
    %select_n3A_134 = arith.select %xor3A_133, %select_n3A_99, %select_n3A_115 : vector<64x512xi1>, vector<64x512xf32>
    %select_n3A_135 = arith.select %xor3A_133, %select_n3A_100, %select_n3A_124 : vector<64x512xi1>, vector<64x512xi32>
    %and3A_136 = arith.constant 8 : i32
    %and3A_137 = vector.broadcast %and3A_136 : i32 to vector<1x512xi32>
    %and3A_138 = arith.andi %iota3A, %and3A_137 : vector<1x512xi32>
    %eq3A_139 = arith.constant 0 : i32
    %eq3A_140 = vector.broadcast %eq3A_139 : i32 to vector<1x512xi32>
    %eq3A_141 = arith.cmpi eq, %and3A_138, %eq3A_140 : vector<1x512xi32>
    %and3A_142 = arith.constant 4 : i32
    %and3A_143 = vector.broadcast %and3A_142 : i32 to vector<1x512xi32>
    %and3A_144 = arith.andi %iota3A, %and3A_143 : vector<1x512xi32>
    %eq3A_145 = arith.constant 0 : i32
    %eq3A_146 = vector.broadcast %eq3A_145 : i32 to vector<1x512xi32>
    %eq3A_147 = arith.cmpi eq, %and3A_144, %eq3A_146 : vector<1x512xi32>
    %slice3A_148 = vector.extract_strided_slice %select_n3A_134 {offsets = [0, 4], sizes = [64, 508], strides = [1, 1]} : vector<64x512xf32> to vector<64x508xf32>
    %slice3A_149 = vector.extract_strided_slice %select_n3A_134 {offsets = [0, 0], sizes = [64, 4], strides = [1, 1]} : vector<64x512xf32> to vector<64x4xf32>
    %concatenate3A_150 = tpu.concatenate %slice3A_148, %slice3A_149 in 1 : vector<64x508xf32>, vector<64x4xf32> -> vector<64x512xf32>
    %slice3A_151 = vector.extract_strided_slice %select_n3A_134 {offsets = [0, 508], sizes = [64, 4], strides = [1, 1]} : vector<64x512xf32> to vector<64x4xf32>
    %slice3A_152 = vector.extract_strided_slice %select_n3A_134 {offsets = [0, 0], sizes = [64, 508], strides = [1, 1]} : vector<64x512xf32> to vector<64x508xf32>
    %concatenate3A_153 = tpu.concatenate %slice3A_151, %slice3A_152 in 1 : vector<64x4xf32>, vector<64x508xf32> -> vector<64x512xf32>
    %broadcast_in_dim3A_154 = vector.shape_cast %eq3A_147 : vector<1x512xi1> to vector<1x512xi1>
    %broadcast_in_dim3A_155 = vector.broadcast %broadcast_in_dim3A_154 : vector<1x512xi1> to vector<64x512xi1>
    %select_n3A_156 = arith.select %broadcast_in_dim3A_155, %concatenate3A_150, %concatenate3A_153 : vector<64x512xi1>, vector<64x512xf32>
    %slice3A_157 = vector.extract_strided_slice %select_n3A_135 {offsets = [0, 4], sizes = [64, 508], strides = [1, 1]} : vector<64x512xi32> to vector<64x508xi32>
    %slice3A_158 = vector.extract_strided_slice %select_n3A_135 {offsets = [0, 0], sizes = [64, 4], strides = [1, 1]} : vector<64x512xi32> to vector<64x4xi32>
    %concatenate3A_159 = tpu.concatenate %slice3A_157, %slice3A_158 in 1 : vector<64x508xi32>, vector<64x4xi32> -> vector<64x512xi32>
    %slice3A_160 = vector.extract_strided_slice %select_n3A_135 {offsets = [0, 508], sizes = [64, 4], strides = [1, 1]} : vector<64x512xi32> to vector<64x4xi32>
    %slice3A_161 = vector.extract_strided_slice %select_n3A_135 {offsets = [0, 0], sizes = [64, 508], strides = [1, 1]} : vector<64x512xi32> to vector<64x508xi32>
    %concatenate3A_162 = tpu.concatenate %slice3A_160, %slice3A_161 in 1 : vector<64x4xi32>, vector<64x508xi32> -> vector<64x512xi32>
    %broadcast_in_dim3A_163 = vector.shape_cast %eq3A_147 : vector<1x512xi1> to vector<1x512xi1>
    %broadcast_in_dim3A_164 = vector.broadcast %broadcast_in_dim3A_163 : vector<1x512xi1> to vector<64x512xi1>
    %select_n3A_165 = arith.select %broadcast_in_dim3A_164, %concatenate3A_159, %concatenate3A_162 : vector<64x512xi1>, vector<64x512xi32>
    %gt3A_166 = arith.cmpf ogt, %select_n3A_134, %select_n3A_156 : vector<64x512xf32>
    %eq3A_167 = arith.cmpf oeq, %select_n3A_134, %select_n3A_156 : vector<64x512xf32>
    %lt3A_168 = arith.cmpi slt, %select_n3A_135, %select_n3A_165 : vector<64x512xi32>
    %and3A_169 = arith.andi %eq3A_167, %lt3A_168 : vector<64x512xi1>
    %or3A_170 = arith.ori %gt3A_166, %and3A_169 : vector<64x512xi1>
    %xor3A_171 = vector.broadcast %eq3A_147 : vector<1x512xi1> to vector<64x512xi1>
    %xor3A_172 = arith.xori %xor3A_171, %or3A_170 : vector<64x512xi1>
    %xor3A_173 = vector.broadcast %eq3A_141 : vector<1x512xi1> to vector<64x512xi1>
    %xor3A_174 = arith.xori %xor3A_172, %xor3A_173 : vector<64x512xi1>
    %select_n3A_175 = arith.select %xor3A_174, %select_n3A_134, %select_n3A_156 : vector<64x512xi1>, vector<64x512xf32>
    %select_n3A_176 = arith.select %xor3A_174, %select_n3A_135, %select_n3A_165 : vector<64x512xi1>, vector<64x512xi32>
    %and3A_177 = arith.constant 2 : i32
    %and3A_178 = vector.broadcast %and3A_177 : i32 to vector<1x512xi32>
    %and3A_179 = arith.andi %iota3A, %and3A_178 : vector<1x512xi32>
    %eq3A_180 = arith.constant 0 : i32
    %eq3A_181 = vector.broadcast %eq3A_180 : i32 to vector<1x512xi32>
    %eq3A_182 = arith.cmpi eq, %and3A_179, %eq3A_181 : vector<1x512xi32>
    %slice3A_183 = vector.extract_strided_slice %select_n3A_175 {offsets = [0, 2], sizes = [64, 510], strides = [1, 1]} : vector<64x512xf32> to vector<64x510xf32>
    %slice3A_184 = vector.extract_strided_slice %select_n3A_175 {offsets = [0, 0], sizes = [64, 2], strides = [1, 1]} : vector<64x512xf32> to vector<64x2xf32>
    %concatenate3A_185 = tpu.concatenate %slice3A_183, %slice3A_184 in 1 : vector<64x510xf32>, vector<64x2xf32> -> vector<64x512xf32>
    %slice3A_186 = vector.extract_strided_slice %select_n3A_175 {offsets = [0, 510], sizes = [64, 2], strides = [1, 1]} : vector<64x512xf32> to vector<64x2xf32>
    %slice3A_187 = vector.extract_strided_slice %select_n3A_175 {offsets = [0, 0], sizes = [64, 510], strides = [1, 1]} : vector<64x512xf32> to vector<64x510xf32>
    %concatenate3A_188 = tpu.concatenate %slice3A_186, %slice3A_187 in 1 : vector<64x2xf32>, vector<64x510xf32> -> vector<64x512xf32>
    %broadcast_in_dim3A_189 = vector.shape_cast %eq3A_182 : vector<1x512xi1> to vector<1x512xi1>
    %broadcast_in_dim3A_190 = vector.broadcast %broadcast_in_dim3A_189 : vector<1x512xi1> to vector<64x512xi1>
    %select_n3A_191 = arith.select %broadcast_in_dim3A_190, %concatenate3A_185, %concatenate3A_188 : vector<64x512xi1>, vector<64x512xf32>
    %slice3A_192 = vector.extract_strided_slice %select_n3A_176 {offsets = [0, 2], sizes = [64, 510], strides = [1, 1]} : vector<64x512xi32> to vector<64x510xi32>
    %slice3A_193 = vector.extract_strided_slice %select_n3A_176 {offsets = [0, 0], sizes = [64, 2], strides = [1, 1]} : vector<64x512xi32> to vector<64x2xi32>
    %concatenate3A_194 = tpu.concatenate %slice3A_192, %slice3A_193 in 1 : vector<64x510xi32>, vector<64x2xi32> -> vector<64x512xi32>
    %slice3A_195 = vector.extract_strided_slice %select_n3A_176 {offsets = [0, 510], sizes = [64, 2], strides = [1, 1]} : vector<64x512xi32> to vector<64x2xi32>
    %slice3A_196 = vector.extract_strided_slice %select_n3A_176 {offsets = [0, 0], sizes = [64, 510], strides = [1, 1]} : vector<64x512xi32> to vector<64x510xi32>
    %concatenate3A_197 = tpu.concatenate %slice3A_195, %slice3A_196 in 1 : vector<64x2xi32>, vector<64x510xi32> -> vector<64x512xi32>
    %broadcast_in_dim3A_198 = vector.shape_cast %eq3A_182 : vector<1x512xi1> to vector<1x512xi1>
    %broadcast_in_dim3A_199 = vector.broadcast %broadcast_in_dim3A_198 : vector<1x512xi1> to vector<64x512xi1>
    %select_n3A_200 = arith.select %broadcast_in_dim3A_199, %concatenate3A_194, %concatenate3A_197 : vector<64x512xi1>, vector<64x512xi32>
    %gt3A_201 = arith.cmpf ogt, %select_n3A_175, %select_n3A_191 : vector<64x512xf32>
    %eq3A_202 = arith.cmpf oeq, %select_n3A_175, %select_n3A_191 : vector<64x512xf32>
    %lt3A_203 = arith.cmpi slt, %select_n3A_176, %select_n3A_200 : vector<64x512xi32>
    %and3A_204 = arith.andi %eq3A_202, %lt3A_203 : vector<64x512xi1>
    %or3A_205 = arith.ori %gt3A_201, %and3A_204 : vector<64x512xi1>
    %xor3A_206 = vector.broadcast %eq3A_182 : vector<1x512xi1> to vector<64x512xi1>
    %xor3A_207 = arith.xori %xor3A_206, %or3A_205 : vector<64x512xi1>
    %xor3A_208 = vector.broadcast %eq3A_141 : vector<1x512xi1> to vector<64x512xi1>
    %xor3A_209 = arith.xori %xor3A_207, %xor3A_208 : vector<64x512xi1>
    %select_n3A_210 = arith.select %xor3A_209, %select_n3A_175, %select_n3A_191 : vector<64x512xi1>, vector<64x512xf32>
    %select_n3A_211 = arith.select %xor3A_209, %select_n3A_176, %select_n3A_200 : vector<64x512xi1>, vector<64x512xi32>
    %and3A_212 = arith.constant 1 : i32
    %and3A_213 = vector.broadcast %and3A_212 : i32 to vector<1x512xi32>
    %and3A_214 = arith.andi %iota3A, %and3A_213 : vector<1x512xi32>
    %eq3A_215 = arith.constant 0 : i32
    %eq3A_216 = vector.broadcast %eq3A_215 : i32 to vector<1x512xi32>
    %eq3A_217 = arith.cmpi eq, %and3A_214, %eq3A_216 : vector<1x512xi32>
    %slice3A_218 = vector.extract_strided_slice %select_n3A_210 {offsets = [0, 1], sizes = [64, 511], strides = [1, 1]} : vector<64x512xf32> to vector<64x511xf32>
    %slice3A_219 = vector.extract_strided_slice %select_n3A_210 {offsets = [0, 0], sizes = [64, 1], strides = [1, 1]} : vector<64x512xf32> to vector<64x1xf32>
    %concatenate3A_220 = tpu.concatenate %slice3A_218, %slice3A_219 in 1 : vector<64x511xf32>, vector<64x1xf32> -> vector<64x512xf32>
    %slice3A_221 = vector.extract_strided_slice %select_n3A_210 {offsets = [0, 511], sizes = [64, 1], strides = [1, 1]} : vector<64x512xf32> to vector<64x1xf32>
    %slice3A_222 = vector.extract_strided_slice %select_n3A_210 {offsets = [0, 0], sizes = [64, 511], strides = [1, 1]} : vector<64x512xf32> to vector<64x511xf32>
    %concatenate3A_223 = tpu.concatenate %slice3A_221, %slice3A_222 in 1 : vector<64x1xf32>, vector<64x511xf32> -> vector<64x512xf32>
    %broadcast_in_dim3A_224 = vector.shape_cast %eq3A_217 : vector<1x512xi1> to vector<1x512xi1>
    %broadcast_in_dim3A_225 = vector.broadcast %broadcast_in_dim3A_224 : vector<1x512xi1> to vector<64x512xi1>
    %select_n3A_226 = arith.select %broadcast_in_dim3A_225, %concatenate3A_220, %concatenate3A_223 : vector<64x512xi1>, vector<64x512xf32>
    %slice3A_227 = vector.extract_strided_slice %select_n3A_211 {offsets = [0, 1], sizes = [64, 511], strides = [1, 1]} : vector<64x512xi32> to vector<64x511xi32>
    %slice3A_228 = vector.extract_strided_slice %select_n3A_211 {offsets = [0, 0], sizes = [64, 1], strides = [1, 1]} : vector<64x512xi32> to vector<64x1xi32>
    %concatenate3A_229 = tpu.concatenate %slice3A_227, %slice3A_228 in 1 : vector<64x511xi32>, vector<64x1xi32> -> vector<64x512xi32>
    %slice3A_230 = vector.extract_strided_slice %select_n3A_211 {offsets = [0, 511], sizes = [64, 1], strides = [1, 1]} : vector<64x512xi32> to vector<64x1xi32>
    %slice3A_231 = vector.extract_strided_slice %select_n3A_211 {offsets = [0, 0], sizes = [64, 511], strides = [1, 1]} : vector<64x512xi32> to vector<64x511xi32>
    %concatenate3A_232 = tpu.concatenate %slice3A_230, %slice3A_231 in 1 : vector<64x1xi32>, vector<64x511xi32> -> vector<64x512xi32>
    %broadcast_in_dim3A_233 = vector.shape_cast %eq3A_217 : vector<1x512xi1> to vector<1x512xi1>
    %broadcast_in_dim3A_234 = vector.broadcast %broadcast_in_dim3A_233 : vector<1x512xi1> to vector<64x512xi1>
    %select_n3A_235 = arith.select %broadcast_in_dim3A_234, %concatenate3A_229, %concatenate3A_232 : vector<64x512xi1>, vector<64x512xi32>
    %gt3A_236 = arith.cmpf ogt, %select_n3A_210, %select_n3A_226 : vector<64x512xf32>
    %eq3A_237 = arith.cmpf oeq, %select_n3A_210, %select_n3A_226 : vector<64x512xf32>
    %lt3A_238 = arith.cmpi slt, %select_n3A_211, %select_n3A_235 : vector<64x512xi32>
    %and3A_239 = arith.andi %eq3A_237, %lt3A_238 : vector<64x512xi1>
    %or3A_240 = arith.ori %gt3A_236, %and3A_239 : vector<64x512xi1>
    %xor3A_241 = vector.broadcast %eq3A_217 : vector<1x512xi1> to vector<64x512xi1>
    %xor3A_242 = arith.xori %xor3A_241, %or3A_240 : vector<64x512xi1>
    %xor3A_243 = vector.broadcast %eq3A_141 : vector<1x512xi1> to vector<64x512xi1>
    %xor3A_244 = arith.xori %xor3A_242, %xor3A_243 : vector<64x512xi1>
    %select_n3A_245 = arith.select %xor3A_244, %select_n3A_210, %select_n3A_226 : vector<64x512xi1>, vector<64x512xf32>
    %select_n3A_246 = arith.select %xor3A_244, %select_n3A_211, %select_n3A_235 : vector<64x512xi1>, vector<64x512xi32>
    %and3A_247 = arith.constant 16 : i32
    %and3A_248 = vector.broadcast %and3A_247 : i32 to vector<1x512xi32>
    %and3A_249 = arith.andi %iota3A, %and3A_248 : vector<1x512xi32>
    %eq3A_250 = arith.constant 0 : i32
    %eq3A_251 = vector.broadcast %eq3A_250 : i32 to vector<1x512xi32>
    %eq3A_252 = arith.cmpi eq, %and3A_249, %eq3A_251 : vector<1x512xi32>
    %and3A_253 = arith.constant 8 : i32
    %and3A_254 = vector.broadcast %and3A_253 : i32 to vector<1x512xi32>
    %and3A_255 = arith.andi %iota3A, %and3A_254 : vector<1x512xi32>
    %eq3A_256 = arith.constant 0 : i32
    %eq3A_257 = vector.broadcast %eq3A_256 : i32 to vector<1x512xi32>
    %eq3A_258 = arith.cmpi eq, %and3A_255, %eq3A_257 : vector<1x512xi32>
    %slice3A_259 = vector.extract_strided_slice %select_n3A_245 {offsets = [0, 8], sizes = [64, 504], strides = [1, 1]} : vector<64x512xf32> to vector<64x504xf32>
    %slice3A_260 = vector.extract_strided_slice %select_n3A_245 {offsets = [0, 0], sizes = [64, 8], strides = [1, 1]} : vector<64x512xf32> to vector<64x8xf32>
    %concatenate3A_261 = tpu.concatenate %slice3A_259, %slice3A_260 in 1 : vector<64x504xf32>, vector<64x8xf32> -> vector<64x512xf32>
    %slice3A_262 = vector.extract_strided_slice %select_n3A_245 {offsets = [0, 504], sizes = [64, 8], strides = [1, 1]} : vector<64x512xf32> to vector<64x8xf32>
    %slice3A_263 = vector.extract_strided_slice %select_n3A_245 {offsets = [0, 0], sizes = [64, 504], strides = [1, 1]} : vector<64x512xf32> to vector<64x504xf32>
    %concatenate3A_264 = tpu.concatenate %slice3A_262, %slice3A_263 in 1 : vector<64x8xf32>, vector<64x504xf32> -> vector<64x512xf32>
    %broadcast_in_dim3A_265 = vector.shape_cast %eq3A_258 : vector<1x512xi1> to vector<1x512xi1>
    %broadcast_in_dim3A_266 = vector.broadcast %broadcast_in_dim3A_265 : vector<1x512xi1> to vector<64x512xi1>
    %select_n3A_267 = arith.select %broadcast_in_dim3A_266, %concatenate3A_261, %concatenate3A_264 : vector<64x512xi1>, vector<64x512xf32>
    %slice3A_268 = vector.extract_strided_slice %select_n3A_246 {offsets = [0, 8], sizes = [64, 504], strides = [1, 1]} : vector<64x512xi32> to vector<64x504xi32>
    %slice3A_269 = vector.extract_strided_slice %select_n3A_246 {offsets = [0, 0], sizes = [64, 8], strides = [1, 1]} : vector<64x512xi32> to vector<64x8xi32>
    %concatenate3A_270 = tpu.concatenate %slice3A_268, %slice3A_269 in 1 : vector<64x504xi32>, vector<64x8xi32> -> vector<64x512xi32>
    %slice3A_271 = vector.extract_strided_slice %select_n3A_246 {offsets = [0, 504], sizes = [64, 8], strides = [1, 1]} : vector<64x512xi32> to vector<64x8xi32>
    %slice3A_272 = vector.extract_strided_slice %select_n3A_246 {offsets = [0, 0], sizes = [64, 504], strides = [1, 1]} : vector<64x512xi32> to vector<64x504xi32>
    %concatenate3A_273 = tpu.concatenate %slice3A_271, %slice3A_272 in 1 : vector<64x8xi32>, vector<64x504xi32> -> vector<64x512xi32>
    %broadcast_in_dim3A_274 = vector.shape_cast %eq3A_258 : vector<1x512xi1> to vector<1x512xi1>
    %broadcast_in_dim3A_275 = vector.broadcast %broadcast_in_dim3A_274 : vector<1x512xi1> to vector<64x512xi1>
    %select_n3A_276 = arith.select %broadcast_in_dim3A_275, %concatenate3A_270, %concatenate3A_273 : vector<64x512xi1>, vector<64x512xi32>
    %gt3A_277 = arith.cmpf ogt, %select_n3A_245, %select_n3A_267 : vector<64x512xf32>
    %eq3A_278 = arith.cmpf oeq, %select_n3A_245, %select_n3A_267 : vector<64x512xf32>
    %lt3A_279 = arith.cmpi slt, %select_n3A_246, %select_n3A_276 : vector<64x512xi32>
    %and3A_280 = arith.andi %eq3A_278, %lt3A_279 : vector<64x512xi1>
    %or3A_281 = arith.ori %gt3A_277, %and3A_280 : vector<64x512xi1>
    %xor3A_282 = vector.broadcast %eq3A_258 : vector<1x512xi1> to vector<64x512xi1>
    %xor3A_283 = arith.xori %xor3A_282, %or3A_281 : vector<64x512xi1>
    %xor3A_284 = vector.broadcast %eq3A_252 : vector<1x512xi1> to vector<64x512xi1>
    %xor3A_285 = arith.xori %xor3A_283, %xor3A_284 : vector<64x512xi1>
    %select_n3A_286 = arith.select %xor3A_285, %select_n3A_245, %select_n3A_267 : vector<64x512xi1>, vector<64x512xf32>
    %select_n3A_287 = arith.select %xor3A_285, %select_n3A_246, %select_n3A_276 : vector<64x512xi1>, vector<64x512xi32>
    %and3A_288 = arith.constant 4 : i32
    %and3A_289 = vector.broadcast %and3A_288 : i32 to vector<1x512xi32>
    %and3A_290 = arith.andi %iota3A, %and3A_289 : vector<1x512xi32>
    %eq3A_291 = arith.constant 0 : i32
    %eq3A_292 = vector.broadcast %eq3A_291 : i32 to vector<1x512xi32>
    %eq3A_293 = arith.cmpi eq, %and3A_290, %eq3A_292 : vector<1x512xi32>
    %slice3A_294 = vector.extract_strided_slice %select_n3A_286 {offsets = [0, 4], sizes = [64, 508], strides = [1, 1]} : vector<64x512xf32> to vector<64x508xf32>
    %slice3A_295 = vector.extract_strided_slice %select_n3A_286 {offsets = [0, 0], sizes = [64, 4], strides = [1, 1]} : vector<64x512xf32> to vector<64x4xf32>
    %concatenate3A_296 = tpu.concatenate %slice3A_294, %slice3A_295 in 1 : vector<64x508xf32>, vector<64x4xf32> -> vector<64x512xf32>
    %slice3A_297 = vector.extract_strided_slice %select_n3A_286 {offsets = [0, 508], sizes = [64, 4], strides = [1, 1]} : vector<64x512xf32> to vector<64x4xf32>
    %slice3A_298 = vector.extract_strided_slice %select_n3A_286 {offsets = [0, 0], sizes = [64, 508], strides = [1, 1]} : vector<64x512xf32> to vector<64x508xf32>
    %concatenate3A_299 = tpu.concatenate %slice3A_297, %slice3A_298 in 1 : vector<64x4xf32>, vector<64x508xf32> -> vector<64x512xf32>
    %broadcast_in_dim3A_300 = vector.shape_cast %eq3A_293 : vector<1x512xi1> to vector<1x512xi1>
    %broadcast_in_dim3A_301 = vector.broadcast %broadcast_in_dim3A_300 : vector<1x512xi1> to vector<64x512xi1>
    %select_n3A_302 = arith.select %broadcast_in_dim3A_301, %concatenate3A_296, %concatenate3A_299 : vector<64x512xi1>, vector<64x512xf32>
    %slice3A_303 = vector.extract_strided_slice %select_n3A_287 {offsets = [0, 4], sizes = [64, 508], strides = [1, 1]} : vector<64x512xi32> to vector<64x508xi32>
    %slice3A_304 = vector.extract_strided_slice %select_n3A_287 {offsets = [0, 0], sizes = [64, 4], strides = [1, 1]} : vector<64x512xi32> to vector<64x4xi32>
    %concatenate3A_305 = tpu.concatenate %slice3A_303, %slice3A_304 in 1 : vector<64x508xi32>, vector<64x4xi32> -> vector<64x512xi32>
    %slice3A_306 = vector.extract_strided_slice %select_n3A_287 {offsets = [0, 508], sizes = [64, 4], strides = [1, 1]} : vector<64x512xi32> to vector<64x4xi32>
    %slice3A_307 = vector.extract_strided_slice %select_n3A_287 {offsets = [0, 0], sizes = [64, 508], strides = [1, 1]} : vector<64x512xi32> to vector<64x508xi32>
    %concatenate3A_308 = tpu.concatenate %slice3A_306, %slice3A_307 in 1 : vector<64x4xi32>, vector<64x508xi32> -> vector<64x512xi32>
    %broadcast_in_dim3A_309 = vector.shape_cast %eq3A_293 : vector<1x512xi1> to vector<1x512xi1>
    %broadcast_in_dim3A_310 = vector.broadcast %broadcast_in_dim3A_309 : vector<1x512xi1> to vector<64x512xi1>
    %select_n3A_311 = arith.select %broadcast_in_dim3A_310, %concatenate3A_305, %concatenate3A_308 : vector<64x512xi1>, vector<64x512xi32>
    %gt3A_312 = arith.cmpf ogt, %select_n3A_286, %select_n3A_302 : vector<64x512xf32>
    %eq3A_313 = arith.cmpf oeq, %select_n3A_286, %select_n3A_302 : vector<64x512xf32>
    %lt3A_314 = arith.cmpi slt, %select_n3A_287, %select_n3A_311 : vector<64x512xi32>
    %and3A_315 = arith.andi %eq3A_313, %lt3A_314 : vector<64x512xi1>
    %or3A_316 = arith.ori %gt3A_312, %and3A_315 : vector<64x512xi1>
    %xor3A_317 = vector.broadcast %eq3A_293 : vector<1x512xi1> to vector<64x512xi1>
    %xor3A_318 = arith.xori %xor3A_317, %or3A_316 : vector<64x512xi1>
    %xor3A_319 = vector.broadcast %eq3A_252 : vector<1x512xi1> to vector<64x512xi1>
    %xor3A_320 = arith.xori %xor3A_318, %xor3A_319 : vector<64x512xi1>
    %select_n3A_321 = arith.select %xor3A_320, %select_n3A_286, %select_n3A_302 : vector<64x512xi1>, vector<64x512xf32>
    %select_n3A_322 = arith.select %xor3A_320, %select_n3A_287, %select_n3A_311 : vector<64x512xi1>, vector<64x512xi32>
    %and3A_323 = arith.constant 2 : i32
    %and3A_324 = vector.broadcast %and3A_323 : i32 to vector<1x512xi32>
    %and3A_325 = arith.andi %iota3A, %and3A_324 : vector<1x512xi32>
    %eq3A_326 = arith.constant 0 : i32
    %eq3A_327 = vector.broadcast %eq3A_326 : i32 to vector<1x512xi32>
    %eq3A_328 = arith.cmpi eq, %and3A_325, %eq3A_327 : vector<1x512xi32>
    %slice3A_329 = vector.extract_strided_slice %select_n3A_321 {offsets = [0, 2], sizes = [64, 510], strides = [1, 1]} : vector<64x512xf32> to vector<64x510xf32>
    %slice3A_330 = vector.extract_strided_slice %select_n3A_321 {offsets = [0, 0], sizes = [64, 2], strides = [1, 1]} : vector<64x512xf32> to vector<64x2xf32>
    %concatenate3A_331 = tpu.concatenate %slice3A_329, %slice3A_330 in 1 : vector<64x510xf32>, vector<64x2xf32> -> vector<64x512xf32>
    %slice3A_332 = vector.extract_strided_slice %select_n3A_321 {offsets = [0, 510], sizes = [64, 2], strides = [1, 1]} : vector<64x512xf32> to vector<64x2xf32>
    %slice3A_333 = vector.extract_strided_slice %select_n3A_321 {offsets = [0, 0], sizes = [64, 510], strides = [1, 1]} : vector<64x512xf32> to vector<64x510xf32>
    %concatenate3A_334 = tpu.concatenate %slice3A_332, %slice3A_333 in 1 : vector<64x2xf32>, vector<64x510xf32> -> vector<64x512xf32>
    %broadcast_in_dim3A_335 = vector.shape_cast %eq3A_328 : vector<1x512xi1> to vector<1x512xi1>
    %broadcast_in_dim3A_336 = vector.broadcast %broadcast_in_dim3A_335 : vector<1x512xi1> to vector<64x512xi1>
    %select_n3A_337 = arith.select %broadcast_in_dim3A_336, %concatenate3A_331, %concatenate3A_334 : vector<64x512xi1>, vector<64x512xf32>
    %slice3A_338 = vector.extract_strided_slice %select_n3A_322 {offsets = [0, 2], sizes = [64, 510], strides = [1, 1]} : vector<64x512xi32> to vector<64x510xi32>
    %slice3A_339 = vector.extract_strided_slice %select_n3A_322 {offsets = [0, 0], sizes = [64, 2], strides = [1, 1]} : vector<64x512xi32> to vector<64x2xi32>
    %concatenate3A_340 = tpu.concatenate %slice3A_338, %slice3A_339 in 1 : vector<64x510xi32>, vector<64x2xi32> -> vector<64x512xi32>
    %slice3A_341 = vector.extract_strided_slice %select_n3A_322 {offsets = [0, 510], sizes = [64, 2], strides = [1, 1]} : vector<64x512xi32> to vector<64x2xi32>
    %slice3A_342 = vector.extract_strided_slice %select_n3A_322 {offsets = [0, 0], sizes = [64, 510], strides = [1, 1]} : vector<64x512xi32> to vector<64x510xi32>
    %concatenate3A_343 = tpu.concatenate %slice3A_341, %slice3A_342 in 1 : vector<64x2xi32>, vector<64x510xi32> -> vector<64x512xi32>
    %broadcast_in_dim3A_344 = vector.shape_cast %eq3A_328 : vector<1x512xi1> to vector<1x512xi1>
    %broadcast_in_dim3A_345 = vector.broadcast %broadcast_in_dim3A_344 : vector<1x512xi1> to vector<64x512xi1>
    %select_n3A_346 = arith.select %broadcast_in_dim3A_345, %concatenate3A_340, %concatenate3A_343 : vector<64x512xi1>, vector<64x512xi32>
    %gt3A_347 = arith.cmpf ogt, %select_n3A_321, %select_n3A_337 : vector<64x512xf32>
    %eq3A_348 = arith.cmpf oeq, %select_n3A_321, %select_n3A_337 : vector<64x512xf32>
    %lt3A_349 = arith.cmpi slt, %select_n3A_322, %select_n3A_346 : vector<64x512xi32>
    %and3A_350 = arith.andi %eq3A_348, %lt3A_349 : vector<64x512xi1>
    %or3A_351 = arith.ori %gt3A_347, %and3A_350 : vector<64x512xi1>
    %xor3A_352 = vector.broadcast %eq3A_328 : vector<1x512xi1> to vector<64x512xi1>
    %xor3A_353 = arith.xori %xor3A_352, %or3A_351 : vector<64x512xi1>
    %xor3A_354 = vector.broadcast %eq3A_252 : vector<1x512xi1> to vector<64x512xi1>
    %xor3A_355 = arith.xori %xor3A_353, %xor3A_354 : vector<64x512xi1>
    %select_n3A_356 = arith.select %xor3A_355, %select_n3A_321, %select_n3A_337 : vector<64x512xi1>, vector<64x512xf32>
    %select_n3A_357 = arith.select %xor3A_355, %select_n3A_322, %select_n3A_346 : vector<64x512xi1>, vector<64x512xi32>
    %and3A_358 = arith.constant 1 : i32
    %and3A_359 = vector.broadcast %and3A_358 : i32 to vector<1x512xi32>
    %and3A_360 = arith.andi %iota3A, %and3A_359 : vector<1x512xi32>
    %eq3A_361 = arith.constant 0 : i32
    %eq3A_362 = vector.broadcast %eq3A_361 : i32 to vector<1x512xi32>
    %eq3A_363 = arith.cmpi eq, %and3A_360, %eq3A_362 : vector<1x512xi32>
    %slice3A_364 = vector.extract_strided_slice %select_n3A_356 {offsets = [0, 1], sizes = [64, 511], strides = [1, 1]} : vector<64x512xf32> to vector<64x511xf32>
    %slice3A_365 = vector.extract_strided_slice %select_n3A_356 {offsets = [0, 0], sizes = [64, 1], strides = [1, 1]} : vector<64x512xf32> to vector<64x1xf32>
    %concatenate3A_366 = tpu.concatenate %slice3A_364, %slice3A_365 in 1 : vector<64x511xf32>, vector<64x1xf32> -> vector<64x512xf32>
    %slice3A_367 = vector.extract_strided_slice %select_n3A_356 {offsets = [0, 511], sizes = [64, 1], strides = [1, 1]} : vector<64x512xf32> to vector<64x1xf32>
    %slice3A_368 = vector.extract_strided_slice %select_n3A_356 {offsets = [0, 0], sizes = [64, 511], strides = [1, 1]} : vector<64x512xf32> to vector<64x511xf32>
    %concatenate3A_369 = tpu.concatenate %slice3A_367, %slice3A_368 in 1 : vector<64x1xf32>, vector<64x511xf32> -> vector<64x512xf32>
    %broadcast_in_dim3A_370 = vector.shape_cast %eq3A_363 : vector<1x512xi1> to vector<1x512xi1>
    %broadcast_in_dim3A_371 = vector.broadcast %broadcast_in_dim3A_370 : vector<1x512xi1> to vector<64x512xi1>
    %select_n3A_372 = arith.select %broadcast_in_dim3A_371, %concatenate3A_366, %concatenate3A_369 : vector<64x512xi1>, vector<64x512xf32>
    %slice3A_373 = vector.extract_strided_slice %select_n3A_357 {offsets = [0, 1], sizes = [64, 511], strides = [1, 1]} : vector<64x512xi32> to vector<64x511xi32>
    %slice3A_374 = vector.extract_strided_slice %select_n3A_357 {offsets = [0, 0], sizes = [64, 1], strides = [1, 1]} : vector<64x512xi32> to vector<64x1xi32>
    %concatenate3A_375 = tpu.concatenate %slice3A_373, %slice3A_374 in 1 : vector<64x511xi32>, vector<64x1xi32> -> vector<64x512xi32>
    %slice3A_376 = vector.extract_strided_slice %select_n3A_357 {offsets = [0, 511], sizes = [64, 1], strides = [1, 1]} : vector<64x512xi32> to vector<64x1xi32>
    %slice3A_377 = vector.extract_strided_slice %select_n3A_357 {offsets = [0, 0], sizes = [64, 511], strides = [1, 1]} : vector<64x512xi32> to vector<64x511xi32>
    %concatenate3A_378 = tpu.concatenate %slice3A_376, %slice3A_377 in 1 : vector<64x1xi32>, vector<64x511xi32> -> vector<64x512xi32>
    %broadcast_in_dim3A_379 = vector.shape_cast %eq3A_363 : vector<1x512xi1> to vector<1x512xi1>
    %broadcast_in_dim3A_380 = vector.broadcast %broadcast_in_dim3A_379 : vector<1x512xi1> to vector<64x512xi1>
    %select_n3A_381 = arith.select %broadcast_in_dim3A_380, %concatenate3A_375, %concatenate3A_378 : vector<64x512xi1>, vector<64x512xi32>
    %gt3A_382 = arith.cmpf ogt, %select_n3A_356, %select_n3A_372 : vector<64x512xf32>
    %eq3A_383 = arith.cmpf oeq, %select_n3A_356, %select_n3A_372 : vector<64x512xf32>
    %lt3A_384 = arith.cmpi slt, %select_n3A_357, %select_n3A_381 : vector<64x512xi32>
    %and3A_385 = arith.andi %eq3A_383, %lt3A_384 : vector<64x512xi1>
    %or3A_386 = arith.ori %gt3A_382, %and3A_385 : vector<64x512xi1>
    %xor3A_387 = vector.broadcast %eq3A_363 : vector<1x512xi1> to vector<64x512xi1>
    %xor3A_388 = arith.xori %xor3A_387, %or3A_386 : vector<64x512xi1>
    %xor3A_389 = vector.broadcast %eq3A_252 : vector<1x512xi1> to vector<64x512xi1>
    %xor3A_390 = arith.xori %xor3A_388, %xor3A_389 : vector<64x512xi1>
    %select_n3A_391 = arith.select %xor3A_390, %select_n3A_356, %select_n3A_372 : vector<64x512xi1>, vector<64x512xf32>
    %select_n3A_392 = arith.select %xor3A_390, %select_n3A_357, %select_n3A_381 : vector<64x512xi1>, vector<64x512xi32>
    %and3A_393 = arith.constant 32 : i32
    %and3A_394 = vector.broadcast %and3A_393 : i32 to vector<1x512xi32>
    %and3A_395 = arith.andi %iota3A, %and3A_394 : vector<1x512xi32>
    %eq3A_396 = arith.constant 0 : i32
    %eq3A_397 = vector.broadcast %eq3A_396 : i32 to vector<1x512xi32>
    %eq3A_398 = arith.cmpi eq, %and3A_395, %eq3A_397 : vector<1x512xi32>
    %and3A_399 = arith.constant 16 : i32
    %and3A_400 = vector.broadcast %and3A_399 : i32 to vector<1x512xi32>
    %and3A_401 = arith.andi %iota3A, %and3A_400 : vector<1x512xi32>
    %eq3A_402 = arith.constant 0 : i32
    %eq3A_403 = vector.broadcast %eq3A_402 : i32 to vector<1x512xi32>
    %eq3A_404 = arith.cmpi eq, %and3A_401, %eq3A_403 : vector<1x512xi32>
    %slice3A_405 = vector.extract_strided_slice %select_n3A_391 {offsets = [0, 16], sizes = [64, 496], strides = [1, 1]} : vector<64x512xf32> to vector<64x496xf32>
    %slice3A_406 = vector.extract_strided_slice %select_n3A_391 {offsets = [0, 0], sizes = [64, 16], strides = [1, 1]} : vector<64x512xf32> to vector<64x16xf32>
    %concatenate3A_407 = tpu.concatenate %slice3A_405, %slice3A_406 in 1 : vector<64x496xf32>, vector<64x16xf32> -> vector<64x512xf32>
    %slice3A_408 = vector.extract_strided_slice %select_n3A_391 {offsets = [0, 496], sizes = [64, 16], strides = [1, 1]} : vector<64x512xf32> to vector<64x16xf32>
    %slice3A_409 = vector.extract_strided_slice %select_n3A_391 {offsets = [0, 0], sizes = [64, 496], strides = [1, 1]} : vector<64x512xf32> to vector<64x496xf32>
    %concatenate3A_410 = tpu.concatenate %slice3A_408, %slice3A_409 in 1 : vector<64x16xf32>, vector<64x496xf32> -> vector<64x512xf32>
    %broadcast_in_dim3A_411 = vector.shape_cast %eq3A_404 : vector<1x512xi1> to vector<1x512xi1>
    %broadcast_in_dim3A_412 = vector.broadcast %broadcast_in_dim3A_411 : vector<1x512xi1> to vector<64x512xi1>
    %select_n3A_413 = arith.select %broadcast_in_dim3A_412, %concatenate3A_407, %concatenate3A_410 : vector<64x512xi1>, vector<64x512xf32>
    %slice3A_414 = vector.extract_strided_slice %select_n3A_392 {offsets = [0, 16], sizes = [64, 496], strides = [1, 1]} : vector<64x512xi32> to vector<64x496xi32>
    %slice3A_415 = vector.extract_strided_slice %select_n3A_392 {offsets = [0, 0], sizes = [64, 16], strides = [1, 1]} : vector<64x512xi32> to vector<64x16xi32>
    %concatenate3A_416 = tpu.concatenate %slice3A_414, %slice3A_415 in 1 : vector<64x496xi32>, vector<64x16xi32> -> vector<64x512xi32>
    %slice3A_417 = vector.extract_strided_slice %select_n3A_392 {offsets = [0, 496], sizes = [64, 16], strides = [1, 1]} : vector<64x512xi32> to vector<64x16xi32>
    %slice3A_418 = vector.extract_strided_slice %select_n3A_392 {offsets = [0, 0], sizes = [64, 496], strides = [1, 1]} : vector<64x512xi32> to vector<64x496xi32>
    %concatenate3A_419 = tpu.concatenate %slice3A_417, %slice3A_418 in 1 : vector<64x16xi32>, vector<64x496xi32> -> vector<64x512xi32>
    %broadcast_in_dim3A_420 = vector.shape_cast %eq3A_404 : vector<1x512xi1> to vector<1x512xi1>
    %broadcast_in_dim3A_421 = vector.broadcast %broadcast_in_dim3A_420 : vector<1x512xi1> to vector<64x512xi1>
    %select_n3A_422 = arith.select %broadcast_in_dim3A_421, %concatenate3A_416, %concatenate3A_419 : vector<64x512xi1>, vector<64x512xi32>
    %gt3A_423 = arith.cmpf ogt, %select_n3A_391, %select_n3A_413 : vector<64x512xf32>
    %eq3A_424 = arith.cmpf oeq, %select_n3A_391, %select_n3A_413 : vector<64x512xf32>
    %lt3A_425 = arith.cmpi slt, %select_n3A_392, %select_n3A_422 : vector<64x512xi32>
    %and3A_426 = arith.andi %eq3A_424, %lt3A_425 : vector<64x512xi1>
    %or3A_427 = arith.ori %gt3A_423, %and3A_426 : vector<64x512xi1>
    %xor3A_428 = vector.broadcast %eq3A_404 : vector<1x512xi1> to vector<64x512xi1>
    %xor3A_429 = arith.xori %xor3A_428, %or3A_427 : vector<64x512xi1>
    %xor3A_430 = vector.broadcast %eq3A_398 : vector<1x512xi1> to vector<64x512xi1>
    %xor3A_431 = arith.xori %xor3A_429, %xor3A_430 : vector<64x512xi1>
    %select_n3A_432 = arith.select %xor3A_431, %select_n3A_391, %select_n3A_413 : vector<64x512xi1>, vector<64x512xf32>
    %select_n3A_433 = arith.select %xor3A_431, %select_n3A_392, %select_n3A_422 : vector<64x512xi1>, vector<64x512xi32>
    %and3A_434 = arith.constant 8 : i32
    %and3A_435 = vector.broadcast %and3A_434 : i32 to vector<1x512xi32>
    %and3A_436 = arith.andi %iota3A, %and3A_435 : vector<1x512xi32>
    %eq3A_437 = arith.constant 0 : i32
    %eq3A_438 = vector.broadcast %eq3A_437 : i32 to vector<1x512xi32>
    %eq3A_439 = arith.cmpi eq, %and3A_436, %eq3A_438 : vector<1x512xi32>
    %slice3A_440 = vector.extract_strided_slice %select_n3A_432 {offsets = [0, 8], sizes = [64, 504], strides = [1, 1]} : vector<64x512xf32> to vector<64x504xf32>
    %slice3A_441 = vector.extract_strided_slice %select_n3A_432 {offsets = [0, 0], sizes = [64, 8], strides = [1, 1]} : vector<64x512xf32> to vector<64x8xf32>
    %concatenate3A_442 = tpu.concatenate %slice3A_440, %slice3A_441 in 1 : vector<64x504xf32>, vector<64x8xf32> -> vector<64x512xf32>
    %slice3A_443 = vector.extract_strided_slice %select_n3A_432 {offsets = [0, 504], sizes = [64, 8], strides = [1, 1]} : vector<64x512xf32> to vector<64x8xf32>
    %slice3A_444 = vector.extract_strided_slice %select_n3A_432 {offsets = [0, 0], sizes = [64, 504], strides = [1, 1]} : vector<64x512xf32> to vector<64x504xf32>
    %concatenate3A_445 = tpu.concatenate %slice3A_443, %slice3A_444 in 1 : vector<64x8xf32>, vector<64x504xf32> -> vector<64x512xf32>
    %broadcast_in_dim3A_446 = vector.shape_cast %eq3A_439 : vector<1x512xi1> to vector<1x512xi1>
    %broadcast_in_dim3A_447 = vector.broadcast %broadcast_in_dim3A_446 : vector<1x512xi1> to vector<64x512xi1>
    %select_n3A_448 = arith.select %broadcast_in_dim3A_447, %concatenate3A_442, %concatenate3A_445 : vector<64x512xi1>, vector<64x512xf32>
    %slice3A_449 = vector.extract_strided_slice %select_n3A_433 {offsets = [0, 8], sizes = [64, 504], strides = [1, 1]} : vector<64x512xi32> to vector<64x504xi32>
    %slice3A_450 = vector.extract_strided_slice %select_n3A_433 {offsets = [0, 0], sizes = [64, 8], strides = [1, 1]} : vector<64x512xi32> to vector<64x8xi32>
    %concatenate3A_451 = tpu.concatenate %slice3A_449, %slice3A_450 in 1 : vector<64x504xi32>, vector<64x8xi32> -> vector<64x512xi32>
    %slice3A_452 = vector.extract_strided_slice %select_n3A_433 {offsets = [0, 504], sizes = [64, 8], strides = [1, 1]} : vector<64x512xi32> to vector<64x8xi32>
    %slice3A_453 = vector.extract_strided_slice %select_n3A_433 {offsets = [0, 0], sizes = [64, 504], strides = [1, 1]} : vector<64x512xi32> to vector<64x504xi32>
    %concatenate3A_454 = tpu.concatenate %slice3A_452, %slice3A_453 in 1 : vector<64x8xi32>, vector<64x504xi32> -> vector<64x512xi32>
    %broadcast_in_dim3A_455 = vector.shape_cast %eq3A_439 : vector<1x512xi1> to vector<1x512xi1>
    %broadcast_in_dim3A_456 = vector.broadcast %broadcast_in_dim3A_455 : vector<1x512xi1> to vector<64x512xi1>
    %select_n3A_457 = arith.select %broadcast_in_dim3A_456, %concatenate3A_451, %concatenate3A_454 : vector<64x512xi1>, vector<64x512xi32>
    %gt3A_458 = arith.cmpf ogt, %select_n3A_432, %select_n3A_448 : vector<64x512xf32>
    %eq3A_459 = arith.cmpf oeq, %select_n3A_432, %select_n3A_448 : vector<64x512xf32>
    %lt3A_460 = arith.cmpi slt, %select_n3A_433, %select_n3A_457 : vector<64x512xi32>
    %and3A_461 = arith.andi %eq3A_459, %lt3A_460 : vector<64x512xi1>
    %or3A_462 = arith.ori %gt3A_458, %and3A_461 : vector<64x512xi1>
    %xor3A_463 = vector.broadcast %eq3A_439 : vector<1x512xi1> to vector<64x512xi1>
    %xor3A_464 = arith.xori %xor3A_463, %or3A_462 : vector<64x512xi1>
    %xor3A_465 = vector.broadcast %eq3A_398 : vector<1x512xi1> to vector<64x512xi1>
    %xor3A_466 = arith.xori %xor3A_464, %xor3A_465 : vector<64x512xi1>
    %select_n3A_467 = arith.select %xor3A_466, %select_n3A_432, %select_n3A_448 : vector<64x512xi1>, vector<64x512xf32>
    %select_n3A_468 = arith.select %xor3A_466, %select_n3A_433, %select_n3A_457 : vector<64x512xi1>, vector<64x512xi32>
    %and3A_469 = arith.constant 4 : i32
    %and3A_470 = vector.broadcast %and3A_469 : i32 to vector<1x512xi32>
    %and3A_471 = arith.andi %iota3A, %and3A_470 : vector<1x512xi32>
    %eq3A_472 = arith.constant 0 : i32
    %eq3A_473 = vector.broadcast %eq3A_472 : i32 to vector<1x512xi32>
    %eq3A_474 = arith.cmpi eq, %and3A_471, %eq3A_473 : vector<1x512xi32>
    %slice3A_475 = vector.extract_strided_slice %select_n3A_467 {offsets = [0, 4], sizes = [64, 508], strides = [1, 1]} : vector<64x512xf32> to vector<64x508xf32>
    %slice3A_476 = vector.extract_strided_slice %select_n3A_467 {offsets = [0, 0], sizes = [64, 4], strides = [1, 1]} : vector<64x512xf32> to vector<64x4xf32>
    %concatenate3A_477 = tpu.concatenate %slice3A_475, %slice3A_476 in 1 : vector<64x508xf32>, vector<64x4xf32> -> vector<64x512xf32>
    %slice3A_478 = vector.extract_strided_slice %select_n3A_467 {offsets = [0, 508], sizes = [64, 4], strides = [1, 1]} : vector<64x512xf32> to vector<64x4xf32>
    %slice3A_479 = vector.extract_strided_slice %select_n3A_467 {offsets = [0, 0], sizes = [64, 508], strides = [1, 1]} : vector<64x512xf32> to vector<64x508xf32>
    %concatenate3A_480 = tpu.concatenate %slice3A_478, %slice3A_479 in 1 : vector<64x4xf32>, vector<64x508xf32> -> vector<64x512xf32>
    %broadcast_in_dim3A_481 = vector.shape_cast %eq3A_474 : vector<1x512xi1> to vector<1x512xi1>
    %broadcast_in_dim3A_482 = vector.broadcast %broadcast_in_dim3A_481 : vector<1x512xi1> to vector<64x512xi1>
    %select_n3A_483 = arith.select %broadcast_in_dim3A_482, %concatenate3A_477, %concatenate3A_480 : vector<64x512xi1>, vector<64x512xf32>
    %slice3A_484 = vector.extract_strided_slice %select_n3A_468 {offsets = [0, 4], sizes = [64, 508], strides = [1, 1]} : vector<64x512xi32> to vector<64x508xi32>
    %slice3A_485 = vector.extract_strided_slice %select_n3A_468 {offsets = [0, 0], sizes = [64, 4], strides = [1, 1]} : vector<64x512xi32> to vector<64x4xi32>
    %concatenate3A_486 = tpu.concatenate %slice3A_484, %slice3A_485 in 1 : vector<64x508xi32>, vector<64x4xi32> -> vector<64x512xi32>
    %slice3A_487 = vector.extract_strided_slice %select_n3A_468 {offsets = [0, 508], sizes = [64, 4], strides = [1, 1]} : vector<64x512xi32> to vector<64x4xi32>
    %slice3A_488 = vector.extract_strided_slice %select_n3A_468 {offsets = [0, 0], sizes = [64, 508], strides = [1, 1]} : vector<64x512xi32> to vector<64x508xi32>
    %concatenate3A_489 = tpu.concatenate %slice3A_487, %slice3A_488 in 1 : vector<64x4xi32>, vector<64x508xi32> -> vector<64x512xi32>
    %broadcast_in_dim3A_490 = vector.shape_cast %eq3A_474 : vector<1x512xi1> to vector<1x512xi1>
    %broadcast_in_dim3A_491 = vector.broadcast %broadcast_in_dim3A_490 : vector<1x512xi1> to vector<64x512xi1>
    %select_n3A_492 = arith.select %broadcast_in_dim3A_491, %concatenate3A_486, %concatenate3A_489 : vector<64x512xi1>, vector<64x512xi32>
    %gt3A_493 = arith.cmpf ogt, %select_n3A_467, %select_n3A_483 : vector<64x512xf32>
    %eq3A_494 = arith.cmpf oeq, %select_n3A_467, %select_n3A_483 : vector<64x512xf32>
    %lt3A_495 = arith.cmpi slt, %select_n3A_468, %select_n3A_492 : vector<64x512xi32>
    %and3A_496 = arith.andi %eq3A_494, %lt3A_495 : vector<64x512xi1>
    %or3A_497 = arith.ori %gt3A_493, %and3A_496 : vector<64x512xi1>
    %xor3A_498 = vector.broadcast %eq3A_474 : vector<1x512xi1> to vector<64x512xi1>
    %xor3A_499 = arith.xori %xor3A_498, %or3A_497 : vector<64x512xi1>
    %xor3A_500 = vector.broadcast %eq3A_398 : vector<1x512xi1> to vector<64x512xi1>
    %xor3A_501 = arith.xori %xor3A_499, %xor3A_500 : vector<64x512xi1>
    %select_n3A_502 = arith.select %xor3A_501, %select_n3A_467, %select_n3A_483 : vector<64x512xi1>, vector<64x512xf32>
    %select_n3A_503 = arith.select %xor3A_501, %select_n3A_468, %select_n3A_492 : vector<64x512xi1>, vector<64x512xi32>
    %and3A_504 = arith.constant 2 : i32
    %and3A_505 = vector.broadcast %and3A_504 : i32 to vector<1x512xi32>
    %and3A_506 = arith.andi %iota3A, %and3A_505 : vector<1x512xi32>
    %eq3A_507 = arith.constant 0 : i32
    %eq3A_508 = vector.broadcast %eq3A_507 : i32 to vector<1x512xi32>
    %eq3A_509 = arith.cmpi eq, %and3A_506, %eq3A_508 : vector<1x512xi32>
    %slice3A_510 = vector.extract_strided_slice %select_n3A_502 {offsets = [0, 2], sizes = [64, 510], strides = [1, 1]} : vector<64x512xf32> to vector<64x510xf32>
    %slice3A_511 = vector.extract_strided_slice %select_n3A_502 {offsets = [0, 0], sizes = [64, 2], strides = [1, 1]} : vector<64x512xf32> to vector<64x2xf32>
    %concatenate3A_512 = tpu.concatenate %slice3A_510, %slice3A_511 in 1 : vector<64x510xf32>, vector<64x2xf32> -> vector<64x512xf32>
    %slice3A_513 = vector.extract_strided_slice %select_n3A_502 {offsets = [0, 510], sizes = [64, 2], strides = [1, 1]} : vector<64x512xf32> to vector<64x2xf32>
    %slice3A_514 = vector.extract_strided_slice %select_n3A_502 {offsets = [0, 0], sizes = [64, 510], strides = [1, 1]} : vector<64x512xf32> to vector<64x510xf32>
    %concatenate3A_515 = tpu.concatenate %slice3A_513, %slice3A_514 in 1 : vector<64x2xf32>, vector<64x510xf32> -> vector<64x512xf32>
    %broadcast_in_dim3A_516 = vector.shape_cast %eq3A_509 : vector<1x512xi1> to vector<1x512xi1>
    %broadcast_in_dim3A_517 = vector.broadcast %broadcast_in_dim3A_516 : vector<1x512xi1> to vector<64x512xi1>
    %select_n3A_518 = arith.select %broadcast_in_dim3A_517, %concatenate3A_512, %concatenate3A_515 : vector<64x512xi1>, vector<64x512xf32>
    %slice3A_519 = vector.extract_strided_slice %select_n3A_503 {offsets = [0, 2], sizes = [64, 510], strides = [1, 1]} : vector<64x512xi32> to vector<64x510xi32>
    %slice3A_520 = vector.extract_strided_slice %select_n3A_503 {offsets = [0, 0], sizes = [64, 2], strides = [1, 1]} : vector<64x512xi32> to vector<64x2xi32>
    %concatenate3A_521 = tpu.concatenate %slice3A_519, %slice3A_520 in 1 : vector<64x510xi32>, vector<64x2xi32> -> vector<64x512xi32>
    %slice3A_522 = vector.extract_strided_slice %select_n3A_503 {offsets = [0, 510], sizes = [64, 2], strides = [1, 1]} : vector<64x512xi32> to vector<64x2xi32>
    %slice3A_523 = vector.extract_strided_slice %select_n3A_503 {offsets = [0, 0], sizes = [64, 510], strides = [1, 1]} : vector<64x512xi32> to vector<64x510xi32>
    %concatenate3A_524 = tpu.concatenate %slice3A_522, %slice3A_523 in 1 : vector<64x2xi32>, vector<64x510xi32> -> vector<64x512xi32>
    %broadcast_in_dim3A_525 = vector.shape_cast %eq3A_509 : vector<1x512xi1> to vector<1x512xi1>
    %broadcast_in_dim3A_526 = vector.broadcast %broadcast_in_dim3A_525 : vector<1x512xi1> to vector<64x512xi1>
    %select_n3A_527 = arith.select %broadcast_in_dim3A_526, %concatenate3A_521, %concatenate3A_524 : vector<64x512xi1>, vector<64x512xi32>
    %gt3A_528 = arith.cmpf ogt, %select_n3A_502, %select_n3A_518 : vector<64x512xf32>
    %eq3A_529 = arith.cmpf oeq, %select_n3A_502, %select_n3A_518 : vector<64x512xf32>
    %lt3A_530 = arith.cmpi slt, %select_n3A_503, %select_n3A_527 : vector<64x512xi32>
    %and3A_531 = arith.andi %eq3A_529, %lt3A_530 : vector<64x512xi1>
    %or3A_532 = arith.ori %gt3A_528, %and3A_531 : vector<64x512xi1>
    %xor3A_533 = vector.broadcast %eq3A_509 : vector<1x512xi1> to vector<64x512xi1>
    %xor3A_534 = arith.xori %xor3A_533, %or3A_532 : vector<64x512xi1>
    %xor3A_535 = vector.broadcast %eq3A_398 : vector<1x512xi1> to vector<64x512xi1>
    %xor3A_536 = arith.xori %xor3A_534, %xor3A_535 : vector<64x512xi1>
    %select_n3A_537 = arith.select %xor3A_536, %select_n3A_502, %select_n3A_518 : vector<64x512xi1>, vector<64x512xf32>
    %select_n3A_538 = arith.select %xor3A_536, %select_n3A_503, %select_n3A_527 : vector<64x512xi1>, vector<64x512xi32>
    %and3A_539 = arith.constant 1 : i32
    %and3A_540 = vector.broadcast %and3A_539 : i32 to vector<1x512xi32>
    %and3A_541 = arith.andi %iota3A, %and3A_540 : vector<1x512xi32>
    %eq3A_542 = arith.constant 0 : i32
    %eq3A_543 = vector.broadcast %eq3A_542 : i32 to vector<1x512xi32>
    %eq3A_544 = arith.cmpi eq, %and3A_541, %eq3A_543 : vector<1x512xi32>
    %slice3A_545 = vector.extract_strided_slice %select_n3A_537 {offsets = [0, 1], sizes = [64, 511], strides = [1, 1]} : vector<64x512xf32> to vector<64x511xf32>
    %slice3A_546 = vector.extract_strided_slice %select_n3A_537 {offsets = [0, 0], sizes = [64, 1], strides = [1, 1]} : vector<64x512xf32> to vector<64x1xf32>
    %concatenate3A_547 = tpu.concatenate %slice3A_545, %slice3A_546 in 1 : vector<64x511xf32>, vector<64x1xf32> -> vector<64x512xf32>
    %slice3A_548 = vector.extract_strided_slice %select_n3A_537 {offsets = [0, 511], sizes = [64, 1], strides = [1, 1]} : vector<64x512xf32> to vector<64x1xf32>
    %slice3A_549 = vector.extract_strided_slice %select_n3A_537 {offsets = [0, 0], sizes = [64, 511], strides = [1, 1]} : vector<64x512xf32> to vector<64x511xf32>
    %concatenate3A_550 = tpu.concatenate %slice3A_548, %slice3A_549 in 1 : vector<64x1xf32>, vector<64x511xf32> -> vector<64x512xf32>
    %broadcast_in_dim3A_551 = vector.shape_cast %eq3A_544 : vector<1x512xi1> to vector<1x512xi1>
    %broadcast_in_dim3A_552 = vector.broadcast %broadcast_in_dim3A_551 : vector<1x512xi1> to vector<64x512xi1>
    %select_n3A_553 = arith.select %broadcast_in_dim3A_552, %concatenate3A_547, %concatenate3A_550 : vector<64x512xi1>, vector<64x512xf32>
    %slice3A_554 = vector.extract_strided_slice %select_n3A_538 {offsets = [0, 1], sizes = [64, 511], strides = [1, 1]} : vector<64x512xi32> to vector<64x511xi32>
    %slice3A_555 = vector.extract_strided_slice %select_n3A_538 {offsets = [0, 0], sizes = [64, 1], strides = [1, 1]} : vector<64x512xi32> to vector<64x1xi32>
    %concatenate3A_556 = tpu.concatenate %slice3A_554, %slice3A_555 in 1 : vector<64x511xi32>, vector<64x1xi32> -> vector<64x512xi32>
    %slice3A_557 = vector.extract_strided_slice %select_n3A_538 {offsets = [0, 511], sizes = [64, 1], strides = [1, 1]} : vector<64x512xi32> to vector<64x1xi32>
    %slice3A_558 = vector.extract_strided_slice %select_n3A_538 {offsets = [0, 0], sizes = [64, 511], strides = [1, 1]} : vector<64x512xi32> to vector<64x511xi32>
    %concatenate3A_559 = tpu.concatenate %slice3A_557, %slice3A_558 in 1 : vector<64x1xi32>, vector<64x511xi32> -> vector<64x512xi32>
    %broadcast_in_dim3A_560 = vector.shape_cast %eq3A_544 : vector<1x512xi1> to vector<1x512xi1>
    %broadcast_in_dim3A_561 = vector.broadcast %broadcast_in_dim3A_560 : vector<1x512xi1> to vector<64x512xi1>
    %select_n3A_562 = arith.select %broadcast_in_dim3A_561, %concatenate3A_556, %concatenate3A_559 : vector<64x512xi1>, vector<64x512xi32>
    %gt3A_563 = arith.cmpf ogt, %select_n3A_537, %select_n3A_553 : vector<64x512xf32>
    %eq3A_564 = arith.cmpf oeq, %select_n3A_537, %select_n3A_553 : vector<64x512xf32>
    %lt3A_565 = arith.cmpi slt, %select_n3A_538, %select_n3A_562 : vector<64x512xi32>
    %and3A_566 = arith.andi %eq3A_564, %lt3A_565 : vector<64x512xi1>
    %or3A_567 = arith.ori %gt3A_563, %and3A_566 : vector<64x512xi1>
    %xor3A_568 = vector.broadcast %eq3A_544 : vector<1x512xi1> to vector<64x512xi1>
    %xor3A_569 = arith.xori %xor3A_568, %or3A_567 : vector<64x512xi1>
    %xor3A_570 = vector.broadcast %eq3A_398 : vector<1x512xi1> to vector<64x512xi1>
    %xor3A_571 = arith.xori %xor3A_569, %xor3A_570 : vector<64x512xi1>
    %select_n3A_572 = arith.select %xor3A_571, %select_n3A_537, %select_n3A_553 : vector<64x512xi1>, vector<64x512xf32>
    %select_n3A_573 = arith.select %xor3A_571, %select_n3A_538, %select_n3A_562 : vector<64x512xi1>, vector<64x512xi32>
    %and3A_574 = arith.constant 64 : i32
    %and3A_575 = vector.broadcast %and3A_574 : i32 to vector<1x512xi32>
    %and3A_576 = arith.andi %iota3A, %and3A_575 : vector<1x512xi32>
    %eq3A_577 = arith.constant 0 : i32
    %eq3A_578 = vector.broadcast %eq3A_577 : i32 to vector<1x512xi32>
    %eq3A_579 = arith.cmpi eq, %and3A_576, %eq3A_578 : vector<1x512xi32>
    %and3A_580 = arith.constant 32 : i32
    %and3A_581 = vector.broadcast %and3A_580 : i32 to vector<1x512xi32>
    %and3A_582 = arith.andi %iota3A, %and3A_581 : vector<1x512xi32>
    %eq3A_583 = arith.constant 0 : i32
    %eq3A_584 = vector.broadcast %eq3A_583 : i32 to vector<1x512xi32>
    %eq3A_585 = arith.cmpi eq, %and3A_582, %eq3A_584 : vector<1x512xi32>
    %slice3A_586 = vector.extract_strided_slice %select_n3A_572 {offsets = [0, 32], sizes = [64, 480], strides = [1, 1]} : vector<64x512xf32> to vector<64x480xf32>
    %slice3A_587 = vector.extract_strided_slice %select_n3A_572 {offsets = [0, 0], sizes = [64, 32], strides = [1, 1]} : vector<64x512xf32> to vector<64x32xf32>
    %concatenate3A_588 = tpu.concatenate %slice3A_586, %slice3A_587 in 1 : vector<64x480xf32>, vector<64x32xf32> -> vector<64x512xf32>
    %slice3A_589 = vector.extract_strided_slice %select_n3A_572 {offsets = [0, 480], sizes = [64, 32], strides = [1, 1]} : vector<64x512xf32> to vector<64x32xf32>
    %slice3A_590 = vector.extract_strided_slice %select_n3A_572 {offsets = [0, 0], sizes = [64, 480], strides = [1, 1]} : vector<64x512xf32> to vector<64x480xf32>
    %concatenate3A_591 = tpu.concatenate %slice3A_589, %slice3A_590 in 1 : vector<64x32xf32>, vector<64x480xf32> -> vector<64x512xf32>
    %broadcast_in_dim3A_592 = vector.shape_cast %eq3A_585 : vector<1x512xi1> to vector<1x512xi1>
    %broadcast_in_dim3A_593 = vector.broadcast %broadcast_in_dim3A_592 : vector<1x512xi1> to vector<64x512xi1>
    %select_n3A_594 = arith.select %broadcast_in_dim3A_593, %concatenate3A_588, %concatenate3A_591 : vector<64x512xi1>, vector<64x512xf32>
    %slice3A_595 = vector.extract_strided_slice %select_n3A_573 {offsets = [0, 32], sizes = [64, 480], strides = [1, 1]} : vector<64x512xi32> to vector<64x480xi32>
    %slice3A_596 = vector.extract_strided_slice %select_n3A_573 {offsets = [0, 0], sizes = [64, 32], strides = [1, 1]} : vector<64x512xi32> to vector<64x32xi32>
    %concatenate3A_597 = tpu.concatenate %slice3A_595, %slice3A_596 in 1 : vector<64x480xi32>, vector<64x32xi32> -> vector<64x512xi32>
    %slice3A_598 = vector.extract_strided_slice %select_n3A_573 {offsets = [0, 480], sizes = [64, 32], strides = [1, 1]} : vector<64x512xi32> to vector<64x32xi32>
    %slice3A_599 = vector.extract_strided_slice %select_n3A_573 {offsets = [0, 0], sizes = [64, 480], strides = [1, 1]} : vector<64x512xi32> to vector<64x480xi32>
    %concatenate3A_600 = tpu.concatenate %slice3A_598, %slice3A_599 in 1 : vector<64x32xi32>, vector<64x480xi32> -> vector<64x512xi32>
    %broadcast_in_dim3A_601 = vector.shape_cast %eq3A_585 : vector<1x512xi1> to vector<1x512xi1>
    %broadcast_in_dim3A_602 = vector.broadcast %broadcast_in_dim3A_601 : vector<1x512xi1> to vector<64x512xi1>
    %select_n3A_603 = arith.select %broadcast_in_dim3A_602, %concatenate3A_597, %concatenate3A_600 : vector<64x512xi1>, vector<64x512xi32>
    %gt3A_604 = arith.cmpf ogt, %select_n3A_572, %select_n3A_594 : vector<64x512xf32>
    %eq3A_605 = arith.cmpf oeq, %select_n3A_572, %select_n3A_594 : vector<64x512xf32>
    %lt3A_606 = arith.cmpi slt, %select_n3A_573, %select_n3A_603 : vector<64x512xi32>
    %and3A_607 = arith.andi %eq3A_605, %lt3A_606 : vector<64x512xi1>
    %or3A_608 = arith.ori %gt3A_604, %and3A_607 : vector<64x512xi1>
    %xor3A_609 = vector.broadcast %eq3A_585 : vector<1x512xi1> to vector<64x512xi1>
    %xor3A_610 = arith.xori %xor3A_609, %or3A_608 : vector<64x512xi1>
    %xor3A_611 = vector.broadcast %eq3A_579 : vector<1x512xi1> to vector<64x512xi1>
    %xor3A_612 = arith.xori %xor3A_610, %xor3A_611 : vector<64x512xi1>
    %select_n3A_613 = arith.select %xor3A_612, %select_n3A_572, %select_n3A_594 : vector<64x512xi1>, vector<64x512xf32>
    %select_n3A_614 = arith.select %xor3A_612, %select_n3A_573, %select_n3A_603 : vector<64x512xi1>, vector<64x512xi32>
    %and3A_615 = arith.constant 16 : i32
    %and3A_616 = vector.broadcast %and3A_615 : i32 to vector<1x512xi32>
    %and3A_617 = arith.andi %iota3A, %and3A_616 : vector<1x512xi32>
    %eq3A_618 = arith.constant 0 : i32
    %eq3A_619 = vector.broadcast %eq3A_618 : i32 to vector<1x512xi32>
    %eq3A_620 = arith.cmpi eq, %and3A_617, %eq3A_619 : vector<1x512xi32>
    %slice3A_621 = vector.extract_strided_slice %select_n3A_613 {offsets = [0, 16], sizes = [64, 496], strides = [1, 1]} : vector<64x512xf32> to vector<64x496xf32>
    %slice3A_622 = vector.extract_strided_slice %select_n3A_613 {offsets = [0, 0], sizes = [64, 16], strides = [1, 1]} : vector<64x512xf32> to vector<64x16xf32>
    %concatenate3A_623 = tpu.concatenate %slice3A_621, %slice3A_622 in 1 : vector<64x496xf32>, vector<64x16xf32> -> vector<64x512xf32>
    %slice3A_624 = vector.extract_strided_slice %select_n3A_613 {offsets = [0, 496], sizes = [64, 16], strides = [1, 1]} : vector<64x512xf32> to vector<64x16xf32>
    %slice3A_625 = vector.extract_strided_slice %select_n3A_613 {offsets = [0, 0], sizes = [64, 496], strides = [1, 1]} : vector<64x512xf32> to vector<64x496xf32>
    %concatenate3A_626 = tpu.concatenate %slice3A_624, %slice3A_625 in 1 : vector<64x16xf32>, vector<64x496xf32> -> vector<64x512xf32>
    %broadcast_in_dim3A_627 = vector.shape_cast %eq3A_620 : vector<1x512xi1> to vector<1x512xi1>
    %broadcast_in_dim3A_628 = vector.broadcast %broadcast_in_dim3A_627 : vector<1x512xi1> to vector<64x512xi1>
    %select_n3A_629 = arith.select %broadcast_in_dim3A_628, %concatenate3A_623, %concatenate3A_626 : vector<64x512xi1>, vector<64x512xf32>
    %slice3A_630 = vector.extract_strided_slice %select_n3A_614 {offsets = [0, 16], sizes = [64, 496], strides = [1, 1]} : vector<64x512xi32> to vector<64x496xi32>
    %slice3A_631 = vector.extract_strided_slice %select_n3A_614 {offsets = [0, 0], sizes = [64, 16], strides = [1, 1]} : vector<64x512xi32> to vector<64x16xi32>
    %concatenate3A_632 = tpu.concatenate %slice3A_630, %slice3A_631 in 1 : vector<64x496xi32>, vector<64x16xi32> -> vector<64x512xi32>
    %slice3A_633 = vector.extract_strided_slice %select_n3A_614 {offsets = [0, 496], sizes = [64, 16], strides = [1, 1]} : vector<64x512xi32> to vector<64x16xi32>
    %slice3A_634 = vector.extract_strided_slice %select_n3A_614 {offsets = [0, 0], sizes = [64, 496], strides = [1, 1]} : vector<64x512xi32> to vector<64x496xi32>
    %concatenate3A_635 = tpu.concatenate %slice3A_633, %slice3A_634 in 1 : vector<64x16xi32>, vector<64x496xi32> -> vector<64x512xi32>
    %broadcast_in_dim3A_636 = vector.shape_cast %eq3A_620 : vector<1x512xi1> to vector<1x512xi1>
    %broadcast_in_dim3A_637 = vector.broadcast %broadcast_in_dim3A_636 : vector<1x512xi1> to vector<64x512xi1>
    %select_n3A_638 = arith.select %broadcast_in_dim3A_637, %concatenate3A_632, %concatenate3A_635 : vector<64x512xi1>, vector<64x512xi32>
    %gt3A_639 = arith.cmpf ogt, %select_n3A_613, %select_n3A_629 : vector<64x512xf32>
    %eq3A_640 = arith.cmpf oeq, %select_n3A_613, %select_n3A_629 : vector<64x512xf32>
    %lt3A_641 = arith.cmpi slt, %select_n3A_614, %select_n3A_638 : vector<64x512xi32>
    %and3A_642 = arith.andi %eq3A_640, %lt3A_641 : vector<64x512xi1>
    %or3A_643 = arith.ori %gt3A_639, %and3A_642 : vector<64x512xi1>
    %xor3A_644 = vector.broadcast %eq3A_620 : vector<1x512xi1> to vector<64x512xi1>
    %xor3A_645 = arith.xori %xor3A_644, %or3A_643 : vector<64x512xi1>
    %xor3A_646 = vector.broadcast %eq3A_579 : vector<1x512xi1> to vector<64x512xi1>
    %xor3A_647 = arith.xori %xor3A_645, %xor3A_646 : vector<64x512xi1>
    %select_n3A_648 = arith.select %xor3A_647, %select_n3A_613, %select_n3A_629 : vector<64x512xi1>, vector<64x512xf32>
    %select_n3A_649 = arith.select %xor3A_647, %select_n3A_614, %select_n3A_638 : vector<64x512xi1>, vector<64x512xi32>
    %and3A_650 = arith.constant 8 : i32
    %and3A_651 = vector.broadcast %and3A_650 : i32 to vector<1x512xi32>
    %and3A_652 = arith.andi %iota3A, %and3A_651 : vector<1x512xi32>
    %eq3A_653 = arith.constant 0 : i32
    %eq3A_654 = vector.broadcast %eq3A_653 : i32 to vector<1x512xi32>
    %eq3A_655 = arith.cmpi eq, %and3A_652, %eq3A_654 : vector<1x512xi32>
    %slice3A_656 = vector.extract_strided_slice %select_n3A_648 {offsets = [0, 8], sizes = [64, 504], strides = [1, 1]} : vector<64x512xf32> to vector<64x504xf32>
    %slice3A_657 = vector.extract_strided_slice %select_n3A_648 {offsets = [0, 0], sizes = [64, 8], strides = [1, 1]} : vector<64x512xf32> to vector<64x8xf32>
    %concatenate3A_658 = tpu.concatenate %slice3A_656, %slice3A_657 in 1 : vector<64x504xf32>, vector<64x8xf32> -> vector<64x512xf32>
    %slice3A_659 = vector.extract_strided_slice %select_n3A_648 {offsets = [0, 504], sizes = [64, 8], strides = [1, 1]} : vector<64x512xf32> to vector<64x8xf32>
    %slice3A_660 = vector.extract_strided_slice %select_n3A_648 {offsets = [0, 0], sizes = [64, 504], strides = [1, 1]} : vector<64x512xf32> to vector<64x504xf32>
    %concatenate3A_661 = tpu.concatenate %slice3A_659, %slice3A_660 in 1 : vector<64x8xf32>, vector<64x504xf32> -> vector<64x512xf32>
    %broadcast_in_dim3A_662 = vector.shape_cast %eq3A_655 : vector<1x512xi1> to vector<1x512xi1>
    %broadcast_in_dim3A_663 = vector.broadcast %broadcast_in_dim3A_662 : vector<1x512xi1> to vector<64x512xi1>
    %select_n3A_664 = arith.select %broadcast_in_dim3A_663, %concatenate3A_658, %concatenate3A_661 : vector<64x512xi1>, vector<64x512xf32>
    %slice3A_665 = vector.extract_strided_slice %select_n3A_649 {offsets = [0, 8], sizes = [64, 504], strides = [1, 1]} : vector<64x512xi32> to vector<64x504xi32>
    %slice3A_666 = vector.extract_strided_slice %select_n3A_649 {offsets = [0, 0], sizes = [64, 8], strides = [1, 1]} : vector<64x512xi32> to vector<64x8xi32>
    %concatenate3A_667 = tpu.concatenate %slice3A_665, %slice3A_666 in 1 : vector<64x504xi32>, vector<64x8xi32> -> vector<64x512xi32>
    %slice3A_668 = vector.extract_strided_slice %select_n3A_649 {offsets = [0, 504], sizes = [64, 8], strides = [1, 1]} : vector<64x512xi32> to vector<64x8xi32>
    %slice3A_669 = vector.extract_strided_slice %select_n3A_649 {offsets = [0, 0], sizes = [64, 504], strides = [1, 1]} : vector<64x512xi32> to vector<64x504xi32>
    %concatenate3A_670 = tpu.concatenate %slice3A_668, %slice3A_669 in 1 : vector<64x8xi32>, vector<64x504xi32> -> vector<64x512xi32>
    %broadcast_in_dim3A_671 = vector.shape_cast %eq3A_655 : vector<1x512xi1> to vector<1x512xi1>
    %broadcast_in_dim3A_672 = vector.broadcast %broadcast_in_dim3A_671 : vector<1x512xi1> to vector<64x512xi1>
    %select_n3A_673 = arith.select %broadcast_in_dim3A_672, %concatenate3A_667, %concatenate3A_670 : vector<64x512xi1>, vector<64x512xi32>
    %gt3A_674 = arith.cmpf ogt, %select_n3A_648, %select_n3A_664 : vector<64x512xf32>
    %eq3A_675 = arith.cmpf oeq, %select_n3A_648, %select_n3A_664 : vector<64x512xf32>
    %lt3A_676 = arith.cmpi slt, %select_n3A_649, %select_n3A_673 : vector<64x512xi32>
    %and3A_677 = arith.andi %eq3A_675, %lt3A_676 : vector<64x512xi1>
    %or3A_678 = arith.ori %gt3A_674, %and3A_677 : vector<64x512xi1>
    %xor3A_679 = vector.broadcast %eq3A_655 : vector<1x512xi1> to vector<64x512xi1>
    %xor3A_680 = arith.xori %xor3A_679, %or3A_678 : vector<64x512xi1>
    %xor3A_681 = vector.broadcast %eq3A_579 : vector<1x512xi1> to vector<64x512xi1>
    %xor3A_682 = arith.xori %xor3A_680, %xor3A_681 : vector<64x512xi1>
    %select_n3A_683 = arith.select %xor3A_682, %select_n3A_648, %select_n3A_664 : vector<64x512xi1>, vector<64x512xf32>
    %select_n3A_684 = arith.select %xor3A_682, %select_n3A_649, %select_n3A_673 : vector<64x512xi1>, vector<64x512xi32>
    %and3A_685 = arith.constant 4 : i32
    %and3A_686 = vector.broadcast %and3A_685 : i32 to vector<1x512xi32>
    %and3A_687 = arith.andi %iota3A, %and3A_686 : vector<1x512xi32>
    %eq3A_688 = arith.constant 0 : i32
    %eq3A_689 = vector.broadcast %eq3A_688 : i32 to vector<1x512xi32>
    %eq3A_690 = arith.cmpi eq, %and3A_687, %eq3A_689 : vector<1x512xi32>
    %slice3A_691 = vector.extract_strided_slice %select_n3A_683 {offsets = [0, 4], sizes = [64, 508], strides = [1, 1]} : vector<64x512xf32> to vector<64x508xf32>
    %slice3A_692 = vector.extract_strided_slice %select_n3A_683 {offsets = [0, 0], sizes = [64, 4], strides = [1, 1]} : vector<64x512xf32> to vector<64x4xf32>
    %concatenate3A_693 = tpu.concatenate %slice3A_691, %slice3A_692 in 1 : vector<64x508xf32>, vector<64x4xf32> -> vector<64x512xf32>
    %slice3A_694 = vector.extract_strided_slice %select_n3A_683 {offsets = [0, 508], sizes = [64, 4], strides = [1, 1]} : vector<64x512xf32> to vector<64x4xf32>
    %slice3A_695 = vector.extract_strided_slice %select_n3A_683 {offsets = [0, 0], sizes = [64, 508], strides = [1, 1]} : vector<64x512xf32> to vector<64x508xf32>
    %concatenate3A_696 = tpu.concatenate %slice3A_694, %slice3A_695 in 1 : vector<64x4xf32>, vector<64x508xf32> -> vector<64x512xf32>
    %broadcast_in_dim3A_697 = vector.shape_cast %eq3A_690 : vector<1x512xi1> to vector<1x512xi1>
    %broadcast_in_dim3A_698 = vector.broadcast %broadcast_in_dim3A_697 : vector<1x512xi1> to vector<64x512xi1>
    %select_n3A_699 = arith.select %broadcast_in_dim3A_698, %concatenate3A_693, %concatenate3A_696 : vector<64x512xi1>, vector<64x512xf32>
    %slice3A_700 = vector.extract_strided_slice %select_n3A_684 {offsets = [0, 4], sizes = [64, 508], strides = [1, 1]} : vector<64x512xi32> to vector<64x508xi32>
    %slice3A_701 = vector.extract_strided_slice %select_n3A_684 {offsets = [0, 0], sizes = [64, 4], strides = [1, 1]} : vector<64x512xi32> to vector<64x4xi32>
    %concatenate3A_702 = tpu.concatenate %slice3A_700, %slice3A_701 in 1 : vector<64x508xi32>, vector<64x4xi32> -> vector<64x512xi32>
    %slice3A_703 = vector.extract_strided_slice %select_n3A_684 {offsets = [0, 508], sizes = [64, 4], strides = [1, 1]} : vector<64x512xi32> to vector<64x4xi32>
    %slice3A_704 = vector.extract_strided_slice %select_n3A_684 {offsets = [0, 0], sizes = [64, 508], strides = [1, 1]} : vector<64x512xi32> to vector<64x508xi32>
    %concatenate3A_705 = tpu.concatenate %slice3A_703, %slice3A_704 in 1 : vector<64x4xi32>, vector<64x508xi32> -> vector<64x512xi32>
    %broadcast_in_dim3A_706 = vector.shape_cast %eq3A_690 : vector<1x512xi1> to vector<1x512xi1>
    %broadcast_in_dim3A_707 = vector.broadcast %broadcast_in_dim3A_706 : vector<1x512xi1> to vector<64x512xi1>
    %select_n3A_708 = arith.select %broadcast_in_dim3A_707, %concatenate3A_702, %concatenate3A_705 : vector<64x512xi1>, vector<64x512xi32>
    %gt3A_709 = arith.cmpf ogt, %select_n3A_683, %select_n3A_699 : vector<64x512xf32>
    %eq3A_710 = arith.cmpf oeq, %select_n3A_683, %select_n3A_699 : vector<64x512xf32>
    %lt3A_711 = arith.cmpi slt, %select_n3A_684, %select_n3A_708 : vector<64x512xi32>
    %and3A_712 = arith.andi %eq3A_710, %lt3A_711 : vector<64x512xi1>
    %or3A_713 = arith.ori %gt3A_709, %and3A_712 : vector<64x512xi1>
    %xor3A_714 = vector.broadcast %eq3A_690 : vector<1x512xi1> to vector<64x512xi1>
    %xor3A_715 = arith.xori %xor3A_714, %or3A_713 : vector<64x512xi1>
    %xor3A_716 = vector.broadcast %eq3A_579 : vector<1x512xi1> to vector<64x512xi1>
    %xor3A_717 = arith.xori %xor3A_715, %xor3A_716 : vector<64x512xi1>
    %select_n3A_718 = arith.select %xor3A_717, %select_n3A_683, %select_n3A_699 : vector<64x512xi1>, vector<64x512xf32>
    %select_n3A_719 = arith.select %xor3A_717, %select_n3A_684, %select_n3A_708 : vector<64x512xi1>, vector<64x512xi32>
    %and3A_720 = arith.constant 2 : i32
    %and3A_721 = vector.broadcast %and3A_720 : i32 to vector<1x512xi32>
    %and3A_722 = arith.andi %iota3A, %and3A_721 : vector<1x512xi32>
    %eq3A_723 = arith.constant 0 : i32
    %eq3A_724 = vector.broadcast %eq3A_723 : i32 to vector<1x512xi32>
    %eq3A_725 = arith.cmpi eq, %and3A_722, %eq3A_724 : vector<1x512xi32>
    %slice3A_726 = vector.extract_strided_slice %select_n3A_718 {offsets = [0, 2], sizes = [64, 510], strides = [1, 1]} : vector<64x512xf32> to vector<64x510xf32>
    %slice3A_727 = vector.extract_strided_slice %select_n3A_718 {offsets = [0, 0], sizes = [64, 2], strides = [1, 1]} : vector<64x512xf32> to vector<64x2xf32>
    %concatenate3A_728 = tpu.concatenate %slice3A_726, %slice3A_727 in 1 : vector<64x510xf32>, vector<64x2xf32> -> vector<64x512xf32>
    %slice3A_729 = vector.extract_strided_slice %select_n3A_718 {offsets = [0, 510], sizes = [64, 2], strides = [1, 1]} : vector<64x512xf32> to vector<64x2xf32>
    %slice3A_730 = vector.extract_strided_slice %select_n3A_718 {offsets = [0, 0], sizes = [64, 510], strides = [1, 1]} : vector<64x512xf32> to vector<64x510xf32>
    %concatenate3A_731 = tpu.concatenate %slice3A_729, %slice3A_730 in 1 : vector<64x2xf32>, vector<64x510xf32> -> vector<64x512xf32>
    %broadcast_in_dim3A_732 = vector.shape_cast %eq3A_725 : vector<1x512xi1> to vector<1x512xi1>
    %broadcast_in_dim3A_733 = vector.broadcast %broadcast_in_dim3A_732 : vector<1x512xi1> to vector<64x512xi1>
    %select_n3A_734 = arith.select %broadcast_in_dim3A_733, %concatenate3A_728, %concatenate3A_731 : vector<64x512xi1>, vector<64x512xf32>
    %slice3A_735 = vector.extract_strided_slice %select_n3A_719 {offsets = [0, 2], sizes = [64, 510], strides = [1, 1]} : vector<64x512xi32> to vector<64x510xi32>
    %slice3A_736 = vector.extract_strided_slice %select_n3A_719 {offsets = [0, 0], sizes = [64, 2], strides = [1, 1]} : vector<64x512xi32> to vector<64x2xi32>
    %concatenate3A_737 = tpu.concatenate %slice3A_735, %slice3A_736 in 1 : vector<64x510xi32>, vector<64x2xi32> -> vector<64x512xi32>
    %slice3A_738 = vector.extract_strided_slice %select_n3A_719 {offsets = [0, 510], sizes = [64, 2], strides = [1, 1]} : vector<64x512xi32> to vector<64x2xi32>
    %slice3A_739 = vector.extract_strided_slice %select_n3A_719 {offsets = [0, 0], sizes = [64, 510], strides = [1, 1]} : vector<64x512xi32> to vector<64x510xi32>
    %concatenate3A_740 = tpu.concatenate %slice3A_738, %slice3A_739 in 1 : vector<64x2xi32>, vector<64x510xi32> -> vector<64x512xi32>
    %broadcast_in_dim3A_741 = vector.shape_cast %eq3A_725 : vector<1x512xi1> to vector<1x512xi1>
    %broadcast_in_dim3A_742 = vector.broadcast %broadcast_in_dim3A_741 : vector<1x512xi1> to vector<64x512xi1>
    %select_n3A_743 = arith.select %broadcast_in_dim3A_742, %concatenate3A_737, %concatenate3A_740 : vector<64x512xi1>, vector<64x512xi32>
    %gt3A_744 = arith.cmpf ogt, %select_n3A_718, %select_n3A_734 : vector<64x512xf32>
    %eq3A_745 = arith.cmpf oeq, %select_n3A_718, %select_n3A_734 : vector<64x512xf32>
    %lt3A_746 = arith.cmpi slt, %select_n3A_719, %select_n3A_743 : vector<64x512xi32>
    %and3A_747 = arith.andi %eq3A_745, %lt3A_746 : vector<64x512xi1>
    %or3A_748 = arith.ori %gt3A_744, %and3A_747 : vector<64x512xi1>
    %xor3A_749 = vector.broadcast %eq3A_725 : vector<1x512xi1> to vector<64x512xi1>
    %xor3A_750 = arith.xori %xor3A_749, %or3A_748 : vector<64x512xi1>
    %xor3A_751 = vector.broadcast %eq3A_579 : vector<1x512xi1> to vector<64x512xi1>
    %xor3A_752 = arith.xori %xor3A_750, %xor3A_751 : vector<64x512xi1>
    %select_n3A_753 = arith.select %xor3A_752, %select_n3A_718, %select_n3A_734 : vector<64x512xi1>, vector<64x512xf32>
    %select_n3A_754 = arith.select %xor3A_752, %select_n3A_719, %select_n3A_743 : vector<64x512xi1>, vector<64x512xi32>
    %and3A_755 = arith.constant 1 : i32
    %and3A_756 = vector.broadcast %and3A_755 : i32 to vector<1x512xi32>
    %and3A_757 = arith.andi %iota3A, %and3A_756 : vector<1x512xi32>
    %eq3A_758 = arith.constant 0 : i32
    %eq3A_759 = vector.broadcast %eq3A_758 : i32 to vector<1x512xi32>
    %eq3A_760 = arith.cmpi eq, %and3A_757, %eq3A_759 : vector<1x512xi32>
    %slice3A_761 = vector.extract_strided_slice %select_n3A_753 {offsets = [0, 1], sizes = [64, 511], strides = [1, 1]} : vector<64x512xf32> to vector<64x511xf32>
    %slice3A_762 = vector.extract_strided_slice %select_n3A_753 {offsets = [0, 0], sizes = [64, 1], strides = [1, 1]} : vector<64x512xf32> to vector<64x1xf32>
    %concatenate3A_763 = tpu.concatenate %slice3A_761, %slice3A_762 in 1 : vector<64x511xf32>, vector<64x1xf32> -> vector<64x512xf32>
    %slice3A_764 = vector.extract_strided_slice %select_n3A_753 {offsets = [0, 511], sizes = [64, 1], strides = [1, 1]} : vector<64x512xf32> to vector<64x1xf32>
    %slice3A_765 = vector.extract_strided_slice %select_n3A_753 {offsets = [0, 0], sizes = [64, 511], strides = [1, 1]} : vector<64x512xf32> to vector<64x511xf32>
    %concatenate3A_766 = tpu.concatenate %slice3A_764, %slice3A_765 in 1 : vector<64x1xf32>, vector<64x511xf32> -> vector<64x512xf32>
    %broadcast_in_dim3A_767 = vector.shape_cast %eq3A_760 : vector<1x512xi1> to vector<1x512xi1>
    %broadcast_in_dim3A_768 = vector.broadcast %broadcast_in_dim3A_767 : vector<1x512xi1> to vector<64x512xi1>
    %select_n3A_769 = arith.select %broadcast_in_dim3A_768, %concatenate3A_763, %concatenate3A_766 : vector<64x512xi1>, vector<64x512xf32>
    %slice3A_770 = vector.extract_strided_slice %select_n3A_754 {offsets = [0, 1], sizes = [64, 511], strides = [1, 1]} : vector<64x512xi32> to vector<64x511xi32>
    %slice3A_771 = vector.extract_strided_slice %select_n3A_754 {offsets = [0, 0], sizes = [64, 1], strides = [1, 1]} : vector<64x512xi32> to vector<64x1xi32>
    %concatenate3A_772 = tpu.concatenate %slice3A_770, %slice3A_771 in 1 : vector<64x511xi32>, vector<64x1xi32> -> vector<64x512xi32>
    %slice3A_773 = vector.extract_strided_slice %select_n3A_754 {offsets = [0, 511], sizes = [64, 1], strides = [1, 1]} : vector<64x512xi32> to vector<64x1xi32>
    %slice3A_774 = vector.extract_strided_slice %select_n3A_754 {offsets = [0, 0], sizes = [64, 511], strides = [1, 1]} : vector<64x512xi32> to vector<64x511xi32>
    %concatenate3A_775 = tpu.concatenate %slice3A_773, %slice3A_774 in 1 : vector<64x1xi32>, vector<64x511xi32> -> vector<64x512xi32>
    %broadcast_in_dim3A_776 = vector.shape_cast %eq3A_760 : vector<1x512xi1> to vector<1x512xi1>
    %broadcast_in_dim3A_777 = vector.broadcast %broadcast_in_dim3A_776 : vector<1x512xi1> to vector<64x512xi1>
    %select_n3A_778 = arith.select %broadcast_in_dim3A_777, %concatenate3A_772, %concatenate3A_775 : vector<64x512xi1>, vector<64x512xi32>
    %gt3A_779 = arith.cmpf ogt, %select_n3A_753, %select_n3A_769 : vector<64x512xf32>
    %eq3A_780 = arith.cmpf oeq, %select_n3A_753, %select_n3A_769 : vector<64x512xf32>
    %lt3A_781 = arith.cmpi slt, %select_n3A_754, %select_n3A_778 : vector<64x512xi32>
    %and3A_782 = arith.andi %eq3A_780, %lt3A_781 : vector<64x512xi1>
    %or3A_783 = arith.ori %gt3A_779, %and3A_782 : vector<64x512xi1>
    %xor3A_784 = vector.broadcast %eq3A_760 : vector<1x512xi1> to vector<64x512xi1>
    %xor3A_785 = arith.xori %xor3A_784, %or3A_783 : vector<64x512xi1>
    %xor3A_786 = vector.broadcast %eq3A_579 : vector<1x512xi1> to vector<64x512xi1>
    %xor3A_787 = arith.xori %xor3A_785, %xor3A_786 : vector<64x512xi1>
    %select_n3A_788 = arith.select %xor3A_787, %select_n3A_753, %select_n3A_769 : vector<64x512xi1>, vector<64x512xf32>
    %select_n3A_789 = arith.select %xor3A_787, %select_n3A_754, %select_n3A_778 : vector<64x512xi1>, vector<64x512xi32>
    %and3A_790 = arith.constant 128 : i32
    %and3A_791 = vector.broadcast %and3A_790 : i32 to vector<1x512xi32>
    %and3A_792 = arith.andi %iota3A, %and3A_791 : vector<1x512xi32>
    %eq3A_793 = arith.constant 0 : i32
    %eq3A_794 = vector.broadcast %eq3A_793 : i32 to vector<1x512xi32>
    %eq3A_795 = arith.cmpi eq, %and3A_792, %eq3A_794 : vector<1x512xi32>
    %and3A_796 = arith.constant 64 : i32
    %and3A_797 = vector.broadcast %and3A_796 : i32 to vector<1x512xi32>
    %and3A_798 = arith.andi %iota3A, %and3A_797 : vector<1x512xi32>
    %eq3A_799 = arith.constant 0 : i32
    %eq3A_800 = vector.broadcast %eq3A_799 : i32 to vector<1x512xi32>
    %eq3A_801 = arith.cmpi eq, %and3A_798, %eq3A_800 : vector<1x512xi32>
    %slice3A_802 = vector.extract_strided_slice %select_n3A_788 {offsets = [0, 64], sizes = [64, 448], strides = [1, 1]} : vector<64x512xf32> to vector<64x448xf32>
    %slice3A_803 = vector.extract_strided_slice %select_n3A_788 {offsets = [0, 0], sizes = [64, 64], strides = [1, 1]} : vector<64x512xf32> to vector<64x64xf32>
    %concatenate3A_804 = tpu.concatenate %slice3A_802, %slice3A_803 in 1 : vector<64x448xf32>, vector<64x64xf32> -> vector<64x512xf32>
    %slice3A_805 = vector.extract_strided_slice %select_n3A_788 {offsets = [0, 448], sizes = [64, 64], strides = [1, 1]} : vector<64x512xf32> to vector<64x64xf32>
    %slice3A_806 = vector.extract_strided_slice %select_n3A_788 {offsets = [0, 0], sizes = [64, 448], strides = [1, 1]} : vector<64x512xf32> to vector<64x448xf32>
    %concatenate3A_807 = tpu.concatenate %slice3A_805, %slice3A_806 in 1 : vector<64x64xf32>, vector<64x448xf32> -> vector<64x512xf32>
    %broadcast_in_dim3A_808 = vector.shape_cast %eq3A_801 : vector<1x512xi1> to vector<1x512xi1>
    %broadcast_in_dim3A_809 = vector.broadcast %broadcast_in_dim3A_808 : vector<1x512xi1> to vector<64x512xi1>
    %select_n3A_810 = arith.select %broadcast_in_dim3A_809, %concatenate3A_804, %concatenate3A_807 : vector<64x512xi1>, vector<64x512xf32>
    %slice3A_811 = vector.extract_strided_slice %select_n3A_789 {offsets = [0, 64], sizes = [64, 448], strides = [1, 1]} : vector<64x512xi32> to vector<64x448xi32>
    %slice3A_812 = vector.extract_strided_slice %select_n3A_789 {offsets = [0, 0], sizes = [64, 64], strides = [1, 1]} : vector<64x512xi32> to vector<64x64xi32>
    %concatenate3A_813 = tpu.concatenate %slice3A_811, %slice3A_812 in 1 : vector<64x448xi32>, vector<64x64xi32> -> vector<64x512xi32>
    %slice3A_814 = vector.extract_strided_slice %select_n3A_789 {offsets = [0, 448], sizes = [64, 64], strides = [1, 1]} : vector<64x512xi32> to vector<64x64xi32>
    %slice3A_815 = vector.extract_strided_slice %select_n3A_789 {offsets = [0, 0], sizes = [64, 448], strides = [1, 1]} : vector<64x512xi32> to vector<64x448xi32>
    %concatenate3A_816 = tpu.concatenate %slice3A_814, %slice3A_815 in 1 : vector<64x64xi32>, vector<64x448xi32> -> vector<64x512xi32>
    %broadcast_in_dim3A_817 = vector.shape_cast %eq3A_801 : vector<1x512xi1> to vector<1x512xi1>
    %broadcast_in_dim3A_818 = vector.broadcast %broadcast_in_dim3A_817 : vector<1x512xi1> to vector<64x512xi1>
    %select_n3A_819 = arith.select %broadcast_in_dim3A_818, %concatenate3A_813, %concatenate3A_816 : vector<64x512xi1>, vector<64x512xi32>
    %gt3A_820 = arith.cmpf ogt, %select_n3A_788, %select_n3A_810 : vector<64x512xf32>
    %eq3A_821 = arith.cmpf oeq, %select_n3A_788, %select_n3A_810 : vector<64x512xf32>
    %lt3A_822 = arith.cmpi slt, %select_n3A_789, %select_n3A_819 : vector<64x512xi32>
    %and3A_823 = arith.andi %eq3A_821, %lt3A_822 : vector<64x512xi1>
    %or3A_824 = arith.ori %gt3A_820, %and3A_823 : vector<64x512xi1>
    %xor3A_825 = vector.broadcast %eq3A_801 : vector<1x512xi1> to vector<64x512xi1>
    %xor3A_826 = arith.xori %xor3A_825, %or3A_824 : vector<64x512xi1>
    %xor3A_827 = vector.broadcast %eq3A_795 : vector<1x512xi1> to vector<64x512xi1>
    %xor3A_828 = arith.xori %xor3A_826, %xor3A_827 : vector<64x512xi1>
    %select_n3A_829 = arith.select %xor3A_828, %select_n3A_788, %select_n3A_810 : vector<64x512xi1>, vector<64x512xf32>
    %select_n3A_830 = arith.select %xor3A_828, %select_n3A_789, %select_n3A_819 : vector<64x512xi1>, vector<64x512xi32>
    %and3A_831 = arith.constant 32 : i32
    %and3A_832 = vector.broadcast %and3A_831 : i32 to vector<1x512xi32>
    %and3A_833 = arith.andi %iota3A, %and3A_832 : vector<1x512xi32>
    %eq3A_834 = arith.constant 0 : i32
    %eq3A_835 = vector.broadcast %eq3A_834 : i32 to vector<1x512xi32>
    %eq3A_836 = arith.cmpi eq, %and3A_833, %eq3A_835 : vector<1x512xi32>
    %slice3A_837 = vector.extract_strided_slice %select_n3A_829 {offsets = [0, 32], sizes = [64, 480], strides = [1, 1]} : vector<64x512xf32> to vector<64x480xf32>
    %slice3A_838 = vector.extract_strided_slice %select_n3A_829 {offsets = [0, 0], sizes = [64, 32], strides = [1, 1]} : vector<64x512xf32> to vector<64x32xf32>
    %concatenate3A_839 = tpu.concatenate %slice3A_837, %slice3A_838 in 1 : vector<64x480xf32>, vector<64x32xf32> -> vector<64x512xf32>
    %slice3A_840 = vector.extract_strided_slice %select_n3A_829 {offsets = [0, 480], sizes = [64, 32], strides = [1, 1]} : vector<64x512xf32> to vector<64x32xf32>
    %slice3A_841 = vector.extract_strided_slice %select_n3A_829 {offsets = [0, 0], sizes = [64, 480], strides = [1, 1]} : vector<64x512xf32> to vector<64x480xf32>
    %concatenate3A_842 = tpu.concatenate %slice3A_840, %slice3A_841 in 1 : vector<64x32xf32>, vector<64x480xf32> -> vector<64x512xf32>
    %broadcast_in_dim3A_843 = vector.shape_cast %eq3A_836 : vector<1x512xi1> to vector<1x512xi1>
    %broadcast_in_dim3A_844 = vector.broadcast %broadcast_in_dim3A_843 : vector<1x512xi1> to vector<64x512xi1>
    %select_n3A_845 = arith.select %broadcast_in_dim3A_844, %concatenate3A_839, %concatenate3A_842 : vector<64x512xi1>, vector<64x512xf32>
    %slice3A_846 = vector.extract_strided_slice %select_n3A_830 {offsets = [0, 32], sizes = [64, 480], strides = [1, 1]} : vector<64x512xi32> to vector<64x480xi32>
    %slice3A_847 = vector.extract_strided_slice %select_n3A_830 {offsets = [0, 0], sizes = [64, 32], strides = [1, 1]} : vector<64x512xi32> to vector<64x32xi32>
    %concatenate3A_848 = tpu.concatenate %slice3A_846, %slice3A_847 in 1 : vector<64x480xi32>, vector<64x32xi32> -> vector<64x512xi32>
    %slice3A_849 = vector.extract_strided_slice %select_n3A_830 {offsets = [0, 480], sizes = [64, 32], strides = [1, 1]} : vector<64x512xi32> to vector<64x32xi32>
    %slice3A_850 = vector.extract_strided_slice %select_n3A_830 {offsets = [0, 0], sizes = [64, 480], strides = [1, 1]} : vector<64x512xi32> to vector<64x480xi32>
    %concatenate3A_851 = tpu.concatenate %slice3A_849, %slice3A_850 in 1 : vector<64x32xi32>, vector<64x480xi32> -> vector<64x512xi32>
    %broadcast_in_dim3A_852 = vector.shape_cast %eq3A_836 : vector<1x512xi1> to vector<1x512xi1>
    %broadcast_in_dim3A_853 = vector.broadcast %broadcast_in_dim3A_852 : vector<1x512xi1> to vector<64x512xi1>
    %select_n3A_854 = arith.select %broadcast_in_dim3A_853, %concatenate3A_848, %concatenate3A_851 : vector<64x512xi1>, vector<64x512xi32>
    %gt3A_855 = arith.cmpf ogt, %select_n3A_829, %select_n3A_845 : vector<64x512xf32>
    %eq3A_856 = arith.cmpf oeq, %select_n3A_829, %select_n3A_845 : vector<64x512xf32>
    %lt3A_857 = arith.cmpi slt, %select_n3A_830, %select_n3A_854 : vector<64x512xi32>
    %and3A_858 = arith.andi %eq3A_856, %lt3A_857 : vector<64x512xi1>
    %or3A_859 = arith.ori %gt3A_855, %and3A_858 : vector<64x512xi1>
    %xor3A_860 = vector.broadcast %eq3A_836 : vector<1x512xi1> to vector<64x512xi1>
    %xor3A_861 = arith.xori %xor3A_860, %or3A_859 : vector<64x512xi1>
    %xor3A_862 = vector.broadcast %eq3A_795 : vector<1x512xi1> to vector<64x512xi1>
    %xor3A_863 = arith.xori %xor3A_861, %xor3A_862 : vector<64x512xi1>
    %select_n3A_864 = arith.select %xor3A_863, %select_n3A_829, %select_n3A_845 : vector<64x512xi1>, vector<64x512xf32>
    %select_n3A_865 = arith.select %xor3A_863, %select_n3A_830, %select_n3A_854 : vector<64x512xi1>, vector<64x512xi32>
    %and3A_866 = arith.constant 16 : i32
    %and3A_867 = vector.broadcast %and3A_866 : i32 to vector<1x512xi32>
    %and3A_868 = arith.andi %iota3A, %and3A_867 : vector<1x512xi32>
    %eq3A_869 = arith.constant 0 : i32
    %eq3A_870 = vector.broadcast %eq3A_869 : i32 to vector<1x512xi32>
    %eq3A_871 = arith.cmpi eq, %and3A_868, %eq3A_870 : vector<1x512xi32>
    %slice3A_872 = vector.extract_strided_slice %select_n3A_864 {offsets = [0, 16], sizes = [64, 496], strides = [1, 1]} : vector<64x512xf32> to vector<64x496xf32>
    %slice3A_873 = vector.extract_strided_slice %select_n3A_864 {offsets = [0, 0], sizes = [64, 16], strides = [1, 1]} : vector<64x512xf32> to vector<64x16xf32>
    %concatenate3A_874 = tpu.concatenate %slice3A_872, %slice3A_873 in 1 : vector<64x496xf32>, vector<64x16xf32> -> vector<64x512xf32>
    %slice3A_875 = vector.extract_strided_slice %select_n3A_864 {offsets = [0, 496], sizes = [64, 16], strides = [1, 1]} : vector<64x512xf32> to vector<64x16xf32>
    %slice3A_876 = vector.extract_strided_slice %select_n3A_864 {offsets = [0, 0], sizes = [64, 496], strides = [1, 1]} : vector<64x512xf32> to vector<64x496xf32>
    %concatenate3A_877 = tpu.concatenate %slice3A_875, %slice3A_876 in 1 : vector<64x16xf32>, vector<64x496xf32> -> vector<64x512xf32>
    %broadcast_in_dim3A_878 = vector.shape_cast %eq3A_871 : vector<1x512xi1> to vector<1x512xi1>
    %broadcast_in_dim3A_879 = vector.broadcast %broadcast_in_dim3A_878 : vector<1x512xi1> to vector<64x512xi1>
    %select_n3A_880 = arith.select %broadcast_in_dim3A_879, %concatenate3A_874, %concatenate3A_877 : vector<64x512xi1>, vector<64x512xf32>
    %slice3A_881 = vector.extract_strided_slice %select_n3A_865 {offsets = [0, 16], sizes = [64, 496], strides = [1, 1]} : vector<64x512xi32> to vector<64x496xi32>
    %slice3A_882 = vector.extract_strided_slice %select_n3A_865 {offsets = [0, 0], sizes = [64, 16], strides = [1, 1]} : vector<64x512xi32> to vector<64x16xi32>
    %concatenate3A_883 = tpu.concatenate %slice3A_881, %slice3A_882 in 1 : vector<64x496xi32>, vector<64x16xi32> -> vector<64x512xi32>
    %slice3A_884 = vector.extract_strided_slice %select_n3A_865 {offsets = [0, 496], sizes = [64, 16], strides = [1, 1]} : vector<64x512xi32> to vector<64x16xi32>
    %slice3A_885 = vector.extract_strided_slice %select_n3A_865 {offsets = [0, 0], sizes = [64, 496], strides = [1, 1]} : vector<64x512xi32> to vector<64x496xi32>
    %concatenate3A_886 = tpu.concatenate %slice3A_884, %slice3A_885 in 1 : vector<64x16xi32>, vector<64x496xi32> -> vector<64x512xi32>
    %broadcast_in_dim3A_887 = vector.shape_cast %eq3A_871 : vector<1x512xi1> to vector<1x512xi1>
    %broadcast_in_dim3A_888 = vector.broadcast %broadcast_in_dim3A_887 : vector<1x512xi1> to vector<64x512xi1>
    %select_n3A_889 = arith.select %broadcast_in_dim3A_888, %concatenate3A_883, %concatenate3A_886 : vector<64x512xi1>, vector<64x512xi32>
    %gt3A_890 = arith.cmpf ogt, %select_n3A_864, %select_n3A_880 : vector<64x512xf32>
    %eq3A_891 = arith.cmpf oeq, %select_n3A_864, %select_n3A_880 : vector<64x512xf32>
    %lt3A_892 = arith.cmpi slt, %select_n3A_865, %select_n3A_889 : vector<64x512xi32>
    %and3A_893 = arith.andi %eq3A_891, %lt3A_892 : vector<64x512xi1>
    %or3A_894 = arith.ori %gt3A_890, %and3A_893 : vector<64x512xi1>
    %xor3A_895 = vector.broadcast %eq3A_871 : vector<1x512xi1> to vector<64x512xi1>
    %xor3A_896 = arith.xori %xor3A_895, %or3A_894 : vector<64x512xi1>
    %xor3A_897 = vector.broadcast %eq3A_795 : vector<1x512xi1> to vector<64x512xi1>
    %xor3A_898 = arith.xori %xor3A_896, %xor3A_897 : vector<64x512xi1>
    %select_n3A_899 = arith.select %xor3A_898, %select_n3A_864, %select_n3A_880 : vector<64x512xi1>, vector<64x512xf32>
    %select_n3A_900 = arith.select %xor3A_898, %select_n3A_865, %select_n3A_889 : vector<64x512xi1>, vector<64x512xi32>
    %and3A_901 = arith.constant 8 : i32
    %and3A_902 = vector.broadcast %and3A_901 : i32 to vector<1x512xi32>
    %and3A_903 = arith.andi %iota3A, %and3A_902 : vector<1x512xi32>
    %eq3A_904 = arith.constant 0 : i32
    %eq3A_905 = vector.broadcast %eq3A_904 : i32 to vector<1x512xi32>
    %eq3A_906 = arith.cmpi eq, %and3A_903, %eq3A_905 : vector<1x512xi32>
    %slice3A_907 = vector.extract_strided_slice %select_n3A_899 {offsets = [0, 8], sizes = [64, 504], strides = [1, 1]} : vector<64x512xf32> to vector<64x504xf32>
    %slice3A_908 = vector.extract_strided_slice %select_n3A_899 {offsets = [0, 0], sizes = [64, 8], strides = [1, 1]} : vector<64x512xf32> to vector<64x8xf32>
    %concatenate3A_909 = tpu.concatenate %slice3A_907, %slice3A_908 in 1 : vector<64x504xf32>, vector<64x8xf32> -> vector<64x512xf32>
    %slice3A_910 = vector.extract_strided_slice %select_n3A_899 {offsets = [0, 504], sizes = [64, 8], strides = [1, 1]} : vector<64x512xf32> to vector<64x8xf32>
    %slice3A_911 = vector.extract_strided_slice %select_n3A_899 {offsets = [0, 0], sizes = [64, 504], strides = [1, 1]} : vector<64x512xf32> to vector<64x504xf32>
    %concatenate3A_912 = tpu.concatenate %slice3A_910, %slice3A_911 in 1 : vector<64x8xf32>, vector<64x504xf32> -> vector<64x512xf32>
    %broadcast_in_dim3A_913 = vector.shape_cast %eq3A_906 : vector<1x512xi1> to vector<1x512xi1>
    %broadcast_in_dim3A_914 = vector.broadcast %broadcast_in_dim3A_913 : vector<1x512xi1> to vector<64x512xi1>
    %select_n3A_915 = arith.select %broadcast_in_dim3A_914, %concatenate3A_909, %concatenate3A_912 : vector<64x512xi1>, vector<64x512xf32>
    %slice3A_916 = vector.extract_strided_slice %select_n3A_900 {offsets = [0, 8], sizes = [64, 504], strides = [1, 1]} : vector<64x512xi32> to vector<64x504xi32>
    %slice3A_917 = vector.extract_strided_slice %select_n3A_900 {offsets = [0, 0], sizes = [64, 8], strides = [1, 1]} : vector<64x512xi32> to vector<64x8xi32>
    %concatenate3A_918 = tpu.concatenate %slice3A_916, %slice3A_917 in 1 : vector<64x504xi32>, vector<64x8xi32> -> vector<64x512xi32>
    %slice3A_919 = vector.extract_strided_slice %select_n3A_900 {offsets = [0, 504], sizes = [64, 8], strides = [1, 1]} : vector<64x512xi32> to vector<64x8xi32>
    %slice3A_920 = vector.extract_strided_slice %select_n3A_900 {offsets = [0, 0], sizes = [64, 504], strides = [1, 1]} : vector<64x512xi32> to vector<64x504xi32>
    %concatenate3A_921 = tpu.concatenate %slice3A_919, %slice3A_920 in 1 : vector<64x8xi32>, vector<64x504xi32> -> vector<64x512xi32>
    %broadcast_in_dim3A_922 = vector.shape_cast %eq3A_906 : vector<1x512xi1> to vector<1x512xi1>
    %broadcast_in_dim3A_923 = vector.broadcast %broadcast_in_dim3A_922 : vector<1x512xi1> to vector<64x512xi1>
    %select_n3A_924 = arith.select %broadcast_in_dim3A_923, %concatenate3A_918, %concatenate3A_921 : vector<64x512xi1>, vector<64x512xi32>
    %gt3A_925 = arith.cmpf ogt, %select_n3A_899, %select_n3A_915 : vector<64x512xf32>
    %eq3A_926 = arith.cmpf oeq, %select_n3A_899, %select_n3A_915 : vector<64x512xf32>
    %lt3A_927 = arith.cmpi slt, %select_n3A_900, %select_n3A_924 : vector<64x512xi32>
    %and3A_928 = arith.andi %eq3A_926, %lt3A_927 : vector<64x512xi1>
    %or3A_929 = arith.ori %gt3A_925, %and3A_928 : vector<64x512xi1>
    %xor3A_930 = vector.broadcast %eq3A_906 : vector<1x512xi1> to vector<64x512xi1>
    %xor3A_931 = arith.xori %xor3A_930, %or3A_929 : vector<64x512xi1>
    %xor3A_932 = vector.broadcast %eq3A_795 : vector<1x512xi1> to vector<64x512xi1>
    %xor3A_933 = arith.xori %xor3A_931, %xor3A_932 : vector<64x512xi1>
    %select_n3A_934 = arith.select %xor3A_933, %select_n3A_899, %select_n3A_915 : vector<64x512xi1>, vector<64x512xf32>
    %select_n3A_935 = arith.select %xor3A_933, %select_n3A_900, %select_n3A_924 : vector<64x512xi1>, vector<64x512xi32>
    %and3A_936 = arith.constant 4 : i32
    %and3A_937 = vector.broadcast %and3A_936 : i32 to vector<1x512xi32>
    %and3A_938 = arith.andi %iota3A, %and3A_937 : vector<1x512xi32>
    %eq3A_939 = arith.constant 0 : i32
    %eq3A_940 = vector.broadcast %eq3A_939 : i32 to vector<1x512xi32>
    %eq3A_941 = arith.cmpi eq, %and3A_938, %eq3A_940 : vector<1x512xi32>
    %slice3A_942 = vector.extract_strided_slice %select_n3A_934 {offsets = [0, 4], sizes = [64, 508], strides = [1, 1]} : vector<64x512xf32> to vector<64x508xf32>
    %slice3A_943 = vector.extract_strided_slice %select_n3A_934 {offsets = [0, 0], sizes = [64, 4], strides = [1, 1]} : vector<64x512xf32> to vector<64x4xf32>
    %concatenate3A_944 = tpu.concatenate %slice3A_942, %slice3A_943 in 1 : vector<64x508xf32>, vector<64x4xf32> -> vector<64x512xf32>
    %slice3A_945 = vector.extract_strided_slice %select_n3A_934 {offsets = [0, 508], sizes = [64, 4], strides = [1, 1]} : vector<64x512xf32> to vector<64x4xf32>
    %slice3A_946 = vector.extract_strided_slice %select_n3A_934 {offsets = [0, 0], sizes = [64, 508], strides = [1, 1]} : vector<64x512xf32> to vector<64x508xf32>
    %concatenate3A_947 = tpu.concatenate %slice3A_945, %slice3A_946 in 1 : vector<64x4xf32>, vector<64x508xf32> -> vector<64x512xf32>
    %broadcast_in_dim3A_948 = vector.shape_cast %eq3A_941 : vector<1x512xi1> to vector<1x512xi1>
    %broadcast_in_dim3A_949 = vector.broadcast %broadcast_in_dim3A_948 : vector<1x512xi1> to vector<64x512xi1>
    %select_n3A_950 = arith.select %broadcast_in_dim3A_949, %concatenate3A_944, %concatenate3A_947 : vector<64x512xi1>, vector<64x512xf32>
    %slice3A_951 = vector.extract_strided_slice %select_n3A_935 {offsets = [0, 4], sizes = [64, 508], strides = [1, 1]} : vector<64x512xi32> to vector<64x508xi32>
    %slice3A_952 = vector.extract_strided_slice %select_n3A_935 {offsets = [0, 0], sizes = [64, 4], strides = [1, 1]} : vector<64x512xi32> to vector<64x4xi32>
    %concatenate3A_953 = tpu.concatenate %slice3A_951, %slice3A_952 in 1 : vector<64x508xi32>, vector<64x4xi32> -> vector<64x512xi32>
    %slice3A_954 = vector.extract_strided_slice %select_n3A_935 {offsets = [0, 508], sizes = [64, 4], strides = [1, 1]} : vector<64x512xi32> to vector<64x4xi32>
    %slice3A_955 = vector.extract_strided_slice %select_n3A_935 {offsets = [0, 0], sizes = [64, 508], strides = [1, 1]} : vector<64x512xi32> to vector<64x508xi32>
    %concatenate3A_956 = tpu.concatenate %slice3A_954, %slice3A_955 in 1 : vector<64x4xi32>, vector<64x508xi32> -> vector<64x512xi32>
    %broadcast_in_dim3A_957 = vector.shape_cast %eq3A_941 : vector<1x512xi1> to vector<1x512xi1>
    %broadcast_in_dim3A_958 = vector.broadcast %broadcast_in_dim3A_957 : vector<1x512xi1> to vector<64x512xi1>
    %select_n3A_959 = arith.select %broadcast_in_dim3A_958, %concatenate3A_953, %concatenate3A_956 : vector<64x512xi1>, vector<64x512xi32>
    %gt3A_960 = arith.cmpf ogt, %select_n3A_934, %select_n3A_950 : vector<64x512xf32>
    %eq3A_961 = arith.cmpf oeq, %select_n3A_934, %select_n3A_950 : vector<64x512xf32>
    %lt3A_962 = arith.cmpi slt, %select_n3A_935, %select_n3A_959 : vector<64x512xi32>
    %and3A_963 = arith.andi %eq3A_961, %lt3A_962 : vector<64x512xi1>
    %or3A_964 = arith.ori %gt3A_960, %and3A_963 : vector<64x512xi1>
    %xor3A_965 = vector.broadcast %eq3A_941 : vector<1x512xi1> to vector<64x512xi1>
    %xor3A_966 = arith.xori %xor3A_965, %or3A_964 : vector<64x512xi1>
    %xor3A_967 = vector.broadcast %eq3A_795 : vector<1x512xi1> to vector<64x512xi1>
    %xor3A_968 = arith.xori %xor3A_966, %xor3A_967 : vector<64x512xi1>
    %select_n3A_969 = arith.select %xor3A_968, %select_n3A_934, %select_n3A_950 : vector<64x512xi1>, vector<64x512xf32>
    %select_n3A_970 = arith.select %xor3A_968, %select_n3A_935, %select_n3A_959 : vector<64x512xi1>, vector<64x512xi32>
    %and3A_971 = arith.constant 2 : i32
    %and3A_972 = vector.broadcast %and3A_971 : i32 to vector<1x512xi32>
    %and3A_973 = arith.andi %iota3A, %and3A_972 : vector<1x512xi32>
    %eq3A_974 = arith.constant 0 : i32
    %eq3A_975 = vector.broadcast %eq3A_974 : i32 to vector<1x512xi32>
    %eq3A_976 = arith.cmpi eq, %and3A_973, %eq3A_975 : vector<1x512xi32>
    %slice3A_977 = vector.extract_strided_slice %select_n3A_969 {offsets = [0, 2], sizes = [64, 510], strides = [1, 1]} : vector<64x512xf32> to vector<64x510xf32>
    %slice3A_978 = vector.extract_strided_slice %select_n3A_969 {offsets = [0, 0], sizes = [64, 2], strides = [1, 1]} : vector<64x512xf32> to vector<64x2xf32>
    %concatenate3A_979 = tpu.concatenate %slice3A_977, %slice3A_978 in 1 : vector<64x510xf32>, vector<64x2xf32> -> vector<64x512xf32>
    %slice3A_980 = vector.extract_strided_slice %select_n3A_969 {offsets = [0, 510], sizes = [64, 2], strides = [1, 1]} : vector<64x512xf32> to vector<64x2xf32>
    %slice3A_981 = vector.extract_strided_slice %select_n3A_969 {offsets = [0, 0], sizes = [64, 510], strides = [1, 1]} : vector<64x512xf32> to vector<64x510xf32>
    %concatenate3A_982 = tpu.concatenate %slice3A_980, %slice3A_981 in 1 : vector<64x2xf32>, vector<64x510xf32> -> vector<64x512xf32>
    %broadcast_in_dim3A_983 = vector.shape_cast %eq3A_976 : vector<1x512xi1> to vector<1x512xi1>
    %broadcast_in_dim3A_984 = vector.broadcast %broadcast_in_dim3A_983 : vector<1x512xi1> to vector<64x512xi1>
    %select_n3A_985 = arith.select %broadcast_in_dim3A_984, %concatenate3A_979, %concatenate3A_982 : vector<64x512xi1>, vector<64x512xf32>
    %slice3A_986 = vector.extract_strided_slice %select_n3A_970 {offsets = [0, 2], sizes = [64, 510], strides = [1, 1]} : vector<64x512xi32> to vector<64x510xi32>
    %slice3A_987 = vector.extract_strided_slice %select_n3A_970 {offsets = [0, 0], sizes = [64, 2], strides = [1, 1]} : vector<64x512xi32> to vector<64x2xi32>
    %concatenate3A_988 = tpu.concatenate %slice3A_986, %slice3A_987 in 1 : vector<64x510xi32>, vector<64x2xi32> -> vector<64x512xi32>
    %slice3A_989 = vector.extract_strided_slice %select_n3A_970 {offsets = [0, 510], sizes = [64, 2], strides = [1, 1]} : vector<64x512xi32> to vector<64x2xi32>
    %slice3A_990 = vector.extract_strided_slice %select_n3A_970 {offsets = [0, 0], sizes = [64, 510], strides = [1, 1]} : vector<64x512xi32> to vector<64x510xi32>
    %concatenate3A_991 = tpu.concatenate %slice3A_989, %slice3A_990 in 1 : vector<64x2xi32>, vector<64x510xi32> -> vector<64x512xi32>
    %broadcast_in_dim3A_992 = vector.shape_cast %eq3A_976 : vector<1x512xi1> to vector<1x512xi1>
    %broadcast_in_dim3A_993 = vector.broadcast %broadcast_in_dim3A_992 : vector<1x512xi1> to vector<64x512xi1>
    %select_n3A_994 = arith.select %broadcast_in_dim3A_993, %concatenate3A_988, %concatenate3A_991 : vector<64x512xi1>, vector<64x512xi32>
    %gt3A_995 = arith.cmpf ogt, %select_n3A_969, %select_n3A_985 : vector<64x512xf32>
    %eq3A_996 = arith.cmpf oeq, %select_n3A_969, %select_n3A_985 : vector<64x512xf32>
    %lt3A_997 = arith.cmpi slt, %select_n3A_970, %select_n3A_994 : vector<64x512xi32>
    %and3A_998 = arith.andi %eq3A_996, %lt3A_997 : vector<64x512xi1>
    %or3A_999 = arith.ori %gt3A_995, %and3A_998 : vector<64x512xi1>
    %xor3A_1000 = vector.broadcast %eq3A_976 : vector<1x512xi1> to vector<64x512xi1>
    %xor3A_1001 = arith.xori %xor3A_1000, %or3A_999 : vector<64x512xi1>
    %xor3A_1002 = vector.broadcast %eq3A_795 : vector<1x512xi1> to vector<64x512xi1>
    %xor3A_1003 = arith.xori %xor3A_1001, %xor3A_1002 : vector<64x512xi1>
    %select_n3A_1004 = arith.select %xor3A_1003, %select_n3A_969, %select_n3A_985 : vector<64x512xi1>, vector<64x512xf32>
    %select_n3A_1005 = arith.select %xor3A_1003, %select_n3A_970, %select_n3A_994 : vector<64x512xi1>, vector<64x512xi32>
    %and3A_1006 = arith.constant 1 : i32
    %and3A_1007 = vector.broadcast %and3A_1006 : i32 to vector<1x512xi32>
    %and3A_1008 = arith.andi %iota3A, %and3A_1007 : vector<1x512xi32>
    %eq3A_1009 = arith.constant 0 : i32
    %eq3A_1010 = vector.broadcast %eq3A_1009 : i32 to vector<1x512xi32>
    %eq3A_1011 = arith.cmpi eq, %and3A_1008, %eq3A_1010 : vector<1x512xi32>
    %slice3A_1012 = vector.extract_strided_slice %select_n3A_1004 {offsets = [0, 1], sizes = [64, 511], strides = [1, 1]} : vector<64x512xf32> to vector<64x511xf32>
    %slice3A_1013 = vector.extract_strided_slice %select_n3A_1004 {offsets = [0, 0], sizes = [64, 1], strides = [1, 1]} : vector<64x512xf32> to vector<64x1xf32>
    %concatenate3A_1014 = tpu.concatenate %slice3A_1012, %slice3A_1013 in 1 : vector<64x511xf32>, vector<64x1xf32> -> vector<64x512xf32>
    %slice3A_1015 = vector.extract_strided_slice %select_n3A_1004 {offsets = [0, 511], sizes = [64, 1], strides = [1, 1]} : vector<64x512xf32> to vector<64x1xf32>
    %slice3A_1016 = vector.extract_strided_slice %select_n3A_1004 {offsets = [0, 0], sizes = [64, 511], strides = [1, 1]} : vector<64x512xf32> to vector<64x511xf32>
    %concatenate3A_1017 = tpu.concatenate %slice3A_1015, %slice3A_1016 in 1 : vector<64x1xf32>, vector<64x511xf32> -> vector<64x512xf32>
    %broadcast_in_dim3A_1018 = vector.shape_cast %eq3A_1011 : vector<1x512xi1> to vector<1x512xi1>
    %broadcast_in_dim3A_1019 = vector.broadcast %broadcast_in_dim3A_1018 : vector<1x512xi1> to vector<64x512xi1>
    %select_n3A_1020 = arith.select %broadcast_in_dim3A_1019, %concatenate3A_1014, %concatenate3A_1017 : vector<64x512xi1>, vector<64x512xf32>
    %slice3A_1021 = vector.extract_strided_slice %select_n3A_1005 {offsets = [0, 1], sizes = [64, 511], strides = [1, 1]} : vector<64x512xi32> to vector<64x511xi32>
    %slice3A_1022 = vector.extract_strided_slice %select_n3A_1005 {offsets = [0, 0], sizes = [64, 1], strides = [1, 1]} : vector<64x512xi32> to vector<64x1xi32>
    %concatenate3A_1023 = tpu.concatenate %slice3A_1021, %slice3A_1022 in 1 : vector<64x511xi32>, vector<64x1xi32> -> vector<64x512xi32>
    %slice3A_1024 = vector.extract_strided_slice %select_n3A_1005 {offsets = [0, 511], sizes = [64, 1], strides = [1, 1]} : vector<64x512xi32> to vector<64x1xi32>
    %slice3A_1025 = vector.extract_strided_slice %select_n3A_1005 {offsets = [0, 0], sizes = [64, 511], strides = [1, 1]} : vector<64x512xi32> to vector<64x511xi32>
    %concatenate3A_1026 = tpu.concatenate %slice3A_1024, %slice3A_1025 in 1 : vector<64x1xi32>, vector<64x511xi32> -> vector<64x512xi32>
    %broadcast_in_dim3A_1027 = vector.shape_cast %eq3A_1011 : vector<1x512xi1> to vector<1x512xi1>
    %broadcast_in_dim3A_1028 = vector.broadcast %broadcast_in_dim3A_1027 : vector<1x512xi1> to vector<64x512xi1>
    %select_n3A_1029 = arith.select %broadcast_in_dim3A_1028, %concatenate3A_1023, %concatenate3A_1026 : vector<64x512xi1>, vector<64x512xi32>
    %gt3A_1030 = arith.cmpf ogt, %select_n3A_1004, %select_n3A_1020 : vector<64x512xf32>
    %eq3A_1031 = arith.cmpf oeq, %select_n3A_1004, %select_n3A_1020 : vector<64x512xf32>
    %lt3A_1032 = arith.cmpi slt, %select_n3A_1005, %select_n3A_1029 : vector<64x512xi32>
    %and3A_1033 = arith.andi %eq3A_1031, %lt3A_1032 : vector<64x512xi1>
    %or3A_1034 = arith.ori %gt3A_1030, %and3A_1033 : vector<64x512xi1>
    %xor3A_1035 = vector.broadcast %eq3A_1011 : vector<1x512xi1> to vector<64x512xi1>
    %xor3A_1036 = arith.xori %xor3A_1035, %or3A_1034 : vector<64x512xi1>
    %xor3A_1037 = vector.broadcast %eq3A_795 : vector<1x512xi1> to vector<64x512xi1>
    %xor3A_1038 = arith.xori %xor3A_1036, %xor3A_1037 : vector<64x512xi1>
    %select_n3A_1039 = arith.select %xor3A_1038, %select_n3A_1004, %select_n3A_1020 : vector<64x512xi1>, vector<64x512xf32>
    %select_n3A_1040 = arith.select %xor3A_1038, %select_n3A_1005, %select_n3A_1029 : vector<64x512xi1>, vector<64x512xi32>
    %and3A_1041 = arith.constant 256 : i32
    %and3A_1042 = vector.broadcast %and3A_1041 : i32 to vector<1x512xi32>
    %and3A_1043 = arith.andi %iota3A, %and3A_1042 : vector<1x512xi32>
    %eq3A_1044 = arith.constant 0 : i32
    %eq3A_1045 = vector.broadcast %eq3A_1044 : i32 to vector<1x512xi32>
    %eq3A_1046 = arith.cmpi eq, %and3A_1043, %eq3A_1045 : vector<1x512xi32>
    %and3A_1047 = arith.constant 128 : i32
    %and3A_1048 = vector.broadcast %and3A_1047 : i32 to vector<1x512xi32>
    %and3A_1049 = arith.andi %iota3A, %and3A_1048 : vector<1x512xi32>
    %eq3A_1050 = arith.constant 0 : i32
    %eq3A_1051 = vector.broadcast %eq3A_1050 : i32 to vector<1x512xi32>
    %eq3A_1052 = arith.cmpi eq, %and3A_1049, %eq3A_1051 : vector<1x512xi32>
    %slice3A_1053 = vector.extract_strided_slice %select_n3A_1039 {offsets = [0, 128], sizes = [64, 384], strides = [1, 1]} : vector<64x512xf32> to vector<64x384xf32>
    %slice3A_1054 = vector.extract_strided_slice %select_n3A_1039 {offsets = [0, 0], sizes = [64, 128], strides = [1, 1]} : vector<64x512xf32> to vector<64x128xf32>
    %concatenate3A_1055 = tpu.concatenate %slice3A_1053, %slice3A_1054 in 1 : vector<64x384xf32>, vector<64x128xf32> -> vector<64x512xf32>
    %slice3A_1056 = vector.extract_strided_slice %select_n3A_1039 {offsets = [0, 384], sizes = [64, 128], strides = [1, 1]} : vector<64x512xf32> to vector<64x128xf32>
    %slice3A_1057 = vector.extract_strided_slice %select_n3A_1039 {offsets = [0, 0], sizes = [64, 384], strides = [1, 1]} : vector<64x512xf32> to vector<64x384xf32>
    %concatenate3A_1058 = tpu.concatenate %slice3A_1056, %slice3A_1057 in 1 : vector<64x128xf32>, vector<64x384xf32> -> vector<64x512xf32>
    %broadcast_in_dim3A_1059 = vector.shape_cast %eq3A_1052 : vector<1x512xi1> to vector<1x512xi1>
    %broadcast_in_dim3A_1060 = vector.broadcast %broadcast_in_dim3A_1059 : vector<1x512xi1> to vector<64x512xi1>
    %select_n3A_1061 = arith.select %broadcast_in_dim3A_1060, %concatenate3A_1055, %concatenate3A_1058 : vector<64x512xi1>, vector<64x512xf32>
    %slice3A_1062 = vector.extract_strided_slice %select_n3A_1040 {offsets = [0, 128], sizes = [64, 384], strides = [1, 1]} : vector<64x512xi32> to vector<64x384xi32>
    %slice3A_1063 = vector.extract_strided_slice %select_n3A_1040 {offsets = [0, 0], sizes = [64, 128], strides = [1, 1]} : vector<64x512xi32> to vector<64x128xi32>
    %concatenate3A_1064 = tpu.concatenate %slice3A_1062, %slice3A_1063 in 1 : vector<64x384xi32>, vector<64x128xi32> -> vector<64x512xi32>
    %slice3A_1065 = vector.extract_strided_slice %select_n3A_1040 {offsets = [0, 384], sizes = [64, 128], strides = [1, 1]} : vector<64x512xi32> to vector<64x128xi32>
    %slice3A_1066 = vector.extract_strided_slice %select_n3A_1040 {offsets = [0, 0], sizes = [64, 384], strides = [1, 1]} : vector<64x512xi32> to vector<64x384xi32>
    %concatenate3A_1067 = tpu.concatenate %slice3A_1065, %slice3A_1066 in 1 : vector<64x128xi32>, vector<64x384xi32> -> vector<64x512xi32>
    %broadcast_in_dim3A_1068 = vector.shape_cast %eq3A_1052 : vector<1x512xi1> to vector<1x512xi1>
    %broadcast_in_dim3A_1069 = vector.broadcast %broadcast_in_dim3A_1068 : vector<1x512xi1> to vector<64x512xi1>
    %select_n3A_1070 = arith.select %broadcast_in_dim3A_1069, %concatenate3A_1064, %concatenate3A_1067 : vector<64x512xi1>, vector<64x512xi32>
    %gt3A_1071 = arith.cmpf ogt, %select_n3A_1039, %select_n3A_1061 : vector<64x512xf32>
    %eq3A_1072 = arith.cmpf oeq, %select_n3A_1039, %select_n3A_1061 : vector<64x512xf32>
    %lt3A_1073 = arith.cmpi slt, %select_n3A_1040, %select_n3A_1070 : vector<64x512xi32>
    %and3A_1074 = arith.andi %eq3A_1072, %lt3A_1073 : vector<64x512xi1>
    %or3A_1075 = arith.ori %gt3A_1071, %and3A_1074 : vector<64x512xi1>
    %xor3A_1076 = vector.broadcast %eq3A_1052 : vector<1x512xi1> to vector<64x512xi1>
    %xor3A_1077 = arith.xori %xor3A_1076, %or3A_1075 : vector<64x512xi1>
    %xor3A_1078 = vector.broadcast %eq3A_1046 : vector<1x512xi1> to vector<64x512xi1>
    %xor3A_1079 = arith.xori %xor3A_1077, %xor3A_1078 : vector<64x512xi1>
    %select_n3A_1080 = arith.select %xor3A_1079, %select_n3A_1039, %select_n3A_1061 : vector<64x512xi1>, vector<64x512xf32>
    %select_n3A_1081 = arith.select %xor3A_1079, %select_n3A_1040, %select_n3A_1070 : vector<64x512xi1>, vector<64x512xi32>
    %and3A_1082 = arith.constant 64 : i32
    %and3A_1083 = vector.broadcast %and3A_1082 : i32 to vector<1x512xi32>
    %and3A_1084 = arith.andi %iota3A, %and3A_1083 : vector<1x512xi32>
    %eq3A_1085 = arith.constant 0 : i32
    %eq3A_1086 = vector.broadcast %eq3A_1085 : i32 to vector<1x512xi32>
    %eq3A_1087 = arith.cmpi eq, %and3A_1084, %eq3A_1086 : vector<1x512xi32>
    %slice3A_1088 = vector.extract_strided_slice %select_n3A_1080 {offsets = [0, 64], sizes = [64, 448], strides = [1, 1]} : vector<64x512xf32> to vector<64x448xf32>
    %slice3A_1089 = vector.extract_strided_slice %select_n3A_1080 {offsets = [0, 0], sizes = [64, 64], strides = [1, 1]} : vector<64x512xf32> to vector<64x64xf32>
    %concatenate3A_1090 = tpu.concatenate %slice3A_1088, %slice3A_1089 in 1 : vector<64x448xf32>, vector<64x64xf32> -> vector<64x512xf32>
    %slice3A_1091 = vector.extract_strided_slice %select_n3A_1080 {offsets = [0, 448], sizes = [64, 64], strides = [1, 1]} : vector<64x512xf32> to vector<64x64xf32>
    %slice3A_1092 = vector.extract_strided_slice %select_n3A_1080 {offsets = [0, 0], sizes = [64, 448], strides = [1, 1]} : vector<64x512xf32> to vector<64x448xf32>
    %concatenate3A_1093 = tpu.concatenate %slice3A_1091, %slice3A_1092 in 1 : vector<64x64xf32>, vector<64x448xf32> -> vector<64x512xf32>
    %broadcast_in_dim3A_1094 = vector.shape_cast %eq3A_1087 : vector<1x512xi1> to vector<1x512xi1>
    %broadcast_in_dim3A_1095 = vector.broadcast %broadcast_in_dim3A_1094 : vector<1x512xi1> to vector<64x512xi1>
    %select_n3A_1096 = arith.select %broadcast_in_dim3A_1095, %concatenate3A_1090, %concatenate3A_1093 : vector<64x512xi1>, vector<64x512xf32>
    %slice3A_1097 = vector.extract_strided_slice %select_n3A_1081 {offsets = [0, 64], sizes = [64, 448], strides = [1, 1]} : vector<64x512xi32> to vector<64x448xi32>
    %slice3A_1098 = vector.extract_strided_slice %select_n3A_1081 {offsets = [0, 0], sizes = [64, 64], strides = [1, 1]} : vector<64x512xi32> to vector<64x64xi32>
    %concatenate3A_1099 = tpu.concatenate %slice3A_1097, %slice3A_1098 in 1 : vector<64x448xi32>, vector<64x64xi32> -> vector<64x512xi32>
    %slice3A_1100 = vector.extract_strided_slice %select_n3A_1081 {offsets = [0, 448], sizes = [64, 64], strides = [1, 1]} : vector<64x512xi32> to vector<64x64xi32>
    %slice3A_1101 = vector.extract_strided_slice %select_n3A_1081 {offsets = [0, 0], sizes = [64, 448], strides = [1, 1]} : vector<64x512xi32> to vector<64x448xi32>
    %concatenate3A_1102 = tpu.concatenate %slice3A_1100, %slice3A_1101 in 1 : vector<64x64xi32>, vector<64x448xi32> -> vector<64x512xi32>
    %broadcast_in_dim3A_1103 = vector.shape_cast %eq3A_1087 : vector<1x512xi1> to vector<1x512xi1>
    %broadcast_in_dim3A_1104 = vector.broadcast %broadcast_in_dim3A_1103 : vector<1x512xi1> to vector<64x512xi1>
    %select_n3A_1105 = arith.select %broadcast_in_dim3A_1104, %concatenate3A_1099, %concatenate3A_1102 : vector<64x512xi1>, vector<64x512xi32>
    %gt3A_1106 = arith.cmpf ogt, %select_n3A_1080, %select_n3A_1096 : vector<64x512xf32>
    %eq3A_1107 = arith.cmpf oeq, %select_n3A_1080, %select_n3A_1096 : vector<64x512xf32>
    %lt3A_1108 = arith.cmpi slt, %select_n3A_1081, %select_n3A_1105 : vector<64x512xi32>
    %and3A_1109 = arith.andi %eq3A_1107, %lt3A_1108 : vector<64x512xi1>
    %or3A_1110 = arith.ori %gt3A_1106, %and3A_1109 : vector<64x512xi1>
    %xor3A_1111 = vector.broadcast %eq3A_1087 : vector<1x512xi1> to vector<64x512xi1>
    %xor3A_1112 = arith.xori %xor3A_1111, %or3A_1110 : vector<64x512xi1>
    %xor3A_1113 = vector.broadcast %eq3A_1046 : vector<1x512xi1> to vector<64x512xi1>
    %xor3A_1114 = arith.xori %xor3A_1112, %xor3A_1113 : vector<64x512xi1>
    %select_n3A_1115 = arith.select %xor3A_1114, %select_n3A_1080, %select_n3A_1096 : vector<64x512xi1>, vector<64x512xf32>
    %select_n3A_1116 = arith.select %xor3A_1114, %select_n3A_1081, %select_n3A_1105 : vector<64x512xi1>, vector<64x512xi32>
    %and3A_1117 = arith.constant 32 : i32
    %and3A_1118 = vector.broadcast %and3A_1117 : i32 to vector<1x512xi32>
    %and3A_1119 = arith.andi %iota3A, %and3A_1118 : vector<1x512xi32>
    %eq3A_1120 = arith.constant 0 : i32
    %eq3A_1121 = vector.broadcast %eq3A_1120 : i32 to vector<1x512xi32>
    %eq3A_1122 = arith.cmpi eq, %and3A_1119, %eq3A_1121 : vector<1x512xi32>
    %slice3A_1123 = vector.extract_strided_slice %select_n3A_1115 {offsets = [0, 32], sizes = [64, 480], strides = [1, 1]} : vector<64x512xf32> to vector<64x480xf32>
    %slice3A_1124 = vector.extract_strided_slice %select_n3A_1115 {offsets = [0, 0], sizes = [64, 32], strides = [1, 1]} : vector<64x512xf32> to vector<64x32xf32>
    %concatenate3A_1125 = tpu.concatenate %slice3A_1123, %slice3A_1124 in 1 : vector<64x480xf32>, vector<64x32xf32> -> vector<64x512xf32>
    %slice3A_1126 = vector.extract_strided_slice %select_n3A_1115 {offsets = [0, 480], sizes = [64, 32], strides = [1, 1]} : vector<64x512xf32> to vector<64x32xf32>
    %slice3A_1127 = vector.extract_strided_slice %select_n3A_1115 {offsets = [0, 0], sizes = [64, 480], strides = [1, 1]} : vector<64x512xf32> to vector<64x480xf32>
    %concatenate3A_1128 = tpu.concatenate %slice3A_1126, %slice3A_1127 in 1 : vector<64x32xf32>, vector<64x480xf32> -> vector<64x512xf32>
    %broadcast_in_dim3A_1129 = vector.shape_cast %eq3A_1122 : vector<1x512xi1> to vector<1x512xi1>
    %broadcast_in_dim3A_1130 = vector.broadcast %broadcast_in_dim3A_1129 : vector<1x512xi1> to vector<64x512xi1>
    %select_n3A_1131 = arith.select %broadcast_in_dim3A_1130, %concatenate3A_1125, %concatenate3A_1128 : vector<64x512xi1>, vector<64x512xf32>
    %slice3A_1132 = vector.extract_strided_slice %select_n3A_1116 {offsets = [0, 32], sizes = [64, 480], strides = [1, 1]} : vector<64x512xi32> to vector<64x480xi32>
    %slice3A_1133 = vector.extract_strided_slice %select_n3A_1116 {offsets = [0, 0], sizes = [64, 32], strides = [1, 1]} : vector<64x512xi32> to vector<64x32xi32>
    %concatenate3A_1134 = tpu.concatenate %slice3A_1132, %slice3A_1133 in 1 : vector<64x480xi32>, vector<64x32xi32> -> vector<64x512xi32>
    %slice3A_1135 = vector.extract_strided_slice %select_n3A_1116 {offsets = [0, 480], sizes = [64, 32], strides = [1, 1]} : vector<64x512xi32> to vector<64x32xi32>
    %slice3A_1136 = vector.extract_strided_slice %select_n3A_1116 {offsets = [0, 0], sizes = [64, 480], strides = [1, 1]} : vector<64x512xi32> to vector<64x480xi32>
    %concatenate3A_1137 = tpu.concatenate %slice3A_1135, %slice3A_1136 in 1 : vector<64x32xi32>, vector<64x480xi32> -> vector<64x512xi32>
    %broadcast_in_dim3A_1138 = vector.shape_cast %eq3A_1122 : vector<1x512xi1> to vector<1x512xi1>
    %broadcast_in_dim3A_1139 = vector.broadcast %broadcast_in_dim3A_1138 : vector<1x512xi1> to vector<64x512xi1>
    %select_n3A_1140 = arith.select %broadcast_in_dim3A_1139, %concatenate3A_1134, %concatenate3A_1137 : vector<64x512xi1>, vector<64x512xi32>
    %gt3A_1141 = arith.cmpf ogt, %select_n3A_1115, %select_n3A_1131 : vector<64x512xf32>
    %eq3A_1142 = arith.cmpf oeq, %select_n3A_1115, %select_n3A_1131 : vector<64x512xf32>
    %lt3A_1143 = arith.cmpi slt, %select_n3A_1116, %select_n3A_1140 : vector<64x512xi32>
    %and3A_1144 = arith.andi %eq3A_1142, %lt3A_1143 : vector<64x512xi1>
    %or3A_1145 = arith.ori %gt3A_1141, %and3A_1144 : vector<64x512xi1>
    %xor3A_1146 = vector.broadcast %eq3A_1122 : vector<1x512xi1> to vector<64x512xi1>
    %xor3A_1147 = arith.xori %xor3A_1146, %or3A_1145 : vector<64x512xi1>
    %xor3A_1148 = vector.broadcast %eq3A_1046 : vector<1x512xi1> to vector<64x512xi1>
    %xor3A_1149 = arith.xori %xor3A_1147, %xor3A_1148 : vector<64x512xi1>
    %select_n3A_1150 = arith.select %xor3A_1149, %select_n3A_1115, %select_n3A_1131 : vector<64x512xi1>, vector<64x512xf32>
    %select_n3A_1151 = arith.select %xor3A_1149, %select_n3A_1116, %select_n3A_1140 : vector<64x512xi1>, vector<64x512xi32>
    %and3A_1152 = arith.constant 16 : i32
    %and3A_1153 = vector.broadcast %and3A_1152 : i32 to vector<1x512xi32>
    %and3A_1154 = arith.andi %iota3A, %and3A_1153 : vector<1x512xi32>
    %eq3A_1155 = arith.constant 0 : i32
    %eq3A_1156 = vector.broadcast %eq3A_1155 : i32 to vector<1x512xi32>
    %eq3A_1157 = arith.cmpi eq, %and3A_1154, %eq3A_1156 : vector<1x512xi32>
    %slice3A_1158 = vector.extract_strided_slice %select_n3A_1150 {offsets = [0, 16], sizes = [64, 496], strides = [1, 1]} : vector<64x512xf32> to vector<64x496xf32>
    %slice3A_1159 = vector.extract_strided_slice %select_n3A_1150 {offsets = [0, 0], sizes = [64, 16], strides = [1, 1]} : vector<64x512xf32> to vector<64x16xf32>
    %concatenate3A_1160 = tpu.concatenate %slice3A_1158, %slice3A_1159 in 1 : vector<64x496xf32>, vector<64x16xf32> -> vector<64x512xf32>
    %slice3A_1161 = vector.extract_strided_slice %select_n3A_1150 {offsets = [0, 496], sizes = [64, 16], strides = [1, 1]} : vector<64x512xf32> to vector<64x16xf32>
    %slice3A_1162 = vector.extract_strided_slice %select_n3A_1150 {offsets = [0, 0], sizes = [64, 496], strides = [1, 1]} : vector<64x512xf32> to vector<64x496xf32>
    %concatenate3A_1163 = tpu.concatenate %slice3A_1161, %slice3A_1162 in 1 : vector<64x16xf32>, vector<64x496xf32> -> vector<64x512xf32>
    %broadcast_in_dim3A_1164 = vector.shape_cast %eq3A_1157 : vector<1x512xi1> to vector<1x512xi1>
    %broadcast_in_dim3A_1165 = vector.broadcast %broadcast_in_dim3A_1164 : vector<1x512xi1> to vector<64x512xi1>
    %select_n3A_1166 = arith.select %broadcast_in_dim3A_1165, %concatenate3A_1160, %concatenate3A_1163 : vector<64x512xi1>, vector<64x512xf32>
    %slice3A_1167 = vector.extract_strided_slice %select_n3A_1151 {offsets = [0, 16], sizes = [64, 496], strides = [1, 1]} : vector<64x512xi32> to vector<64x496xi32>
    %slice3A_1168 = vector.extract_strided_slice %select_n3A_1151 {offsets = [0, 0], sizes = [64, 16], strides = [1, 1]} : vector<64x512xi32> to vector<64x16xi32>
    %concatenate3A_1169 = tpu.concatenate %slice3A_1167, %slice3A_1168 in 1 : vector<64x496xi32>, vector<64x16xi32> -> vector<64x512xi32>
    %slice3A_1170 = vector.extract_strided_slice %select_n3A_1151 {offsets = [0, 496], sizes = [64, 16], strides = [1, 1]} : vector<64x512xi32> to vector<64x16xi32>
    %slice3A_1171 = vector.extract_strided_slice %select_n3A_1151 {offsets = [0, 0], sizes = [64, 496], strides = [1, 1]} : vector<64x512xi32> to vector<64x496xi32>
    %concatenate3A_1172 = tpu.concatenate %slice3A_1170, %slice3A_1171 in 1 : vector<64x16xi32>, vector<64x496xi32> -> vector<64x512xi32>
    %broadcast_in_dim3A_1173 = vector.shape_cast %eq3A_1157 : vector<1x512xi1> to vector<1x512xi1>
    %broadcast_in_dim3A_1174 = vector.broadcast %broadcast_in_dim3A_1173 : vector<1x512xi1> to vector<64x512xi1>
    %select_n3A_1175 = arith.select %broadcast_in_dim3A_1174, %concatenate3A_1169, %concatenate3A_1172 : vector<64x512xi1>, vector<64x512xi32>
    %gt3A_1176 = arith.cmpf ogt, %select_n3A_1150, %select_n3A_1166 : vector<64x512xf32>
    %eq3A_1177 = arith.cmpf oeq, %select_n3A_1150, %select_n3A_1166 : vector<64x512xf32>
    %lt3A_1178 = arith.cmpi slt, %select_n3A_1151, %select_n3A_1175 : vector<64x512xi32>
    %and3A_1179 = arith.andi %eq3A_1177, %lt3A_1178 : vector<64x512xi1>
    %or3A_1180 = arith.ori %gt3A_1176, %and3A_1179 : vector<64x512xi1>
    %xor3A_1181 = vector.broadcast %eq3A_1157 : vector<1x512xi1> to vector<64x512xi1>
    %xor3A_1182 = arith.xori %xor3A_1181, %or3A_1180 : vector<64x512xi1>
    %xor3A_1183 = vector.broadcast %eq3A_1046 : vector<1x512xi1> to vector<64x512xi1>
    %xor3A_1184 = arith.xori %xor3A_1182, %xor3A_1183 : vector<64x512xi1>
    %select_n3A_1185 = arith.select %xor3A_1184, %select_n3A_1150, %select_n3A_1166 : vector<64x512xi1>, vector<64x512xf32>
    %select_n3A_1186 = arith.select %xor3A_1184, %select_n3A_1151, %select_n3A_1175 : vector<64x512xi1>, vector<64x512xi32>
    %and3A_1187 = arith.constant 8 : i32
    %and3A_1188 = vector.broadcast %and3A_1187 : i32 to vector<1x512xi32>
    %and3A_1189 = arith.andi %iota3A, %and3A_1188 : vector<1x512xi32>
    %eq3A_1190 = arith.constant 0 : i32
    %eq3A_1191 = vector.broadcast %eq3A_1190 : i32 to vector<1x512xi32>
    %eq3A_1192 = arith.cmpi eq, %and3A_1189, %eq3A_1191 : vector<1x512xi32>
    %slice3A_1193 = vector.extract_strided_slice %select_n3A_1185 {offsets = [0, 8], sizes = [64, 504], strides = [1, 1]} : vector<64x512xf32> to vector<64x504xf32>
    %slice3A_1194 = vector.extract_strided_slice %select_n3A_1185 {offsets = [0, 0], sizes = [64, 8], strides = [1, 1]} : vector<64x512xf32> to vector<64x8xf32>
    %concatenate3A_1195 = tpu.concatenate %slice3A_1193, %slice3A_1194 in 1 : vector<64x504xf32>, vector<64x8xf32> -> vector<64x512xf32>
    %slice3A_1196 = vector.extract_strided_slice %select_n3A_1185 {offsets = [0, 504], sizes = [64, 8], strides = [1, 1]} : vector<64x512xf32> to vector<64x8xf32>
    %slice3A_1197 = vector.extract_strided_slice %select_n3A_1185 {offsets = [0, 0], sizes = [64, 504], strides = [1, 1]} : vector<64x512xf32> to vector<64x504xf32>
    %concatenate3A_1198 = tpu.concatenate %slice3A_1196, %slice3A_1197 in 1 : vector<64x8xf32>, vector<64x504xf32> -> vector<64x512xf32>
    %broadcast_in_dim3A_1199 = vector.shape_cast %eq3A_1192 : vector<1x512xi1> to vector<1x512xi1>
    %broadcast_in_dim3A_1200 = vector.broadcast %broadcast_in_dim3A_1199 : vector<1x512xi1> to vector<64x512xi1>
    %select_n3A_1201 = arith.select %broadcast_in_dim3A_1200, %concatenate3A_1195, %concatenate3A_1198 : vector<64x512xi1>, vector<64x512xf32>
    %slice3A_1202 = vector.extract_strided_slice %select_n3A_1186 {offsets = [0, 8], sizes = [64, 504], strides = [1, 1]} : vector<64x512xi32> to vector<64x504xi32>
    %slice3A_1203 = vector.extract_strided_slice %select_n3A_1186 {offsets = [0, 0], sizes = [64, 8], strides = [1, 1]} : vector<64x512xi32> to vector<64x8xi32>
    %concatenate3A_1204 = tpu.concatenate %slice3A_1202, %slice3A_1203 in 1 : vector<64x504xi32>, vector<64x8xi32> -> vector<64x512xi32>
    %slice3A_1205 = vector.extract_strided_slice %select_n3A_1186 {offsets = [0, 504], sizes = [64, 8], strides = [1, 1]} : vector<64x512xi32> to vector<64x8xi32>
    %slice3A_1206 = vector.extract_strided_slice %select_n3A_1186 {offsets = [0, 0], sizes = [64, 504], strides = [1, 1]} : vector<64x512xi32> to vector<64x504xi32>
    %concatenate3A_1207 = tpu.concatenate %slice3A_1205, %slice3A_1206 in 1 : vector<64x8xi32>, vector<64x504xi32> -> vector<64x512xi32>
    %broadcast_in_dim3A_1208 = vector.shape_cast %eq3A_1192 : vector<1x512xi1> to vector<1x512xi1>
    %broadcast_in_dim3A_1209 = vector.broadcast %broadcast_in_dim3A_1208 : vector<1x512xi1> to vector<64x512xi1>
    %select_n3A_1210 = arith.select %broadcast_in_dim3A_1209, %concatenate3A_1204, %concatenate3A_1207 : vector<64x512xi1>, vector<64x512xi32>
    %gt3A_1211 = arith.cmpf ogt, %select_n3A_1185, %select_n3A_1201 : vector<64x512xf32>
    %eq3A_1212 = arith.cmpf oeq, %select_n3A_1185, %select_n3A_1201 : vector<64x512xf32>
    %lt3A_1213 = arith.cmpi slt, %select_n3A_1186, %select_n3A_1210 : vector<64x512xi32>
    %and3A_1214 = arith.andi %eq3A_1212, %lt3A_1213 : vector<64x512xi1>
    %or3A_1215 = arith.ori %gt3A_1211, %and3A_1214 : vector<64x512xi1>
    %xor3A_1216 = vector.broadcast %eq3A_1192 : vector<1x512xi1> to vector<64x512xi1>
    %xor3A_1217 = arith.xori %xor3A_1216, %or3A_1215 : vector<64x512xi1>
    %xor3A_1218 = vector.broadcast %eq3A_1046 : vector<1x512xi1> to vector<64x512xi1>
    %xor3A_1219 = arith.xori %xor3A_1217, %xor3A_1218 : vector<64x512xi1>
    %select_n3A_1220 = arith.select %xor3A_1219, %select_n3A_1185, %select_n3A_1201 : vector<64x512xi1>, vector<64x512xf32>
    %select_n3A_1221 = arith.select %xor3A_1219, %select_n3A_1186, %select_n3A_1210 : vector<64x512xi1>, vector<64x512xi32>
    %and3A_1222 = arith.constant 4 : i32
    %and3A_1223 = vector.broadcast %and3A_1222 : i32 to vector<1x512xi32>
    %and3A_1224 = arith.andi %iota3A, %and3A_1223 : vector<1x512xi32>
    %eq3A_1225 = arith.constant 0 : i32
    %eq3A_1226 = vector.broadcast %eq3A_1225 : i32 to vector<1x512xi32>
    %eq3A_1227 = arith.cmpi eq, %and3A_1224, %eq3A_1226 : vector<1x512xi32>
    %slice3A_1228 = vector.extract_strided_slice %select_n3A_1220 {offsets = [0, 4], sizes = [64, 508], strides = [1, 1]} : vector<64x512xf32> to vector<64x508xf32>
    %slice3A_1229 = vector.extract_strided_slice %select_n3A_1220 {offsets = [0, 0], sizes = [64, 4], strides = [1, 1]} : vector<64x512xf32> to vector<64x4xf32>
    %concatenate3A_1230 = tpu.concatenate %slice3A_1228, %slice3A_1229 in 1 : vector<64x508xf32>, vector<64x4xf32> -> vector<64x512xf32>
    %slice3A_1231 = vector.extract_strided_slice %select_n3A_1220 {offsets = [0, 508], sizes = [64, 4], strides = [1, 1]} : vector<64x512xf32> to vector<64x4xf32>
    %slice3A_1232 = vector.extract_strided_slice %select_n3A_1220 {offsets = [0, 0], sizes = [64, 508], strides = [1, 1]} : vector<64x512xf32> to vector<64x508xf32>
    %concatenate3A_1233 = tpu.concatenate %slice3A_1231, %slice3A_1232 in 1 : vector<64x4xf32>, vector<64x508xf32> -> vector<64x512xf32>
    %broadcast_in_dim3A_1234 = vector.shape_cast %eq3A_1227 : vector<1x512xi1> to vector<1x512xi1>
    %broadcast_in_dim3A_1235 = vector.broadcast %broadcast_in_dim3A_1234 : vector<1x512xi1> to vector<64x512xi1>
    %select_n3A_1236 = arith.select %broadcast_in_dim3A_1235, %concatenate3A_1230, %concatenate3A_1233 : vector<64x512xi1>, vector<64x512xf32>
    %slice3A_1237 = vector.extract_strided_slice %select_n3A_1221 {offsets = [0, 4], sizes = [64, 508], strides = [1, 1]} : vector<64x512xi32> to vector<64x508xi32>
    %slice3A_1238 = vector.extract_strided_slice %select_n3A_1221 {offsets = [0, 0], sizes = [64, 4], strides = [1, 1]} : vector<64x512xi32> to vector<64x4xi32>
    %concatenate3A_1239 = tpu.concatenate %slice3A_1237, %slice3A_1238 in 1 : vector<64x508xi32>, vector<64x4xi32> -> vector<64x512xi32>
    %slice3A_1240 = vector.extract_strided_slice %select_n3A_1221 {offsets = [0, 508], sizes = [64, 4], strides = [1, 1]} : vector<64x512xi32> to vector<64x4xi32>
    %slice3A_1241 = vector.extract_strided_slice %select_n3A_1221 {offsets = [0, 0], sizes = [64, 508], strides = [1, 1]} : vector<64x512xi32> to vector<64x508xi32>
    %concatenate3A_1242 = tpu.concatenate %slice3A_1240, %slice3A_1241 in 1 : vector<64x4xi32>, vector<64x508xi32> -> vector<64x512xi32>
    %broadcast_in_dim3A_1243 = vector.shape_cast %eq3A_1227 : vector<1x512xi1> to vector<1x512xi1>
    %broadcast_in_dim3A_1244 = vector.broadcast %broadcast_in_dim3A_1243 : vector<1x512xi1> to vector<64x512xi1>
    %select_n3A_1245 = arith.select %broadcast_in_dim3A_1244, %concatenate3A_1239, %concatenate3A_1242 : vector<64x512xi1>, vector<64x512xi32>
    %gt3A_1246 = arith.cmpf ogt, %select_n3A_1220, %select_n3A_1236 : vector<64x512xf32>
    %eq3A_1247 = arith.cmpf oeq, %select_n3A_1220, %select_n3A_1236 : vector<64x512xf32>
    %lt3A_1248 = arith.cmpi slt, %select_n3A_1221, %select_n3A_1245 : vector<64x512xi32>
    %and3A_1249 = arith.andi %eq3A_1247, %lt3A_1248 : vector<64x512xi1>
    %or3A_1250 = arith.ori %gt3A_1246, %and3A_1249 : vector<64x512xi1>
    %xor3A_1251 = vector.broadcast %eq3A_1227 : vector<1x512xi1> to vector<64x512xi1>
    %xor3A_1252 = arith.xori %xor3A_1251, %or3A_1250 : vector<64x512xi1>
    %xor3A_1253 = vector.broadcast %eq3A_1046 : vector<1x512xi1> to vector<64x512xi1>
    %xor3A_1254 = arith.xori %xor3A_1252, %xor3A_1253 : vector<64x512xi1>
    %select_n3A_1255 = arith.select %xor3A_1254, %select_n3A_1220, %select_n3A_1236 : vector<64x512xi1>, vector<64x512xf32>
    %select_n3A_1256 = arith.select %xor3A_1254, %select_n3A_1221, %select_n3A_1245 : vector<64x512xi1>, vector<64x512xi32>
    %and3A_1257 = arith.constant 2 : i32
    %and3A_1258 = vector.broadcast %and3A_1257 : i32 to vector<1x512xi32>
    %and3A_1259 = arith.andi %iota3A, %and3A_1258 : vector<1x512xi32>
    %eq3A_1260 = arith.constant 0 : i32
    %eq3A_1261 = vector.broadcast %eq3A_1260 : i32 to vector<1x512xi32>
    %eq3A_1262 = arith.cmpi eq, %and3A_1259, %eq3A_1261 : vector<1x512xi32>
    %slice3A_1263 = vector.extract_strided_slice %select_n3A_1255 {offsets = [0, 2], sizes = [64, 510], strides = [1, 1]} : vector<64x512xf32> to vector<64x510xf32>
    %slice3A_1264 = vector.extract_strided_slice %select_n3A_1255 {offsets = [0, 0], sizes = [64, 2], strides = [1, 1]} : vector<64x512xf32> to vector<64x2xf32>
    %concatenate3A_1265 = tpu.concatenate %slice3A_1263, %slice3A_1264 in 1 : vector<64x510xf32>, vector<64x2xf32> -> vector<64x512xf32>
    %slice3A_1266 = vector.extract_strided_slice %select_n3A_1255 {offsets = [0, 510], sizes = [64, 2], strides = [1, 1]} : vector<64x512xf32> to vector<64x2xf32>
    %slice3A_1267 = vector.extract_strided_slice %select_n3A_1255 {offsets = [0, 0], sizes = [64, 510], strides = [1, 1]} : vector<64x512xf32> to vector<64x510xf32>
    %concatenate3A_1268 = tpu.concatenate %slice3A_1266, %slice3A_1267 in 1 : vector<64x2xf32>, vector<64x510xf32> -> vector<64x512xf32>
    %broadcast_in_dim3A_1269 = vector.shape_cast %eq3A_1262 : vector<1x512xi1> to vector<1x512xi1>
    %broadcast_in_dim3A_1270 = vector.broadcast %broadcast_in_dim3A_1269 : vector<1x512xi1> to vector<64x512xi1>
    %select_n3A_1271 = arith.select %broadcast_in_dim3A_1270, %concatenate3A_1265, %concatenate3A_1268 : vector<64x512xi1>, vector<64x512xf32>
    %slice3A_1272 = vector.extract_strided_slice %select_n3A_1256 {offsets = [0, 2], sizes = [64, 510], strides = [1, 1]} : vector<64x512xi32> to vector<64x510xi32>
    %slice3A_1273 = vector.extract_strided_slice %select_n3A_1256 {offsets = [0, 0], sizes = [64, 2], strides = [1, 1]} : vector<64x512xi32> to vector<64x2xi32>
    %concatenate3A_1274 = tpu.concatenate %slice3A_1272, %slice3A_1273 in 1 : vector<64x510xi32>, vector<64x2xi32> -> vector<64x512xi32>
    %slice3A_1275 = vector.extract_strided_slice %select_n3A_1256 {offsets = [0, 510], sizes = [64, 2], strides = [1, 1]} : vector<64x512xi32> to vector<64x2xi32>
    %slice3A_1276 = vector.extract_strided_slice %select_n3A_1256 {offsets = [0, 0], sizes = [64, 510], strides = [1, 1]} : vector<64x512xi32> to vector<64x510xi32>
    %concatenate3A_1277 = tpu.concatenate %slice3A_1275, %slice3A_1276 in 1 : vector<64x2xi32>, vector<64x510xi32> -> vector<64x512xi32>
    %broadcast_in_dim3A_1278 = vector.shape_cast %eq3A_1262 : vector<1x512xi1> to vector<1x512xi1>
    %broadcast_in_dim3A_1279 = vector.broadcast %broadcast_in_dim3A_1278 : vector<1x512xi1> to vector<64x512xi1>
    %select_n3A_1280 = arith.select %broadcast_in_dim3A_1279, %concatenate3A_1274, %concatenate3A_1277 : vector<64x512xi1>, vector<64x512xi32>
    %gt3A_1281 = arith.cmpf ogt, %select_n3A_1255, %select_n3A_1271 : vector<64x512xf32>
    %eq3A_1282 = arith.cmpf oeq, %select_n3A_1255, %select_n3A_1271 : vector<64x512xf32>
    %lt3A_1283 = arith.cmpi slt, %select_n3A_1256, %select_n3A_1280 : vector<64x512xi32>
    %and3A_1284 = arith.andi %eq3A_1282, %lt3A_1283 : vector<64x512xi1>
    %or3A_1285 = arith.ori %gt3A_1281, %and3A_1284 : vector<64x512xi1>
    %xor3A_1286 = vector.broadcast %eq3A_1262 : vector<1x512xi1> to vector<64x512xi1>
    %xor3A_1287 = arith.xori %xor3A_1286, %or3A_1285 : vector<64x512xi1>
    %xor3A_1288 = vector.broadcast %eq3A_1046 : vector<1x512xi1> to vector<64x512xi1>
    %xor3A_1289 = arith.xori %xor3A_1287, %xor3A_1288 : vector<64x512xi1>
    %select_n3A_1290 = arith.select %xor3A_1289, %select_n3A_1255, %select_n3A_1271 : vector<64x512xi1>, vector<64x512xf32>
    %select_n3A_1291 = arith.select %xor3A_1289, %select_n3A_1256, %select_n3A_1280 : vector<64x512xi1>, vector<64x512xi32>
    %and3A_1292 = arith.constant 1 : i32
    %and3A_1293 = vector.broadcast %and3A_1292 : i32 to vector<1x512xi32>
    %and3A_1294 = arith.andi %iota3A, %and3A_1293 : vector<1x512xi32>
    %eq3A_1295 = arith.constant 0 : i32
    %eq3A_1296 = vector.broadcast %eq3A_1295 : i32 to vector<1x512xi32>
    %eq3A_1297 = arith.cmpi eq, %and3A_1294, %eq3A_1296 : vector<1x512xi32>
    %slice3A_1298 = vector.extract_strided_slice %select_n3A_1290 {offsets = [0, 1], sizes = [64, 511], strides = [1, 1]} : vector<64x512xf32> to vector<64x511xf32>
    %slice3A_1299 = vector.extract_strided_slice %select_n3A_1290 {offsets = [0, 0], sizes = [64, 1], strides = [1, 1]} : vector<64x512xf32> to vector<64x1xf32>
    %concatenate3A_1300 = tpu.concatenate %slice3A_1298, %slice3A_1299 in 1 : vector<64x511xf32>, vector<64x1xf32> -> vector<64x512xf32>
    %slice3A_1301 = vector.extract_strided_slice %select_n3A_1290 {offsets = [0, 511], sizes = [64, 1], strides = [1, 1]} : vector<64x512xf32> to vector<64x1xf32>
    %slice3A_1302 = vector.extract_strided_slice %select_n3A_1290 {offsets = [0, 0], sizes = [64, 511], strides = [1, 1]} : vector<64x512xf32> to vector<64x511xf32>
    %concatenate3A_1303 = tpu.concatenate %slice3A_1301, %slice3A_1302 in 1 : vector<64x1xf32>, vector<64x511xf32> -> vector<64x512xf32>
    %broadcast_in_dim3A_1304 = vector.shape_cast %eq3A_1297 : vector<1x512xi1> to vector<1x512xi1>
    %broadcast_in_dim3A_1305 = vector.broadcast %broadcast_in_dim3A_1304 : vector<1x512xi1> to vector<64x512xi1>
    %select_n3A_1306 = arith.select %broadcast_in_dim3A_1305, %concatenate3A_1300, %concatenate3A_1303 : vector<64x512xi1>, vector<64x512xf32>
    %slice3A_1307 = vector.extract_strided_slice %select_n3A_1291 {offsets = [0, 1], sizes = [64, 511], strides = [1, 1]} : vector<64x512xi32> to vector<64x511xi32>
    %slice3A_1308 = vector.extract_strided_slice %select_n3A_1291 {offsets = [0, 0], sizes = [64, 1], strides = [1, 1]} : vector<64x512xi32> to vector<64x1xi32>
    %concatenate3A_1309 = tpu.concatenate %slice3A_1307, %slice3A_1308 in 1 : vector<64x511xi32>, vector<64x1xi32> -> vector<64x512xi32>
    %slice3A_1310 = vector.extract_strided_slice %select_n3A_1291 {offsets = [0, 511], sizes = [64, 1], strides = [1, 1]} : vector<64x512xi32> to vector<64x1xi32>
    %slice3A_1311 = vector.extract_strided_slice %select_n3A_1291 {offsets = [0, 0], sizes = [64, 511], strides = [1, 1]} : vector<64x512xi32> to vector<64x511xi32>
    %concatenate3A_1312 = tpu.concatenate %slice3A_1310, %slice3A_1311 in 1 : vector<64x1xi32>, vector<64x511xi32> -> vector<64x512xi32>
    %broadcast_in_dim3A_1313 = vector.shape_cast %eq3A_1297 : vector<1x512xi1> to vector<1x512xi1>
    %broadcast_in_dim3A_1314 = vector.broadcast %broadcast_in_dim3A_1313 : vector<1x512xi1> to vector<64x512xi1>
    %select_n3A_1315 = arith.select %broadcast_in_dim3A_1314, %concatenate3A_1309, %concatenate3A_1312 : vector<64x512xi1>, vector<64x512xi32>
    %gt3A_1316 = arith.cmpf ogt, %select_n3A_1290, %select_n3A_1306 : vector<64x512xf32>
    %eq3A_1317 = arith.cmpf oeq, %select_n3A_1290, %select_n3A_1306 : vector<64x512xf32>
    %lt3A_1318 = arith.cmpi slt, %select_n3A_1291, %select_n3A_1315 : vector<64x512xi32>
    %and3A_1319 = arith.andi %eq3A_1317, %lt3A_1318 : vector<64x512xi1>
    %or3A_1320 = arith.ori %gt3A_1316, %and3A_1319 : vector<64x512xi1>
    %xor3A_1321 = vector.broadcast %eq3A_1297 : vector<1x512xi1> to vector<64x512xi1>
    %xor3A_1322 = arith.xori %xor3A_1321, %or3A_1320 : vector<64x512xi1>
    %xor3A_1323 = vector.broadcast %eq3A_1046 : vector<1x512xi1> to vector<64x512xi1>
    %xor3A_1324 = arith.xori %xor3A_1322, %xor3A_1323 : vector<64x512xi1>
    %select_n3A_1325 = arith.select %xor3A_1324, %select_n3A_1290, %select_n3A_1306 : vector<64x512xi1>, vector<64x512xf32>
    %select_n3A_1326 = arith.select %xor3A_1324, %select_n3A_1291, %select_n3A_1315 : vector<64x512xi1>, vector<64x512xi32>
    %and3A_1327 = arith.constant 512 : i32
    %and3A_1328 = vector.broadcast %and3A_1327 : i32 to vector<1x512xi32>
    %and3A_1329 = arith.andi %iota3A, %and3A_1328 : vector<1x512xi32>
    %eq3A_1330 = arith.constant 0 : i32
    %eq3A_1331 = vector.broadcast %eq3A_1330 : i32 to vector<1x512xi32>
    %eq3A_1332 = arith.cmpi eq, %and3A_1329, %eq3A_1331 : vector<1x512xi32>
    %and3A_1333 = arith.constant 256 : i32
    %and3A_1334 = vector.broadcast %and3A_1333 : i32 to vector<1x512xi32>
    %and3A_1335 = arith.andi %iota3A, %and3A_1334 : vector<1x512xi32>
    %eq3A_1336 = arith.constant 0 : i32
    %eq3A_1337 = vector.broadcast %eq3A_1336 : i32 to vector<1x512xi32>
    %eq3A_1338 = arith.cmpi eq, %and3A_1335, %eq3A_1337 : vector<1x512xi32>
    %slice3A_1339 = vector.extract_strided_slice %select_n3A_1325 {offsets = [0, 256], sizes = [64, 256], strides = [1, 1]} : vector<64x512xf32> to vector<64x256xf32>
    %slice3A_1340 = vector.extract_strided_slice %select_n3A_1325 {offsets = [0, 0], sizes = [64, 256], strides = [1, 1]} : vector<64x512xf32> to vector<64x256xf32>
    %concatenate3A_1341 = tpu.concatenate %slice3A_1339, %slice3A_1340 in 1 : vector<64x256xf32>, vector<64x256xf32> -> vector<64x512xf32>
    %slice3A_1342 = vector.extract_strided_slice %select_n3A_1325 {offsets = [0, 256], sizes = [64, 256], strides = [1, 1]} : vector<64x512xf32> to vector<64x256xf32>
    %slice3A_1343 = vector.extract_strided_slice %select_n3A_1325 {offsets = [0, 0], sizes = [64, 256], strides = [1, 1]} : vector<64x512xf32> to vector<64x256xf32>
    %concatenate3A_1344 = tpu.concatenate %slice3A_1342, %slice3A_1343 in 1 : vector<64x256xf32>, vector<64x256xf32> -> vector<64x512xf32>
    %broadcast_in_dim3A_1345 = vector.shape_cast %eq3A_1338 : vector<1x512xi1> to vector<1x512xi1>
    %broadcast_in_dim3A_1346 = vector.broadcast %broadcast_in_dim3A_1345 : vector<1x512xi1> to vector<64x512xi1>
    %select_n3A_1347 = arith.select %broadcast_in_dim3A_1346, %concatenate3A_1341, %concatenate3A_1344 : vector<64x512xi1>, vector<64x512xf32>
    %slice3A_1348 = vector.extract_strided_slice %select_n3A_1326 {offsets = [0, 256], sizes = [64, 256], strides = [1, 1]} : vector<64x512xi32> to vector<64x256xi32>
    %slice3A_1349 = vector.extract_strided_slice %select_n3A_1326 {offsets = [0, 0], sizes = [64, 256], strides = [1, 1]} : vector<64x512xi32> to vector<64x256xi32>
    %concatenate3A_1350 = tpu.concatenate %slice3A_1348, %slice3A_1349 in 1 : vector<64x256xi32>, vector<64x256xi32> -> vector<64x512xi32>
    %slice3A_1351 = vector.extract_strided_slice %select_n3A_1326 {offsets = [0, 256], sizes = [64, 256], strides = [1, 1]} : vector<64x512xi32> to vector<64x256xi32>
    %slice3A_1352 = vector.extract_strided_slice %select_n3A_1326 {offsets = [0, 0], sizes = [64, 256], strides = [1, 1]} : vector<64x512xi32> to vector<64x256xi32>
    %concatenate3A_1353 = tpu.concatenate %slice3A_1351, %slice3A_1352 in 1 : vector<64x256xi32>, vector<64x256xi32> -> vector<64x512xi32>
    %broadcast_in_dim3A_1354 = vector.shape_cast %eq3A_1338 : vector<1x512xi1> to vector<1x512xi1>
    %broadcast_in_dim3A_1355 = vector.broadcast %broadcast_in_dim3A_1354 : vector<1x512xi1> to vector<64x512xi1>
    %select_n3A_1356 = arith.select %broadcast_in_dim3A_1355, %concatenate3A_1350, %concatenate3A_1353 : vector<64x512xi1>, vector<64x512xi32>
    %gt3A_1357 = arith.cmpf ogt, %select_n3A_1325, %select_n3A_1347 : vector<64x512xf32>
    %eq3A_1358 = arith.cmpf oeq, %select_n3A_1325, %select_n3A_1347 : vector<64x512xf32>
    %lt3A_1359 = arith.cmpi slt, %select_n3A_1326, %select_n3A_1356 : vector<64x512xi32>
    %and3A_1360 = arith.andi %eq3A_1358, %lt3A_1359 : vector<64x512xi1>
    %or3A_1361 = arith.ori %gt3A_1357, %and3A_1360 : vector<64x512xi1>
    %xor3A_1362 = vector.broadcast %eq3A_1338 : vector<1x512xi1> to vector<64x512xi1>
    %xor3A_1363 = arith.xori %xor3A_1362, %or3A_1361 : vector<64x512xi1>
    %xor3A_1364 = vector.broadcast %eq3A_1332 : vector<1x512xi1> to vector<64x512xi1>
    %xor3A_1365 = arith.xori %xor3A_1363, %xor3A_1364 : vector<64x512xi1>
    %select_n3A_1366 = arith.select %xor3A_1365, %select_n3A_1325, %select_n3A_1347 : vector<64x512xi1>, vector<64x512xf32>
    %select_n3A_1367 = arith.select %xor3A_1365, %select_n3A_1326, %select_n3A_1356 : vector<64x512xi1>, vector<64x512xi32>
    %and3A_1368 = arith.constant 128 : i32
    %and3A_1369 = vector.broadcast %and3A_1368 : i32 to vector<1x512xi32>
    %and3A_1370 = arith.andi %iota3A, %and3A_1369 : vector<1x512xi32>
    %eq3A_1371 = arith.constant 0 : i32
    %eq3A_1372 = vector.broadcast %eq3A_1371 : i32 to vector<1x512xi32>
    %eq3A_1373 = arith.cmpi eq, %and3A_1370, %eq3A_1372 : vector<1x512xi32>
    %slice3A_1374 = vector.extract_strided_slice %select_n3A_1366 {offsets = [0, 128], sizes = [64, 384], strides = [1, 1]} : vector<64x512xf32> to vector<64x384xf32>
    %slice3A_1375 = vector.extract_strided_slice %select_n3A_1366 {offsets = [0, 0], sizes = [64, 128], strides = [1, 1]} : vector<64x512xf32> to vector<64x128xf32>
    %concatenate3A_1376 = tpu.concatenate %slice3A_1374, %slice3A_1375 in 1 : vector<64x384xf32>, vector<64x128xf32> -> vector<64x512xf32>
    %slice3A_1377 = vector.extract_strided_slice %select_n3A_1366 {offsets = [0, 384], sizes = [64, 128], strides = [1, 1]} : vector<64x512xf32> to vector<64x128xf32>
    %slice3A_1378 = vector.extract_strided_slice %select_n3A_1366 {offsets = [0, 0], sizes = [64, 384], strides = [1, 1]} : vector<64x512xf32> to vector<64x384xf32>
    %concatenate3A_1379 = tpu.concatenate %slice3A_1377, %slice3A_1378 in 1 : vector<64x128xf32>, vector<64x384xf32> -> vector<64x512xf32>
    %broadcast_in_dim3A_1380 = vector.shape_cast %eq3A_1373 : vector<1x512xi1> to vector<1x512xi1>
    %broadcast_in_dim3A_1381 = vector.broadcast %broadcast_in_dim3A_1380 : vector<1x512xi1> to vector<64x512xi1>
    %select_n3A_1382 = arith.select %broadcast_in_dim3A_1381, %concatenate3A_1376, %concatenate3A_1379 : vector<64x512xi1>, vector<64x512xf32>
    %slice3A_1383 = vector.extract_strided_slice %select_n3A_1367 {offsets = [0, 128], sizes = [64, 384], strides = [1, 1]} : vector<64x512xi32> to vector<64x384xi32>
    %slice3A_1384 = vector.extract_strided_slice %select_n3A_1367 {offsets = [0, 0], sizes = [64, 128], strides = [1, 1]} : vector<64x512xi32> to vector<64x128xi32>
    %concatenate3A_1385 = tpu.concatenate %slice3A_1383, %slice3A_1384 in 1 : vector<64x384xi32>, vector<64x128xi32> -> vector<64x512xi32>
    %slice3A_1386 = vector.extract_strided_slice %select_n3A_1367 {offsets = [0, 384], sizes = [64, 128], strides = [1, 1]} : vector<64x512xi32> to vector<64x128xi32>
    %slice3A_1387 = vector.extract_strided_slice %select_n3A_1367 {offsets = [0, 0], sizes = [64, 384], strides = [1, 1]} : vector<64x512xi32> to vector<64x384xi32>
    %concatenate3A_1388 = tpu.concatenate %slice3A_1386, %slice3A_1387 in 1 : vector<64x128xi32>, vector<64x384xi32> -> vector<64x512xi32>
    %broadcast_in_dim3A_1389 = vector.shape_cast %eq3A_1373 : vector<1x512xi1> to vector<1x512xi1>
    %broadcast_in_dim3A_1390 = vector.broadcast %broadcast_in_dim3A_1389 : vector<1x512xi1> to vector<64x512xi1>
    %select_n3A_1391 = arith.select %broadcast_in_dim3A_1390, %concatenate3A_1385, %concatenate3A_1388 : vector<64x512xi1>, vector<64x512xi32>
    %gt3A_1392 = arith.cmpf ogt, %select_n3A_1366, %select_n3A_1382 : vector<64x512xf32>
    %eq3A_1393 = arith.cmpf oeq, %select_n3A_1366, %select_n3A_1382 : vector<64x512xf32>
    %lt3A_1394 = arith.cmpi slt, %select_n3A_1367, %select_n3A_1391 : vector<64x512xi32>
    %and3A_1395 = arith.andi %eq3A_1393, %lt3A_1394 : vector<64x512xi1>
    %or3A_1396 = arith.ori %gt3A_1392, %and3A_1395 : vector<64x512xi1>
    %xor3A_1397 = vector.broadcast %eq3A_1373 : vector<1x512xi1> to vector<64x512xi1>
    %xor3A_1398 = arith.xori %xor3A_1397, %or3A_1396 : vector<64x512xi1>
    %xor3A_1399 = vector.broadcast %eq3A_1332 : vector<1x512xi1> to vector<64x512xi1>
    %xor3A_1400 = arith.xori %xor3A_1398, %xor3A_1399 : vector<64x512xi1>
    %select_n3A_1401 = arith.select %xor3A_1400, %select_n3A_1366, %select_n3A_1382 : vector<64x512xi1>, vector<64x512xf32>
    %select_n3A_1402 = arith.select %xor3A_1400, %select_n3A_1367, %select_n3A_1391 : vector<64x512xi1>, vector<64x512xi32>
    %and3A_1403 = arith.constant 64 : i32
    %and3A_1404 = vector.broadcast %and3A_1403 : i32 to vector<1x512xi32>
    %and3A_1405 = arith.andi %iota3A, %and3A_1404 : vector<1x512xi32>
    %eq3A_1406 = arith.constant 0 : i32
    %eq3A_1407 = vector.broadcast %eq3A_1406 : i32 to vector<1x512xi32>
    %eq3A_1408 = arith.cmpi eq, %and3A_1405, %eq3A_1407 : vector<1x512xi32>
    %slice3A_1409 = vector.extract_strided_slice %select_n3A_1401 {offsets = [0, 64], sizes = [64, 448], strides = [1, 1]} : vector<64x512xf32> to vector<64x448xf32>
    %slice3A_1410 = vector.extract_strided_slice %select_n3A_1401 {offsets = [0, 0], sizes = [64, 64], strides = [1, 1]} : vector<64x512xf32> to vector<64x64xf32>
    %concatenate3A_1411 = tpu.concatenate %slice3A_1409, %slice3A_1410 in 1 : vector<64x448xf32>, vector<64x64xf32> -> vector<64x512xf32>
    %slice3A_1412 = vector.extract_strided_slice %select_n3A_1401 {offsets = [0, 448], sizes = [64, 64], strides = [1, 1]} : vector<64x512xf32> to vector<64x64xf32>
    %slice3A_1413 = vector.extract_strided_slice %select_n3A_1401 {offsets = [0, 0], sizes = [64, 448], strides = [1, 1]} : vector<64x512xf32> to vector<64x448xf32>
    %concatenate3A_1414 = tpu.concatenate %slice3A_1412, %slice3A_1413 in 1 : vector<64x64xf32>, vector<64x448xf32> -> vector<64x512xf32>
    %broadcast_in_dim3A_1415 = vector.shape_cast %eq3A_1408 : vector<1x512xi1> to vector<1x512xi1>
    %broadcast_in_dim3A_1416 = vector.broadcast %broadcast_in_dim3A_1415 : vector<1x512xi1> to vector<64x512xi1>
    %select_n3A_1417 = arith.select %broadcast_in_dim3A_1416, %concatenate3A_1411, %concatenate3A_1414 : vector<64x512xi1>, vector<64x512xf32>
    %slice3A_1418 = vector.extract_strided_slice %select_n3A_1402 {offsets = [0, 64], sizes = [64, 448], strides = [1, 1]} : vector<64x512xi32> to vector<64x448xi32>
    %slice3A_1419 = vector.extract_strided_slice %select_n3A_1402 {offsets = [0, 0], sizes = [64, 64], strides = [1, 1]} : vector<64x512xi32> to vector<64x64xi32>
    %concatenate3A_1420 = tpu.concatenate %slice3A_1418, %slice3A_1419 in 1 : vector<64x448xi32>, vector<64x64xi32> -> vector<64x512xi32>
    %slice3A_1421 = vector.extract_strided_slice %select_n3A_1402 {offsets = [0, 448], sizes = [64, 64], strides = [1, 1]} : vector<64x512xi32> to vector<64x64xi32>
    %slice3A_1422 = vector.extract_strided_slice %select_n3A_1402 {offsets = [0, 0], sizes = [64, 448], strides = [1, 1]} : vector<64x512xi32> to vector<64x448xi32>
    %concatenate3A_1423 = tpu.concatenate %slice3A_1421, %slice3A_1422 in 1 : vector<64x64xi32>, vector<64x448xi32> -> vector<64x512xi32>
    %broadcast_in_dim3A_1424 = vector.shape_cast %eq3A_1408 : vector<1x512xi1> to vector<1x512xi1>
    %broadcast_in_dim3A_1425 = vector.broadcast %broadcast_in_dim3A_1424 : vector<1x512xi1> to vector<64x512xi1>
    %select_n3A_1426 = arith.select %broadcast_in_dim3A_1425, %concatenate3A_1420, %concatenate3A_1423 : vector<64x512xi1>, vector<64x512xi32>
    %gt3A_1427 = arith.cmpf ogt, %select_n3A_1401, %select_n3A_1417 : vector<64x512xf32>
    %eq3A_1428 = arith.cmpf oeq, %select_n3A_1401, %select_n3A_1417 : vector<64x512xf32>
    %lt3A_1429 = arith.cmpi slt, %select_n3A_1402, %select_n3A_1426 : vector<64x512xi32>
    %and3A_1430 = arith.andi %eq3A_1428, %lt3A_1429 : vector<64x512xi1>
    %or3A_1431 = arith.ori %gt3A_1427, %and3A_1430 : vector<64x512xi1>
    %xor3A_1432 = vector.broadcast %eq3A_1408 : vector<1x512xi1> to vector<64x512xi1>
    %xor3A_1433 = arith.xori %xor3A_1432, %or3A_1431 : vector<64x512xi1>
    %xor3A_1434 = vector.broadcast %eq3A_1332 : vector<1x512xi1> to vector<64x512xi1>
    %xor3A_1435 = arith.xori %xor3A_1433, %xor3A_1434 : vector<64x512xi1>
    %select_n3A_1436 = arith.select %xor3A_1435, %select_n3A_1401, %select_n3A_1417 : vector<64x512xi1>, vector<64x512xf32>
    %select_n3A_1437 = arith.select %xor3A_1435, %select_n3A_1402, %select_n3A_1426 : vector<64x512xi1>, vector<64x512xi32>
    %and3A_1438 = arith.constant 32 : i32
    %and3A_1439 = vector.broadcast %and3A_1438 : i32 to vector<1x512xi32>
    %and3A_1440 = arith.andi %iota3A, %and3A_1439 : vector<1x512xi32>
    %eq3A_1441 = arith.constant 0 : i32
    %eq3A_1442 = vector.broadcast %eq3A_1441 : i32 to vector<1x512xi32>
    %eq3A_1443 = arith.cmpi eq, %and3A_1440, %eq3A_1442 : vector<1x512xi32>
    %slice3A_1444 = vector.extract_strided_slice %select_n3A_1436 {offsets = [0, 32], sizes = [64, 480], strides = [1, 1]} : vector<64x512xf32> to vector<64x480xf32>
    %slice3A_1445 = vector.extract_strided_slice %select_n3A_1436 {offsets = [0, 0], sizes = [64, 32], strides = [1, 1]} : vector<64x512xf32> to vector<64x32xf32>
    %concatenate3A_1446 = tpu.concatenate %slice3A_1444, %slice3A_1445 in 1 : vector<64x480xf32>, vector<64x32xf32> -> vector<64x512xf32>
    %slice3A_1447 = vector.extract_strided_slice %select_n3A_1436 {offsets = [0, 480], sizes = [64, 32], strides = [1, 1]} : vector<64x512xf32> to vector<64x32xf32>
    %slice3A_1448 = vector.extract_strided_slice %select_n3A_1436 {offsets = [0, 0], sizes = [64, 480], strides = [1, 1]} : vector<64x512xf32> to vector<64x480xf32>
    %concatenate3A_1449 = tpu.concatenate %slice3A_1447, %slice3A_1448 in 1 : vector<64x32xf32>, vector<64x480xf32> -> vector<64x512xf32>
    %broadcast_in_dim3A_1450 = vector.shape_cast %eq3A_1443 : vector<1x512xi1> to vector<1x512xi1>
    %broadcast_in_dim3A_1451 = vector.broadcast %broadcast_in_dim3A_1450 : vector<1x512xi1> to vector<64x512xi1>
    %select_n3A_1452 = arith.select %broadcast_in_dim3A_1451, %concatenate3A_1446, %concatenate3A_1449 : vector<64x512xi1>, vector<64x512xf32>
    %slice3A_1453 = vector.extract_strided_slice %select_n3A_1437 {offsets = [0, 32], sizes = [64, 480], strides = [1, 1]} : vector<64x512xi32> to vector<64x480xi32>
    %slice3A_1454 = vector.extract_strided_slice %select_n3A_1437 {offsets = [0, 0], sizes = [64, 32], strides = [1, 1]} : vector<64x512xi32> to vector<64x32xi32>
    %concatenate3A_1455 = tpu.concatenate %slice3A_1453, %slice3A_1454 in 1 : vector<64x480xi32>, vector<64x32xi32> -> vector<64x512xi32>
    %slice3A_1456 = vector.extract_strided_slice %select_n3A_1437 {offsets = [0, 480], sizes = [64, 32], strides = [1, 1]} : vector<64x512xi32> to vector<64x32xi32>
    %slice3A_1457 = vector.extract_strided_slice %select_n3A_1437 {offsets = [0, 0], sizes = [64, 480], strides = [1, 1]} : vector<64x512xi32> to vector<64x480xi32>
    %concatenate3A_1458 = tpu.concatenate %slice3A_1456, %slice3A_1457 in 1 : vector<64x32xi32>, vector<64x480xi32> -> vector<64x512xi32>
    %broadcast_in_dim3A_1459 = vector.shape_cast %eq3A_1443 : vector<1x512xi1> to vector<1x512xi1>
    %broadcast_in_dim3A_1460 = vector.broadcast %broadcast_in_dim3A_1459 : vector<1x512xi1> to vector<64x512xi1>
    %select_n3A_1461 = arith.select %broadcast_in_dim3A_1460, %concatenate3A_1455, %concatenate3A_1458 : vector<64x512xi1>, vector<64x512xi32>
    %gt3A_1462 = arith.cmpf ogt, %select_n3A_1436, %select_n3A_1452 : vector<64x512xf32>
    %eq3A_1463 = arith.cmpf oeq, %select_n3A_1436, %select_n3A_1452 : vector<64x512xf32>
    %lt3A_1464 = arith.cmpi slt, %select_n3A_1437, %select_n3A_1461 : vector<64x512xi32>
    %and3A_1465 = arith.andi %eq3A_1463, %lt3A_1464 : vector<64x512xi1>
    %or3A_1466 = arith.ori %gt3A_1462, %and3A_1465 : vector<64x512xi1>
    %xor3A_1467 = vector.broadcast %eq3A_1443 : vector<1x512xi1> to vector<64x512xi1>
    %xor3A_1468 = arith.xori %xor3A_1467, %or3A_1466 : vector<64x512xi1>
    %xor3A_1469 = vector.broadcast %eq3A_1332 : vector<1x512xi1> to vector<64x512xi1>
    %xor3A_1470 = arith.xori %xor3A_1468, %xor3A_1469 : vector<64x512xi1>
    %select_n3A_1471 = arith.select %xor3A_1470, %select_n3A_1436, %select_n3A_1452 : vector<64x512xi1>, vector<64x512xf32>
    %select_n3A_1472 = arith.select %xor3A_1470, %select_n3A_1437, %select_n3A_1461 : vector<64x512xi1>, vector<64x512xi32>
    %and3A_1473 = arith.constant 16 : i32
    %and3A_1474 = vector.broadcast %and3A_1473 : i32 to vector<1x512xi32>
    %and3A_1475 = arith.andi %iota3A, %and3A_1474 : vector<1x512xi32>
    %eq3A_1476 = arith.constant 0 : i32
    %eq3A_1477 = vector.broadcast %eq3A_1476 : i32 to vector<1x512xi32>
    %eq3A_1478 = arith.cmpi eq, %and3A_1475, %eq3A_1477 : vector<1x512xi32>
    %slice3A_1479 = vector.extract_strided_slice %select_n3A_1471 {offsets = [0, 16], sizes = [64, 496], strides = [1, 1]} : vector<64x512xf32> to vector<64x496xf32>
    %slice3A_1480 = vector.extract_strided_slice %select_n3A_1471 {offsets = [0, 0], sizes = [64, 16], strides = [1, 1]} : vector<64x512xf32> to vector<64x16xf32>
    %concatenate3A_1481 = tpu.concatenate %slice3A_1479, %slice3A_1480 in 1 : vector<64x496xf32>, vector<64x16xf32> -> vector<64x512xf32>
    %slice3A_1482 = vector.extract_strided_slice %select_n3A_1471 {offsets = [0, 496], sizes = [64, 16], strides = [1, 1]} : vector<64x512xf32> to vector<64x16xf32>
    %slice3A_1483 = vector.extract_strided_slice %select_n3A_1471 {offsets = [0, 0], sizes = [64, 496], strides = [1, 1]} : vector<64x512xf32> to vector<64x496xf32>
    %concatenate3A_1484 = tpu.concatenate %slice3A_1482, %slice3A_1483 in 1 : vector<64x16xf32>, vector<64x496xf32> -> vector<64x512xf32>
    %broadcast_in_dim3A_1485 = vector.shape_cast %eq3A_1478 : vector<1x512xi1> to vector<1x512xi1>
    %broadcast_in_dim3A_1486 = vector.broadcast %broadcast_in_dim3A_1485 : vector<1x512xi1> to vector<64x512xi1>
    %select_n3A_1487 = arith.select %broadcast_in_dim3A_1486, %concatenate3A_1481, %concatenate3A_1484 : vector<64x512xi1>, vector<64x512xf32>
    %slice3A_1488 = vector.extract_strided_slice %select_n3A_1472 {offsets = [0, 16], sizes = [64, 496], strides = [1, 1]} : vector<64x512xi32> to vector<64x496xi32>
    %slice3A_1489 = vector.extract_strided_slice %select_n3A_1472 {offsets = [0, 0], sizes = [64, 16], strides = [1, 1]} : vector<64x512xi32> to vector<64x16xi32>
    %concatenate3A_1490 = tpu.concatenate %slice3A_1488, %slice3A_1489 in 1 : vector<64x496xi32>, vector<64x16xi32> -> vector<64x512xi32>
    %slice3A_1491 = vector.extract_strided_slice %select_n3A_1472 {offsets = [0, 496], sizes = [64, 16], strides = [1, 1]} : vector<64x512xi32> to vector<64x16xi32>
    %slice3A_1492 = vector.extract_strided_slice %select_n3A_1472 {offsets = [0, 0], sizes = [64, 496], strides = [1, 1]} : vector<64x512xi32> to vector<64x496xi32>
    %concatenate3A_1493 = tpu.concatenate %slice3A_1491, %slice3A_1492 in 1 : vector<64x16xi32>, vector<64x496xi32> -> vector<64x512xi32>
    %broadcast_in_dim3A_1494 = vector.shape_cast %eq3A_1478 : vector<1x512xi1> to vector<1x512xi1>
    %broadcast_in_dim3A_1495 = vector.broadcast %broadcast_in_dim3A_1494 : vector<1x512xi1> to vector<64x512xi1>
    %select_n3A_1496 = arith.select %broadcast_in_dim3A_1495, %concatenate3A_1490, %concatenate3A_1493 : vector<64x512xi1>, vector<64x512xi32>
    %gt3A_1497 = arith.cmpf ogt, %select_n3A_1471, %select_n3A_1487 : vector<64x512xf32>
    %eq3A_1498 = arith.cmpf oeq, %select_n3A_1471, %select_n3A_1487 : vector<64x512xf32>
    %lt3A_1499 = arith.cmpi slt, %select_n3A_1472, %select_n3A_1496 : vector<64x512xi32>
    %and3A_1500 = arith.andi %eq3A_1498, %lt3A_1499 : vector<64x512xi1>
    %or3A_1501 = arith.ori %gt3A_1497, %and3A_1500 : vector<64x512xi1>
    %xor3A_1502 = vector.broadcast %eq3A_1478 : vector<1x512xi1> to vector<64x512xi1>
    %xor3A_1503 = arith.xori %xor3A_1502, %or3A_1501 : vector<64x512xi1>
    %xor3A_1504 = vector.broadcast %eq3A_1332 : vector<1x512xi1> to vector<64x512xi1>
    %xor3A_1505 = arith.xori %xor3A_1503, %xor3A_1504 : vector<64x512xi1>
    %select_n3A_1506 = arith.select %xor3A_1505, %select_n3A_1471, %select_n3A_1487 : vector<64x512xi1>, vector<64x512xf32>
    %select_n3A_1507 = arith.select %xor3A_1505, %select_n3A_1472, %select_n3A_1496 : vector<64x512xi1>, vector<64x512xi32>
    %and3A_1508 = arith.constant 8 : i32
    %and3A_1509 = vector.broadcast %and3A_1508 : i32 to vector<1x512xi32>
    %and3A_1510 = arith.andi %iota3A, %and3A_1509 : vector<1x512xi32>
    %eq3A_1511 = arith.constant 0 : i32
    %eq3A_1512 = vector.broadcast %eq3A_1511 : i32 to vector<1x512xi32>
    %eq3A_1513 = arith.cmpi eq, %and3A_1510, %eq3A_1512 : vector<1x512xi32>
    %slice3A_1514 = vector.extract_strided_slice %select_n3A_1506 {offsets = [0, 8], sizes = [64, 504], strides = [1, 1]} : vector<64x512xf32> to vector<64x504xf32>
    %slice3A_1515 = vector.extract_strided_slice %select_n3A_1506 {offsets = [0, 0], sizes = [64, 8], strides = [1, 1]} : vector<64x512xf32> to vector<64x8xf32>
    %concatenate3A_1516 = tpu.concatenate %slice3A_1514, %slice3A_1515 in 1 : vector<64x504xf32>, vector<64x8xf32> -> vector<64x512xf32>
    %slice3A_1517 = vector.extract_strided_slice %select_n3A_1506 {offsets = [0, 504], sizes = [64, 8], strides = [1, 1]} : vector<64x512xf32> to vector<64x8xf32>
    %slice3A_1518 = vector.extract_strided_slice %select_n3A_1506 {offsets = [0, 0], sizes = [64, 504], strides = [1, 1]} : vector<64x512xf32> to vector<64x504xf32>
    %concatenate3A_1519 = tpu.concatenate %slice3A_1517, %slice3A_1518 in 1 : vector<64x8xf32>, vector<64x504xf32> -> vector<64x512xf32>
    %broadcast_in_dim3A_1520 = vector.shape_cast %eq3A_1513 : vector<1x512xi1> to vector<1x512xi1>
    %broadcast_in_dim3A_1521 = vector.broadcast %broadcast_in_dim3A_1520 : vector<1x512xi1> to vector<64x512xi1>
    %select_n3A_1522 = arith.select %broadcast_in_dim3A_1521, %concatenate3A_1516, %concatenate3A_1519 : vector<64x512xi1>, vector<64x512xf32>
    %slice3A_1523 = vector.extract_strided_slice %select_n3A_1507 {offsets = [0, 8], sizes = [64, 504], strides = [1, 1]} : vector<64x512xi32> to vector<64x504xi32>
    %slice3A_1524 = vector.extract_strided_slice %select_n3A_1507 {offsets = [0, 0], sizes = [64, 8], strides = [1, 1]} : vector<64x512xi32> to vector<64x8xi32>
    %concatenate3A_1525 = tpu.concatenate %slice3A_1523, %slice3A_1524 in 1 : vector<64x504xi32>, vector<64x8xi32> -> vector<64x512xi32>
    %slice3A_1526 = vector.extract_strided_slice %select_n3A_1507 {offsets = [0, 504], sizes = [64, 8], strides = [1, 1]} : vector<64x512xi32> to vector<64x8xi32>
    %slice3A_1527 = vector.extract_strided_slice %select_n3A_1507 {offsets = [0, 0], sizes = [64, 504], strides = [1, 1]} : vector<64x512xi32> to vector<64x504xi32>
    %concatenate3A_1528 = tpu.concatenate %slice3A_1526, %slice3A_1527 in 1 : vector<64x8xi32>, vector<64x504xi32> -> vector<64x512xi32>
    %broadcast_in_dim3A_1529 = vector.shape_cast %eq3A_1513 : vector<1x512xi1> to vector<1x512xi1>
    %broadcast_in_dim3A_1530 = vector.broadcast %broadcast_in_dim3A_1529 : vector<1x512xi1> to vector<64x512xi1>
    %select_n3A_1531 = arith.select %broadcast_in_dim3A_1530, %concatenate3A_1525, %concatenate3A_1528 : vector<64x512xi1>, vector<64x512xi32>
    %gt3A_1532 = arith.cmpf ogt, %select_n3A_1506, %select_n3A_1522 : vector<64x512xf32>
    %eq3A_1533 = arith.cmpf oeq, %select_n3A_1506, %select_n3A_1522 : vector<64x512xf32>
    %lt3A_1534 = arith.cmpi slt, %select_n3A_1507, %select_n3A_1531 : vector<64x512xi32>
    %and3A_1535 = arith.andi %eq3A_1533, %lt3A_1534 : vector<64x512xi1>
    %or3A_1536 = arith.ori %gt3A_1532, %and3A_1535 : vector<64x512xi1>
    %xor3A_1537 = vector.broadcast %eq3A_1513 : vector<1x512xi1> to vector<64x512xi1>
    %xor3A_1538 = arith.xori %xor3A_1537, %or3A_1536 : vector<64x512xi1>
    %xor3A_1539 = vector.broadcast %eq3A_1332 : vector<1x512xi1> to vector<64x512xi1>
    %xor3A_1540 = arith.xori %xor3A_1538, %xor3A_1539 : vector<64x512xi1>
    %select_n3A_1541 = arith.select %xor3A_1540, %select_n3A_1506, %select_n3A_1522 : vector<64x512xi1>, vector<64x512xf32>
    %select_n3A_1542 = arith.select %xor3A_1540, %select_n3A_1507, %select_n3A_1531 : vector<64x512xi1>, vector<64x512xi32>
    %and3A_1543 = arith.constant 4 : i32
    %and3A_1544 = vector.broadcast %and3A_1543 : i32 to vector<1x512xi32>
    %and3A_1545 = arith.andi %iota3A, %and3A_1544 : vector<1x512xi32>
    %eq3A_1546 = arith.constant 0 : i32
    %eq3A_1547 = vector.broadcast %eq3A_1546 : i32 to vector<1x512xi32>
    %eq3A_1548 = arith.cmpi eq, %and3A_1545, %eq3A_1547 : vector<1x512xi32>
    %slice3A_1549 = vector.extract_strided_slice %select_n3A_1541 {offsets = [0, 4], sizes = [64, 508], strides = [1, 1]} : vector<64x512xf32> to vector<64x508xf32>
    %slice3A_1550 = vector.extract_strided_slice %select_n3A_1541 {offsets = [0, 0], sizes = [64, 4], strides = [1, 1]} : vector<64x512xf32> to vector<64x4xf32>
    %concatenate3A_1551 = tpu.concatenate %slice3A_1549, %slice3A_1550 in 1 : vector<64x508xf32>, vector<64x4xf32> -> vector<64x512xf32>
    %slice3A_1552 = vector.extract_strided_slice %select_n3A_1541 {offsets = [0, 508], sizes = [64, 4], strides = [1, 1]} : vector<64x512xf32> to vector<64x4xf32>
    %slice3A_1553 = vector.extract_strided_slice %select_n3A_1541 {offsets = [0, 0], sizes = [64, 508], strides = [1, 1]} : vector<64x512xf32> to vector<64x508xf32>
    %concatenate3A_1554 = tpu.concatenate %slice3A_1552, %slice3A_1553 in 1 : vector<64x4xf32>, vector<64x508xf32> -> vector<64x512xf32>
    %broadcast_in_dim3A_1555 = vector.shape_cast %eq3A_1548 : vector<1x512xi1> to vector<1x512xi1>
    %broadcast_in_dim3A_1556 = vector.broadcast %broadcast_in_dim3A_1555 : vector<1x512xi1> to vector<64x512xi1>
    %select_n3A_1557 = arith.select %broadcast_in_dim3A_1556, %concatenate3A_1551, %concatenate3A_1554 : vector<64x512xi1>, vector<64x512xf32>
    %slice3A_1558 = vector.extract_strided_slice %select_n3A_1542 {offsets = [0, 4], sizes = [64, 508], strides = [1, 1]} : vector<64x512xi32> to vector<64x508xi32>
    %slice3A_1559 = vector.extract_strided_slice %select_n3A_1542 {offsets = [0, 0], sizes = [64, 4], strides = [1, 1]} : vector<64x512xi32> to vector<64x4xi32>
    %concatenate3A_1560 = tpu.concatenate %slice3A_1558, %slice3A_1559 in 1 : vector<64x508xi32>, vector<64x4xi32> -> vector<64x512xi32>
    %slice3A_1561 = vector.extract_strided_slice %select_n3A_1542 {offsets = [0, 508], sizes = [64, 4], strides = [1, 1]} : vector<64x512xi32> to vector<64x4xi32>
    %slice3A_1562 = vector.extract_strided_slice %select_n3A_1542 {offsets = [0, 0], sizes = [64, 508], strides = [1, 1]} : vector<64x512xi32> to vector<64x508xi32>
    %concatenate3A_1563 = tpu.concatenate %slice3A_1561, %slice3A_1562 in 1 : vector<64x4xi32>, vector<64x508xi32> -> vector<64x512xi32>
    %broadcast_in_dim3A_1564 = vector.shape_cast %eq3A_1548 : vector<1x512xi1> to vector<1x512xi1>
    %broadcast_in_dim3A_1565 = vector.broadcast %broadcast_in_dim3A_1564 : vector<1x512xi1> to vector<64x512xi1>
    %select_n3A_1566 = arith.select %broadcast_in_dim3A_1565, %concatenate3A_1560, %concatenate3A_1563 : vector<64x512xi1>, vector<64x512xi32>
    %gt3A_1567 = arith.cmpf ogt, %select_n3A_1541, %select_n3A_1557 : vector<64x512xf32>
    %eq3A_1568 = arith.cmpf oeq, %select_n3A_1541, %select_n3A_1557 : vector<64x512xf32>
    %lt3A_1569 = arith.cmpi slt, %select_n3A_1542, %select_n3A_1566 : vector<64x512xi32>
    %and3A_1570 = arith.andi %eq3A_1568, %lt3A_1569 : vector<64x512xi1>
    %or3A_1571 = arith.ori %gt3A_1567, %and3A_1570 : vector<64x512xi1>
    %xor3A_1572 = vector.broadcast %eq3A_1548 : vector<1x512xi1> to vector<64x512xi1>
    %xor3A_1573 = arith.xori %xor3A_1572, %or3A_1571 : vector<64x512xi1>
    %xor3A_1574 = vector.broadcast %eq3A_1332 : vector<1x512xi1> to vector<64x512xi1>
    %xor3A_1575 = arith.xori %xor3A_1573, %xor3A_1574 : vector<64x512xi1>
    %select_n3A_1576 = arith.select %xor3A_1575, %select_n3A_1541, %select_n3A_1557 : vector<64x512xi1>, vector<64x512xf32>
    %select_n3A_1577 = arith.select %xor3A_1575, %select_n3A_1542, %select_n3A_1566 : vector<64x512xi1>, vector<64x512xi32>
    %and3A_1578 = arith.constant 2 : i32
    %and3A_1579 = vector.broadcast %and3A_1578 : i32 to vector<1x512xi32>
    %and3A_1580 = arith.andi %iota3A, %and3A_1579 : vector<1x512xi32>
    %eq3A_1581 = arith.constant 0 : i32
    %eq3A_1582 = vector.broadcast %eq3A_1581 : i32 to vector<1x512xi32>
    %eq3A_1583 = arith.cmpi eq, %and3A_1580, %eq3A_1582 : vector<1x512xi32>
    %slice3A_1584 = vector.extract_strided_slice %select_n3A_1576 {offsets = [0, 2], sizes = [64, 510], strides = [1, 1]} : vector<64x512xf32> to vector<64x510xf32>
    %slice3A_1585 = vector.extract_strided_slice %select_n3A_1576 {offsets = [0, 0], sizes = [64, 2], strides = [1, 1]} : vector<64x512xf32> to vector<64x2xf32>
    %concatenate3A_1586 = tpu.concatenate %slice3A_1584, %slice3A_1585 in 1 : vector<64x510xf32>, vector<64x2xf32> -> vector<64x512xf32>
    %slice3A_1587 = vector.extract_strided_slice %select_n3A_1576 {offsets = [0, 510], sizes = [64, 2], strides = [1, 1]} : vector<64x512xf32> to vector<64x2xf32>
    %slice3A_1588 = vector.extract_strided_slice %select_n3A_1576 {offsets = [0, 0], sizes = [64, 510], strides = [1, 1]} : vector<64x512xf32> to vector<64x510xf32>
    %concatenate3A_1589 = tpu.concatenate %slice3A_1587, %slice3A_1588 in 1 : vector<64x2xf32>, vector<64x510xf32> -> vector<64x512xf32>
    %broadcast_in_dim3A_1590 = vector.shape_cast %eq3A_1583 : vector<1x512xi1> to vector<1x512xi1>
    %broadcast_in_dim3A_1591 = vector.broadcast %broadcast_in_dim3A_1590 : vector<1x512xi1> to vector<64x512xi1>
    %select_n3A_1592 = arith.select %broadcast_in_dim3A_1591, %concatenate3A_1586, %concatenate3A_1589 : vector<64x512xi1>, vector<64x512xf32>
    %slice3A_1593 = vector.extract_strided_slice %select_n3A_1577 {offsets = [0, 2], sizes = [64, 510], strides = [1, 1]} : vector<64x512xi32> to vector<64x510xi32>
    %slice3A_1594 = vector.extract_strided_slice %select_n3A_1577 {offsets = [0, 0], sizes = [64, 2], strides = [1, 1]} : vector<64x512xi32> to vector<64x2xi32>
    %concatenate3A_1595 = tpu.concatenate %slice3A_1593, %slice3A_1594 in 1 : vector<64x510xi32>, vector<64x2xi32> -> vector<64x512xi32>
    %slice3A_1596 = vector.extract_strided_slice %select_n3A_1577 {offsets = [0, 510], sizes = [64, 2], strides = [1, 1]} : vector<64x512xi32> to vector<64x2xi32>
    %slice3A_1597 = vector.extract_strided_slice %select_n3A_1577 {offsets = [0, 0], sizes = [64, 510], strides = [1, 1]} : vector<64x512xi32> to vector<64x510xi32>
    %concatenate3A_1598 = tpu.concatenate %slice3A_1596, %slice3A_1597 in 1 : vector<64x2xi32>, vector<64x510xi32> -> vector<64x512xi32>
    %broadcast_in_dim3A_1599 = vector.shape_cast %eq3A_1583 : vector<1x512xi1> to vector<1x512xi1>
    %broadcast_in_dim3A_1600 = vector.broadcast %broadcast_in_dim3A_1599 : vector<1x512xi1> to vector<64x512xi1>
    %select_n3A_1601 = arith.select %broadcast_in_dim3A_1600, %concatenate3A_1595, %concatenate3A_1598 : vector<64x512xi1>, vector<64x512xi32>
    %gt3A_1602 = arith.cmpf ogt, %select_n3A_1576, %select_n3A_1592 : vector<64x512xf32>
    %eq3A_1603 = arith.cmpf oeq, %select_n3A_1576, %select_n3A_1592 : vector<64x512xf32>
    %lt3A_1604 = arith.cmpi slt, %select_n3A_1577, %select_n3A_1601 : vector<64x512xi32>
    %and3A_1605 = arith.andi %eq3A_1603, %lt3A_1604 : vector<64x512xi1>
    %or3A_1606 = arith.ori %gt3A_1602, %and3A_1605 : vector<64x512xi1>
    %xor3A_1607 = vector.broadcast %eq3A_1583 : vector<1x512xi1> to vector<64x512xi1>
    %xor3A_1608 = arith.xori %xor3A_1607, %or3A_1606 : vector<64x512xi1>
    %xor3A_1609 = vector.broadcast %eq3A_1332 : vector<1x512xi1> to vector<64x512xi1>
    %xor3A_1610 = arith.xori %xor3A_1608, %xor3A_1609 : vector<64x512xi1>
    %select_n3A_1611 = arith.select %xor3A_1610, %select_n3A_1576, %select_n3A_1592 : vector<64x512xi1>, vector<64x512xf32>
    %select_n3A_1612 = arith.select %xor3A_1610, %select_n3A_1577, %select_n3A_1601 : vector<64x512xi1>, vector<64x512xi32>
    %and3A_1613 = arith.constant 1 : i32
    %and3A_1614 = vector.broadcast %and3A_1613 : i32 to vector<1x512xi32>
    %and3A_1615 = arith.andi %iota3A, %and3A_1614 : vector<1x512xi32>
    %eq3A_1616 = arith.constant 0 : i32
    %eq3A_1617 = vector.broadcast %eq3A_1616 : i32 to vector<1x512xi32>
    %eq3A_1618 = arith.cmpi eq, %and3A_1615, %eq3A_1617 : vector<1x512xi32>
    %slice3A_1619 = vector.extract_strided_slice %select_n3A_1611 {offsets = [0, 1], sizes = [64, 511], strides = [1, 1]} : vector<64x512xf32> to vector<64x511xf32>
    %slice3A_1620 = vector.extract_strided_slice %select_n3A_1611 {offsets = [0, 0], sizes = [64, 1], strides = [1, 1]} : vector<64x512xf32> to vector<64x1xf32>
    %concatenate3A_1621 = tpu.concatenate %slice3A_1619, %slice3A_1620 in 1 : vector<64x511xf32>, vector<64x1xf32> -> vector<64x512xf32>
    %slice3A_1622 = vector.extract_strided_slice %select_n3A_1611 {offsets = [0, 511], sizes = [64, 1], strides = [1, 1]} : vector<64x512xf32> to vector<64x1xf32>
    %slice3A_1623 = vector.extract_strided_slice %select_n3A_1611 {offsets = [0, 0], sizes = [64, 511], strides = [1, 1]} : vector<64x512xf32> to vector<64x511xf32>
    %concatenate3A_1624 = tpu.concatenate %slice3A_1622, %slice3A_1623 in 1 : vector<64x1xf32>, vector<64x511xf32> -> vector<64x512xf32>
    %broadcast_in_dim3A_1625 = vector.shape_cast %eq3A_1618 : vector<1x512xi1> to vector<1x512xi1>
    %broadcast_in_dim3A_1626 = vector.broadcast %broadcast_in_dim3A_1625 : vector<1x512xi1> to vector<64x512xi1>
    %select_n3A_1627 = arith.select %broadcast_in_dim3A_1626, %concatenate3A_1621, %concatenate3A_1624 : vector<64x512xi1>, vector<64x512xf32>
    %slice3A_1628 = vector.extract_strided_slice %select_n3A_1612 {offsets = [0, 1], sizes = [64, 511], strides = [1, 1]} : vector<64x512xi32> to vector<64x511xi32>
    %slice3A_1629 = vector.extract_strided_slice %select_n3A_1612 {offsets = [0, 0], sizes = [64, 1], strides = [1, 1]} : vector<64x512xi32> to vector<64x1xi32>
    %concatenate3A_1630 = tpu.concatenate %slice3A_1628, %slice3A_1629 in 1 : vector<64x511xi32>, vector<64x1xi32> -> vector<64x512xi32>
    %slice3A_1631 = vector.extract_strided_slice %select_n3A_1612 {offsets = [0, 511], sizes = [64, 1], strides = [1, 1]} : vector<64x512xi32> to vector<64x1xi32>
    %slice3A_1632 = vector.extract_strided_slice %select_n3A_1612 {offsets = [0, 0], sizes = [64, 511], strides = [1, 1]} : vector<64x512xi32> to vector<64x511xi32>
    %concatenate3A_1633 = tpu.concatenate %slice3A_1631, %slice3A_1632 in 1 : vector<64x1xi32>, vector<64x511xi32> -> vector<64x512xi32>
    %broadcast_in_dim3A_1634 = vector.shape_cast %eq3A_1618 : vector<1x512xi1> to vector<1x512xi1>
    %broadcast_in_dim3A_1635 = vector.broadcast %broadcast_in_dim3A_1634 : vector<1x512xi1> to vector<64x512xi1>
    %select_n3A_1636 = arith.select %broadcast_in_dim3A_1635, %concatenate3A_1630, %concatenate3A_1633 : vector<64x512xi1>, vector<64x512xi32>
    %gt3A_1637 = arith.cmpf ogt, %select_n3A_1611, %select_n3A_1627 : vector<64x512xf32>
    %eq3A_1638 = arith.cmpf oeq, %select_n3A_1611, %select_n3A_1627 : vector<64x512xf32>
    %lt3A_1639 = arith.cmpi slt, %select_n3A_1612, %select_n3A_1636 : vector<64x512xi32>
    %and3A_1640 = arith.andi %eq3A_1638, %lt3A_1639 : vector<64x512xi1>
    %or3A_1641 = arith.ori %gt3A_1637, %and3A_1640 : vector<64x512xi1>
    %xor3A_1642 = vector.broadcast %eq3A_1618 : vector<1x512xi1> to vector<64x512xi1>
    %xor3A_1643 = arith.xori %xor3A_1642, %or3A_1641 : vector<64x512xi1>
    %xor3A_1644 = vector.broadcast %eq3A_1332 : vector<1x512xi1> to vector<64x512xi1>
    %xor3A_1645 = arith.xori %xor3A_1643, %xor3A_1644 : vector<64x512xi1>
    %select_n3A_1646 = arith.select %xor3A_1645, %select_n3A_1611, %select_n3A_1627 : vector<64x512xi1>, vector<64x512xf32>
    %select_n3A_1647 = arith.select %xor3A_1645, %select_n3A_1612, %select_n3A_1636 : vector<64x512xi1>, vector<64x512xi32>
    %and3A_1648 = arith.constant 1 : i32
    %and3A_1649 = vector.broadcast %and3A_1648 : i32 to vector<64x1xi32>
    %and3A_1650 = arith.andi %select_n3A_19, %and3A_1649 : vector<64x1xi32>
    %eq3A_1651 = arith.constant 0 : i32
    %eq3A_1652 = vector.broadcast %eq3A_1651 : i32 to vector<64x1xi32>
    %eq3A_1653 = arith.cmpi eq, %and3A_1650, %eq3A_1652 : vector<64x1xi32>
    %slice3A_1654 = vector.extract_strided_slice %select_n3A_1646 {offsets = [1, 0], sizes = [63, 512], strides = [1, 1]} : vector<64x512xf32> to vector<63x512xf32>
    %slice3A_1655 = vector.extract_strided_slice %select_n3A_1646 {offsets = [0, 0], sizes = [1, 512], strides = [1, 1]} : vector<64x512xf32> to vector<1x512xf32>
    %concatenate3A_1656 = tpu.concatenate %slice3A_1654, %slice3A_1655 in 0 : vector<63x512xf32>, vector<1x512xf32> -> vector<64x512xf32>
    %slice3A_1657 = vector.extract_strided_slice %select_n3A_1646 {offsets = [63, 0], sizes = [1, 512], strides = [1, 1]} : vector<64x512xf32> to vector<1x512xf32>
    %slice3A_1658 = vector.extract_strided_slice %select_n3A_1646 {offsets = [0, 0], sizes = [63, 512], strides = [1, 1]} : vector<64x512xf32> to vector<63x512xf32>
    %concatenate3A_1659 = tpu.concatenate %slice3A_1657, %slice3A_1658 in 0 : vector<1x512xf32>, vector<63x512xf32> -> vector<64x512xf32>
    %broadcast_in_dim3A_1660 = vector.shape_cast %eq3A_1653 : vector<64x1xi1> to vector<64x1xi1>
    %broadcast_in_dim3A_1661 = vector.broadcast %broadcast_in_dim3A_1660 : vector<64x1xi1> to vector<64x512xi1>
    %select_n3A_1662 = arith.select %broadcast_in_dim3A_1661, %concatenate3A_1656, %concatenate3A_1659 : vector<64x512xi1>, vector<64x512xf32>
    %and3A_1663 = arith.constant 256 : i32
    %and3A_1664 = vector.broadcast %and3A_1663 : i32 to vector<1x512xi32>
    %and3A_1665 = arith.andi %iota3A, %and3A_1664 : vector<1x512xi32>
    %eq3A_1666 = arith.constant 0 : i32
    %eq3A_1667 = vector.broadcast %eq3A_1666 : i32 to vector<1x512xi32>
    %eq3A_1668 = arith.cmpi eq, %and3A_1665, %eq3A_1667 : vector<1x512xi32>
    %slice3A_1669 = vector.extract_strided_slice %select_n3A_1662 {offsets = [0, 256], sizes = [64, 256], strides = [1, 1]} : vector<64x512xf32> to vector<64x256xf32>
    %slice3A_1670 = vector.extract_strided_slice %select_n3A_1662 {offsets = [0, 0], sizes = [64, 256], strides = [1, 1]} : vector<64x512xf32> to vector<64x256xf32>
    %concatenate3A_1671 = tpu.concatenate %slice3A_1669, %slice3A_1670 in 1 : vector<64x256xf32>, vector<64x256xf32> -> vector<64x512xf32>
    %slice3A_1672 = vector.extract_strided_slice %select_n3A_1662 {offsets = [0, 256], sizes = [64, 256], strides = [1, 1]} : vector<64x512xf32> to vector<64x256xf32>
    %slice3A_1673 = vector.extract_strided_slice %select_n3A_1662 {offsets = [0, 0], sizes = [64, 256], strides = [1, 1]} : vector<64x512xf32> to vector<64x256xf32>
    %concatenate3A_1674 = tpu.concatenate %slice3A_1672, %slice3A_1673 in 1 : vector<64x256xf32>, vector<64x256xf32> -> vector<64x512xf32>
    %broadcast_in_dim3A_1675 = vector.shape_cast %eq3A_1668 : vector<1x512xi1> to vector<1x512xi1>
    %broadcast_in_dim3A_1676 = vector.broadcast %broadcast_in_dim3A_1675 : vector<1x512xi1> to vector<64x512xi1>
    %select_n3A_1677 = arith.select %broadcast_in_dim3A_1676, %concatenate3A_1671, %concatenate3A_1674 : vector<64x512xi1>, vector<64x512xf32>
    %and3A_1678 = arith.constant 128 : i32
    %and3A_1679 = vector.broadcast %and3A_1678 : i32 to vector<1x512xi32>
    %and3A_1680 = arith.andi %iota3A, %and3A_1679 : vector<1x512xi32>
    %eq3A_1681 = arith.constant 0 : i32
    %eq3A_1682 = vector.broadcast %eq3A_1681 : i32 to vector<1x512xi32>
    %eq3A_1683 = arith.cmpi eq, %and3A_1680, %eq3A_1682 : vector<1x512xi32>
    %slice3A_1684 = vector.extract_strided_slice %select_n3A_1677 {offsets = [0, 128], sizes = [64, 384], strides = [1, 1]} : vector<64x512xf32> to vector<64x384xf32>
    %slice3A_1685 = vector.extract_strided_slice %select_n3A_1677 {offsets = [0, 0], sizes = [64, 128], strides = [1, 1]} : vector<64x512xf32> to vector<64x128xf32>
    %concatenate3A_1686 = tpu.concatenate %slice3A_1684, %slice3A_1685 in 1 : vector<64x384xf32>, vector<64x128xf32> -> vector<64x512xf32>
    %slice3A_1687 = vector.extract_strided_slice %select_n3A_1677 {offsets = [0, 384], sizes = [64, 128], strides = [1, 1]} : vector<64x512xf32> to vector<64x128xf32>
    %slice3A_1688 = vector.extract_strided_slice %select_n3A_1677 {offsets = [0, 0], sizes = [64, 384], strides = [1, 1]} : vector<64x512xf32> to vector<64x384xf32>
    %concatenate3A_1689 = tpu.concatenate %slice3A_1687, %slice3A_1688 in 1 : vector<64x128xf32>, vector<64x384xf32> -> vector<64x512xf32>
    %broadcast_in_dim3A_1690 = vector.shape_cast %eq3A_1683 : vector<1x512xi1> to vector<1x512xi1>
    %broadcast_in_dim3A_1691 = vector.broadcast %broadcast_in_dim3A_1690 : vector<1x512xi1> to vector<64x512xi1>
    %select_n3A_1692 = arith.select %broadcast_in_dim3A_1691, %concatenate3A_1686, %concatenate3A_1689 : vector<64x512xi1>, vector<64x512xf32>
    %and3A_1693 = arith.constant 64 : i32
    %and3A_1694 = vector.broadcast %and3A_1693 : i32 to vector<1x512xi32>
    %and3A_1695 = arith.andi %iota3A, %and3A_1694 : vector<1x512xi32>
    %eq3A_1696 = arith.constant 0 : i32
    %eq3A_1697 = vector.broadcast %eq3A_1696 : i32 to vector<1x512xi32>
    %eq3A_1698 = arith.cmpi eq, %and3A_1695, %eq3A_1697 : vector<1x512xi32>
    %slice3A_1699 = vector.extract_strided_slice %select_n3A_1692 {offsets = [0, 64], sizes = [64, 448], strides = [1, 1]} : vector<64x512xf32> to vector<64x448xf32>
    %slice3A_1700 = vector.extract_strided_slice %select_n3A_1692 {offsets = [0, 0], sizes = [64, 64], strides = [1, 1]} : vector<64x512xf32> to vector<64x64xf32>
    %concatenate3A_1701 = tpu.concatenate %slice3A_1699, %slice3A_1700 in 1 : vector<64x448xf32>, vector<64x64xf32> -> vector<64x512xf32>
    %slice3A_1702 = vector.extract_strided_slice %select_n3A_1692 {offsets = [0, 448], sizes = [64, 64], strides = [1, 1]} : vector<64x512xf32> to vector<64x64xf32>
    %slice3A_1703 = vector.extract_strided_slice %select_n3A_1692 {offsets = [0, 0], sizes = [64, 448], strides = [1, 1]} : vector<64x512xf32> to vector<64x448xf32>
    %concatenate3A_1704 = tpu.concatenate %slice3A_1702, %slice3A_1703 in 1 : vector<64x64xf32>, vector<64x448xf32> -> vector<64x512xf32>
    %broadcast_in_dim3A_1705 = vector.shape_cast %eq3A_1698 : vector<1x512xi1> to vector<1x512xi1>
    %broadcast_in_dim3A_1706 = vector.broadcast %broadcast_in_dim3A_1705 : vector<1x512xi1> to vector<64x512xi1>
    %select_n3A_1707 = arith.select %broadcast_in_dim3A_1706, %concatenate3A_1701, %concatenate3A_1704 : vector<64x512xi1>, vector<64x512xf32>
    %and3A_1708 = arith.constant 32 : i32
    %and3A_1709 = vector.broadcast %and3A_1708 : i32 to vector<1x512xi32>
    %and3A_1710 = arith.andi %iota3A, %and3A_1709 : vector<1x512xi32>
    %eq3A_1711 = arith.constant 0 : i32
    %eq3A_1712 = vector.broadcast %eq3A_1711 : i32 to vector<1x512xi32>
    %eq3A_1713 = arith.cmpi eq, %and3A_1710, %eq3A_1712 : vector<1x512xi32>
    %slice3A_1714 = vector.extract_strided_slice %select_n3A_1707 {offsets = [0, 32], sizes = [64, 480], strides = [1, 1]} : vector<64x512xf32> to vector<64x480xf32>
    %slice3A_1715 = vector.extract_strided_slice %select_n3A_1707 {offsets = [0, 0], sizes = [64, 32], strides = [1, 1]} : vector<64x512xf32> to vector<64x32xf32>
    %concatenate3A_1716 = tpu.concatenate %slice3A_1714, %slice3A_1715 in 1 : vector<64x480xf32>, vector<64x32xf32> -> vector<64x512xf32>
    %slice3A_1717 = vector.extract_strided_slice %select_n3A_1707 {offsets = [0, 480], sizes = [64, 32], strides = [1, 1]} : vector<64x512xf32> to vector<64x32xf32>
    %slice3A_1718 = vector.extract_strided_slice %select_n3A_1707 {offsets = [0, 0], sizes = [64, 480], strides = [1, 1]} : vector<64x512xf32> to vector<64x480xf32>
    %concatenate3A_1719 = tpu.concatenate %slice3A_1717, %slice3A_1718 in 1 : vector<64x32xf32>, vector<64x480xf32> -> vector<64x512xf32>
    %broadcast_in_dim3A_1720 = vector.shape_cast %eq3A_1713 : vector<1x512xi1> to vector<1x512xi1>
    %broadcast_in_dim3A_1721 = vector.broadcast %broadcast_in_dim3A_1720 : vector<1x512xi1> to vector<64x512xi1>
    %select_n3A_1722 = arith.select %broadcast_in_dim3A_1721, %concatenate3A_1716, %concatenate3A_1719 : vector<64x512xi1>, vector<64x512xf32>
    %and3A_1723 = arith.constant 16 : i32
    %and3A_1724 = vector.broadcast %and3A_1723 : i32 to vector<1x512xi32>
    %and3A_1725 = arith.andi %iota3A, %and3A_1724 : vector<1x512xi32>
    %eq3A_1726 = arith.constant 0 : i32
    %eq3A_1727 = vector.broadcast %eq3A_1726 : i32 to vector<1x512xi32>
    %eq3A_1728 = arith.cmpi eq, %and3A_1725, %eq3A_1727 : vector<1x512xi32>
    %slice3A_1729 = vector.extract_strided_slice %select_n3A_1722 {offsets = [0, 16], sizes = [64, 496], strides = [1, 1]} : vector<64x512xf32> to vector<64x496xf32>
    %slice3A_1730 = vector.extract_strided_slice %select_n3A_1722 {offsets = [0, 0], sizes = [64, 16], strides = [1, 1]} : vector<64x512xf32> to vector<64x16xf32>
    %concatenate3A_1731 = tpu.concatenate %slice3A_1729, %slice3A_1730 in 1 : vector<64x496xf32>, vector<64x16xf32> -> vector<64x512xf32>
    %slice3A_1732 = vector.extract_strided_slice %select_n3A_1722 {offsets = [0, 496], sizes = [64, 16], strides = [1, 1]} : vector<64x512xf32> to vector<64x16xf32>
    %slice3A_1733 = vector.extract_strided_slice %select_n3A_1722 {offsets = [0, 0], sizes = [64, 496], strides = [1, 1]} : vector<64x512xf32> to vector<64x496xf32>
    %concatenate3A_1734 = tpu.concatenate %slice3A_1732, %slice3A_1733 in 1 : vector<64x16xf32>, vector<64x496xf32> -> vector<64x512xf32>
    %broadcast_in_dim3A_1735 = vector.shape_cast %eq3A_1728 : vector<1x512xi1> to vector<1x512xi1>
    %broadcast_in_dim3A_1736 = vector.broadcast %broadcast_in_dim3A_1735 : vector<1x512xi1> to vector<64x512xi1>
    %select_n3A_1737 = arith.select %broadcast_in_dim3A_1736, %concatenate3A_1731, %concatenate3A_1734 : vector<64x512xi1>, vector<64x512xf32>
    %and3A_1738 = arith.constant 8 : i32
    %and3A_1739 = vector.broadcast %and3A_1738 : i32 to vector<1x512xi32>
    %and3A_1740 = arith.andi %iota3A, %and3A_1739 : vector<1x512xi32>
    %eq3A_1741 = arith.constant 0 : i32
    %eq3A_1742 = vector.broadcast %eq3A_1741 : i32 to vector<1x512xi32>
    %eq3A_1743 = arith.cmpi eq, %and3A_1740, %eq3A_1742 : vector<1x512xi32>
    %slice3A_1744 = vector.extract_strided_slice %select_n3A_1737 {offsets = [0, 8], sizes = [64, 504], strides = [1, 1]} : vector<64x512xf32> to vector<64x504xf32>
    %slice3A_1745 = vector.extract_strided_slice %select_n3A_1737 {offsets = [0, 0], sizes = [64, 8], strides = [1, 1]} : vector<64x512xf32> to vector<64x8xf32>
    %concatenate3A_1746 = tpu.concatenate %slice3A_1744, %slice3A_1745 in 1 : vector<64x504xf32>, vector<64x8xf32> -> vector<64x512xf32>
    %slice3A_1747 = vector.extract_strided_slice %select_n3A_1737 {offsets = [0, 504], sizes = [64, 8], strides = [1, 1]} : vector<64x512xf32> to vector<64x8xf32>
    %slice3A_1748 = vector.extract_strided_slice %select_n3A_1737 {offsets = [0, 0], sizes = [64, 504], strides = [1, 1]} : vector<64x512xf32> to vector<64x504xf32>
    %concatenate3A_1749 = tpu.concatenate %slice3A_1747, %slice3A_1748 in 1 : vector<64x8xf32>, vector<64x504xf32> -> vector<64x512xf32>
    %broadcast_in_dim3A_1750 = vector.shape_cast %eq3A_1743 : vector<1x512xi1> to vector<1x512xi1>
    %broadcast_in_dim3A_1751 = vector.broadcast %broadcast_in_dim3A_1750 : vector<1x512xi1> to vector<64x512xi1>
    %select_n3A_1752 = arith.select %broadcast_in_dim3A_1751, %concatenate3A_1746, %concatenate3A_1749 : vector<64x512xi1>, vector<64x512xf32>
    %and3A_1753 = arith.constant 4 : i32
    %and3A_1754 = vector.broadcast %and3A_1753 : i32 to vector<1x512xi32>
    %and3A_1755 = arith.andi %iota3A, %and3A_1754 : vector<1x512xi32>
    %eq3A_1756 = arith.constant 0 : i32
    %eq3A_1757 = vector.broadcast %eq3A_1756 : i32 to vector<1x512xi32>
    %eq3A_1758 = arith.cmpi eq, %and3A_1755, %eq3A_1757 : vector<1x512xi32>
    %slice3A_1759 = vector.extract_strided_slice %select_n3A_1752 {offsets = [0, 4], sizes = [64, 508], strides = [1, 1]} : vector<64x512xf32> to vector<64x508xf32>
    %slice3A_1760 = vector.extract_strided_slice %select_n3A_1752 {offsets = [0, 0], sizes = [64, 4], strides = [1, 1]} : vector<64x512xf32> to vector<64x4xf32>
    %concatenate3A_1761 = tpu.concatenate %slice3A_1759, %slice3A_1760 in 1 : vector<64x508xf32>, vector<64x4xf32> -> vector<64x512xf32>
    %slice3A_1762 = vector.extract_strided_slice %select_n3A_1752 {offsets = [0, 508], sizes = [64, 4], strides = [1, 1]} : vector<64x512xf32> to vector<64x4xf32>
    %slice3A_1763 = vector.extract_strided_slice %select_n3A_1752 {offsets = [0, 0], sizes = [64, 508], strides = [1, 1]} : vector<64x512xf32> to vector<64x508xf32>
    %concatenate3A_1764 = tpu.concatenate %slice3A_1762, %slice3A_1763 in 1 : vector<64x4xf32>, vector<64x508xf32> -> vector<64x512xf32>
    %broadcast_in_dim3A_1765 = vector.shape_cast %eq3A_1758 : vector<1x512xi1> to vector<1x512xi1>
    %broadcast_in_dim3A_1766 = vector.broadcast %broadcast_in_dim3A_1765 : vector<1x512xi1> to vector<64x512xi1>
    %select_n3A_1767 = arith.select %broadcast_in_dim3A_1766, %concatenate3A_1761, %concatenate3A_1764 : vector<64x512xi1>, vector<64x512xf32>
    %and3A_1768 = arith.constant 2 : i32
    %and3A_1769 = vector.broadcast %and3A_1768 : i32 to vector<1x512xi32>
    %and3A_1770 = arith.andi %iota3A, %and3A_1769 : vector<1x512xi32>
    %eq3A_1771 = arith.constant 0 : i32
    %eq3A_1772 = vector.broadcast %eq3A_1771 : i32 to vector<1x512xi32>
    %eq3A_1773 = arith.cmpi eq, %and3A_1770, %eq3A_1772 : vector<1x512xi32>
    %slice3A_1774 = vector.extract_strided_slice %select_n3A_1767 {offsets = [0, 2], sizes = [64, 510], strides = [1, 1]} : vector<64x512xf32> to vector<64x510xf32>
    %slice3A_1775 = vector.extract_strided_slice %select_n3A_1767 {offsets = [0, 0], sizes = [64, 2], strides = [1, 1]} : vector<64x512xf32> to vector<64x2xf32>
    %concatenate3A_1776 = tpu.concatenate %slice3A_1774, %slice3A_1775 in 1 : vector<64x510xf32>, vector<64x2xf32> -> vector<64x512xf32>
    %slice3A_1777 = vector.extract_strided_slice %select_n3A_1767 {offsets = [0, 510], sizes = [64, 2], strides = [1, 1]} : vector<64x512xf32> to vector<64x2xf32>
    %slice3A_1778 = vector.extract_strided_slice %select_n3A_1767 {offsets = [0, 0], sizes = [64, 510], strides = [1, 1]} : vector<64x512xf32> to vector<64x510xf32>
    %concatenate3A_1779 = tpu.concatenate %slice3A_1777, %slice3A_1778 in 1 : vector<64x2xf32>, vector<64x510xf32> -> vector<64x512xf32>
    %broadcast_in_dim3A_1780 = vector.shape_cast %eq3A_1773 : vector<1x512xi1> to vector<1x512xi1>
    %broadcast_in_dim3A_1781 = vector.broadcast %broadcast_in_dim3A_1780 : vector<1x512xi1> to vector<64x512xi1>
    %select_n3A_1782 = arith.select %broadcast_in_dim3A_1781, %concatenate3A_1776, %concatenate3A_1779 : vector<64x512xi1>, vector<64x512xf32>
    %and3A_1783 = arith.constant 1 : i32
    %and3A_1784 = vector.broadcast %and3A_1783 : i32 to vector<1x512xi32>
    %and3A_1785 = arith.andi %iota3A, %and3A_1784 : vector<1x512xi32>
    %eq3A_1786 = arith.constant 0 : i32
    %eq3A_1787 = vector.broadcast %eq3A_1786 : i32 to vector<1x512xi32>
    %eq3A_1788 = arith.cmpi eq, %and3A_1785, %eq3A_1787 : vector<1x512xi32>
    %slice3A_1789 = vector.extract_strided_slice %select_n3A_1782 {offsets = [0, 1], sizes = [64, 511], strides = [1, 1]} : vector<64x512xf32> to vector<64x511xf32>
    %slice3A_1790 = vector.extract_strided_slice %select_n3A_1782 {offsets = [0, 0], sizes = [64, 1], strides = [1, 1]} : vector<64x512xf32> to vector<64x1xf32>
    %concatenate3A_1791 = tpu.concatenate %slice3A_1789, %slice3A_1790 in 1 : vector<64x511xf32>, vector<64x1xf32> -> vector<64x512xf32>
    %slice3A_1792 = vector.extract_strided_slice %select_n3A_1782 {offsets = [0, 511], sizes = [64, 1], strides = [1, 1]} : vector<64x512xf32> to vector<64x1xf32>
    %slice3A_1793 = vector.extract_strided_slice %select_n3A_1782 {offsets = [0, 0], sizes = [64, 511], strides = [1, 1]} : vector<64x512xf32> to vector<64x511xf32>
    %concatenate3A_1794 = tpu.concatenate %slice3A_1792, %slice3A_1793 in 1 : vector<64x1xf32>, vector<64x511xf32> -> vector<64x512xf32>
    %broadcast_in_dim3A_1795 = vector.shape_cast %eq3A_1788 : vector<1x512xi1> to vector<1x512xi1>
    %broadcast_in_dim3A_1796 = vector.broadcast %broadcast_in_dim3A_1795 : vector<1x512xi1> to vector<64x512xi1>
    %select_n3A_1797 = arith.select %broadcast_in_dim3A_1796, %concatenate3A_1791, %concatenate3A_1794 : vector<64x512xi1>, vector<64x512xf32>
    %slice3A_1798 = vector.extract_strided_slice %select_n3A_1647 {offsets = [1, 0], sizes = [63, 512], strides = [1, 1]} : vector<64x512xi32> to vector<63x512xi32>
    %slice3A_1799 = vector.extract_strided_slice %select_n3A_1647 {offsets = [0, 0], sizes = [1, 512], strides = [1, 1]} : vector<64x512xi32> to vector<1x512xi32>
    %concatenate3A_1800 = tpu.concatenate %slice3A_1798, %slice3A_1799 in 0 : vector<63x512xi32>, vector<1x512xi32> -> vector<64x512xi32>
    %slice3A_1801 = vector.extract_strided_slice %select_n3A_1647 {offsets = [63, 0], sizes = [1, 512], strides = [1, 1]} : vector<64x512xi32> to vector<1x512xi32>
    %slice3A_1802 = vector.extract_strided_slice %select_n3A_1647 {offsets = [0, 0], sizes = [63, 512], strides = [1, 1]} : vector<64x512xi32> to vector<63x512xi32>
    %concatenate3A_1803 = tpu.concatenate %slice3A_1801, %slice3A_1802 in 0 : vector<1x512xi32>, vector<63x512xi32> -> vector<64x512xi32>
    %broadcast_in_dim3A_1804 = vector.shape_cast %eq3A_1653 : vector<64x1xi1> to vector<64x1xi1>
    %broadcast_in_dim3A_1805 = vector.broadcast %broadcast_in_dim3A_1804 : vector<64x1xi1> to vector<64x512xi1>
    %select_n3A_1806 = arith.select %broadcast_in_dim3A_1805, %concatenate3A_1800, %concatenate3A_1803 : vector<64x512xi1>, vector<64x512xi32>
    %and3A_1807 = arith.constant 256 : i32
    %and3A_1808 = vector.broadcast %and3A_1807 : i32 to vector<1x512xi32>
    %and3A_1809 = arith.andi %iota3A, %and3A_1808 : vector<1x512xi32>
    %eq3A_1810 = arith.constant 0 : i32
    %eq3A_1811 = vector.broadcast %eq3A_1810 : i32 to vector<1x512xi32>
    %eq3A_1812 = arith.cmpi eq, %and3A_1809, %eq3A_1811 : vector<1x512xi32>
    %slice3A_1813 = vector.extract_strided_slice %select_n3A_1806 {offsets = [0, 256], sizes = [64, 256], strides = [1, 1]} : vector<64x512xi32> to vector<64x256xi32>
    %slice3A_1814 = vector.extract_strided_slice %select_n3A_1806 {offsets = [0, 0], sizes = [64, 256], strides = [1, 1]} : vector<64x512xi32> to vector<64x256xi32>
    %concatenate3A_1815 = tpu.concatenate %slice3A_1813, %slice3A_1814 in 1 : vector<64x256xi32>, vector<64x256xi32> -> vector<64x512xi32>
    %slice3A_1816 = vector.extract_strided_slice %select_n3A_1806 {offsets = [0, 256], sizes = [64, 256], strides = [1, 1]} : vector<64x512xi32> to vector<64x256xi32>
    %slice3A_1817 = vector.extract_strided_slice %select_n3A_1806 {offsets = [0, 0], sizes = [64, 256], strides = [1, 1]} : vector<64x512xi32> to vector<64x256xi32>
    %concatenate3A_1818 = tpu.concatenate %slice3A_1816, %slice3A_1817 in 1 : vector<64x256xi32>, vector<64x256xi32> -> vector<64x512xi32>
    %broadcast_in_dim3A_1819 = vector.shape_cast %eq3A_1812 : vector<1x512xi1> to vector<1x512xi1>
    %broadcast_in_dim3A_1820 = vector.broadcast %broadcast_in_dim3A_1819 : vector<1x512xi1> to vector<64x512xi1>
    %select_n3A_1821 = arith.select %broadcast_in_dim3A_1820, %concatenate3A_1815, %concatenate3A_1818 : vector<64x512xi1>, vector<64x512xi32>
    %and3A_1822 = arith.constant 128 : i32
    %and3A_1823 = vector.broadcast %and3A_1822 : i32 to vector<1x512xi32>
    %and3A_1824 = arith.andi %iota3A, %and3A_1823 : vector<1x512xi32>
    %eq3A_1825 = arith.constant 0 : i32
    %eq3A_1826 = vector.broadcast %eq3A_1825 : i32 to vector<1x512xi32>
    %eq3A_1827 = arith.cmpi eq, %and3A_1824, %eq3A_1826 : vector<1x512xi32>
    %slice3A_1828 = vector.extract_strided_slice %select_n3A_1821 {offsets = [0, 128], sizes = [64, 384], strides = [1, 1]} : vector<64x512xi32> to vector<64x384xi32>
    %slice3A_1829 = vector.extract_strided_slice %select_n3A_1821 {offsets = [0, 0], sizes = [64, 128], strides = [1, 1]} : vector<64x512xi32> to vector<64x128xi32>
    %concatenate3A_1830 = tpu.concatenate %slice3A_1828, %slice3A_1829 in 1 : vector<64x384xi32>, vector<64x128xi32> -> vector<64x512xi32>
    %slice3A_1831 = vector.extract_strided_slice %select_n3A_1821 {offsets = [0, 384], sizes = [64, 128], strides = [1, 1]} : vector<64x512xi32> to vector<64x128xi32>
    %slice3A_1832 = vector.extract_strided_slice %select_n3A_1821 {offsets = [0, 0], sizes = [64, 384], strides = [1, 1]} : vector<64x512xi32> to vector<64x384xi32>
    %concatenate3A_1833 = tpu.concatenate %slice3A_1831, %slice3A_1832 in 1 : vector<64x128xi32>, vector<64x384xi32> -> vector<64x512xi32>
    %broadcast_in_dim3A_1834 = vector.shape_cast %eq3A_1827 : vector<1x512xi1> to vector<1x512xi1>
    %broadcast_in_dim3A_1835 = vector.broadcast %broadcast_in_dim3A_1834 : vector<1x512xi1> to vector<64x512xi1>
    %select_n3A_1836 = arith.select %broadcast_in_dim3A_1835, %concatenate3A_1830, %concatenate3A_1833 : vector<64x512xi1>, vector<64x512xi32>
    %and3A_1837 = arith.constant 64 : i32
    %and3A_1838 = vector.broadcast %and3A_1837 : i32 to vector<1x512xi32>
    %and3A_1839 = arith.andi %iota3A, %and3A_1838 : vector<1x512xi32>
    %eq3A_1840 = arith.constant 0 : i32
    %eq3A_1841 = vector.broadcast %eq3A_1840 : i32 to vector<1x512xi32>
    %eq3A_1842 = arith.cmpi eq, %and3A_1839, %eq3A_1841 : vector<1x512xi32>
    %slice3A_1843 = vector.extract_strided_slice %select_n3A_1836 {offsets = [0, 64], sizes = [64, 448], strides = [1, 1]} : vector<64x512xi32> to vector<64x448xi32>
    %slice3A_1844 = vector.extract_strided_slice %select_n3A_1836 {offsets = [0, 0], sizes = [64, 64], strides = [1, 1]} : vector<64x512xi32> to vector<64x64xi32>
    %concatenate3A_1845 = tpu.concatenate %slice3A_1843, %slice3A_1844 in 1 : vector<64x448xi32>, vector<64x64xi32> -> vector<64x512xi32>
    %slice3A_1846 = vector.extract_strided_slice %select_n3A_1836 {offsets = [0, 448], sizes = [64, 64], strides = [1, 1]} : vector<64x512xi32> to vector<64x64xi32>
    %slice3A_1847 = vector.extract_strided_slice %select_n3A_1836 {offsets = [0, 0], sizes = [64, 448], strides = [1, 1]} : vector<64x512xi32> to vector<64x448xi32>
    %concatenate3A_1848 = tpu.concatenate %slice3A_1846, %slice3A_1847 in 1 : vector<64x64xi32>, vector<64x448xi32> -> vector<64x512xi32>
    %broadcast_in_dim3A_1849 = vector.shape_cast %eq3A_1842 : vector<1x512xi1> to vector<1x512xi1>
    %broadcast_in_dim3A_1850 = vector.broadcast %broadcast_in_dim3A_1849 : vector<1x512xi1> to vector<64x512xi1>
    %select_n3A_1851 = arith.select %broadcast_in_dim3A_1850, %concatenate3A_1845, %concatenate3A_1848 : vector<64x512xi1>, vector<64x512xi32>
    %and3A_1852 = arith.constant 32 : i32
    %and3A_1853 = vector.broadcast %and3A_1852 : i32 to vector<1x512xi32>
    %and3A_1854 = arith.andi %iota3A, %and3A_1853 : vector<1x512xi32>
    %eq3A_1855 = arith.constant 0 : i32
    %eq3A_1856 = vector.broadcast %eq3A_1855 : i32 to vector<1x512xi32>
    %eq3A_1857 = arith.cmpi eq, %and3A_1854, %eq3A_1856 : vector<1x512xi32>
    %slice3A_1858 = vector.extract_strided_slice %select_n3A_1851 {offsets = [0, 32], sizes = [64, 480], strides = [1, 1]} : vector<64x512xi32> to vector<64x480xi32>
    %slice3A_1859 = vector.extract_strided_slice %select_n3A_1851 {offsets = [0, 0], sizes = [64, 32], strides = [1, 1]} : vector<64x512xi32> to vector<64x32xi32>
    %concatenate3A_1860 = tpu.concatenate %slice3A_1858, %slice3A_1859 in 1 : vector<64x480xi32>, vector<64x32xi32> -> vector<64x512xi32>
    %slice3A_1861 = vector.extract_strided_slice %select_n3A_1851 {offsets = [0, 480], sizes = [64, 32], strides = [1, 1]} : vector<64x512xi32> to vector<64x32xi32>
    %slice3A_1862 = vector.extract_strided_slice %select_n3A_1851 {offsets = [0, 0], sizes = [64, 480], strides = [1, 1]} : vector<64x512xi32> to vector<64x480xi32>
    %concatenate3A_1863 = tpu.concatenate %slice3A_1861, %slice3A_1862 in 1 : vector<64x32xi32>, vector<64x480xi32> -> vector<64x512xi32>
    %broadcast_in_dim3A_1864 = vector.shape_cast %eq3A_1857 : vector<1x512xi1> to vector<1x512xi1>
    %broadcast_in_dim3A_1865 = vector.broadcast %broadcast_in_dim3A_1864 : vector<1x512xi1> to vector<64x512xi1>
    %select_n3A_1866 = arith.select %broadcast_in_dim3A_1865, %concatenate3A_1860, %concatenate3A_1863 : vector<64x512xi1>, vector<64x512xi32>
    %and3A_1867 = arith.constant 16 : i32
    %and3A_1868 = vector.broadcast %and3A_1867 : i32 to vector<1x512xi32>
    %and3A_1869 = arith.andi %iota3A, %and3A_1868 : vector<1x512xi32>
    %eq3A_1870 = arith.constant 0 : i32
    %eq3A_1871 = vector.broadcast %eq3A_1870 : i32 to vector<1x512xi32>
    %eq3A_1872 = arith.cmpi eq, %and3A_1869, %eq3A_1871 : vector<1x512xi32>
    %slice3A_1873 = vector.extract_strided_slice %select_n3A_1866 {offsets = [0, 16], sizes = [64, 496], strides = [1, 1]} : vector<64x512xi32> to vector<64x496xi32>
    %slice3A_1874 = vector.extract_strided_slice %select_n3A_1866 {offsets = [0, 0], sizes = [64, 16], strides = [1, 1]} : vector<64x512xi32> to vector<64x16xi32>
    %concatenate3A_1875 = tpu.concatenate %slice3A_1873, %slice3A_1874 in 1 : vector<64x496xi32>, vector<64x16xi32> -> vector<64x512xi32>
    %slice3A_1876 = vector.extract_strided_slice %select_n3A_1866 {offsets = [0, 496], sizes = [64, 16], strides = [1, 1]} : vector<64x512xi32> to vector<64x16xi32>
    %slice3A_1877 = vector.extract_strided_slice %select_n3A_1866 {offsets = [0, 0], sizes = [64, 496], strides = [1, 1]} : vector<64x512xi32> to vector<64x496xi32>
    %concatenate3A_1878 = tpu.concatenate %slice3A_1876, %slice3A_1877 in 1 : vector<64x16xi32>, vector<64x496xi32> -> vector<64x512xi32>
    %broadcast_in_dim3A_1879 = vector.shape_cast %eq3A_1872 : vector<1x512xi1> to vector<1x512xi1>
    %broadcast_in_dim3A_1880 = vector.broadcast %broadcast_in_dim3A_1879 : vector<1x512xi1> to vector<64x512xi1>
    %select_n3A_1881 = arith.select %broadcast_in_dim3A_1880, %concatenate3A_1875, %concatenate3A_1878 : vector<64x512xi1>, vector<64x512xi32>
    %and3A_1882 = arith.constant 8 : i32
    %and3A_1883 = vector.broadcast %and3A_1882 : i32 to vector<1x512xi32>
    %and3A_1884 = arith.andi %iota3A, %and3A_1883 : vector<1x512xi32>
    %eq3A_1885 = arith.constant 0 : i32
    %eq3A_1886 = vector.broadcast %eq3A_1885 : i32 to vector<1x512xi32>
    %eq3A_1887 = arith.cmpi eq, %and3A_1884, %eq3A_1886 : vector<1x512xi32>
    %slice3A_1888 = vector.extract_strided_slice %select_n3A_1881 {offsets = [0, 8], sizes = [64, 504], strides = [1, 1]} : vector<64x512xi32> to vector<64x504xi32>
    %slice3A_1889 = vector.extract_strided_slice %select_n3A_1881 {offsets = [0, 0], sizes = [64, 8], strides = [1, 1]} : vector<64x512xi32> to vector<64x8xi32>
    %concatenate3A_1890 = tpu.concatenate %slice3A_1888, %slice3A_1889 in 1 : vector<64x504xi32>, vector<64x8xi32> -> vector<64x512xi32>
    %slice3A_1891 = vector.extract_strided_slice %select_n3A_1881 {offsets = [0, 504], sizes = [64, 8], strides = [1, 1]} : vector<64x512xi32> to vector<64x8xi32>
    %slice3A_1892 = vector.extract_strided_slice %select_n3A_1881 {offsets = [0, 0], sizes = [64, 504], strides = [1, 1]} : vector<64x512xi32> to vector<64x504xi32>
    %concatenate3A_1893 = tpu.concatenate %slice3A_1891, %slice3A_1892 in 1 : vector<64x8xi32>, vector<64x504xi32> -> vector<64x512xi32>
    %broadcast_in_dim3A_1894 = vector.shape_cast %eq3A_1887 : vector<1x512xi1> to vector<1x512xi1>
    %broadcast_in_dim3A_1895 = vector.broadcast %broadcast_in_dim3A_1894 : vector<1x512xi1> to vector<64x512xi1>
    %select_n3A_1896 = arith.select %broadcast_in_dim3A_1895, %concatenate3A_1890, %concatenate3A_1893 : vector<64x512xi1>, vector<64x512xi32>
    %and3A_1897 = arith.constant 4 : i32
    %and3A_1898 = vector.broadcast %and3A_1897 : i32 to vector<1x512xi32>
    %and3A_1899 = arith.andi %iota3A, %and3A_1898 : vector<1x512xi32>
    %eq3A_1900 = arith.constant 0 : i32
    %eq3A_1901 = vector.broadcast %eq3A_1900 : i32 to vector<1x512xi32>
    %eq3A_1902 = arith.cmpi eq, %and3A_1899, %eq3A_1901 : vector<1x512xi32>
    %slice3A_1903 = vector.extract_strided_slice %select_n3A_1896 {offsets = [0, 4], sizes = [64, 508], strides = [1, 1]} : vector<64x512xi32> to vector<64x508xi32>
    %slice3A_1904 = vector.extract_strided_slice %select_n3A_1896 {offsets = [0, 0], sizes = [64, 4], strides = [1, 1]} : vector<64x512xi32> to vector<64x4xi32>
    %concatenate3A_1905 = tpu.concatenate %slice3A_1903, %slice3A_1904 in 1 : vector<64x508xi32>, vector<64x4xi32> -> vector<64x512xi32>
    %slice3A_1906 = vector.extract_strided_slice %select_n3A_1896 {offsets = [0, 508], sizes = [64, 4], strides = [1, 1]} : vector<64x512xi32> to vector<64x4xi32>
    %slice3A_1907 = vector.extract_strided_slice %select_n3A_1896 {offsets = [0, 0], sizes = [64, 508], strides = [1, 1]} : vector<64x512xi32> to vector<64x508xi32>
    %concatenate3A_1908 = tpu.concatenate %slice3A_1906, %slice3A_1907 in 1 : vector<64x4xi32>, vector<64x508xi32> -> vector<64x512xi32>
    %broadcast_in_dim3A_1909 = vector.shape_cast %eq3A_1902 : vector<1x512xi1> to vector<1x512xi1>
    %broadcast_in_dim3A_1910 = vector.broadcast %broadcast_in_dim3A_1909 : vector<1x512xi1> to vector<64x512xi1>
    %select_n3A_1911 = arith.select %broadcast_in_dim3A_1910, %concatenate3A_1905, %concatenate3A_1908 : vector<64x512xi1>, vector<64x512xi32>
    %and3A_1912 = arith.constant 2 : i32
    %and3A_1913 = vector.broadcast %and3A_1912 : i32 to vector<1x512xi32>
    %and3A_1914 = arith.andi %iota3A, %and3A_1913 : vector<1x512xi32>
    %eq3A_1915 = arith.constant 0 : i32
    %eq3A_1916 = vector.broadcast %eq3A_1915 : i32 to vector<1x512xi32>
    %eq3A_1917 = arith.cmpi eq, %and3A_1914, %eq3A_1916 : vector<1x512xi32>
    %slice3A_1918 = vector.extract_strided_slice %select_n3A_1911 {offsets = [0, 2], sizes = [64, 510], strides = [1, 1]} : vector<64x512xi32> to vector<64x510xi32>
    %slice3A_1919 = vector.extract_strided_slice %select_n3A_1911 {offsets = [0, 0], sizes = [64, 2], strides = [1, 1]} : vector<64x512xi32> to vector<64x2xi32>
    %concatenate3A_1920 = tpu.concatenate %slice3A_1918, %slice3A_1919 in 1 : vector<64x510xi32>, vector<64x2xi32> -> vector<64x512xi32>
    %slice3A_1921 = vector.extract_strided_slice %select_n3A_1911 {offsets = [0, 510], sizes = [64, 2], strides = [1, 1]} : vector<64x512xi32> to vector<64x2xi32>
    %slice3A_1922 = vector.extract_strided_slice %select_n3A_1911 {offsets = [0, 0], sizes = [64, 510], strides = [1, 1]} : vector<64x512xi32> to vector<64x510xi32>
    %concatenate3A_1923 = tpu.concatenate %slice3A_1921, %slice3A_1922 in 1 : vector<64x2xi32>, vector<64x510xi32> -> vector<64x512xi32>
    %broadcast_in_dim3A_1924 = vector.shape_cast %eq3A_1917 : vector<1x512xi1> to vector<1x512xi1>
    %broadcast_in_dim3A_1925 = vector.broadcast %broadcast_in_dim3A_1924 : vector<1x512xi1> to vector<64x512xi1>
    %select_n3A_1926 = arith.select %broadcast_in_dim3A_1925, %concatenate3A_1920, %concatenate3A_1923 : vector<64x512xi1>, vector<64x512xi32>
    %and3A_1927 = arith.constant 1 : i32
    %and3A_1928 = vector.broadcast %and3A_1927 : i32 to vector<1x512xi32>
    %and3A_1929 = arith.andi %iota3A, %and3A_1928 : vector<1x512xi32>
    %eq3A_1930 = arith.constant 0 : i32
    %eq3A_1931 = vector.broadcast %eq3A_1930 : i32 to vector<1x512xi32>
    %eq3A_1932 = arith.cmpi eq, %and3A_1929, %eq3A_1931 : vector<1x512xi32>
    %slice3A_1933 = vector.extract_strided_slice %select_n3A_1926 {offsets = [0, 1], sizes = [64, 511], strides = [1, 1]} : vector<64x512xi32> to vector<64x511xi32>
    %slice3A_1934 = vector.extract_strided_slice %select_n3A_1926 {offsets = [0, 0], sizes = [64, 1], strides = [1, 1]} : vector<64x512xi32> to vector<64x1xi32>
    %concatenate3A_1935 = tpu.concatenate %slice3A_1933, %slice3A_1934 in 1 : vector<64x511xi32>, vector<64x1xi32> -> vector<64x512xi32>
    %slice3A_1936 = vector.extract_strided_slice %select_n3A_1926 {offsets = [0, 511], sizes = [64, 1], strides = [1, 1]} : vector<64x512xi32> to vector<64x1xi32>
    %slice3A_1937 = vector.extract_strided_slice %select_n3A_1926 {offsets = [0, 0], sizes = [64, 511], strides = [1, 1]} : vector<64x512xi32> to vector<64x511xi32>
    %concatenate3A_1938 = tpu.concatenate %slice3A_1936, %slice3A_1937 in 1 : vector<64x1xi32>, vector<64x511xi32> -> vector<64x512xi32>
    %broadcast_in_dim3A_1939 = vector.shape_cast %eq3A_1932 : vector<1x512xi1> to vector<1x512xi1>
    %broadcast_in_dim3A_1940 = vector.broadcast %broadcast_in_dim3A_1939 : vector<1x512xi1> to vector<64x512xi1>
    %select_n3A_1941 = arith.select %broadcast_in_dim3A_1940, %concatenate3A_1935, %concatenate3A_1938 : vector<64x512xi1>, vector<64x512xi32>
    %gt3A_1942 = arith.cmpf ogt, %select_n3A_1646, %select_n3A_1797 : vector<64x512xf32>
    %eq3A_1943 = arith.cmpf oeq, %select_n3A_1646, %select_n3A_1797 : vector<64x512xf32>
    %lt3A_1944 = arith.cmpi slt, %select_n3A_1647, %select_n3A_1941 : vector<64x512xi32>
    %and3A_1945 = arith.andi %eq3A_1943, %lt3A_1944 : vector<64x512xi1>
    %or3A_1946 = arith.ori %gt3A_1942, %and3A_1945 : vector<64x512xi1>
    %not3A = arith.constant dense<true> : vector<64x1xi1>
    %not3A_1947 = arith.xori %eq3A_1653, %not3A : vector<64x1xi1>
    %xor3A_1948 = vector.broadcast %not3A_1947 : vector<64x1xi1> to vector<64x512xi1>
    %xor3A_1949 = arith.xori %or3A_1946, %xor3A_1948 : vector<64x512xi1>
    %select_n3A_1950 = arith.select %xor3A_1949, %select_n3A_1646, %select_n3A_1797 : vector<64x512xi1>, vector<64x512xf32>
    %select_n3A_1951 = arith.select %xor3A_1949, %select_n3A_1647, %select_n3A_1941 : vector<64x512xi1>, vector<64x512xi32>
    %and3A_1952 = arith.constant 256 : i32
    %and3A_1953 = vector.broadcast %and3A_1952 : i32 to vector<1x512xi32>
    %and3A_1954 = arith.andi %iota3A, %and3A_1953 : vector<1x512xi32>
    %eq3A_1955 = arith.constant 0 : i32
    %eq3A_1956 = vector.broadcast %eq3A_1955 : i32 to vector<1x512xi32>
    %eq3A_1957 = arith.cmpi eq, %and3A_1954, %eq3A_1956 : vector<1x512xi32>
    %slice3A_1958 = vector.extract_strided_slice %select_n3A_1950 {offsets = [0, 256], sizes = [64, 256], strides = [1, 1]} : vector<64x512xf32> to vector<64x256xf32>
    %slice3A_1959 = vector.extract_strided_slice %select_n3A_1950 {offsets = [0, 0], sizes = [64, 256], strides = [1, 1]} : vector<64x512xf32> to vector<64x256xf32>
    %concatenate3A_1960 = tpu.concatenate %slice3A_1958, %slice3A_1959 in 1 : vector<64x256xf32>, vector<64x256xf32> -> vector<64x512xf32>
    %slice3A_1961 = vector.extract_strided_slice %select_n3A_1950 {offsets = [0, 256], sizes = [64, 256], strides = [1, 1]} : vector<64x512xf32> to vector<64x256xf32>
    %slice3A_1962 = vector.extract_strided_slice %select_n3A_1950 {offsets = [0, 0], sizes = [64, 256], strides = [1, 1]} : vector<64x512xf32> to vector<64x256xf32>
    %concatenate3A_1963 = tpu.concatenate %slice3A_1961, %slice3A_1962 in 1 : vector<64x256xf32>, vector<64x256xf32> -> vector<64x512xf32>
    %broadcast_in_dim3A_1964 = vector.shape_cast %eq3A_1957 : vector<1x512xi1> to vector<1x512xi1>
    %broadcast_in_dim3A_1965 = vector.broadcast %broadcast_in_dim3A_1964 : vector<1x512xi1> to vector<64x512xi1>
    %select_n3A_1966 = arith.select %broadcast_in_dim3A_1965, %concatenate3A_1960, %concatenate3A_1963 : vector<64x512xi1>, vector<64x512xf32>
    %slice3A_1967 = vector.extract_strided_slice %select_n3A_1951 {offsets = [0, 256], sizes = [64, 256], strides = [1, 1]} : vector<64x512xi32> to vector<64x256xi32>
    %slice3A_1968 = vector.extract_strided_slice %select_n3A_1951 {offsets = [0, 0], sizes = [64, 256], strides = [1, 1]} : vector<64x512xi32> to vector<64x256xi32>
    %concatenate3A_1969 = tpu.concatenate %slice3A_1967, %slice3A_1968 in 1 : vector<64x256xi32>, vector<64x256xi32> -> vector<64x512xi32>
    %slice3A_1970 = vector.extract_strided_slice %select_n3A_1951 {offsets = [0, 256], sizes = [64, 256], strides = [1, 1]} : vector<64x512xi32> to vector<64x256xi32>
    %slice3A_1971 = vector.extract_strided_slice %select_n3A_1951 {offsets = [0, 0], sizes = [64, 256], strides = [1, 1]} : vector<64x512xi32> to vector<64x256xi32>
    %concatenate3A_1972 = tpu.concatenate %slice3A_1970, %slice3A_1971 in 1 : vector<64x256xi32>, vector<64x256xi32> -> vector<64x512xi32>
    %broadcast_in_dim3A_1973 = vector.shape_cast %eq3A_1957 : vector<1x512xi1> to vector<1x512xi1>
    %broadcast_in_dim3A_1974 = vector.broadcast %broadcast_in_dim3A_1973 : vector<1x512xi1> to vector<64x512xi1>
    %select_n3A_1975 = arith.select %broadcast_in_dim3A_1974, %concatenate3A_1969, %concatenate3A_1972 : vector<64x512xi1>, vector<64x512xi32>
    %gt3A_1976 = arith.cmpf ogt, %select_n3A_1950, %select_n3A_1966 : vector<64x512xf32>
    %eq3A_1977 = arith.cmpf oeq, %select_n3A_1950, %select_n3A_1966 : vector<64x512xf32>
    %lt3A_1978 = arith.cmpi slt, %select_n3A_1951, %select_n3A_1975 : vector<64x512xi32>
    %and3A_1979 = arith.andi %eq3A_1977, %lt3A_1978 : vector<64x512xi1>
    %or3A_1980 = arith.ori %gt3A_1976, %and3A_1979 : vector<64x512xi1>
    %xor3A_1981 = vector.broadcast %eq3A_1957 : vector<1x512xi1> to vector<64x512xi1>
    %xor3A_1982 = arith.xori %xor3A_1981, %or3A_1980 : vector<64x512xi1>
    %xor3A_1983 = arith.constant true
    %xor3A_1984 = vector.broadcast %xor3A_1983 : i1 to vector<64x512xi1>
    %xor3A_1985 = arith.xori %xor3A_1982, %xor3A_1984 : vector<64x512xi1>
    %select_n3A_1986 = arith.select %xor3A_1985, %select_n3A_1950, %select_n3A_1966 : vector<64x512xi1>, vector<64x512xf32>
    %select_n3A_1987 = arith.select %xor3A_1985, %select_n3A_1951, %select_n3A_1975 : vector<64x512xi1>, vector<64x512xi32>
    %and3A_1988 = arith.constant 128 : i32
    %and3A_1989 = vector.broadcast %and3A_1988 : i32 to vector<1x512xi32>
    %and3A_1990 = arith.andi %iota3A, %and3A_1989 : vector<1x512xi32>
    %eq3A_1991 = arith.constant 0 : i32
    %eq3A_1992 = vector.broadcast %eq3A_1991 : i32 to vector<1x512xi32>
    %eq3A_1993 = arith.cmpi eq, %and3A_1990, %eq3A_1992 : vector<1x512xi32>
    %slice3A_1994 = vector.extract_strided_slice %select_n3A_1986 {offsets = [0, 128], sizes = [64, 384], strides = [1, 1]} : vector<64x512xf32> to vector<64x384xf32>
    %slice3A_1995 = vector.extract_strided_slice %select_n3A_1986 {offsets = [0, 0], sizes = [64, 128], strides = [1, 1]} : vector<64x512xf32> to vector<64x128xf32>
    %concatenate3A_1996 = tpu.concatenate %slice3A_1994, %slice3A_1995 in 1 : vector<64x384xf32>, vector<64x128xf32> -> vector<64x512xf32>
    %slice3A_1997 = vector.extract_strided_slice %select_n3A_1986 {offsets = [0, 384], sizes = [64, 128], strides = [1, 1]} : vector<64x512xf32> to vector<64x128xf32>
    %slice3A_1998 = vector.extract_strided_slice %select_n3A_1986 {offsets = [0, 0], sizes = [64, 384], strides = [1, 1]} : vector<64x512xf32> to vector<64x384xf32>
    %concatenate3A_1999 = tpu.concatenate %slice3A_1997, %slice3A_1998 in 1 : vector<64x128xf32>, vector<64x384xf32> -> vector<64x512xf32>
    %broadcast_in_dim3A_2000 = vector.shape_cast %eq3A_1993 : vector<1x512xi1> to vector<1x512xi1>
    %broadcast_in_dim3A_2001 = vector.broadcast %broadcast_in_dim3A_2000 : vector<1x512xi1> to vector<64x512xi1>
    %select_n3A_2002 = arith.select %broadcast_in_dim3A_2001, %concatenate3A_1996, %concatenate3A_1999 : vector<64x512xi1>, vector<64x512xf32>
    %slice3A_2003 = vector.extract_strided_slice %select_n3A_1987 {offsets = [0, 128], sizes = [64, 384], strides = [1, 1]} : vector<64x512xi32> to vector<64x384xi32>
    %slice3A_2004 = vector.extract_strided_slice %select_n3A_1987 {offsets = [0, 0], sizes = [64, 128], strides = [1, 1]} : vector<64x512xi32> to vector<64x128xi32>
    %concatenate3A_2005 = tpu.concatenate %slice3A_2003, %slice3A_2004 in 1 : vector<64x384xi32>, vector<64x128xi32> -> vector<64x512xi32>
    %slice3A_2006 = vector.extract_strided_slice %select_n3A_1987 {offsets = [0, 384], sizes = [64, 128], strides = [1, 1]} : vector<64x512xi32> to vector<64x128xi32>
    %slice3A_2007 = vector.extract_strided_slice %select_n3A_1987 {offsets = [0, 0], sizes = [64, 384], strides = [1, 1]} : vector<64x512xi32> to vector<64x384xi32>
    %concatenate3A_2008 = tpu.concatenate %slice3A_2006, %slice3A_2007 in 1 : vector<64x128xi32>, vector<64x384xi32> -> vector<64x512xi32>
    %broadcast_in_dim3A_2009 = vector.shape_cast %eq3A_1993 : vector<1x512xi1> to vector<1x512xi1>
    %broadcast_in_dim3A_2010 = vector.broadcast %broadcast_in_dim3A_2009 : vector<1x512xi1> to vector<64x512xi1>
    %select_n3A_2011 = arith.select %broadcast_in_dim3A_2010, %concatenate3A_2005, %concatenate3A_2008 : vector<64x512xi1>, vector<64x512xi32>
    %gt3A_2012 = arith.cmpf ogt, %select_n3A_1986, %select_n3A_2002 : vector<64x512xf32>
    %eq3A_2013 = arith.cmpf oeq, %select_n3A_1986, %select_n3A_2002 : vector<64x512xf32>
    %lt3A_2014 = arith.cmpi slt, %select_n3A_1987, %select_n3A_2011 : vector<64x512xi32>
    %and3A_2015 = arith.andi %eq3A_2013, %lt3A_2014 : vector<64x512xi1>
    %or3A_2016 = arith.ori %gt3A_2012, %and3A_2015 : vector<64x512xi1>
    %xor3A_2017 = vector.broadcast %eq3A_1993 : vector<1x512xi1> to vector<64x512xi1>
    %xor3A_2018 = arith.xori %xor3A_2017, %or3A_2016 : vector<64x512xi1>
    %xor3A_2019 = arith.constant true
    %xor3A_2020 = vector.broadcast %xor3A_2019 : i1 to vector<64x512xi1>
    %xor3A_2021 = arith.xori %xor3A_2018, %xor3A_2020 : vector<64x512xi1>
    %select_n3A_2022 = arith.select %xor3A_2021, %select_n3A_1986, %select_n3A_2002 : vector<64x512xi1>, vector<64x512xf32>
    %select_n3A_2023 = arith.select %xor3A_2021, %select_n3A_1987, %select_n3A_2011 : vector<64x512xi1>, vector<64x512xi32>
    %and3A_2024 = arith.constant 64 : i32
    %and3A_2025 = vector.broadcast %and3A_2024 : i32 to vector<1x512xi32>
    %and3A_2026 = arith.andi %iota3A, %and3A_2025 : vector<1x512xi32>
    %eq3A_2027 = arith.constant 0 : i32
    %eq3A_2028 = vector.broadcast %eq3A_2027 : i32 to vector<1x512xi32>
    %eq3A_2029 = arith.cmpi eq, %and3A_2026, %eq3A_2028 : vector<1x512xi32>
    %slice3A_2030 = vector.extract_strided_slice %select_n3A_2022 {offsets = [0, 64], sizes = [64, 448], strides = [1, 1]} : vector<64x512xf32> to vector<64x448xf32>
    %slice3A_2031 = vector.extract_strided_slice %select_n3A_2022 {offsets = [0, 0], sizes = [64, 64], strides = [1, 1]} : vector<64x512xf32> to vector<64x64xf32>
    %concatenate3A_2032 = tpu.concatenate %slice3A_2030, %slice3A_2031 in 1 : vector<64x448xf32>, vector<64x64xf32> -> vector<64x512xf32>
    %slice3A_2033 = vector.extract_strided_slice %select_n3A_2022 {offsets = [0, 448], sizes = [64, 64], strides = [1, 1]} : vector<64x512xf32> to vector<64x64xf32>
    %slice3A_2034 = vector.extract_strided_slice %select_n3A_2022 {offsets = [0, 0], sizes = [64, 448], strides = [1, 1]} : vector<64x512xf32> to vector<64x448xf32>
    %concatenate3A_2035 = tpu.concatenate %slice3A_2033, %slice3A_2034 in 1 : vector<64x64xf32>, vector<64x448xf32> -> vector<64x512xf32>
    %broadcast_in_dim3A_2036 = vector.shape_cast %eq3A_2029 : vector<1x512xi1> to vector<1x512xi1>
    %broadcast_in_dim3A_2037 = vector.broadcast %broadcast_in_dim3A_2036 : vector<1x512xi1> to vector<64x512xi1>
    %select_n3A_2038 = arith.select %broadcast_in_dim3A_2037, %concatenate3A_2032, %concatenate3A_2035 : vector<64x512xi1>, vector<64x512xf32>
    %slice3A_2039 = vector.extract_strided_slice %select_n3A_2023 {offsets = [0, 64], sizes = [64, 448], strides = [1, 1]} : vector<64x512xi32> to vector<64x448xi32>
    %slice3A_2040 = vector.extract_strided_slice %select_n3A_2023 {offsets = [0, 0], sizes = [64, 64], strides = [1, 1]} : vector<64x512xi32> to vector<64x64xi32>
    %concatenate3A_2041 = tpu.concatenate %slice3A_2039, %slice3A_2040 in 1 : vector<64x448xi32>, vector<64x64xi32> -> vector<64x512xi32>
    %slice3A_2042 = vector.extract_strided_slice %select_n3A_2023 {offsets = [0, 448], sizes = [64, 64], strides = [1, 1]} : vector<64x512xi32> to vector<64x64xi32>
    %slice3A_2043 = vector.extract_strided_slice %select_n3A_2023 {offsets = [0, 0], sizes = [64, 448], strides = [1, 1]} : vector<64x512xi32> to vector<64x448xi32>
    %concatenate3A_2044 = tpu.concatenate %slice3A_2042, %slice3A_2043 in 1 : vector<64x64xi32>, vector<64x448xi32> -> vector<64x512xi32>
    %broadcast_in_dim3A_2045 = vector.shape_cast %eq3A_2029 : vector<1x512xi1> to vector<1x512xi1>
    %broadcast_in_dim3A_2046 = vector.broadcast %broadcast_in_dim3A_2045 : vector<1x512xi1> to vector<64x512xi1>
    %select_n3A_2047 = arith.select %broadcast_in_dim3A_2046, %concatenate3A_2041, %concatenate3A_2044 : vector<64x512xi1>, vector<64x512xi32>
    %gt3A_2048 = arith.cmpf ogt, %select_n3A_2022, %select_n3A_2038 : vector<64x512xf32>
    %eq3A_2049 = arith.cmpf oeq, %select_n3A_2022, %select_n3A_2038 : vector<64x512xf32>
    %lt3A_2050 = arith.cmpi slt, %select_n3A_2023, %select_n3A_2047 : vector<64x512xi32>
    %and3A_2051 = arith.andi %eq3A_2049, %lt3A_2050 : vector<64x512xi1>
    %or3A_2052 = arith.ori %gt3A_2048, %and3A_2051 : vector<64x512xi1>
    %xor3A_2053 = vector.broadcast %eq3A_2029 : vector<1x512xi1> to vector<64x512xi1>
    %xor3A_2054 = arith.xori %xor3A_2053, %or3A_2052 : vector<64x512xi1>
    %xor3A_2055 = arith.constant true
    %xor3A_2056 = vector.broadcast %xor3A_2055 : i1 to vector<64x512xi1>
    %xor3A_2057 = arith.xori %xor3A_2054, %xor3A_2056 : vector<64x512xi1>
    %select_n3A_2058 = arith.select %xor3A_2057, %select_n3A_2022, %select_n3A_2038 : vector<64x512xi1>, vector<64x512xf32>
    %select_n3A_2059 = arith.select %xor3A_2057, %select_n3A_2023, %select_n3A_2047 : vector<64x512xi1>, vector<64x512xi32>
    %and3A_2060 = arith.constant 32 : i32
    %and3A_2061 = vector.broadcast %and3A_2060 : i32 to vector<1x512xi32>
    %and3A_2062 = arith.andi %iota3A, %and3A_2061 : vector<1x512xi32>
    %eq3A_2063 = arith.constant 0 : i32
    %eq3A_2064 = vector.broadcast %eq3A_2063 : i32 to vector<1x512xi32>
    %eq3A_2065 = arith.cmpi eq, %and3A_2062, %eq3A_2064 : vector<1x512xi32>
    %slice3A_2066 = vector.extract_strided_slice %select_n3A_2058 {offsets = [0, 32], sizes = [64, 480], strides = [1, 1]} : vector<64x512xf32> to vector<64x480xf32>
    %slice3A_2067 = vector.extract_strided_slice %select_n3A_2058 {offsets = [0, 0], sizes = [64, 32], strides = [1, 1]} : vector<64x512xf32> to vector<64x32xf32>
    %concatenate3A_2068 = tpu.concatenate %slice3A_2066, %slice3A_2067 in 1 : vector<64x480xf32>, vector<64x32xf32> -> vector<64x512xf32>
    %slice3A_2069 = vector.extract_strided_slice %select_n3A_2058 {offsets = [0, 480], sizes = [64, 32], strides = [1, 1]} : vector<64x512xf32> to vector<64x32xf32>
    %slice3A_2070 = vector.extract_strided_slice %select_n3A_2058 {offsets = [0, 0], sizes = [64, 480], strides = [1, 1]} : vector<64x512xf32> to vector<64x480xf32>
    %concatenate3A_2071 = tpu.concatenate %slice3A_2069, %slice3A_2070 in 1 : vector<64x32xf32>, vector<64x480xf32> -> vector<64x512xf32>
    %broadcast_in_dim3A_2072 = vector.shape_cast %eq3A_2065 : vector<1x512xi1> to vector<1x512xi1>
    %broadcast_in_dim3A_2073 = vector.broadcast %broadcast_in_dim3A_2072 : vector<1x512xi1> to vector<64x512xi1>
    %select_n3A_2074 = arith.select %broadcast_in_dim3A_2073, %concatenate3A_2068, %concatenate3A_2071 : vector<64x512xi1>, vector<64x512xf32>
    %slice3A_2075 = vector.extract_strided_slice %select_n3A_2059 {offsets = [0, 32], sizes = [64, 480], strides = [1, 1]} : vector<64x512xi32> to vector<64x480xi32>
    %slice3A_2076 = vector.extract_strided_slice %select_n3A_2059 {offsets = [0, 0], sizes = [64, 32], strides = [1, 1]} : vector<64x512xi32> to vector<64x32xi32>
    %concatenate3A_2077 = tpu.concatenate %slice3A_2075, %slice3A_2076 in 1 : vector<64x480xi32>, vector<64x32xi32> -> vector<64x512xi32>
    %slice3A_2078 = vector.extract_strided_slice %select_n3A_2059 {offsets = [0, 480], sizes = [64, 32], strides = [1, 1]} : vector<64x512xi32> to vector<64x32xi32>
    %slice3A_2079 = vector.extract_strided_slice %select_n3A_2059 {offsets = [0, 0], sizes = [64, 480], strides = [1, 1]} : vector<64x512xi32> to vector<64x480xi32>
    %concatenate3A_2080 = tpu.concatenate %slice3A_2078, %slice3A_2079 in 1 : vector<64x32xi32>, vector<64x480xi32> -> vector<64x512xi32>
    %broadcast_in_dim3A_2081 = vector.shape_cast %eq3A_2065 : vector<1x512xi1> to vector<1x512xi1>
    %broadcast_in_dim3A_2082 = vector.broadcast %broadcast_in_dim3A_2081 : vector<1x512xi1> to vector<64x512xi1>
    %select_n3A_2083 = arith.select %broadcast_in_dim3A_2082, %concatenate3A_2077, %concatenate3A_2080 : vector<64x512xi1>, vector<64x512xi32>
    %gt3A_2084 = arith.cmpf ogt, %select_n3A_2058, %select_n3A_2074 : vector<64x512xf32>
    %eq3A_2085 = arith.cmpf oeq, %select_n3A_2058, %select_n3A_2074 : vector<64x512xf32>
    %lt3A_2086 = arith.cmpi slt, %select_n3A_2059, %select_n3A_2083 : vector<64x512xi32>
    %and3A_2087 = arith.andi %eq3A_2085, %lt3A_2086 : vector<64x512xi1>
    %or3A_2088 = arith.ori %gt3A_2084, %and3A_2087 : vector<64x512xi1>
    %xor3A_2089 = vector.broadcast %eq3A_2065 : vector<1x512xi1> to vector<64x512xi1>
    %xor3A_2090 = arith.xori %xor3A_2089, %or3A_2088 : vector<64x512xi1>
    %xor3A_2091 = arith.constant true
    %xor3A_2092 = vector.broadcast %xor3A_2091 : i1 to vector<64x512xi1>
    %xor3A_2093 = arith.xori %xor3A_2090, %xor3A_2092 : vector<64x512xi1>
    %select_n3A_2094 = arith.select %xor3A_2093, %select_n3A_2058, %select_n3A_2074 : vector<64x512xi1>, vector<64x512xf32>
    %select_n3A_2095 = arith.select %xor3A_2093, %select_n3A_2059, %select_n3A_2083 : vector<64x512xi1>, vector<64x512xi32>
    %and3A_2096 = arith.constant 16 : i32
    %and3A_2097 = vector.broadcast %and3A_2096 : i32 to vector<1x512xi32>
    %and3A_2098 = arith.andi %iota3A, %and3A_2097 : vector<1x512xi32>
    %eq3A_2099 = arith.constant 0 : i32
    %eq3A_2100 = vector.broadcast %eq3A_2099 : i32 to vector<1x512xi32>
    %eq3A_2101 = arith.cmpi eq, %and3A_2098, %eq3A_2100 : vector<1x512xi32>
    %slice3A_2102 = vector.extract_strided_slice %select_n3A_2094 {offsets = [0, 16], sizes = [64, 496], strides = [1, 1]} : vector<64x512xf32> to vector<64x496xf32>
    %slice3A_2103 = vector.extract_strided_slice %select_n3A_2094 {offsets = [0, 0], sizes = [64, 16], strides = [1, 1]} : vector<64x512xf32> to vector<64x16xf32>
    %concatenate3A_2104 = tpu.concatenate %slice3A_2102, %slice3A_2103 in 1 : vector<64x496xf32>, vector<64x16xf32> -> vector<64x512xf32>
    %slice3A_2105 = vector.extract_strided_slice %select_n3A_2094 {offsets = [0, 496], sizes = [64, 16], strides = [1, 1]} : vector<64x512xf32> to vector<64x16xf32>
    %slice3A_2106 = vector.extract_strided_slice %select_n3A_2094 {offsets = [0, 0], sizes = [64, 496], strides = [1, 1]} : vector<64x512xf32> to vector<64x496xf32>
    %concatenate3A_2107 = tpu.concatenate %slice3A_2105, %slice3A_2106 in 1 : vector<64x16xf32>, vector<64x496xf32> -> vector<64x512xf32>
    %broadcast_in_dim3A_2108 = vector.shape_cast %eq3A_2101 : vector<1x512xi1> to vector<1x512xi1>
    %broadcast_in_dim3A_2109 = vector.broadcast %broadcast_in_dim3A_2108 : vector<1x512xi1> to vector<64x512xi1>
    %select_n3A_2110 = arith.select %broadcast_in_dim3A_2109, %concatenate3A_2104, %concatenate3A_2107 : vector<64x512xi1>, vector<64x512xf32>
    %slice3A_2111 = vector.extract_strided_slice %select_n3A_2095 {offsets = [0, 16], sizes = [64, 496], strides = [1, 1]} : vector<64x512xi32> to vector<64x496xi32>
    %slice3A_2112 = vector.extract_strided_slice %select_n3A_2095 {offsets = [0, 0], sizes = [64, 16], strides = [1, 1]} : vector<64x512xi32> to vector<64x16xi32>
    %concatenate3A_2113 = tpu.concatenate %slice3A_2111, %slice3A_2112 in 1 : vector<64x496xi32>, vector<64x16xi32> -> vector<64x512xi32>
    %slice3A_2114 = vector.extract_strided_slice %select_n3A_2095 {offsets = [0, 496], sizes = [64, 16], strides = [1, 1]} : vector<64x512xi32> to vector<64x16xi32>
    %slice3A_2115 = vector.extract_strided_slice %select_n3A_2095 {offsets = [0, 0], sizes = [64, 496], strides = [1, 1]} : vector<64x512xi32> to vector<64x496xi32>
    %concatenate3A_2116 = tpu.concatenate %slice3A_2114, %slice3A_2115 in 1 : vector<64x16xi32>, vector<64x496xi32> -> vector<64x512xi32>
    %broadcast_in_dim3A_2117 = vector.shape_cast %eq3A_2101 : vector<1x512xi1> to vector<1x512xi1>
    %broadcast_in_dim3A_2118 = vector.broadcast %broadcast_in_dim3A_2117 : vector<1x512xi1> to vector<64x512xi1>
    %select_n3A_2119 = arith.select %broadcast_in_dim3A_2118, %concatenate3A_2113, %concatenate3A_2116 : vector<64x512xi1>, vector<64x512xi32>
    %gt3A_2120 = arith.cmpf ogt, %select_n3A_2094, %select_n3A_2110 : vector<64x512xf32>
    %eq3A_2121 = arith.cmpf oeq, %select_n3A_2094, %select_n3A_2110 : vector<64x512xf32>
    %lt3A_2122 = arith.cmpi slt, %select_n3A_2095, %select_n3A_2119 : vector<64x512xi32>
    %and3A_2123 = arith.andi %eq3A_2121, %lt3A_2122 : vector<64x512xi1>
    %or3A_2124 = arith.ori %gt3A_2120, %and3A_2123 : vector<64x512xi1>
    %xor3A_2125 = vector.broadcast %eq3A_2101 : vector<1x512xi1> to vector<64x512xi1>
    %xor3A_2126 = arith.xori %xor3A_2125, %or3A_2124 : vector<64x512xi1>
    %xor3A_2127 = arith.constant true
    %xor3A_2128 = vector.broadcast %xor3A_2127 : i1 to vector<64x512xi1>
    %xor3A_2129 = arith.xori %xor3A_2126, %xor3A_2128 : vector<64x512xi1>
    %select_n3A_2130 = arith.select %xor3A_2129, %select_n3A_2094, %select_n3A_2110 : vector<64x512xi1>, vector<64x512xf32>
    %select_n3A_2131 = arith.select %xor3A_2129, %select_n3A_2095, %select_n3A_2119 : vector<64x512xi1>, vector<64x512xi32>
    %and3A_2132 = arith.constant 8 : i32
    %and3A_2133 = vector.broadcast %and3A_2132 : i32 to vector<1x512xi32>
    %and3A_2134 = arith.andi %iota3A, %and3A_2133 : vector<1x512xi32>
    %eq3A_2135 = arith.constant 0 : i32
    %eq3A_2136 = vector.broadcast %eq3A_2135 : i32 to vector<1x512xi32>
    %eq3A_2137 = arith.cmpi eq, %and3A_2134, %eq3A_2136 : vector<1x512xi32>
    %slice3A_2138 = vector.extract_strided_slice %select_n3A_2130 {offsets = [0, 8], sizes = [64, 504], strides = [1, 1]} : vector<64x512xf32> to vector<64x504xf32>
    %slice3A_2139 = vector.extract_strided_slice %select_n3A_2130 {offsets = [0, 0], sizes = [64, 8], strides = [1, 1]} : vector<64x512xf32> to vector<64x8xf32>
    %concatenate3A_2140 = tpu.concatenate %slice3A_2138, %slice3A_2139 in 1 : vector<64x504xf32>, vector<64x8xf32> -> vector<64x512xf32>
    %slice3A_2141 = vector.extract_strided_slice %select_n3A_2130 {offsets = [0, 504], sizes = [64, 8], strides = [1, 1]} : vector<64x512xf32> to vector<64x8xf32>
    %slice3A_2142 = vector.extract_strided_slice %select_n3A_2130 {offsets = [0, 0], sizes = [64, 504], strides = [1, 1]} : vector<64x512xf32> to vector<64x504xf32>
    %concatenate3A_2143 = tpu.concatenate %slice3A_2141, %slice3A_2142 in 1 : vector<64x8xf32>, vector<64x504xf32> -> vector<64x512xf32>
    %broadcast_in_dim3A_2144 = vector.shape_cast %eq3A_2137 : vector<1x512xi1> to vector<1x512xi1>
    %broadcast_in_dim3A_2145 = vector.broadcast %broadcast_in_dim3A_2144 : vector<1x512xi1> to vector<64x512xi1>
    %select_n3A_2146 = arith.select %broadcast_in_dim3A_2145, %concatenate3A_2140, %concatenate3A_2143 : vector<64x512xi1>, vector<64x512xf32>
    %slice3A_2147 = vector.extract_strided_slice %select_n3A_2131 {offsets = [0, 8], sizes = [64, 504], strides = [1, 1]} : vector<64x512xi32> to vector<64x504xi32>
    %slice3A_2148 = vector.extract_strided_slice %select_n3A_2131 {offsets = [0, 0], sizes = [64, 8], strides = [1, 1]} : vector<64x512xi32> to vector<64x8xi32>
    %concatenate3A_2149 = tpu.concatenate %slice3A_2147, %slice3A_2148 in 1 : vector<64x504xi32>, vector<64x8xi32> -> vector<64x512xi32>
    %slice3A_2150 = vector.extract_strided_slice %select_n3A_2131 {offsets = [0, 504], sizes = [64, 8], strides = [1, 1]} : vector<64x512xi32> to vector<64x8xi32>
    %slice3A_2151 = vector.extract_strided_slice %select_n3A_2131 {offsets = [0, 0], sizes = [64, 504], strides = [1, 1]} : vector<64x512xi32> to vector<64x504xi32>
    %concatenate3A_2152 = tpu.concatenate %slice3A_2150, %slice3A_2151 in 1 : vector<64x8xi32>, vector<64x504xi32> -> vector<64x512xi32>
    %broadcast_in_dim3A_2153 = vector.shape_cast %eq3A_2137 : vector<1x512xi1> to vector<1x512xi1>
    %broadcast_in_dim3A_2154 = vector.broadcast %broadcast_in_dim3A_2153 : vector<1x512xi1> to vector<64x512xi1>
    %select_n3A_2155 = arith.select %broadcast_in_dim3A_2154, %concatenate3A_2149, %concatenate3A_2152 : vector<64x512xi1>, vector<64x512xi32>
    %gt3A_2156 = arith.cmpf ogt, %select_n3A_2130, %select_n3A_2146 : vector<64x512xf32>
    %eq3A_2157 = arith.cmpf oeq, %select_n3A_2130, %select_n3A_2146 : vector<64x512xf32>
    %lt3A_2158 = arith.cmpi slt, %select_n3A_2131, %select_n3A_2155 : vector<64x512xi32>
    %and3A_2159 = arith.andi %eq3A_2157, %lt3A_2158 : vector<64x512xi1>
    %or3A_2160 = arith.ori %gt3A_2156, %and3A_2159 : vector<64x512xi1>
    %xor3A_2161 = vector.broadcast %eq3A_2137 : vector<1x512xi1> to vector<64x512xi1>
    %xor3A_2162 = arith.xori %xor3A_2161, %or3A_2160 : vector<64x512xi1>
    %xor3A_2163 = arith.constant true
    %xor3A_2164 = vector.broadcast %xor3A_2163 : i1 to vector<64x512xi1>
    %xor3A_2165 = arith.xori %xor3A_2162, %xor3A_2164 : vector<64x512xi1>
    %select_n3A_2166 = arith.select %xor3A_2165, %select_n3A_2130, %select_n3A_2146 : vector<64x512xi1>, vector<64x512xf32>
    %select_n3A_2167 = arith.select %xor3A_2165, %select_n3A_2131, %select_n3A_2155 : vector<64x512xi1>, vector<64x512xi32>
    %and3A_2168 = arith.constant 4 : i32
    %and3A_2169 = vector.broadcast %and3A_2168 : i32 to vector<1x512xi32>
    %and3A_2170 = arith.andi %iota3A, %and3A_2169 : vector<1x512xi32>
    %eq3A_2171 = arith.constant 0 : i32
    %eq3A_2172 = vector.broadcast %eq3A_2171 : i32 to vector<1x512xi32>
    %eq3A_2173 = arith.cmpi eq, %and3A_2170, %eq3A_2172 : vector<1x512xi32>
    %slice3A_2174 = vector.extract_strided_slice %select_n3A_2166 {offsets = [0, 4], sizes = [64, 508], strides = [1, 1]} : vector<64x512xf32> to vector<64x508xf32>
    %slice3A_2175 = vector.extract_strided_slice %select_n3A_2166 {offsets = [0, 0], sizes = [64, 4], strides = [1, 1]} : vector<64x512xf32> to vector<64x4xf32>
    %concatenate3A_2176 = tpu.concatenate %slice3A_2174, %slice3A_2175 in 1 : vector<64x508xf32>, vector<64x4xf32> -> vector<64x512xf32>
    %slice3A_2177 = vector.extract_strided_slice %select_n3A_2166 {offsets = [0, 508], sizes = [64, 4], strides = [1, 1]} : vector<64x512xf32> to vector<64x4xf32>
    %slice3A_2178 = vector.extract_strided_slice %select_n3A_2166 {offsets = [0, 0], sizes = [64, 508], strides = [1, 1]} : vector<64x512xf32> to vector<64x508xf32>
    %concatenate3A_2179 = tpu.concatenate %slice3A_2177, %slice3A_2178 in 1 : vector<64x4xf32>, vector<64x508xf32> -> vector<64x512xf32>
    %broadcast_in_dim3A_2180 = vector.shape_cast %eq3A_2173 : vector<1x512xi1> to vector<1x512xi1>
    %broadcast_in_dim3A_2181 = vector.broadcast %broadcast_in_dim3A_2180 : vector<1x512xi1> to vector<64x512xi1>
    %select_n3A_2182 = arith.select %broadcast_in_dim3A_2181, %concatenate3A_2176, %concatenate3A_2179 : vector<64x512xi1>, vector<64x512xf32>
    %slice3A_2183 = vector.extract_strided_slice %select_n3A_2167 {offsets = [0, 4], sizes = [64, 508], strides = [1, 1]} : vector<64x512xi32> to vector<64x508xi32>
    %slice3A_2184 = vector.extract_strided_slice %select_n3A_2167 {offsets = [0, 0], sizes = [64, 4], strides = [1, 1]} : vector<64x512xi32> to vector<64x4xi32>
    %concatenate3A_2185 = tpu.concatenate %slice3A_2183, %slice3A_2184 in 1 : vector<64x508xi32>, vector<64x4xi32> -> vector<64x512xi32>
    %slice3A_2186 = vector.extract_strided_slice %select_n3A_2167 {offsets = [0, 508], sizes = [64, 4], strides = [1, 1]} : vector<64x512xi32> to vector<64x4xi32>
    %slice3A_2187 = vector.extract_strided_slice %select_n3A_2167 {offsets = [0, 0], sizes = [64, 508], strides = [1, 1]} : vector<64x512xi32> to vector<64x508xi32>
    %concatenate3A_2188 = tpu.concatenate %slice3A_2186, %slice3A_2187 in 1 : vector<64x4xi32>, vector<64x508xi32> -> vector<64x512xi32>
    %broadcast_in_dim3A_2189 = vector.shape_cast %eq3A_2173 : vector<1x512xi1> to vector<1x512xi1>
    %broadcast_in_dim3A_2190 = vector.broadcast %broadcast_in_dim3A_2189 : vector<1x512xi1> to vector<64x512xi1>
    %select_n3A_2191 = arith.select %broadcast_in_dim3A_2190, %concatenate3A_2185, %concatenate3A_2188 : vector<64x512xi1>, vector<64x512xi32>
    %gt3A_2192 = arith.cmpf ogt, %select_n3A_2166, %select_n3A_2182 : vector<64x512xf32>
    %eq3A_2193 = arith.cmpf oeq, %select_n3A_2166, %select_n3A_2182 : vector<64x512xf32>
    %lt3A_2194 = arith.cmpi slt, %select_n3A_2167, %select_n3A_2191 : vector<64x512xi32>
    %and3A_2195 = arith.andi %eq3A_2193, %lt3A_2194 : vector<64x512xi1>
    %or3A_2196 = arith.ori %gt3A_2192, %and3A_2195 : vector<64x512xi1>
    %xor3A_2197 = vector.broadcast %eq3A_2173 : vector<1x512xi1> to vector<64x512xi1>
    %xor3A_2198 = arith.xori %xor3A_2197, %or3A_2196 : vector<64x512xi1>
    %xor3A_2199 = arith.constant true
    %xor3A_2200 = vector.broadcast %xor3A_2199 : i1 to vector<64x512xi1>
    %xor3A_2201 = arith.xori %xor3A_2198, %xor3A_2200 : vector<64x512xi1>
    %select_n3A_2202 = arith.select %xor3A_2201, %select_n3A_2166, %select_n3A_2182 : vector<64x512xi1>, vector<64x512xf32>
    %select_n3A_2203 = arith.select %xor3A_2201, %select_n3A_2167, %select_n3A_2191 : vector<64x512xi1>, vector<64x512xi32>
    %and3A_2204 = arith.constant 2 : i32
    %and3A_2205 = vector.broadcast %and3A_2204 : i32 to vector<1x512xi32>
    %and3A_2206 = arith.andi %iota3A, %and3A_2205 : vector<1x512xi32>
    %eq3A_2207 = arith.constant 0 : i32
    %eq3A_2208 = vector.broadcast %eq3A_2207 : i32 to vector<1x512xi32>
    %eq3A_2209 = arith.cmpi eq, %and3A_2206, %eq3A_2208 : vector<1x512xi32>
    %slice3A_2210 = vector.extract_strided_slice %select_n3A_2202 {offsets = [0, 2], sizes = [64, 510], strides = [1, 1]} : vector<64x512xf32> to vector<64x510xf32>
    %slice3A_2211 = vector.extract_strided_slice %select_n3A_2202 {offsets = [0, 0], sizes = [64, 2], strides = [1, 1]} : vector<64x512xf32> to vector<64x2xf32>
    %concatenate3A_2212 = tpu.concatenate %slice3A_2210, %slice3A_2211 in 1 : vector<64x510xf32>, vector<64x2xf32> -> vector<64x512xf32>
    %slice3A_2213 = vector.extract_strided_slice %select_n3A_2202 {offsets = [0, 510], sizes = [64, 2], strides = [1, 1]} : vector<64x512xf32> to vector<64x2xf32>
    %slice3A_2214 = vector.extract_strided_slice %select_n3A_2202 {offsets = [0, 0], sizes = [64, 510], strides = [1, 1]} : vector<64x512xf32> to vector<64x510xf32>
    %concatenate3A_2215 = tpu.concatenate %slice3A_2213, %slice3A_2214 in 1 : vector<64x2xf32>, vector<64x510xf32> -> vector<64x512xf32>
    %broadcast_in_dim3A_2216 = vector.shape_cast %eq3A_2209 : vector<1x512xi1> to vector<1x512xi1>
    %broadcast_in_dim3A_2217 = vector.broadcast %broadcast_in_dim3A_2216 : vector<1x512xi1> to vector<64x512xi1>
    %select_n3A_2218 = arith.select %broadcast_in_dim3A_2217, %concatenate3A_2212, %concatenate3A_2215 : vector<64x512xi1>, vector<64x512xf32>
    %slice3A_2219 = vector.extract_strided_slice %select_n3A_2203 {offsets = [0, 2], sizes = [64, 510], strides = [1, 1]} : vector<64x512xi32> to vector<64x510xi32>
    %slice3A_2220 = vector.extract_strided_slice %select_n3A_2203 {offsets = [0, 0], sizes = [64, 2], strides = [1, 1]} : vector<64x512xi32> to vector<64x2xi32>
    %concatenate3A_2221 = tpu.concatenate %slice3A_2219, %slice3A_2220 in 1 : vector<64x510xi32>, vector<64x2xi32> -> vector<64x512xi32>
    %slice3A_2222 = vector.extract_strided_slice %select_n3A_2203 {offsets = [0, 510], sizes = [64, 2], strides = [1, 1]} : vector<64x512xi32> to vector<64x2xi32>
    %slice3A_2223 = vector.extract_strided_slice %select_n3A_2203 {offsets = [0, 0], sizes = [64, 510], strides = [1, 1]} : vector<64x512xi32> to vector<64x510xi32>
    %concatenate3A_2224 = tpu.concatenate %slice3A_2222, %slice3A_2223 in 1 : vector<64x2xi32>, vector<64x510xi32> -> vector<64x512xi32>
    %broadcast_in_dim3A_2225 = vector.shape_cast %eq3A_2209 : vector<1x512xi1> to vector<1x512xi1>
    %broadcast_in_dim3A_2226 = vector.broadcast %broadcast_in_dim3A_2225 : vector<1x512xi1> to vector<64x512xi1>
    %select_n3A_2227 = arith.select %broadcast_in_dim3A_2226, %concatenate3A_2221, %concatenate3A_2224 : vector<64x512xi1>, vector<64x512xi32>
    %gt3A_2228 = arith.cmpf ogt, %select_n3A_2202, %select_n3A_2218 : vector<64x512xf32>
    %eq3A_2229 = arith.cmpf oeq, %select_n3A_2202, %select_n3A_2218 : vector<64x512xf32>
    %lt3A_2230 = arith.cmpi slt, %select_n3A_2203, %select_n3A_2227 : vector<64x512xi32>
    %and3A_2231 = arith.andi %eq3A_2229, %lt3A_2230 : vector<64x512xi1>
    %or3A_2232 = arith.ori %gt3A_2228, %and3A_2231 : vector<64x512xi1>
    %xor3A_2233 = vector.broadcast %eq3A_2209 : vector<1x512xi1> to vector<64x512xi1>
    %xor3A_2234 = arith.xori %xor3A_2233, %or3A_2232 : vector<64x512xi1>
    %xor3A_2235 = arith.constant true
    %xor3A_2236 = vector.broadcast %xor3A_2235 : i1 to vector<64x512xi1>
    %xor3A_2237 = arith.xori %xor3A_2234, %xor3A_2236 : vector<64x512xi1>
    %select_n3A_2238 = arith.select %xor3A_2237, %select_n3A_2202, %select_n3A_2218 : vector<64x512xi1>, vector<64x512xf32>
    %select_n3A_2239 = arith.select %xor3A_2237, %select_n3A_2203, %select_n3A_2227 : vector<64x512xi1>, vector<64x512xi32>
    %and3A_2240 = arith.constant 1 : i32
    %and3A_2241 = vector.broadcast %and3A_2240 : i32 to vector<1x512xi32>
    %and3A_2242 = arith.andi %iota3A, %and3A_2241 : vector<1x512xi32>
    %eq3A_2243 = arith.constant 0 : i32
    %eq3A_2244 = vector.broadcast %eq3A_2243 : i32 to vector<1x512xi32>
    %eq3A_2245 = arith.cmpi eq, %and3A_2242, %eq3A_2244 : vector<1x512xi32>
    %slice3A_2246 = vector.extract_strided_slice %select_n3A_2238 {offsets = [0, 1], sizes = [64, 511], strides = [1, 1]} : vector<64x512xf32> to vector<64x511xf32>
    %slice3A_2247 = vector.extract_strided_slice %select_n3A_2238 {offsets = [0, 0], sizes = [64, 1], strides = [1, 1]} : vector<64x512xf32> to vector<64x1xf32>
    %concatenate3A_2248 = tpu.concatenate %slice3A_2246, %slice3A_2247 in 1 : vector<64x511xf32>, vector<64x1xf32> -> vector<64x512xf32>
    %slice3A_2249 = vector.extract_strided_slice %select_n3A_2238 {offsets = [0, 511], sizes = [64, 1], strides = [1, 1]} : vector<64x512xf32> to vector<64x1xf32>
    %slice3A_2250 = vector.extract_strided_slice %select_n3A_2238 {offsets = [0, 0], sizes = [64, 511], strides = [1, 1]} : vector<64x512xf32> to vector<64x511xf32>
    %concatenate3A_2251 = tpu.concatenate %slice3A_2249, %slice3A_2250 in 1 : vector<64x1xf32>, vector<64x511xf32> -> vector<64x512xf32>
    %broadcast_in_dim3A_2252 = vector.shape_cast %eq3A_2245 : vector<1x512xi1> to vector<1x512xi1>
    %broadcast_in_dim3A_2253 = vector.broadcast %broadcast_in_dim3A_2252 : vector<1x512xi1> to vector<64x512xi1>
    %select_n3A_2254 = arith.select %broadcast_in_dim3A_2253, %concatenate3A_2248, %concatenate3A_2251 : vector<64x512xi1>, vector<64x512xf32>
    %slice3A_2255 = vector.extract_strided_slice %select_n3A_2239 {offsets = [0, 1], sizes = [64, 511], strides = [1, 1]} : vector<64x512xi32> to vector<64x511xi32>
    %slice3A_2256 = vector.extract_strided_slice %select_n3A_2239 {offsets = [0, 0], sizes = [64, 1], strides = [1, 1]} : vector<64x512xi32> to vector<64x1xi32>
    %concatenate3A_2257 = tpu.concatenate %slice3A_2255, %slice3A_2256 in 1 : vector<64x511xi32>, vector<64x1xi32> -> vector<64x512xi32>
    %slice3A_2258 = vector.extract_strided_slice %select_n3A_2239 {offsets = [0, 511], sizes = [64, 1], strides = [1, 1]} : vector<64x512xi32> to vector<64x1xi32>
    %slice3A_2259 = vector.extract_strided_slice %select_n3A_2239 {offsets = [0, 0], sizes = [64, 511], strides = [1, 1]} : vector<64x512xi32> to vector<64x511xi32>
    %concatenate3A_2260 = tpu.concatenate %slice3A_2258, %slice3A_2259 in 1 : vector<64x1xi32>, vector<64x511xi32> -> vector<64x512xi32>
    %broadcast_in_dim3A_2261 = vector.shape_cast %eq3A_2245 : vector<1x512xi1> to vector<1x512xi1>
    %broadcast_in_dim3A_2262 = vector.broadcast %broadcast_in_dim3A_2261 : vector<1x512xi1> to vector<64x512xi1>
    %select_n3A_2263 = arith.select %broadcast_in_dim3A_2262, %concatenate3A_2257, %concatenate3A_2260 : vector<64x512xi1>, vector<64x512xi32>
    %gt3A_2264 = arith.cmpf ogt, %select_n3A_2238, %select_n3A_2254 : vector<64x512xf32>
    %eq3A_2265 = arith.cmpf oeq, %select_n3A_2238, %select_n3A_2254 : vector<64x512xf32>
    %lt3A_2266 = arith.cmpi slt, %select_n3A_2239, %select_n3A_2263 : vector<64x512xi32>
    %and3A_2267 = arith.andi %eq3A_2265, %lt3A_2266 : vector<64x512xi1>
    %or3A_2268 = arith.ori %gt3A_2264, %and3A_2267 : vector<64x512xi1>
    %xor3A_2269 = vector.broadcast %eq3A_2245 : vector<1x512xi1> to vector<64x512xi1>
    %xor3A_2270 = arith.xori %xor3A_2269, %or3A_2268 : vector<64x512xi1>
    %xor3A_2271 = arith.constant true
    %xor3A_2272 = vector.broadcast %xor3A_2271 : i1 to vector<64x512xi1>
    %xor3A_2273 = arith.xori %xor3A_2270, %xor3A_2272 : vector<64x512xi1>
    %select_n3A_2274 = arith.select %xor3A_2273, %select_n3A_2238, %select_n3A_2254 : vector<64x512xi1>, vector<64x512xf32>
    %select_n3A_2275 = arith.select %xor3A_2273, %select_n3A_2239, %select_n3A_2263 : vector<64x512xi1>, vector<64x512xi32>
    %and3A_2276 = arith.constant 2 : i32
    %and3A_2277 = vector.broadcast %and3A_2276 : i32 to vector<64x1xi32>
    %and3A_2278 = arith.andi %select_n3A_19, %and3A_2277 : vector<64x1xi32>
    %eq3A_2279 = arith.constant 0 : i32
    %eq3A_2280 = vector.broadcast %eq3A_2279 : i32 to vector<64x1xi32>
    %eq3A_2281 = arith.cmpi eq, %and3A_2278, %eq3A_2280 : vector<64x1xi32>
    %slice3A_2282 = vector.extract_strided_slice %select_n3A_2274 {offsets = [2, 0], sizes = [62, 512], strides = [1, 1]} : vector<64x512xf32> to vector<62x512xf32>
    %slice3A_2283 = vector.extract_strided_slice %select_n3A_2274 {offsets = [0, 0], sizes = [2, 512], strides = [1, 1]} : vector<64x512xf32> to vector<2x512xf32>
    %concatenate3A_2284 = tpu.concatenate %slice3A_2282, %slice3A_2283 in 0 : vector<62x512xf32>, vector<2x512xf32> -> vector<64x512xf32>
    %slice3A_2285 = vector.extract_strided_slice %select_n3A_2274 {offsets = [62, 0], sizes = [2, 512], strides = [1, 1]} : vector<64x512xf32> to vector<2x512xf32>
    %slice3A_2286 = vector.extract_strided_slice %select_n3A_2274 {offsets = [0, 0], sizes = [62, 512], strides = [1, 1]} : vector<64x512xf32> to vector<62x512xf32>
    %concatenate3A_2287 = tpu.concatenate %slice3A_2285, %slice3A_2286 in 0 : vector<2x512xf32>, vector<62x512xf32> -> vector<64x512xf32>
    %broadcast_in_dim3A_2288 = vector.shape_cast %eq3A_2281 : vector<64x1xi1> to vector<64x1xi1>
    %broadcast_in_dim3A_2289 = vector.broadcast %broadcast_in_dim3A_2288 : vector<64x1xi1> to vector<64x512xi1>
    %select_n3A_2290 = arith.select %broadcast_in_dim3A_2289, %concatenate3A_2284, %concatenate3A_2287 : vector<64x512xi1>, vector<64x512xf32>
    %and3A_2291 = arith.constant 256 : i32
    %and3A_2292 = vector.broadcast %and3A_2291 : i32 to vector<1x512xi32>
    %and3A_2293 = arith.andi %iota3A, %and3A_2292 : vector<1x512xi32>
    %eq3A_2294 = arith.constant 0 : i32
    %eq3A_2295 = vector.broadcast %eq3A_2294 : i32 to vector<1x512xi32>
    %eq3A_2296 = arith.cmpi eq, %and3A_2293, %eq3A_2295 : vector<1x512xi32>
    %slice3A_2297 = vector.extract_strided_slice %select_n3A_2290 {offsets = [0, 256], sizes = [64, 256], strides = [1, 1]} : vector<64x512xf32> to vector<64x256xf32>
    %slice3A_2298 = vector.extract_strided_slice %select_n3A_2290 {offsets = [0, 0], sizes = [64, 256], strides = [1, 1]} : vector<64x512xf32> to vector<64x256xf32>
    %concatenate3A_2299 = tpu.concatenate %slice3A_2297, %slice3A_2298 in 1 : vector<64x256xf32>, vector<64x256xf32> -> vector<64x512xf32>
    %slice3A_2300 = vector.extract_strided_slice %select_n3A_2290 {offsets = [0, 256], sizes = [64, 256], strides = [1, 1]} : vector<64x512xf32> to vector<64x256xf32>
    %slice3A_2301 = vector.extract_strided_slice %select_n3A_2290 {offsets = [0, 0], sizes = [64, 256], strides = [1, 1]} : vector<64x512xf32> to vector<64x256xf32>
    %concatenate3A_2302 = tpu.concatenate %slice3A_2300, %slice3A_2301 in 1 : vector<64x256xf32>, vector<64x256xf32> -> vector<64x512xf32>
    %broadcast_in_dim3A_2303 = vector.shape_cast %eq3A_2296 : vector<1x512xi1> to vector<1x512xi1>
    %broadcast_in_dim3A_2304 = vector.broadcast %broadcast_in_dim3A_2303 : vector<1x512xi1> to vector<64x512xi1>
    %select_n3A_2305 = arith.select %broadcast_in_dim3A_2304, %concatenate3A_2299, %concatenate3A_2302 : vector<64x512xi1>, vector<64x512xf32>
    %and3A_2306 = arith.constant 128 : i32
    %and3A_2307 = vector.broadcast %and3A_2306 : i32 to vector<1x512xi32>
    %and3A_2308 = arith.andi %iota3A, %and3A_2307 : vector<1x512xi32>
    %eq3A_2309 = arith.constant 0 : i32
    %eq3A_2310 = vector.broadcast %eq3A_2309 : i32 to vector<1x512xi32>
    %eq3A_2311 = arith.cmpi eq, %and3A_2308, %eq3A_2310 : vector<1x512xi32>
    %slice3A_2312 = vector.extract_strided_slice %select_n3A_2305 {offsets = [0, 128], sizes = [64, 384], strides = [1, 1]} : vector<64x512xf32> to vector<64x384xf32>
    %slice3A_2313 = vector.extract_strided_slice %select_n3A_2305 {offsets = [0, 0], sizes = [64, 128], strides = [1, 1]} : vector<64x512xf32> to vector<64x128xf32>
    %concatenate3A_2314 = tpu.concatenate %slice3A_2312, %slice3A_2313 in 1 : vector<64x384xf32>, vector<64x128xf32> -> vector<64x512xf32>
    %slice3A_2315 = vector.extract_strided_slice %select_n3A_2305 {offsets = [0, 384], sizes = [64, 128], strides = [1, 1]} : vector<64x512xf32> to vector<64x128xf32>
    %slice3A_2316 = vector.extract_strided_slice %select_n3A_2305 {offsets = [0, 0], sizes = [64, 384], strides = [1, 1]} : vector<64x512xf32> to vector<64x384xf32>
    %concatenate3A_2317 = tpu.concatenate %slice3A_2315, %slice3A_2316 in 1 : vector<64x128xf32>, vector<64x384xf32> -> vector<64x512xf32>
    %broadcast_in_dim3A_2318 = vector.shape_cast %eq3A_2311 : vector<1x512xi1> to vector<1x512xi1>
    %broadcast_in_dim3A_2319 = vector.broadcast %broadcast_in_dim3A_2318 : vector<1x512xi1> to vector<64x512xi1>
    %select_n3A_2320 = arith.select %broadcast_in_dim3A_2319, %concatenate3A_2314, %concatenate3A_2317 : vector<64x512xi1>, vector<64x512xf32>
    %and3A_2321 = arith.constant 64 : i32
    %and3A_2322 = vector.broadcast %and3A_2321 : i32 to vector<1x512xi32>
    %and3A_2323 = arith.andi %iota3A, %and3A_2322 : vector<1x512xi32>
    %eq3A_2324 = arith.constant 0 : i32
    %eq3A_2325 = vector.broadcast %eq3A_2324 : i32 to vector<1x512xi32>
    %eq3A_2326 = arith.cmpi eq, %and3A_2323, %eq3A_2325 : vector<1x512xi32>
    %slice3A_2327 = vector.extract_strided_slice %select_n3A_2320 {offsets = [0, 64], sizes = [64, 448], strides = [1, 1]} : vector<64x512xf32> to vector<64x448xf32>
    %slice3A_2328 = vector.extract_strided_slice %select_n3A_2320 {offsets = [0, 0], sizes = [64, 64], strides = [1, 1]} : vector<64x512xf32> to vector<64x64xf32>
    %concatenate3A_2329 = tpu.concatenate %slice3A_2327, %slice3A_2328 in 1 : vector<64x448xf32>, vector<64x64xf32> -> vector<64x512xf32>
    %slice3A_2330 = vector.extract_strided_slice %select_n3A_2320 {offsets = [0, 448], sizes = [64, 64], strides = [1, 1]} : vector<64x512xf32> to vector<64x64xf32>
    %slice3A_2331 = vector.extract_strided_slice %select_n3A_2320 {offsets = [0, 0], sizes = [64, 448], strides = [1, 1]} : vector<64x512xf32> to vector<64x448xf32>
    %concatenate3A_2332 = tpu.concatenate %slice3A_2330, %slice3A_2331 in 1 : vector<64x64xf32>, vector<64x448xf32> -> vector<64x512xf32>
    %broadcast_in_dim3A_2333 = vector.shape_cast %eq3A_2326 : vector<1x512xi1> to vector<1x512xi1>
    %broadcast_in_dim3A_2334 = vector.broadcast %broadcast_in_dim3A_2333 : vector<1x512xi1> to vector<64x512xi1>
    %select_n3A_2335 = arith.select %broadcast_in_dim3A_2334, %concatenate3A_2329, %concatenate3A_2332 : vector<64x512xi1>, vector<64x512xf32>
    %and3A_2336 = arith.constant 32 : i32
    %and3A_2337 = vector.broadcast %and3A_2336 : i32 to vector<1x512xi32>
    %and3A_2338 = arith.andi %iota3A, %and3A_2337 : vector<1x512xi32>
    %eq3A_2339 = arith.constant 0 : i32
    %eq3A_2340 = vector.broadcast %eq3A_2339 : i32 to vector<1x512xi32>
    %eq3A_2341 = arith.cmpi eq, %and3A_2338, %eq3A_2340 : vector<1x512xi32>
    %slice3A_2342 = vector.extract_strided_slice %select_n3A_2335 {offsets = [0, 32], sizes = [64, 480], strides = [1, 1]} : vector<64x512xf32> to vector<64x480xf32>
    %slice3A_2343 = vector.extract_strided_slice %select_n3A_2335 {offsets = [0, 0], sizes = [64, 32], strides = [1, 1]} : vector<64x512xf32> to vector<64x32xf32>
    %concatenate3A_2344 = tpu.concatenate %slice3A_2342, %slice3A_2343 in 1 : vector<64x480xf32>, vector<64x32xf32> -> vector<64x512xf32>
    %slice3A_2345 = vector.extract_strided_slice %select_n3A_2335 {offsets = [0, 480], sizes = [64, 32], strides = [1, 1]} : vector<64x512xf32> to vector<64x32xf32>
    %slice3A_2346 = vector.extract_strided_slice %select_n3A_2335 {offsets = [0, 0], sizes = [64, 480], strides = [1, 1]} : vector<64x512xf32> to vector<64x480xf32>
    %concatenate3A_2347 = tpu.concatenate %slice3A_2345, %slice3A_2346 in 1 : vector<64x32xf32>, vector<64x480xf32> -> vector<64x512xf32>
    %broadcast_in_dim3A_2348 = vector.shape_cast %eq3A_2341 : vector<1x512xi1> to vector<1x512xi1>
    %broadcast_in_dim3A_2349 = vector.broadcast %broadcast_in_dim3A_2348 : vector<1x512xi1> to vector<64x512xi1>
    %select_n3A_2350 = arith.select %broadcast_in_dim3A_2349, %concatenate3A_2344, %concatenate3A_2347 : vector<64x512xi1>, vector<64x512xf32>
    %and3A_2351 = arith.constant 16 : i32
    %and3A_2352 = vector.broadcast %and3A_2351 : i32 to vector<1x512xi32>
    %and3A_2353 = arith.andi %iota3A, %and3A_2352 : vector<1x512xi32>
    %eq3A_2354 = arith.constant 0 : i32
    %eq3A_2355 = vector.broadcast %eq3A_2354 : i32 to vector<1x512xi32>
    %eq3A_2356 = arith.cmpi eq, %and3A_2353, %eq3A_2355 : vector<1x512xi32>
    %slice3A_2357 = vector.extract_strided_slice %select_n3A_2350 {offsets = [0, 16], sizes = [64, 496], strides = [1, 1]} : vector<64x512xf32> to vector<64x496xf32>
    %slice3A_2358 = vector.extract_strided_slice %select_n3A_2350 {offsets = [0, 0], sizes = [64, 16], strides = [1, 1]} : vector<64x512xf32> to vector<64x16xf32>
    %concatenate3A_2359 = tpu.concatenate %slice3A_2357, %slice3A_2358 in 1 : vector<64x496xf32>, vector<64x16xf32> -> vector<64x512xf32>
    %slice3A_2360 = vector.extract_strided_slice %select_n3A_2350 {offsets = [0, 496], sizes = [64, 16], strides = [1, 1]} : vector<64x512xf32> to vector<64x16xf32>
    %slice3A_2361 = vector.extract_strided_slice %select_n3A_2350 {offsets = [0, 0], sizes = [64, 496], strides = [1, 1]} : vector<64x512xf32> to vector<64x496xf32>
    %concatenate3A_2362 = tpu.concatenate %slice3A_2360, %slice3A_2361 in 1 : vector<64x16xf32>, vector<64x496xf32> -> vector<64x512xf32>
    %broadcast_in_dim3A_2363 = vector.shape_cast %eq3A_2356 : vector<1x512xi1> to vector<1x512xi1>
    %broadcast_in_dim3A_2364 = vector.broadcast %broadcast_in_dim3A_2363 : vector<1x512xi1> to vector<64x512xi1>
    %select_n3A_2365 = arith.select %broadcast_in_dim3A_2364, %concatenate3A_2359, %concatenate3A_2362 : vector<64x512xi1>, vector<64x512xf32>
    %and3A_2366 = arith.constant 8 : i32
    %and3A_2367 = vector.broadcast %and3A_2366 : i32 to vector<1x512xi32>
    %and3A_2368 = arith.andi %iota3A, %and3A_2367 : vector<1x512xi32>
    %eq3A_2369 = arith.constant 0 : i32
    %eq3A_2370 = vector.broadcast %eq3A_2369 : i32 to vector<1x512xi32>
    %eq3A_2371 = arith.cmpi eq, %and3A_2368, %eq3A_2370 : vector<1x512xi32>
    %slice3A_2372 = vector.extract_strided_slice %select_n3A_2365 {offsets = [0, 8], sizes = [64, 504], strides = [1, 1]} : vector<64x512xf32> to vector<64x504xf32>
    %slice3A_2373 = vector.extract_strided_slice %select_n3A_2365 {offsets = [0, 0], sizes = [64, 8], strides = [1, 1]} : vector<64x512xf32> to vector<64x8xf32>
    %concatenate3A_2374 = tpu.concatenate %slice3A_2372, %slice3A_2373 in 1 : vector<64x504xf32>, vector<64x8xf32> -> vector<64x512xf32>
    %slice3A_2375 = vector.extract_strided_slice %select_n3A_2365 {offsets = [0, 504], sizes = [64, 8], strides = [1, 1]} : vector<64x512xf32> to vector<64x8xf32>
    %slice3A_2376 = vector.extract_strided_slice %select_n3A_2365 {offsets = [0, 0], sizes = [64, 504], strides = [1, 1]} : vector<64x512xf32> to vector<64x504xf32>
    %concatenate3A_2377 = tpu.concatenate %slice3A_2375, %slice3A_2376 in 1 : vector<64x8xf32>, vector<64x504xf32> -> vector<64x512xf32>
    %broadcast_in_dim3A_2378 = vector.shape_cast %eq3A_2371 : vector<1x512xi1> to vector<1x512xi1>
    %broadcast_in_dim3A_2379 = vector.broadcast %broadcast_in_dim3A_2378 : vector<1x512xi1> to vector<64x512xi1>
    %select_n3A_2380 = arith.select %broadcast_in_dim3A_2379, %concatenate3A_2374, %concatenate3A_2377 : vector<64x512xi1>, vector<64x512xf32>
    %and3A_2381 = arith.constant 4 : i32
    %and3A_2382 = vector.broadcast %and3A_2381 : i32 to vector<1x512xi32>
    %and3A_2383 = arith.andi %iota3A, %and3A_2382 : vector<1x512xi32>
    %eq3A_2384 = arith.constant 0 : i32
    %eq3A_2385 = vector.broadcast %eq3A_2384 : i32 to vector<1x512xi32>
    %eq3A_2386 = arith.cmpi eq, %and3A_2383, %eq3A_2385 : vector<1x512xi32>
    %slice3A_2387 = vector.extract_strided_slice %select_n3A_2380 {offsets = [0, 4], sizes = [64, 508], strides = [1, 1]} : vector<64x512xf32> to vector<64x508xf32>
    %slice3A_2388 = vector.extract_strided_slice %select_n3A_2380 {offsets = [0, 0], sizes = [64, 4], strides = [1, 1]} : vector<64x512xf32> to vector<64x4xf32>
    %concatenate3A_2389 = tpu.concatenate %slice3A_2387, %slice3A_2388 in 1 : vector<64x508xf32>, vector<64x4xf32> -> vector<64x512xf32>
    %slice3A_2390 = vector.extract_strided_slice %select_n3A_2380 {offsets = [0, 508], sizes = [64, 4], strides = [1, 1]} : vector<64x512xf32> to vector<64x4xf32>
    %slice3A_2391 = vector.extract_strided_slice %select_n3A_2380 {offsets = [0, 0], sizes = [64, 508], strides = [1, 1]} : vector<64x512xf32> to vector<64x508xf32>
    %concatenate3A_2392 = tpu.concatenate %slice3A_2390, %slice3A_2391 in 1 : vector<64x4xf32>, vector<64x508xf32> -> vector<64x512xf32>
    %broadcast_in_dim3A_2393 = vector.shape_cast %eq3A_2386 : vector<1x512xi1> to vector<1x512xi1>
    %broadcast_in_dim3A_2394 = vector.broadcast %broadcast_in_dim3A_2393 : vector<1x512xi1> to vector<64x512xi1>
    %select_n3A_2395 = arith.select %broadcast_in_dim3A_2394, %concatenate3A_2389, %concatenate3A_2392 : vector<64x512xi1>, vector<64x512xf32>
    %and3A_2396 = arith.constant 2 : i32
    %and3A_2397 = vector.broadcast %and3A_2396 : i32 to vector<1x512xi32>
    %and3A_2398 = arith.andi %iota3A, %and3A_2397 : vector<1x512xi32>
    %eq3A_2399 = arith.constant 0 : i32
    %eq3A_2400 = vector.broadcast %eq3A_2399 : i32 to vector<1x512xi32>
    %eq3A_2401 = arith.cmpi eq, %and3A_2398, %eq3A_2400 : vector<1x512xi32>
    %slice3A_2402 = vector.extract_strided_slice %select_n3A_2395 {offsets = [0, 2], sizes = [64, 510], strides = [1, 1]} : vector<64x512xf32> to vector<64x510xf32>
    %slice3A_2403 = vector.extract_strided_slice %select_n3A_2395 {offsets = [0, 0], sizes = [64, 2], strides = [1, 1]} : vector<64x512xf32> to vector<64x2xf32>
    %concatenate3A_2404 = tpu.concatenate %slice3A_2402, %slice3A_2403 in 1 : vector<64x510xf32>, vector<64x2xf32> -> vector<64x512xf32>
    %slice3A_2405 = vector.extract_strided_slice %select_n3A_2395 {offsets = [0, 510], sizes = [64, 2], strides = [1, 1]} : vector<64x512xf32> to vector<64x2xf32>
    %slice3A_2406 = vector.extract_strided_slice %select_n3A_2395 {offsets = [0, 0], sizes = [64, 510], strides = [1, 1]} : vector<64x512xf32> to vector<64x510xf32>
    %concatenate3A_2407 = tpu.concatenate %slice3A_2405, %slice3A_2406 in 1 : vector<64x2xf32>, vector<64x510xf32> -> vector<64x512xf32>
    %broadcast_in_dim3A_2408 = vector.shape_cast %eq3A_2401 : vector<1x512xi1> to vector<1x512xi1>
    %broadcast_in_dim3A_2409 = vector.broadcast %broadcast_in_dim3A_2408 : vector<1x512xi1> to vector<64x512xi1>
    %select_n3A_2410 = arith.select %broadcast_in_dim3A_2409, %concatenate3A_2404, %concatenate3A_2407 : vector<64x512xi1>, vector<64x512xf32>
    %and3A_2411 = arith.constant 1 : i32
    %and3A_2412 = vector.broadcast %and3A_2411 : i32 to vector<1x512xi32>
    %and3A_2413 = arith.andi %iota3A, %and3A_2412 : vector<1x512xi32>
    %eq3A_2414 = arith.constant 0 : i32
    %eq3A_2415 = vector.broadcast %eq3A_2414 : i32 to vector<1x512xi32>
    %eq3A_2416 = arith.cmpi eq, %and3A_2413, %eq3A_2415 : vector<1x512xi32>
    %slice3A_2417 = vector.extract_strided_slice %select_n3A_2410 {offsets = [0, 1], sizes = [64, 511], strides = [1, 1]} : vector<64x512xf32> to vector<64x511xf32>
    %slice3A_2418 = vector.extract_strided_slice %select_n3A_2410 {offsets = [0, 0], sizes = [64, 1], strides = [1, 1]} : vector<64x512xf32> to vector<64x1xf32>
    %concatenate3A_2419 = tpu.concatenate %slice3A_2417, %slice3A_2418 in 1 : vector<64x511xf32>, vector<64x1xf32> -> vector<64x512xf32>
    %slice3A_2420 = vector.extract_strided_slice %select_n3A_2410 {offsets = [0, 511], sizes = [64, 1], strides = [1, 1]} : vector<64x512xf32> to vector<64x1xf32>
    %slice3A_2421 = vector.extract_strided_slice %select_n3A_2410 {offsets = [0, 0], sizes = [64, 511], strides = [1, 1]} : vector<64x512xf32> to vector<64x511xf32>
    %concatenate3A_2422 = tpu.concatenate %slice3A_2420, %slice3A_2421 in 1 : vector<64x1xf32>, vector<64x511xf32> -> vector<64x512xf32>
    %broadcast_in_dim3A_2423 = vector.shape_cast %eq3A_2416 : vector<1x512xi1> to vector<1x512xi1>
    %broadcast_in_dim3A_2424 = vector.broadcast %broadcast_in_dim3A_2423 : vector<1x512xi1> to vector<64x512xi1>
    %select_n3A_2425 = arith.select %broadcast_in_dim3A_2424, %concatenate3A_2419, %concatenate3A_2422 : vector<64x512xi1>, vector<64x512xf32>
    %slice3A_2426 = vector.extract_strided_slice %select_n3A_2275 {offsets = [2, 0], sizes = [62, 512], strides = [1, 1]} : vector<64x512xi32> to vector<62x512xi32>
    %slice3A_2427 = vector.extract_strided_slice %select_n3A_2275 {offsets = [0, 0], sizes = [2, 512], strides = [1, 1]} : vector<64x512xi32> to vector<2x512xi32>
    %concatenate3A_2428 = tpu.concatenate %slice3A_2426, %slice3A_2427 in 0 : vector<62x512xi32>, vector<2x512xi32> -> vector<64x512xi32>
    %slice3A_2429 = vector.extract_strided_slice %select_n3A_2275 {offsets = [62, 0], sizes = [2, 512], strides = [1, 1]} : vector<64x512xi32> to vector<2x512xi32>
    %slice3A_2430 = vector.extract_strided_slice %select_n3A_2275 {offsets = [0, 0], sizes = [62, 512], strides = [1, 1]} : vector<64x512xi32> to vector<62x512xi32>
    %concatenate3A_2431 = tpu.concatenate %slice3A_2429, %slice3A_2430 in 0 : vector<2x512xi32>, vector<62x512xi32> -> vector<64x512xi32>
    %broadcast_in_dim3A_2432 = vector.shape_cast %eq3A_2281 : vector<64x1xi1> to vector<64x1xi1>
    %broadcast_in_dim3A_2433 = vector.broadcast %broadcast_in_dim3A_2432 : vector<64x1xi1> to vector<64x512xi1>
    %select_n3A_2434 = arith.select %broadcast_in_dim3A_2433, %concatenate3A_2428, %concatenate3A_2431 : vector<64x512xi1>, vector<64x512xi32>
    %and3A_2435 = arith.constant 256 : i32
    %and3A_2436 = vector.broadcast %and3A_2435 : i32 to vector<1x512xi32>
    %and3A_2437 = arith.andi %iota3A, %and3A_2436 : vector<1x512xi32>
    %eq3A_2438 = arith.constant 0 : i32
    %eq3A_2439 = vector.broadcast %eq3A_2438 : i32 to vector<1x512xi32>
    %eq3A_2440 = arith.cmpi eq, %and3A_2437, %eq3A_2439 : vector<1x512xi32>
    %slice3A_2441 = vector.extract_strided_slice %select_n3A_2434 {offsets = [0, 256], sizes = [64, 256], strides = [1, 1]} : vector<64x512xi32> to vector<64x256xi32>
    %slice3A_2442 = vector.extract_strided_slice %select_n3A_2434 {offsets = [0, 0], sizes = [64, 256], strides = [1, 1]} : vector<64x512xi32> to vector<64x256xi32>
    %concatenate3A_2443 = tpu.concatenate %slice3A_2441, %slice3A_2442 in 1 : vector<64x256xi32>, vector<64x256xi32> -> vector<64x512xi32>
    %slice3A_2444 = vector.extract_strided_slice %select_n3A_2434 {offsets = [0, 256], sizes = [64, 256], strides = [1, 1]} : vector<64x512xi32> to vector<64x256xi32>
    %slice3A_2445 = vector.extract_strided_slice %select_n3A_2434 {offsets = [0, 0], sizes = [64, 256], strides = [1, 1]} : vector<64x512xi32> to vector<64x256xi32>
    %concatenate3A_2446 = tpu.concatenate %slice3A_2444, %slice3A_2445 in 1 : vector<64x256xi32>, vector<64x256xi32> -> vector<64x512xi32>
    %broadcast_in_dim3A_2447 = vector.shape_cast %eq3A_2440 : vector<1x512xi1> to vector<1x512xi1>
    %broadcast_in_dim3A_2448 = vector.broadcast %broadcast_in_dim3A_2447 : vector<1x512xi1> to vector<64x512xi1>
    %select_n3A_2449 = arith.select %broadcast_in_dim3A_2448, %concatenate3A_2443, %concatenate3A_2446 : vector<64x512xi1>, vector<64x512xi32>
    %and3A_2450 = arith.constant 128 : i32
    %and3A_2451 = vector.broadcast %and3A_2450 : i32 to vector<1x512xi32>
    %and3A_2452 = arith.andi %iota3A, %and3A_2451 : vector<1x512xi32>
    %eq3A_2453 = arith.constant 0 : i32
    %eq3A_2454 = vector.broadcast %eq3A_2453 : i32 to vector<1x512xi32>
    %eq3A_2455 = arith.cmpi eq, %and3A_2452, %eq3A_2454 : vector<1x512xi32>
    %slice3A_2456 = vector.extract_strided_slice %select_n3A_2449 {offsets = [0, 128], sizes = [64, 384], strides = [1, 1]} : vector<64x512xi32> to vector<64x384xi32>
    %slice3A_2457 = vector.extract_strided_slice %select_n3A_2449 {offsets = [0, 0], sizes = [64, 128], strides = [1, 1]} : vector<64x512xi32> to vector<64x128xi32>
    %concatenate3A_2458 = tpu.concatenate %slice3A_2456, %slice3A_2457 in 1 : vector<64x384xi32>, vector<64x128xi32> -> vector<64x512xi32>
    %slice3A_2459 = vector.extract_strided_slice %select_n3A_2449 {offsets = [0, 384], sizes = [64, 128], strides = [1, 1]} : vector<64x512xi32> to vector<64x128xi32>
    %slice3A_2460 = vector.extract_strided_slice %select_n3A_2449 {offsets = [0, 0], sizes = [64, 384], strides = [1, 1]} : vector<64x512xi32> to vector<64x384xi32>
    %concatenate3A_2461 = tpu.concatenate %slice3A_2459, %slice3A_2460 in 1 : vector<64x128xi32>, vector<64x384xi32> -> vector<64x512xi32>
    %broadcast_in_dim3A_2462 = vector.shape_cast %eq3A_2455 : vector<1x512xi1> to vector<1x512xi1>
    %broadcast_in_dim3A_2463 = vector.broadcast %broadcast_in_dim3A_2462 : vector<1x512xi1> to vector<64x512xi1>
    %select_n3A_2464 = arith.select %broadcast_in_dim3A_2463, %concatenate3A_2458, %concatenate3A_2461 : vector<64x512xi1>, vector<64x512xi32>
    %and3A_2465 = arith.constant 64 : i32
    %and3A_2466 = vector.broadcast %and3A_2465 : i32 to vector<1x512xi32>
    %and3A_2467 = arith.andi %iota3A, %and3A_2466 : vector<1x512xi32>
    %eq3A_2468 = arith.constant 0 : i32
    %eq3A_2469 = vector.broadcast %eq3A_2468 : i32 to vector<1x512xi32>
    %eq3A_2470 = arith.cmpi eq, %and3A_2467, %eq3A_2469 : vector<1x512xi32>
    %slice3A_2471 = vector.extract_strided_slice %select_n3A_2464 {offsets = [0, 64], sizes = [64, 448], strides = [1, 1]} : vector<64x512xi32> to vector<64x448xi32>
    %slice3A_2472 = vector.extract_strided_slice %select_n3A_2464 {offsets = [0, 0], sizes = [64, 64], strides = [1, 1]} : vector<64x512xi32> to vector<64x64xi32>
    %concatenate3A_2473 = tpu.concatenate %slice3A_2471, %slice3A_2472 in 1 : vector<64x448xi32>, vector<64x64xi32> -> vector<64x512xi32>
    %slice3A_2474 = vector.extract_strided_slice %select_n3A_2464 {offsets = [0, 448], sizes = [64, 64], strides = [1, 1]} : vector<64x512xi32> to vector<64x64xi32>
    %slice3A_2475 = vector.extract_strided_slice %select_n3A_2464 {offsets = [0, 0], sizes = [64, 448], strides = [1, 1]} : vector<64x512xi32> to vector<64x448xi32>
    %concatenate3A_2476 = tpu.concatenate %slice3A_2474, %slice3A_2475 in 1 : vector<64x64xi32>, vector<64x448xi32> -> vector<64x512xi32>
    %broadcast_in_dim3A_2477 = vector.shape_cast %eq3A_2470 : vector<1x512xi1> to vector<1x512xi1>
    %broadcast_in_dim3A_2478 = vector.broadcast %broadcast_in_dim3A_2477 : vector<1x512xi1> to vector<64x512xi1>
    %select_n3A_2479 = arith.select %broadcast_in_dim3A_2478, %concatenate3A_2473, %concatenate3A_2476 : vector<64x512xi1>, vector<64x512xi32>
    %and3A_2480 = arith.constant 32 : i32
    %and3A_2481 = vector.broadcast %and3A_2480 : i32 to vector<1x512xi32>
    %and3A_2482 = arith.andi %iota3A, %and3A_2481 : vector<1x512xi32>
    %eq3A_2483 = arith.constant 0 : i32
    %eq3A_2484 = vector.broadcast %eq3A_2483 : i32 to vector<1x512xi32>
    %eq3A_2485 = arith.cmpi eq, %and3A_2482, %eq3A_2484 : vector<1x512xi32>
    %slice3A_2486 = vector.extract_strided_slice %select_n3A_2479 {offsets = [0, 32], sizes = [64, 480], strides = [1, 1]} : vector<64x512xi32> to vector<64x480xi32>
    %slice3A_2487 = vector.extract_strided_slice %select_n3A_2479 {offsets = [0, 0], sizes = [64, 32], strides = [1, 1]} : vector<64x512xi32> to vector<64x32xi32>
    %concatenate3A_2488 = tpu.concatenate %slice3A_2486, %slice3A_2487 in 1 : vector<64x480xi32>, vector<64x32xi32> -> vector<64x512xi32>
    %slice3A_2489 = vector.extract_strided_slice %select_n3A_2479 {offsets = [0, 480], sizes = [64, 32], strides = [1, 1]} : vector<64x512xi32> to vector<64x32xi32>
    %slice3A_2490 = vector.extract_strided_slice %select_n3A_2479 {offsets = [0, 0], sizes = [64, 480], strides = [1, 1]} : vector<64x512xi32> to vector<64x480xi32>
    %concatenate3A_2491 = tpu.concatenate %slice3A_2489, %slice3A_2490 in 1 : vector<64x32xi32>, vector<64x480xi32> -> vector<64x512xi32>
    %broadcast_in_dim3A_2492 = vector.shape_cast %eq3A_2485 : vector<1x512xi1> to vector<1x512xi1>
    %broadcast_in_dim3A_2493 = vector.broadcast %broadcast_in_dim3A_2492 : vector<1x512xi1> to vector<64x512xi1>
    %select_n3A_2494 = arith.select %broadcast_in_dim3A_2493, %concatenate3A_2488, %concatenate3A_2491 : vector<64x512xi1>, vector<64x512xi32>
    %and3A_2495 = arith.constant 16 : i32
    %and3A_2496 = vector.broadcast %and3A_2495 : i32 to vector<1x512xi32>
    %and3A_2497 = arith.andi %iota3A, %and3A_2496 : vector<1x512xi32>
    %eq3A_2498 = arith.constant 0 : i32
    %eq3A_2499 = vector.broadcast %eq3A_2498 : i32 to vector<1x512xi32>
    %eq3A_2500 = arith.cmpi eq, %and3A_2497, %eq3A_2499 : vector<1x512xi32>
    %slice3A_2501 = vector.extract_strided_slice %select_n3A_2494 {offsets = [0, 16], sizes = [64, 496], strides = [1, 1]} : vector<64x512xi32> to vector<64x496xi32>
    %slice3A_2502 = vector.extract_strided_slice %select_n3A_2494 {offsets = [0, 0], sizes = [64, 16], strides = [1, 1]} : vector<64x512xi32> to vector<64x16xi32>
    %concatenate3A_2503 = tpu.concatenate %slice3A_2501, %slice3A_2502 in 1 : vector<64x496xi32>, vector<64x16xi32> -> vector<64x512xi32>
    %slice3A_2504 = vector.extract_strided_slice %select_n3A_2494 {offsets = [0, 496], sizes = [64, 16], strides = [1, 1]} : vector<64x512xi32> to vector<64x16xi32>
    %slice3A_2505 = vector.extract_strided_slice %select_n3A_2494 {offsets = [0, 0], sizes = [64, 496], strides = [1, 1]} : vector<64x512xi32> to vector<64x496xi32>
    %concatenate3A_2506 = tpu.concatenate %slice3A_2504, %slice3A_2505 in 1 : vector<64x16xi32>, vector<64x496xi32> -> vector<64x512xi32>
    %broadcast_in_dim3A_2507 = vector.shape_cast %eq3A_2500 : vector<1x512xi1> to vector<1x512xi1>
    %broadcast_in_dim3A_2508 = vector.broadcast %broadcast_in_dim3A_2507 : vector<1x512xi1> to vector<64x512xi1>
    %select_n3A_2509 = arith.select %broadcast_in_dim3A_2508, %concatenate3A_2503, %concatenate3A_2506 : vector<64x512xi1>, vector<64x512xi32>
    %and3A_2510 = arith.constant 8 : i32
    %and3A_2511 = vector.broadcast %and3A_2510 : i32 to vector<1x512xi32>
    %and3A_2512 = arith.andi %iota3A, %and3A_2511 : vector<1x512xi32>
    %eq3A_2513 = arith.constant 0 : i32
    %eq3A_2514 = vector.broadcast %eq3A_2513 : i32 to vector<1x512xi32>
    %eq3A_2515 = arith.cmpi eq, %and3A_2512, %eq3A_2514 : vector<1x512xi32>
    %slice3A_2516 = vector.extract_strided_slice %select_n3A_2509 {offsets = [0, 8], sizes = [64, 504], strides = [1, 1]} : vector<64x512xi32> to vector<64x504xi32>
    %slice3A_2517 = vector.extract_strided_slice %select_n3A_2509 {offsets = [0, 0], sizes = [64, 8], strides = [1, 1]} : vector<64x512xi32> to vector<64x8xi32>
    %concatenate3A_2518 = tpu.concatenate %slice3A_2516, %slice3A_2517 in 1 : vector<64x504xi32>, vector<64x8xi32> -> vector<64x512xi32>
    %slice3A_2519 = vector.extract_strided_slice %select_n3A_2509 {offsets = [0, 504], sizes = [64, 8], strides = [1, 1]} : vector<64x512xi32> to vector<64x8xi32>
    %slice3A_2520 = vector.extract_strided_slice %select_n3A_2509 {offsets = [0, 0], sizes = [64, 504], strides = [1, 1]} : vector<64x512xi32> to vector<64x504xi32>
    %concatenate3A_2521 = tpu.concatenate %slice3A_2519, %slice3A_2520 in 1 : vector<64x8xi32>, vector<64x504xi32> -> vector<64x512xi32>
    %broadcast_in_dim3A_2522 = vector.shape_cast %eq3A_2515 : vector<1x512xi1> to vector<1x512xi1>
    %broadcast_in_dim3A_2523 = vector.broadcast %broadcast_in_dim3A_2522 : vector<1x512xi1> to vector<64x512xi1>
    %select_n3A_2524 = arith.select %broadcast_in_dim3A_2523, %concatenate3A_2518, %concatenate3A_2521 : vector<64x512xi1>, vector<64x512xi32>
    %and3A_2525 = arith.constant 4 : i32
    %and3A_2526 = vector.broadcast %and3A_2525 : i32 to vector<1x512xi32>
    %and3A_2527 = arith.andi %iota3A, %and3A_2526 : vector<1x512xi32>
    %eq3A_2528 = arith.constant 0 : i32
    %eq3A_2529 = vector.broadcast %eq3A_2528 : i32 to vector<1x512xi32>
    %eq3A_2530 = arith.cmpi eq, %and3A_2527, %eq3A_2529 : vector<1x512xi32>
    %slice3A_2531 = vector.extract_strided_slice %select_n3A_2524 {offsets = [0, 4], sizes = [64, 508], strides = [1, 1]} : vector<64x512xi32> to vector<64x508xi32>
    %slice3A_2532 = vector.extract_strided_slice %select_n3A_2524 {offsets = [0, 0], sizes = [64, 4], strides = [1, 1]} : vector<64x512xi32> to vector<64x4xi32>
    %concatenate3A_2533 = tpu.concatenate %slice3A_2531, %slice3A_2532 in 1 : vector<64x508xi32>, vector<64x4xi32> -> vector<64x512xi32>
    %slice3A_2534 = vector.extract_strided_slice %select_n3A_2524 {offsets = [0, 508], sizes = [64, 4], strides = [1, 1]} : vector<64x512xi32> to vector<64x4xi32>
    %slice3A_2535 = vector.extract_strided_slice %select_n3A_2524 {offsets = [0, 0], sizes = [64, 508], strides = [1, 1]} : vector<64x512xi32> to vector<64x508xi32>
    %concatenate3A_2536 = tpu.concatenate %slice3A_2534, %slice3A_2535 in 1 : vector<64x4xi32>, vector<64x508xi32> -> vector<64x512xi32>
    %broadcast_in_dim3A_2537 = vector.shape_cast %eq3A_2530 : vector<1x512xi1> to vector<1x512xi1>
    %broadcast_in_dim3A_2538 = vector.broadcast %broadcast_in_dim3A_2537 : vector<1x512xi1> to vector<64x512xi1>
    %select_n3A_2539 = arith.select %broadcast_in_dim3A_2538, %concatenate3A_2533, %concatenate3A_2536 : vector<64x512xi1>, vector<64x512xi32>
    %and3A_2540 = arith.constant 2 : i32
    %and3A_2541 = vector.broadcast %and3A_2540 : i32 to vector<1x512xi32>
    %and3A_2542 = arith.andi %iota3A, %and3A_2541 : vector<1x512xi32>
    %eq3A_2543 = arith.constant 0 : i32
    %eq3A_2544 = vector.broadcast %eq3A_2543 : i32 to vector<1x512xi32>
    %eq3A_2545 = arith.cmpi eq, %and3A_2542, %eq3A_2544 : vector<1x512xi32>
    %slice3A_2546 = vector.extract_strided_slice %select_n3A_2539 {offsets = [0, 2], sizes = [64, 510], strides = [1, 1]} : vector<64x512xi32> to vector<64x510xi32>
    %slice3A_2547 = vector.extract_strided_slice %select_n3A_2539 {offsets = [0, 0], sizes = [64, 2], strides = [1, 1]} : vector<64x512xi32> to vector<64x2xi32>
    %concatenate3A_2548 = tpu.concatenate %slice3A_2546, %slice3A_2547 in 1 : vector<64x510xi32>, vector<64x2xi32> -> vector<64x512xi32>
    %slice3A_2549 = vector.extract_strided_slice %select_n3A_2539 {offsets = [0, 510], sizes = [64, 2], strides = [1, 1]} : vector<64x512xi32> to vector<64x2xi32>
    %slice3A_2550 = vector.extract_strided_slice %select_n3A_2539 {offsets = [0, 0], sizes = [64, 510], strides = [1, 1]} : vector<64x512xi32> to vector<64x510xi32>
    %concatenate3A_2551 = tpu.concatenate %slice3A_2549, %slice3A_2550 in 1 : vector<64x2xi32>, vector<64x510xi32> -> vector<64x512xi32>
    %broadcast_in_dim3A_2552 = vector.shape_cast %eq3A_2545 : vector<1x512xi1> to vector<1x512xi1>
    %broadcast_in_dim3A_2553 = vector.broadcast %broadcast_in_dim3A_2552 : vector<1x512xi1> to vector<64x512xi1>
    %select_n3A_2554 = arith.select %broadcast_in_dim3A_2553, %concatenate3A_2548, %concatenate3A_2551 : vector<64x512xi1>, vector<64x512xi32>
    %and3A_2555 = arith.constant 1 : i32
    %and3A_2556 = vector.broadcast %and3A_2555 : i32 to vector<1x512xi32>
    %and3A_2557 = arith.andi %iota3A, %and3A_2556 : vector<1x512xi32>
    %eq3A_2558 = arith.constant 0 : i32
    %eq3A_2559 = vector.broadcast %eq3A_2558 : i32 to vector<1x512xi32>
    %eq3A_2560 = arith.cmpi eq, %and3A_2557, %eq3A_2559 : vector<1x512xi32>
    %slice3A_2561 = vector.extract_strided_slice %select_n3A_2554 {offsets = [0, 1], sizes = [64, 511], strides = [1, 1]} : vector<64x512xi32> to vector<64x511xi32>
    %slice3A_2562 = vector.extract_strided_slice %select_n3A_2554 {offsets = [0, 0], sizes = [64, 1], strides = [1, 1]} : vector<64x512xi32> to vector<64x1xi32>
    %concatenate3A_2563 = tpu.concatenate %slice3A_2561, %slice3A_2562 in 1 : vector<64x511xi32>, vector<64x1xi32> -> vector<64x512xi32>
    %slice3A_2564 = vector.extract_strided_slice %select_n3A_2554 {offsets = [0, 511], sizes = [64, 1], strides = [1, 1]} : vector<64x512xi32> to vector<64x1xi32>
    %slice3A_2565 = vector.extract_strided_slice %select_n3A_2554 {offsets = [0, 0], sizes = [64, 511], strides = [1, 1]} : vector<64x512xi32> to vector<64x511xi32>
    %concatenate3A_2566 = tpu.concatenate %slice3A_2564, %slice3A_2565 in 1 : vector<64x1xi32>, vector<64x511xi32> -> vector<64x512xi32>
    %broadcast_in_dim3A_2567 = vector.shape_cast %eq3A_2560 : vector<1x512xi1> to vector<1x512xi1>
    %broadcast_in_dim3A_2568 = vector.broadcast %broadcast_in_dim3A_2567 : vector<1x512xi1> to vector<64x512xi1>
    %select_n3A_2569 = arith.select %broadcast_in_dim3A_2568, %concatenate3A_2563, %concatenate3A_2566 : vector<64x512xi1>, vector<64x512xi32>
    %gt3A_2570 = arith.cmpf ogt, %select_n3A_2274, %select_n3A_2425 : vector<64x512xf32>
    %eq3A_2571 = arith.cmpf oeq, %select_n3A_2274, %select_n3A_2425 : vector<64x512xf32>
    %lt3A_2572 = arith.cmpi slt, %select_n3A_2275, %select_n3A_2569 : vector<64x512xi32>
    %and3A_2573 = arith.andi %eq3A_2571, %lt3A_2572 : vector<64x512xi1>
    %or3A_2574 = arith.ori %gt3A_2570, %and3A_2573 : vector<64x512xi1>
    %not3A_2575 = arith.constant dense<true> : vector<64x1xi1>
    %not3A_2576 = arith.xori %eq3A_2281, %not3A_2575 : vector<64x1xi1>
    %xor3A_2577 = vector.broadcast %not3A_2576 : vector<64x1xi1> to vector<64x512xi1>
    %xor3A_2578 = arith.xori %or3A_2574, %xor3A_2577 : vector<64x512xi1>
    %select_n3A_2579 = arith.select %xor3A_2578, %select_n3A_2274, %select_n3A_2425 : vector<64x512xi1>, vector<64x512xf32>
    %select_n3A_2580 = arith.select %xor3A_2578, %select_n3A_2275, %select_n3A_2569 : vector<64x512xi1>, vector<64x512xi32>
    %and3A_2581 = arith.constant 256 : i32
    %and3A_2582 = vector.broadcast %and3A_2581 : i32 to vector<1x512xi32>
    %and3A_2583 = arith.andi %iota3A, %and3A_2582 : vector<1x512xi32>
    %eq3A_2584 = arith.constant 0 : i32
    %eq3A_2585 = vector.broadcast %eq3A_2584 : i32 to vector<1x512xi32>
    %eq3A_2586 = arith.cmpi eq, %and3A_2583, %eq3A_2585 : vector<1x512xi32>
    %slice3A_2587 = vector.extract_strided_slice %select_n3A_2579 {offsets = [0, 256], sizes = [64, 256], strides = [1, 1]} : vector<64x512xf32> to vector<64x256xf32>
    %slice3A_2588 = vector.extract_strided_slice %select_n3A_2579 {offsets = [0, 0], sizes = [64, 256], strides = [1, 1]} : vector<64x512xf32> to vector<64x256xf32>
    %concatenate3A_2589 = tpu.concatenate %slice3A_2587, %slice3A_2588 in 1 : vector<64x256xf32>, vector<64x256xf32> -> vector<64x512xf32>
    %slice3A_2590 = vector.extract_strided_slice %select_n3A_2579 {offsets = [0, 256], sizes = [64, 256], strides = [1, 1]} : vector<64x512xf32> to vector<64x256xf32>
    %slice3A_2591 = vector.extract_strided_slice %select_n3A_2579 {offsets = [0, 0], sizes = [64, 256], strides = [1, 1]} : vector<64x512xf32> to vector<64x256xf32>
    %concatenate3A_2592 = tpu.concatenate %slice3A_2590, %slice3A_2591 in 1 : vector<64x256xf32>, vector<64x256xf32> -> vector<64x512xf32>
    %broadcast_in_dim3A_2593 = vector.shape_cast %eq3A_2586 : vector<1x512xi1> to vector<1x512xi1>
    %broadcast_in_dim3A_2594 = vector.broadcast %broadcast_in_dim3A_2593 : vector<1x512xi1> to vector<64x512xi1>
    %select_n3A_2595 = arith.select %broadcast_in_dim3A_2594, %concatenate3A_2589, %concatenate3A_2592 : vector<64x512xi1>, vector<64x512xf32>
    %slice3A_2596 = vector.extract_strided_slice %select_n3A_2580 {offsets = [0, 256], sizes = [64, 256], strides = [1, 1]} : vector<64x512xi32> to vector<64x256xi32>
    %slice3A_2597 = vector.extract_strided_slice %select_n3A_2580 {offsets = [0, 0], sizes = [64, 256], strides = [1, 1]} : vector<64x512xi32> to vector<64x256xi32>
    %concatenate3A_2598 = tpu.concatenate %slice3A_2596, %slice3A_2597 in 1 : vector<64x256xi32>, vector<64x256xi32> -> vector<64x512xi32>
    %slice3A_2599 = vector.extract_strided_slice %select_n3A_2580 {offsets = [0, 256], sizes = [64, 256], strides = [1, 1]} : vector<64x512xi32> to vector<64x256xi32>
    %slice3A_2600 = vector.extract_strided_slice %select_n3A_2580 {offsets = [0, 0], sizes = [64, 256], strides = [1, 1]} : vector<64x512xi32> to vector<64x256xi32>
    %concatenate3A_2601 = tpu.concatenate %slice3A_2599, %slice3A_2600 in 1 : vector<64x256xi32>, vector<64x256xi32> -> vector<64x512xi32>
    %broadcast_in_dim3A_2602 = vector.shape_cast %eq3A_2586 : vector<1x512xi1> to vector<1x512xi1>
    %broadcast_in_dim3A_2603 = vector.broadcast %broadcast_in_dim3A_2602 : vector<1x512xi1> to vector<64x512xi1>
    %select_n3A_2604 = arith.select %broadcast_in_dim3A_2603, %concatenate3A_2598, %concatenate3A_2601 : vector<64x512xi1>, vector<64x512xi32>
    %gt3A_2605 = arith.cmpf ogt, %select_n3A_2579, %select_n3A_2595 : vector<64x512xf32>
    %eq3A_2606 = arith.cmpf oeq, %select_n3A_2579, %select_n3A_2595 : vector<64x512xf32>
    %lt3A_2607 = arith.cmpi slt, %select_n3A_2580, %select_n3A_2604 : vector<64x512xi32>
    %and3A_2608 = arith.andi %eq3A_2606, %lt3A_2607 : vector<64x512xi1>
    %or3A_2609 = arith.ori %gt3A_2605, %and3A_2608 : vector<64x512xi1>
    %xor3A_2610 = vector.broadcast %eq3A_2586 : vector<1x512xi1> to vector<64x512xi1>
    %xor3A_2611 = arith.xori %xor3A_2610, %or3A_2609 : vector<64x512xi1>
    %xor3A_2612 = arith.constant true
    %xor3A_2613 = vector.broadcast %xor3A_2612 : i1 to vector<64x512xi1>
    %xor3A_2614 = arith.xori %xor3A_2611, %xor3A_2613 : vector<64x512xi1>
    %select_n3A_2615 = arith.select %xor3A_2614, %select_n3A_2579, %select_n3A_2595 : vector<64x512xi1>, vector<64x512xf32>
    %select_n3A_2616 = arith.select %xor3A_2614, %select_n3A_2580, %select_n3A_2604 : vector<64x512xi1>, vector<64x512xi32>
    %and3A_2617 = arith.constant 128 : i32
    %and3A_2618 = vector.broadcast %and3A_2617 : i32 to vector<1x512xi32>
    %and3A_2619 = arith.andi %iota3A, %and3A_2618 : vector<1x512xi32>
    %eq3A_2620 = arith.constant 0 : i32
    %eq3A_2621 = vector.broadcast %eq3A_2620 : i32 to vector<1x512xi32>
    %eq3A_2622 = arith.cmpi eq, %and3A_2619, %eq3A_2621 : vector<1x512xi32>
    %slice3A_2623 = vector.extract_strided_slice %select_n3A_2615 {offsets = [0, 128], sizes = [64, 384], strides = [1, 1]} : vector<64x512xf32> to vector<64x384xf32>
    %slice3A_2624 = vector.extract_strided_slice %select_n3A_2615 {offsets = [0, 0], sizes = [64, 128], strides = [1, 1]} : vector<64x512xf32> to vector<64x128xf32>
    %concatenate3A_2625 = tpu.concatenate %slice3A_2623, %slice3A_2624 in 1 : vector<64x384xf32>, vector<64x128xf32> -> vector<64x512xf32>
    %slice3A_2626 = vector.extract_strided_slice %select_n3A_2615 {offsets = [0, 384], sizes = [64, 128], strides = [1, 1]} : vector<64x512xf32> to vector<64x128xf32>
    %slice3A_2627 = vector.extract_strided_slice %select_n3A_2615 {offsets = [0, 0], sizes = [64, 384], strides = [1, 1]} : vector<64x512xf32> to vector<64x384xf32>
    %concatenate3A_2628 = tpu.concatenate %slice3A_2626, %slice3A_2627 in 1 : vector<64x128xf32>, vector<64x384xf32> -> vector<64x512xf32>
    %broadcast_in_dim3A_2629 = vector.shape_cast %eq3A_2622 : vector<1x512xi1> to vector<1x512xi1>
    %broadcast_in_dim3A_2630 = vector.broadcast %broadcast_in_dim3A_2629 : vector<1x512xi1> to vector<64x512xi1>
    %select_n3A_2631 = arith.select %broadcast_in_dim3A_2630, %concatenate3A_2625, %concatenate3A_2628 : vector<64x512xi1>, vector<64x512xf32>
    %slice3A_2632 = vector.extract_strided_slice %select_n3A_2616 {offsets = [0, 128], sizes = [64, 384], strides = [1, 1]} : vector<64x512xi32> to vector<64x384xi32>
    %slice3A_2633 = vector.extract_strided_slice %select_n3A_2616 {offsets = [0, 0], sizes = [64, 128], strides = [1, 1]} : vector<64x512xi32> to vector<64x128xi32>
    %concatenate3A_2634 = tpu.concatenate %slice3A_2632, %slice3A_2633 in 1 : vector<64x384xi32>, vector<64x128xi32> -> vector<64x512xi32>
    %slice3A_2635 = vector.extract_strided_slice %select_n3A_2616 {offsets = [0, 384], sizes = [64, 128], strides = [1, 1]} : vector<64x512xi32> to vector<64x128xi32>
    %slice3A_2636 = vector.extract_strided_slice %select_n3A_2616 {offsets = [0, 0], sizes = [64, 384], strides = [1, 1]} : vector<64x512xi32> to vector<64x384xi32>
    %concatenate3A_2637 = tpu.concatenate %slice3A_2635, %slice3A_2636 in 1 : vector<64x128xi32>, vector<64x384xi32> -> vector<64x512xi32>
    %broadcast_in_dim3A_2638 = vector.shape_cast %eq3A_2622 : vector<1x512xi1> to vector<1x512xi1>
    %broadcast_in_dim3A_2639 = vector.broadcast %broadcast_in_dim3A_2638 : vector<1x512xi1> to vector<64x512xi1>
    %select_n3A_2640 = arith.select %broadcast_in_dim3A_2639, %concatenate3A_2634, %concatenate3A_2637 : vector<64x512xi1>, vector<64x512xi32>
    %gt3A_2641 = arith.cmpf ogt, %select_n3A_2615, %select_n3A_2631 : vector<64x512xf32>
    %eq3A_2642 = arith.cmpf oeq, %select_n3A_2615, %select_n3A_2631 : vector<64x512xf32>
    %lt3A_2643 = arith.cmpi slt, %select_n3A_2616, %select_n3A_2640 : vector<64x512xi32>
    %and3A_2644 = arith.andi %eq3A_2642, %lt3A_2643 : vector<64x512xi1>
    %or3A_2645 = arith.ori %gt3A_2641, %and3A_2644 : vector<64x512xi1>
    %xor3A_2646 = vector.broadcast %eq3A_2622 : vector<1x512xi1> to vector<64x512xi1>
    %xor3A_2647 = arith.xori %xor3A_2646, %or3A_2645 : vector<64x512xi1>
    %xor3A_2648 = arith.constant true
    %xor3A_2649 = vector.broadcast %xor3A_2648 : i1 to vector<64x512xi1>
    %xor3A_2650 = arith.xori %xor3A_2647, %xor3A_2649 : vector<64x512xi1>
    %select_n3A_2651 = arith.select %xor3A_2650, %select_n3A_2615, %select_n3A_2631 : vector<64x512xi1>, vector<64x512xf32>
    %select_n3A_2652 = arith.select %xor3A_2650, %select_n3A_2616, %select_n3A_2640 : vector<64x512xi1>, vector<64x512xi32>
    %and3A_2653 = arith.constant 64 : i32
    %and3A_2654 = vector.broadcast %and3A_2653 : i32 to vector<1x512xi32>
    %and3A_2655 = arith.andi %iota3A, %and3A_2654 : vector<1x512xi32>
    %eq3A_2656 = arith.constant 0 : i32
    %eq3A_2657 = vector.broadcast %eq3A_2656 : i32 to vector<1x512xi32>
    %eq3A_2658 = arith.cmpi eq, %and3A_2655, %eq3A_2657 : vector<1x512xi32>
    %slice3A_2659 = vector.extract_strided_slice %select_n3A_2651 {offsets = [0, 64], sizes = [64, 448], strides = [1, 1]} : vector<64x512xf32> to vector<64x448xf32>
    %slice3A_2660 = vector.extract_strided_slice %select_n3A_2651 {offsets = [0, 0], sizes = [64, 64], strides = [1, 1]} : vector<64x512xf32> to vector<64x64xf32>
    %concatenate3A_2661 = tpu.concatenate %slice3A_2659, %slice3A_2660 in 1 : vector<64x448xf32>, vector<64x64xf32> -> vector<64x512xf32>
    %slice3A_2662 = vector.extract_strided_slice %select_n3A_2651 {offsets = [0, 448], sizes = [64, 64], strides = [1, 1]} : vector<64x512xf32> to vector<64x64xf32>
    %slice3A_2663 = vector.extract_strided_slice %select_n3A_2651 {offsets = [0, 0], sizes = [64, 448], strides = [1, 1]} : vector<64x512xf32> to vector<64x448xf32>
    %concatenate3A_2664 = tpu.concatenate %slice3A_2662, %slice3A_2663 in 1 : vector<64x64xf32>, vector<64x448xf32> -> vector<64x512xf32>
    %broadcast_in_dim3A_2665 = vector.shape_cast %eq3A_2658 : vector<1x512xi1> to vector<1x512xi1>
    %broadcast_in_dim3A_2666 = vector.broadcast %broadcast_in_dim3A_2665 : vector<1x512xi1> to vector<64x512xi1>
    %select_n3A_2667 = arith.select %broadcast_in_dim3A_2666, %concatenate3A_2661, %concatenate3A_2664 : vector<64x512xi1>, vector<64x512xf32>
    %slice3A_2668 = vector.extract_strided_slice %select_n3A_2652 {offsets = [0, 64], sizes = [64, 448], strides = [1, 1]} : vector<64x512xi32> to vector<64x448xi32>
    %slice3A_2669 = vector.extract_strided_slice %select_n3A_2652 {offsets = [0, 0], sizes = [64, 64], strides = [1, 1]} : vector<64x512xi32> to vector<64x64xi32>
    %concatenate3A_2670 = tpu.concatenate %slice3A_2668, %slice3A_2669 in 1 : vector<64x448xi32>, vector<64x64xi32> -> vector<64x512xi32>
    %slice3A_2671 = vector.extract_strided_slice %select_n3A_2652 {offsets = [0, 448], sizes = [64, 64], strides = [1, 1]} : vector<64x512xi32> to vector<64x64xi32>
    %slice3A_2672 = vector.extract_strided_slice %select_n3A_2652 {offsets = [0, 0], sizes = [64, 448], strides = [1, 1]} : vector<64x512xi32> to vector<64x448xi32>
    %concatenate3A_2673 = tpu.concatenate %slice3A_2671, %slice3A_2672 in 1 : vector<64x64xi32>, vector<64x448xi32> -> vector<64x512xi32>
    %broadcast_in_dim3A_2674 = vector.shape_cast %eq3A_2658 : vector<1x512xi1> to vector<1x512xi1>
    %broadcast_in_dim3A_2675 = vector.broadcast %broadcast_in_dim3A_2674 : vector<1x512xi1> to vector<64x512xi1>
    %select_n3A_2676 = arith.select %broadcast_in_dim3A_2675, %concatenate3A_2670, %concatenate3A_2673 : vector<64x512xi1>, vector<64x512xi32>
    %gt3A_2677 = arith.cmpf ogt, %select_n3A_2651, %select_n3A_2667 : vector<64x512xf32>
    %eq3A_2678 = arith.cmpf oeq, %select_n3A_2651, %select_n3A_2667 : vector<64x512xf32>
    %lt3A_2679 = arith.cmpi slt, %select_n3A_2652, %select_n3A_2676 : vector<64x512xi32>
    %and3A_2680 = arith.andi %eq3A_2678, %lt3A_2679 : vector<64x512xi1>
    %or3A_2681 = arith.ori %gt3A_2677, %and3A_2680 : vector<64x512xi1>
    %xor3A_2682 = vector.broadcast %eq3A_2658 : vector<1x512xi1> to vector<64x512xi1>
    %xor3A_2683 = arith.xori %xor3A_2682, %or3A_2681 : vector<64x512xi1>
    %xor3A_2684 = arith.constant true
    %xor3A_2685 = vector.broadcast %xor3A_2684 : i1 to vector<64x512xi1>
    %xor3A_2686 = arith.xori %xor3A_2683, %xor3A_2685 : vector<64x512xi1>
    %select_n3A_2687 = arith.select %xor3A_2686, %select_n3A_2651, %select_n3A_2667 : vector<64x512xi1>, vector<64x512xf32>
    %select_n3A_2688 = arith.select %xor3A_2686, %select_n3A_2652, %select_n3A_2676 : vector<64x512xi1>, vector<64x512xi32>
    %and3A_2689 = arith.constant 32 : i32
    %and3A_2690 = vector.broadcast %and3A_2689 : i32 to vector<1x512xi32>
    %and3A_2691 = arith.andi %iota3A, %and3A_2690 : vector<1x512xi32>
    %eq3A_2692 = arith.constant 0 : i32
    %eq3A_2693 = vector.broadcast %eq3A_2692 : i32 to vector<1x512xi32>
    %eq3A_2694 = arith.cmpi eq, %and3A_2691, %eq3A_2693 : vector<1x512xi32>
    %slice3A_2695 = vector.extract_strided_slice %select_n3A_2687 {offsets = [0, 32], sizes = [64, 480], strides = [1, 1]} : vector<64x512xf32> to vector<64x480xf32>
    %slice3A_2696 = vector.extract_strided_slice %select_n3A_2687 {offsets = [0, 0], sizes = [64, 32], strides = [1, 1]} : vector<64x512xf32> to vector<64x32xf32>
    %concatenate3A_2697 = tpu.concatenate %slice3A_2695, %slice3A_2696 in 1 : vector<64x480xf32>, vector<64x32xf32> -> vector<64x512xf32>
    %slice3A_2698 = vector.extract_strided_slice %select_n3A_2687 {offsets = [0, 480], sizes = [64, 32], strides = [1, 1]} : vector<64x512xf32> to vector<64x32xf32>
    %slice3A_2699 = vector.extract_strided_slice %select_n3A_2687 {offsets = [0, 0], sizes = [64, 480], strides = [1, 1]} : vector<64x512xf32> to vector<64x480xf32>
    %concatenate3A_2700 = tpu.concatenate %slice3A_2698, %slice3A_2699 in 1 : vector<64x32xf32>, vector<64x480xf32> -> vector<64x512xf32>
    %broadcast_in_dim3A_2701 = vector.shape_cast %eq3A_2694 : vector<1x512xi1> to vector<1x512xi1>
    %broadcast_in_dim3A_2702 = vector.broadcast %broadcast_in_dim3A_2701 : vector<1x512xi1> to vector<64x512xi1>
    %select_n3A_2703 = arith.select %broadcast_in_dim3A_2702, %concatenate3A_2697, %concatenate3A_2700 : vector<64x512xi1>, vector<64x512xf32>
    %slice3A_2704 = vector.extract_strided_slice %select_n3A_2688 {offsets = [0, 32], sizes = [64, 480], strides = [1, 1]} : vector<64x512xi32> to vector<64x480xi32>
    %slice3A_2705 = vector.extract_strided_slice %select_n3A_2688 {offsets = [0, 0], sizes = [64, 32], strides = [1, 1]} : vector<64x512xi32> to vector<64x32xi32>
    %concatenate3A_2706 = tpu.concatenate %slice3A_2704, %slice3A_2705 in 1 : vector<64x480xi32>, vector<64x32xi32> -> vector<64x512xi32>
    %slice3A_2707 = vector.extract_strided_slice %select_n3A_2688 {offsets = [0, 480], sizes = [64, 32], strides = [1, 1]} : vector<64x512xi32> to vector<64x32xi32>
    %slice3A_2708 = vector.extract_strided_slice %select_n3A_2688 {offsets = [0, 0], sizes = [64, 480], strides = [1, 1]} : vector<64x512xi32> to vector<64x480xi32>
    %concatenate3A_2709 = tpu.concatenate %slice3A_2707, %slice3A_2708 in 1 : vector<64x32xi32>, vector<64x480xi32> -> vector<64x512xi32>
    %broadcast_in_dim3A_2710 = vector.shape_cast %eq3A_2694 : vector<1x512xi1> to vector<1x512xi1>
    %broadcast_in_dim3A_2711 = vector.broadcast %broadcast_in_dim3A_2710 : vector<1x512xi1> to vector<64x512xi1>
    %select_n3A_2712 = arith.select %broadcast_in_dim3A_2711, %concatenate3A_2706, %concatenate3A_2709 : vector<64x512xi1>, vector<64x512xi32>
    %gt3A_2713 = arith.cmpf ogt, %select_n3A_2687, %select_n3A_2703 : vector<64x512xf32>
    %eq3A_2714 = arith.cmpf oeq, %select_n3A_2687, %select_n3A_2703 : vector<64x512xf32>
    %lt3A_2715 = arith.cmpi slt, %select_n3A_2688, %select_n3A_2712 : vector<64x512xi32>
    %and3A_2716 = arith.andi %eq3A_2714, %lt3A_2715 : vector<64x512xi1>
    %or3A_2717 = arith.ori %gt3A_2713, %and3A_2716 : vector<64x512xi1>
    %xor3A_2718 = vector.broadcast %eq3A_2694 : vector<1x512xi1> to vector<64x512xi1>
    %xor3A_2719 = arith.xori %xor3A_2718, %or3A_2717 : vector<64x512xi1>
    %xor3A_2720 = arith.constant true
    %xor3A_2721 = vector.broadcast %xor3A_2720 : i1 to vector<64x512xi1>
    %xor3A_2722 = arith.xori %xor3A_2719, %xor3A_2721 : vector<64x512xi1>
    %select_n3A_2723 = arith.select %xor3A_2722, %select_n3A_2687, %select_n3A_2703 : vector<64x512xi1>, vector<64x512xf32>
    %select_n3A_2724 = arith.select %xor3A_2722, %select_n3A_2688, %select_n3A_2712 : vector<64x512xi1>, vector<64x512xi32>
    %and3A_2725 = arith.constant 16 : i32
    %and3A_2726 = vector.broadcast %and3A_2725 : i32 to vector<1x512xi32>
    %and3A_2727 = arith.andi %iota3A, %and3A_2726 : vector<1x512xi32>
    %eq3A_2728 = arith.constant 0 : i32
    %eq3A_2729 = vector.broadcast %eq3A_2728 : i32 to vector<1x512xi32>
    %eq3A_2730 = arith.cmpi eq, %and3A_2727, %eq3A_2729 : vector<1x512xi32>
    %slice3A_2731 = vector.extract_strided_slice %select_n3A_2723 {offsets = [0, 16], sizes = [64, 496], strides = [1, 1]} : vector<64x512xf32> to vector<64x496xf32>
    %slice3A_2732 = vector.extract_strided_slice %select_n3A_2723 {offsets = [0, 0], sizes = [64, 16], strides = [1, 1]} : vector<64x512xf32> to vector<64x16xf32>
    %concatenate3A_2733 = tpu.concatenate %slice3A_2731, %slice3A_2732 in 1 : vector<64x496xf32>, vector<64x16xf32> -> vector<64x512xf32>
    %slice3A_2734 = vector.extract_strided_slice %select_n3A_2723 {offsets = [0, 496], sizes = [64, 16], strides = [1, 1]} : vector<64x512xf32> to vector<64x16xf32>
    %slice3A_2735 = vector.extract_strided_slice %select_n3A_2723 {offsets = [0, 0], sizes = [64, 496], strides = [1, 1]} : vector<64x512xf32> to vector<64x496xf32>
    %concatenate3A_2736 = tpu.concatenate %slice3A_2734, %slice3A_2735 in 1 : vector<64x16xf32>, vector<64x496xf32> -> vector<64x512xf32>
    %broadcast_in_dim3A_2737 = vector.shape_cast %eq3A_2730 : vector<1x512xi1> to vector<1x512xi1>
    %broadcast_in_dim3A_2738 = vector.broadcast %broadcast_in_dim3A_2737 : vector<1x512xi1> to vector<64x512xi1>
    %select_n3A_2739 = arith.select %broadcast_in_dim3A_2738, %concatenate3A_2733, %concatenate3A_2736 : vector<64x512xi1>, vector<64x512xf32>
    %slice3A_2740 = vector.extract_strided_slice %select_n3A_2724 {offsets = [0, 16], sizes = [64, 496], strides = [1, 1]} : vector<64x512xi32> to vector<64x496xi32>
    %slice3A_2741 = vector.extract_strided_slice %select_n3A_2724 {offsets = [0, 0], sizes = [64, 16], strides = [1, 1]} : vector<64x512xi32> to vector<64x16xi32>
    %concatenate3A_2742 = tpu.concatenate %slice3A_2740, %slice3A_2741 in 1 : vector<64x496xi32>, vector<64x16xi32> -> vector<64x512xi32>
    %slice3A_2743 = vector.extract_strided_slice %select_n3A_2724 {offsets = [0, 496], sizes = [64, 16], strides = [1, 1]} : vector<64x512xi32> to vector<64x16xi32>
    %slice3A_2744 = vector.extract_strided_slice %select_n3A_2724 {offsets = [0, 0], sizes = [64, 496], strides = [1, 1]} : vector<64x512xi32> to vector<64x496xi32>
    %concatenate3A_2745 = tpu.concatenate %slice3A_2743, %slice3A_2744 in 1 : vector<64x16xi32>, vector<64x496xi32> -> vector<64x512xi32>
    %broadcast_in_dim3A_2746 = vector.shape_cast %eq3A_2730 : vector<1x512xi1> to vector<1x512xi1>
    %broadcast_in_dim3A_2747 = vector.broadcast %broadcast_in_dim3A_2746 : vector<1x512xi1> to vector<64x512xi1>
    %select_n3A_2748 = arith.select %broadcast_in_dim3A_2747, %concatenate3A_2742, %concatenate3A_2745 : vector<64x512xi1>, vector<64x512xi32>
    %gt3A_2749 = arith.cmpf ogt, %select_n3A_2723, %select_n3A_2739 : vector<64x512xf32>
    %eq3A_2750 = arith.cmpf oeq, %select_n3A_2723, %select_n3A_2739 : vector<64x512xf32>
    %lt3A_2751 = arith.cmpi slt, %select_n3A_2724, %select_n3A_2748 : vector<64x512xi32>
    %and3A_2752 = arith.andi %eq3A_2750, %lt3A_2751 : vector<64x512xi1>
    %or3A_2753 = arith.ori %gt3A_2749, %and3A_2752 : vector<64x512xi1>
    %xor3A_2754 = vector.broadcast %eq3A_2730 : vector<1x512xi1> to vector<64x512xi1>
    %xor3A_2755 = arith.xori %xor3A_2754, %or3A_2753 : vector<64x512xi1>
    %xor3A_2756 = arith.constant true
    %xor3A_2757 = vector.broadcast %xor3A_2756 : i1 to vector<64x512xi1>
    %xor3A_2758 = arith.xori %xor3A_2755, %xor3A_2757 : vector<64x512xi1>
    %select_n3A_2759 = arith.select %xor3A_2758, %select_n3A_2723, %select_n3A_2739 : vector<64x512xi1>, vector<64x512xf32>
    %select_n3A_2760 = arith.select %xor3A_2758, %select_n3A_2724, %select_n3A_2748 : vector<64x512xi1>, vector<64x512xi32>
    %and3A_2761 = arith.constant 8 : i32
    %and3A_2762 = vector.broadcast %and3A_2761 : i32 to vector<1x512xi32>
    %and3A_2763 = arith.andi %iota3A, %and3A_2762 : vector<1x512xi32>
    %eq3A_2764 = arith.constant 0 : i32
    %eq3A_2765 = vector.broadcast %eq3A_2764 : i32 to vector<1x512xi32>
    %eq3A_2766 = arith.cmpi eq, %and3A_2763, %eq3A_2765 : vector<1x512xi32>
    %slice3A_2767 = vector.extract_strided_slice %select_n3A_2759 {offsets = [0, 8], sizes = [64, 504], strides = [1, 1]} : vector<64x512xf32> to vector<64x504xf32>
    %slice3A_2768 = vector.extract_strided_slice %select_n3A_2759 {offsets = [0, 0], sizes = [64, 8], strides = [1, 1]} : vector<64x512xf32> to vector<64x8xf32>
    %concatenate3A_2769 = tpu.concatenate %slice3A_2767, %slice3A_2768 in 1 : vector<64x504xf32>, vector<64x8xf32> -> vector<64x512xf32>
    %slice3A_2770 = vector.extract_strided_slice %select_n3A_2759 {offsets = [0, 504], sizes = [64, 8], strides = [1, 1]} : vector<64x512xf32> to vector<64x8xf32>
    %slice3A_2771 = vector.extract_strided_slice %select_n3A_2759 {offsets = [0, 0], sizes = [64, 504], strides = [1, 1]} : vector<64x512xf32> to vector<64x504xf32>
    %concatenate3A_2772 = tpu.concatenate %slice3A_2770, %slice3A_2771 in 1 : vector<64x8xf32>, vector<64x504xf32> -> vector<64x512xf32>
    %broadcast_in_dim3A_2773 = vector.shape_cast %eq3A_2766 : vector<1x512xi1> to vector<1x512xi1>
    %broadcast_in_dim3A_2774 = vector.broadcast %broadcast_in_dim3A_2773 : vector<1x512xi1> to vector<64x512xi1>
    %select_n3A_2775 = arith.select %broadcast_in_dim3A_2774, %concatenate3A_2769, %concatenate3A_2772 : vector<64x512xi1>, vector<64x512xf32>
    %slice3A_2776 = vector.extract_strided_slice %select_n3A_2760 {offsets = [0, 8], sizes = [64, 504], strides = [1, 1]} : vector<64x512xi32> to vector<64x504xi32>
    %slice3A_2777 = vector.extract_strided_slice %select_n3A_2760 {offsets = [0, 0], sizes = [64, 8], strides = [1, 1]} : vector<64x512xi32> to vector<64x8xi32>
    %concatenate3A_2778 = tpu.concatenate %slice3A_2776, %slice3A_2777 in 1 : vector<64x504xi32>, vector<64x8xi32> -> vector<64x512xi32>
    %slice3A_2779 = vector.extract_strided_slice %select_n3A_2760 {offsets = [0, 504], sizes = [64, 8], strides = [1, 1]} : vector<64x512xi32> to vector<64x8xi32>
    %slice3A_2780 = vector.extract_strided_slice %select_n3A_2760 {offsets = [0, 0], sizes = [64, 504], strides = [1, 1]} : vector<64x512xi32> to vector<64x504xi32>
    %concatenate3A_2781 = tpu.concatenate %slice3A_2779, %slice3A_2780 in 1 : vector<64x8xi32>, vector<64x504xi32> -> vector<64x512xi32>
    %broadcast_in_dim3A_2782 = vector.shape_cast %eq3A_2766 : vector<1x512xi1> to vector<1x512xi1>
    %broadcast_in_dim3A_2783 = vector.broadcast %broadcast_in_dim3A_2782 : vector<1x512xi1> to vector<64x512xi1>
    %select_n3A_2784 = arith.select %broadcast_in_dim3A_2783, %concatenate3A_2778, %concatenate3A_2781 : vector<64x512xi1>, vector<64x512xi32>
    %gt3A_2785 = arith.cmpf ogt, %select_n3A_2759, %select_n3A_2775 : vector<64x512xf32>
    %eq3A_2786 = arith.cmpf oeq, %select_n3A_2759, %select_n3A_2775 : vector<64x512xf32>
    %lt3A_2787 = arith.cmpi slt, %select_n3A_2760, %select_n3A_2784 : vector<64x512xi32>
    %and3A_2788 = arith.andi %eq3A_2786, %lt3A_2787 : vector<64x512xi1>
    %or3A_2789 = arith.ori %gt3A_2785, %and3A_2788 : vector<64x512xi1>
    %xor3A_2790 = vector.broadcast %eq3A_2766 : vector<1x512xi1> to vector<64x512xi1>
    %xor3A_2791 = arith.xori %xor3A_2790, %or3A_2789 : vector<64x512xi1>
    %xor3A_2792 = arith.constant true
    %xor3A_2793 = vector.broadcast %xor3A_2792 : i1 to vector<64x512xi1>
    %xor3A_2794 = arith.xori %xor3A_2791, %xor3A_2793 : vector<64x512xi1>
    %select_n3A_2795 = arith.select %xor3A_2794, %select_n3A_2759, %select_n3A_2775 : vector<64x512xi1>, vector<64x512xf32>
    %select_n3A_2796 = arith.select %xor3A_2794, %select_n3A_2760, %select_n3A_2784 : vector<64x512xi1>, vector<64x512xi32>
    %and3A_2797 = arith.constant 4 : i32
    %and3A_2798 = vector.broadcast %and3A_2797 : i32 to vector<1x512xi32>
    %and3A_2799 = arith.andi %iota3A, %and3A_2798 : vector<1x512xi32>
    %eq3A_2800 = arith.constant 0 : i32
    %eq3A_2801 = vector.broadcast %eq3A_2800 : i32 to vector<1x512xi32>
    %eq3A_2802 = arith.cmpi eq, %and3A_2799, %eq3A_2801 : vector<1x512xi32>
    %slice3A_2803 = vector.extract_strided_slice %select_n3A_2795 {offsets = [0, 4], sizes = [64, 508], strides = [1, 1]} : vector<64x512xf32> to vector<64x508xf32>
    %slice3A_2804 = vector.extract_strided_slice %select_n3A_2795 {offsets = [0, 0], sizes = [64, 4], strides = [1, 1]} : vector<64x512xf32> to vector<64x4xf32>
    %concatenate3A_2805 = tpu.concatenate %slice3A_2803, %slice3A_2804 in 1 : vector<64x508xf32>, vector<64x4xf32> -> vector<64x512xf32>
    %slice3A_2806 = vector.extract_strided_slice %select_n3A_2795 {offsets = [0, 508], sizes = [64, 4], strides = [1, 1]} : vector<64x512xf32> to vector<64x4xf32>
    %slice3A_2807 = vector.extract_strided_slice %select_n3A_2795 {offsets = [0, 0], sizes = [64, 508], strides = [1, 1]} : vector<64x512xf32> to vector<64x508xf32>
    %concatenate3A_2808 = tpu.concatenate %slice3A_2806, %slice3A_2807 in 1 : vector<64x4xf32>, vector<64x508xf32> -> vector<64x512xf32>
    %broadcast_in_dim3A_2809 = vector.shape_cast %eq3A_2802 : vector<1x512xi1> to vector<1x512xi1>
    %broadcast_in_dim3A_2810 = vector.broadcast %broadcast_in_dim3A_2809 : vector<1x512xi1> to vector<64x512xi1>
    %select_n3A_2811 = arith.select %broadcast_in_dim3A_2810, %concatenate3A_2805, %concatenate3A_2808 : vector<64x512xi1>, vector<64x512xf32>
    %slice3A_2812 = vector.extract_strided_slice %select_n3A_2796 {offsets = [0, 4], sizes = [64, 508], strides = [1, 1]} : vector<64x512xi32> to vector<64x508xi32>
    %slice3A_2813 = vector.extract_strided_slice %select_n3A_2796 {offsets = [0, 0], sizes = [64, 4], strides = [1, 1]} : vector<64x512xi32> to vector<64x4xi32>
    %concatenate3A_2814 = tpu.concatenate %slice3A_2812, %slice3A_2813 in 1 : vector<64x508xi32>, vector<64x4xi32> -> vector<64x512xi32>
    %slice3A_2815 = vector.extract_strided_slice %select_n3A_2796 {offsets = [0, 508], sizes = [64, 4], strides = [1, 1]} : vector<64x512xi32> to vector<64x4xi32>
    %slice3A_2816 = vector.extract_strided_slice %select_n3A_2796 {offsets = [0, 0], sizes = [64, 508], strides = [1, 1]} : vector<64x512xi32> to vector<64x508xi32>
    %concatenate3A_2817 = tpu.concatenate %slice3A_2815, %slice3A_2816 in 1 : vector<64x4xi32>, vector<64x508xi32> -> vector<64x512xi32>
    %broadcast_in_dim3A_2818 = vector.shape_cast %eq3A_2802 : vector<1x512xi1> to vector<1x512xi1>
    %broadcast_in_dim3A_2819 = vector.broadcast %broadcast_in_dim3A_2818 : vector<1x512xi1> to vector<64x512xi1>
    %select_n3A_2820 = arith.select %broadcast_in_dim3A_2819, %concatenate3A_2814, %concatenate3A_2817 : vector<64x512xi1>, vector<64x512xi32>
    %gt3A_2821 = arith.cmpf ogt, %select_n3A_2795, %select_n3A_2811 : vector<64x512xf32>
    %eq3A_2822 = arith.cmpf oeq, %select_n3A_2795, %select_n3A_2811 : vector<64x512xf32>
    %lt3A_2823 = arith.cmpi slt, %select_n3A_2796, %select_n3A_2820 : vector<64x512xi32>
    %and3A_2824 = arith.andi %eq3A_2822, %lt3A_2823 : vector<64x512xi1>
    %or3A_2825 = arith.ori %gt3A_2821, %and3A_2824 : vector<64x512xi1>
    %xor3A_2826 = vector.broadcast %eq3A_2802 : vector<1x512xi1> to vector<64x512xi1>
    %xor3A_2827 = arith.xori %xor3A_2826, %or3A_2825 : vector<64x512xi1>
    %xor3A_2828 = arith.constant true
    %xor3A_2829 = vector.broadcast %xor3A_2828 : i1 to vector<64x512xi1>
    %xor3A_2830 = arith.xori %xor3A_2827, %xor3A_2829 : vector<64x512xi1>
    %select_n3A_2831 = arith.select %xor3A_2830, %select_n3A_2795, %select_n3A_2811 : vector<64x512xi1>, vector<64x512xf32>
    %select_n3A_2832 = arith.select %xor3A_2830, %select_n3A_2796, %select_n3A_2820 : vector<64x512xi1>, vector<64x512xi32>
    %and3A_2833 = arith.constant 2 : i32
    %and3A_2834 = vector.broadcast %and3A_2833 : i32 to vector<1x512xi32>
    %and3A_2835 = arith.andi %iota3A, %and3A_2834 : vector<1x512xi32>
    %eq3A_2836 = arith.constant 0 : i32
    %eq3A_2837 = vector.broadcast %eq3A_2836 : i32 to vector<1x512xi32>
    %eq3A_2838 = arith.cmpi eq, %and3A_2835, %eq3A_2837 : vector<1x512xi32>
    %slice3A_2839 = vector.extract_strided_slice %select_n3A_2831 {offsets = [0, 2], sizes = [64, 510], strides = [1, 1]} : vector<64x512xf32> to vector<64x510xf32>
    %slice3A_2840 = vector.extract_strided_slice %select_n3A_2831 {offsets = [0, 0], sizes = [64, 2], strides = [1, 1]} : vector<64x512xf32> to vector<64x2xf32>
    %concatenate3A_2841 = tpu.concatenate %slice3A_2839, %slice3A_2840 in 1 : vector<64x510xf32>, vector<64x2xf32> -> vector<64x512xf32>
    %slice3A_2842 = vector.extract_strided_slice %select_n3A_2831 {offsets = [0, 510], sizes = [64, 2], strides = [1, 1]} : vector<64x512xf32> to vector<64x2xf32>
    %slice3A_2843 = vector.extract_strided_slice %select_n3A_2831 {offsets = [0, 0], sizes = [64, 510], strides = [1, 1]} : vector<64x512xf32> to vector<64x510xf32>
    %concatenate3A_2844 = tpu.concatenate %slice3A_2842, %slice3A_2843 in 1 : vector<64x2xf32>, vector<64x510xf32> -> vector<64x512xf32>
    %broadcast_in_dim3A_2845 = vector.shape_cast %eq3A_2838 : vector<1x512xi1> to vector<1x512xi1>
    %broadcast_in_dim3A_2846 = vector.broadcast %broadcast_in_dim3A_2845 : vector<1x512xi1> to vector<64x512xi1>
    %select_n3A_2847 = arith.select %broadcast_in_dim3A_2846, %concatenate3A_2841, %concatenate3A_2844 : vector<64x512xi1>, vector<64x512xf32>
    %slice3A_2848 = vector.extract_strided_slice %select_n3A_2832 {offsets = [0, 2], sizes = [64, 510], strides = [1, 1]} : vector<64x512xi32> to vector<64x510xi32>
    %slice3A_2849 = vector.extract_strided_slice %select_n3A_2832 {offsets = [0, 0], sizes = [64, 2], strides = [1, 1]} : vector<64x512xi32> to vector<64x2xi32>
    %concatenate3A_2850 = tpu.concatenate %slice3A_2848, %slice3A_2849 in 1 : vector<64x510xi32>, vector<64x2xi32> -> vector<64x512xi32>
    %slice3A_2851 = vector.extract_strided_slice %select_n3A_2832 {offsets = [0, 510], sizes = [64, 2], strides = [1, 1]} : vector<64x512xi32> to vector<64x2xi32>
    %slice3A_2852 = vector.extract_strided_slice %select_n3A_2832 {offsets = [0, 0], sizes = [64, 510], strides = [1, 1]} : vector<64x512xi32> to vector<64x510xi32>
    %concatenate3A_2853 = tpu.concatenate %slice3A_2851, %slice3A_2852 in 1 : vector<64x2xi32>, vector<64x510xi32> -> vector<64x512xi32>
    %broadcast_in_dim3A_2854 = vector.shape_cast %eq3A_2838 : vector<1x512xi1> to vector<1x512xi1>
    %broadcast_in_dim3A_2855 = vector.broadcast %broadcast_in_dim3A_2854 : vector<1x512xi1> to vector<64x512xi1>
    %select_n3A_2856 = arith.select %broadcast_in_dim3A_2855, %concatenate3A_2850, %concatenate3A_2853 : vector<64x512xi1>, vector<64x512xi32>
    %gt3A_2857 = arith.cmpf ogt, %select_n3A_2831, %select_n3A_2847 : vector<64x512xf32>
    %eq3A_2858 = arith.cmpf oeq, %select_n3A_2831, %select_n3A_2847 : vector<64x512xf32>
    %lt3A_2859 = arith.cmpi slt, %select_n3A_2832, %select_n3A_2856 : vector<64x512xi32>
    %and3A_2860 = arith.andi %eq3A_2858, %lt3A_2859 : vector<64x512xi1>
    %or3A_2861 = arith.ori %gt3A_2857, %and3A_2860 : vector<64x512xi1>
    %xor3A_2862 = vector.broadcast %eq3A_2838 : vector<1x512xi1> to vector<64x512xi1>
    %xor3A_2863 = arith.xori %xor3A_2862, %or3A_2861 : vector<64x512xi1>
    %xor3A_2864 = arith.constant true
    %xor3A_2865 = vector.broadcast %xor3A_2864 : i1 to vector<64x512xi1>
    %xor3A_2866 = arith.xori %xor3A_2863, %xor3A_2865 : vector<64x512xi1>
    %select_n3A_2867 = arith.select %xor3A_2866, %select_n3A_2831, %select_n3A_2847 : vector<64x512xi1>, vector<64x512xf32>
    %select_n3A_2868 = arith.select %xor3A_2866, %select_n3A_2832, %select_n3A_2856 : vector<64x512xi1>, vector<64x512xi32>
    %and3A_2869 = arith.constant 1 : i32
    %and3A_2870 = vector.broadcast %and3A_2869 : i32 to vector<1x512xi32>
    %and3A_2871 = arith.andi %iota3A, %and3A_2870 : vector<1x512xi32>
    %eq3A_2872 = arith.constant 0 : i32
    %eq3A_2873 = vector.broadcast %eq3A_2872 : i32 to vector<1x512xi32>
    %eq3A_2874 = arith.cmpi eq, %and3A_2871, %eq3A_2873 : vector<1x512xi32>
    %slice3A_2875 = vector.extract_strided_slice %select_n3A_2867 {offsets = [0, 1], sizes = [64, 511], strides = [1, 1]} : vector<64x512xf32> to vector<64x511xf32>
    %slice3A_2876 = vector.extract_strided_slice %select_n3A_2867 {offsets = [0, 0], sizes = [64, 1], strides = [1, 1]} : vector<64x512xf32> to vector<64x1xf32>
    %concatenate3A_2877 = tpu.concatenate %slice3A_2875, %slice3A_2876 in 1 : vector<64x511xf32>, vector<64x1xf32> -> vector<64x512xf32>
    %slice3A_2878 = vector.extract_strided_slice %select_n3A_2867 {offsets = [0, 511], sizes = [64, 1], strides = [1, 1]} : vector<64x512xf32> to vector<64x1xf32>
    %slice3A_2879 = vector.extract_strided_slice %select_n3A_2867 {offsets = [0, 0], sizes = [64, 511], strides = [1, 1]} : vector<64x512xf32> to vector<64x511xf32>
    %concatenate3A_2880 = tpu.concatenate %slice3A_2878, %slice3A_2879 in 1 : vector<64x1xf32>, vector<64x511xf32> -> vector<64x512xf32>
    %broadcast_in_dim3A_2881 = vector.shape_cast %eq3A_2874 : vector<1x512xi1> to vector<1x512xi1>
    %broadcast_in_dim3A_2882 = vector.broadcast %broadcast_in_dim3A_2881 : vector<1x512xi1> to vector<64x512xi1>
    %select_n3A_2883 = arith.select %broadcast_in_dim3A_2882, %concatenate3A_2877, %concatenate3A_2880 : vector<64x512xi1>, vector<64x512xf32>
    %slice3A_2884 = vector.extract_strided_slice %select_n3A_2868 {offsets = [0, 1], sizes = [64, 511], strides = [1, 1]} : vector<64x512xi32> to vector<64x511xi32>
    %slice3A_2885 = vector.extract_strided_slice %select_n3A_2868 {offsets = [0, 0], sizes = [64, 1], strides = [1, 1]} : vector<64x512xi32> to vector<64x1xi32>
    %concatenate3A_2886 = tpu.concatenate %slice3A_2884, %slice3A_2885 in 1 : vector<64x511xi32>, vector<64x1xi32> -> vector<64x512xi32>
    %slice3A_2887 = vector.extract_strided_slice %select_n3A_2868 {offsets = [0, 511], sizes = [64, 1], strides = [1, 1]} : vector<64x512xi32> to vector<64x1xi32>
    %slice3A_2888 = vector.extract_strided_slice %select_n3A_2868 {offsets = [0, 0], sizes = [64, 511], strides = [1, 1]} : vector<64x512xi32> to vector<64x511xi32>
    %concatenate3A_2889 = tpu.concatenate %slice3A_2887, %slice3A_2888 in 1 : vector<64x1xi32>, vector<64x511xi32> -> vector<64x512xi32>
    %broadcast_in_dim3A_2890 = vector.shape_cast %eq3A_2874 : vector<1x512xi1> to vector<1x512xi1>
    %broadcast_in_dim3A_2891 = vector.broadcast %broadcast_in_dim3A_2890 : vector<1x512xi1> to vector<64x512xi1>
    %select_n3A_2892 = arith.select %broadcast_in_dim3A_2891, %concatenate3A_2886, %concatenate3A_2889 : vector<64x512xi1>, vector<64x512xi32>
    %gt3A_2893 = arith.cmpf ogt, %select_n3A_2867, %select_n3A_2883 : vector<64x512xf32>
    %eq3A_2894 = arith.cmpf oeq, %select_n3A_2867, %select_n3A_2883 : vector<64x512xf32>
    %lt3A_2895 = arith.cmpi slt, %select_n3A_2868, %select_n3A_2892 : vector<64x512xi32>
    %and3A_2896 = arith.andi %eq3A_2894, %lt3A_2895 : vector<64x512xi1>
    %or3A_2897 = arith.ori %gt3A_2893, %and3A_2896 : vector<64x512xi1>
    %xor3A_2898 = vector.broadcast %eq3A_2874 : vector<1x512xi1> to vector<64x512xi1>
    %xor3A_2899 = arith.xori %xor3A_2898, %or3A_2897 : vector<64x512xi1>
    %xor3A_2900 = arith.constant true
    %xor3A_2901 = vector.broadcast %xor3A_2900 : i1 to vector<64x512xi1>
    %xor3A_2902 = arith.xori %xor3A_2899, %xor3A_2901 : vector<64x512xi1>
    %select_n3A_2903 = arith.select %xor3A_2902, %select_n3A_2867, %select_n3A_2883 : vector<64x512xi1>, vector<64x512xf32>
    %select_n3A_2904 = arith.select %xor3A_2902, %select_n3A_2868, %select_n3A_2892 : vector<64x512xi1>, vector<64x512xi32>
    %and3A_2905 = arith.constant 4 : i32
    %and3A_2906 = vector.broadcast %and3A_2905 : i32 to vector<64x1xi32>
    %and3A_2907 = arith.andi %select_n3A_19, %and3A_2906 : vector<64x1xi32>
    %eq3A_2908 = arith.constant 0 : i32
    %eq3A_2909 = vector.broadcast %eq3A_2908 : i32 to vector<64x1xi32>
    %eq3A_2910 = arith.cmpi eq, %and3A_2907, %eq3A_2909 : vector<64x1xi32>
    %slice3A_2911 = vector.extract_strided_slice %select_n3A_2903 {offsets = [4, 0], sizes = [60, 512], strides = [1, 1]} : vector<64x512xf32> to vector<60x512xf32>
    %slice3A_2912 = vector.extract_strided_slice %select_n3A_2903 {offsets = [0, 0], sizes = [4, 512], strides = [1, 1]} : vector<64x512xf32> to vector<4x512xf32>
    %concatenate3A_2913 = tpu.concatenate %slice3A_2911, %slice3A_2912 in 0 : vector<60x512xf32>, vector<4x512xf32> -> vector<64x512xf32>
    %slice3A_2914 = vector.extract_strided_slice %select_n3A_2903 {offsets = [60, 0], sizes = [4, 512], strides = [1, 1]} : vector<64x512xf32> to vector<4x512xf32>
    %slice3A_2915 = vector.extract_strided_slice %select_n3A_2903 {offsets = [0, 0], sizes = [60, 512], strides = [1, 1]} : vector<64x512xf32> to vector<60x512xf32>
    %concatenate3A_2916 = tpu.concatenate %slice3A_2914, %slice3A_2915 in 0 : vector<4x512xf32>, vector<60x512xf32> -> vector<64x512xf32>
    %broadcast_in_dim3A_2917 = vector.shape_cast %eq3A_2910 : vector<64x1xi1> to vector<64x1xi1>
    %broadcast_in_dim3A_2918 = vector.broadcast %broadcast_in_dim3A_2917 : vector<64x1xi1> to vector<64x512xi1>
    %select_n3A_2919 = arith.select %broadcast_in_dim3A_2918, %concatenate3A_2913, %concatenate3A_2916 : vector<64x512xi1>, vector<64x512xf32>
    %and3A_2920 = arith.constant 256 : i32
    %and3A_2921 = vector.broadcast %and3A_2920 : i32 to vector<1x512xi32>
    %and3A_2922 = arith.andi %iota3A, %and3A_2921 : vector<1x512xi32>
    %eq3A_2923 = arith.constant 0 : i32
    %eq3A_2924 = vector.broadcast %eq3A_2923 : i32 to vector<1x512xi32>
    %eq3A_2925 = arith.cmpi eq, %and3A_2922, %eq3A_2924 : vector<1x512xi32>
    %slice3A_2926 = vector.extract_strided_slice %select_n3A_2919 {offsets = [0, 256], sizes = [64, 256], strides = [1, 1]} : vector<64x512xf32> to vector<64x256xf32>
    %slice3A_2927 = vector.extract_strided_slice %select_n3A_2919 {offsets = [0, 0], sizes = [64, 256], strides = [1, 1]} : vector<64x512xf32> to vector<64x256xf32>
    %concatenate3A_2928 = tpu.concatenate %slice3A_2926, %slice3A_2927 in 1 : vector<64x256xf32>, vector<64x256xf32> -> vector<64x512xf32>
    %slice3A_2929 = vector.extract_strided_slice %select_n3A_2919 {offsets = [0, 256], sizes = [64, 256], strides = [1, 1]} : vector<64x512xf32> to vector<64x256xf32>
    %slice3A_2930 = vector.extract_strided_slice %select_n3A_2919 {offsets = [0, 0], sizes = [64, 256], strides = [1, 1]} : vector<64x512xf32> to vector<64x256xf32>
    %concatenate3A_2931 = tpu.concatenate %slice3A_2929, %slice3A_2930 in 1 : vector<64x256xf32>, vector<64x256xf32> -> vector<64x512xf32>
    %broadcast_in_dim3A_2932 = vector.shape_cast %eq3A_2925 : vector<1x512xi1> to vector<1x512xi1>
    %broadcast_in_dim3A_2933 = vector.broadcast %broadcast_in_dim3A_2932 : vector<1x512xi1> to vector<64x512xi1>
    %select_n3A_2934 = arith.select %broadcast_in_dim3A_2933, %concatenate3A_2928, %concatenate3A_2931 : vector<64x512xi1>, vector<64x512xf32>
    %and3A_2935 = arith.constant 128 : i32
    %and3A_2936 = vector.broadcast %and3A_2935 : i32 to vector<1x512xi32>
    %and3A_2937 = arith.andi %iota3A, %and3A_2936 : vector<1x512xi32>
    %eq3A_2938 = arith.constant 0 : i32
    %eq3A_2939 = vector.broadcast %eq3A_2938 : i32 to vector<1x512xi32>
    %eq3A_2940 = arith.cmpi eq, %and3A_2937, %eq3A_2939 : vector<1x512xi32>
    %slice3A_2941 = vector.extract_strided_slice %select_n3A_2934 {offsets = [0, 128], sizes = [64, 384], strides = [1, 1]} : vector<64x512xf32> to vector<64x384xf32>
    %slice3A_2942 = vector.extract_strided_slice %select_n3A_2934 {offsets = [0, 0], sizes = [64, 128], strides = [1, 1]} : vector<64x512xf32> to vector<64x128xf32>
    %concatenate3A_2943 = tpu.concatenate %slice3A_2941, %slice3A_2942 in 1 : vector<64x384xf32>, vector<64x128xf32> -> vector<64x512xf32>
    %slice3A_2944 = vector.extract_strided_slice %select_n3A_2934 {offsets = [0, 384], sizes = [64, 128], strides = [1, 1]} : vector<64x512xf32> to vector<64x128xf32>
    %slice3A_2945 = vector.extract_strided_slice %select_n3A_2934 {offsets = [0, 0], sizes = [64, 384], strides = [1, 1]} : vector<64x512xf32> to vector<64x384xf32>
    %concatenate3A_2946 = tpu.concatenate %slice3A_2944, %slice3A_2945 in 1 : vector<64x128xf32>, vector<64x384xf32> -> vector<64x512xf32>
    %broadcast_in_dim3A_2947 = vector.shape_cast %eq3A_2940 : vector<1x512xi1> to vector<1x512xi1>
    %broadcast_in_dim3A_2948 = vector.broadcast %broadcast_in_dim3A_2947 : vector<1x512xi1> to vector<64x512xi1>
    %select_n3A_2949 = arith.select %broadcast_in_dim3A_2948, %concatenate3A_2943, %concatenate3A_2946 : vector<64x512xi1>, vector<64x512xf32>
    %and3A_2950 = arith.constant 64 : i32
    %and3A_2951 = vector.broadcast %and3A_2950 : i32 to vector<1x512xi32>
    %and3A_2952 = arith.andi %iota3A, %and3A_2951 : vector<1x512xi32>
    %eq3A_2953 = arith.constant 0 : i32
    %eq3A_2954 = vector.broadcast %eq3A_2953 : i32 to vector<1x512xi32>
    %eq3A_2955 = arith.cmpi eq, %and3A_2952, %eq3A_2954 : vector<1x512xi32>
    %slice3A_2956 = vector.extract_strided_slice %select_n3A_2949 {offsets = [0, 64], sizes = [64, 448], strides = [1, 1]} : vector<64x512xf32> to vector<64x448xf32>
    %slice3A_2957 = vector.extract_strided_slice %select_n3A_2949 {offsets = [0, 0], sizes = [64, 64], strides = [1, 1]} : vector<64x512xf32> to vector<64x64xf32>
    %concatenate3A_2958 = tpu.concatenate %slice3A_2956, %slice3A_2957 in 1 : vector<64x448xf32>, vector<64x64xf32> -> vector<64x512xf32>
    %slice3A_2959 = vector.extract_strided_slice %select_n3A_2949 {offsets = [0, 448], sizes = [64, 64], strides = [1, 1]} : vector<64x512xf32> to vector<64x64xf32>
    %slice3A_2960 = vector.extract_strided_slice %select_n3A_2949 {offsets = [0, 0], sizes = [64, 448], strides = [1, 1]} : vector<64x512xf32> to vector<64x448xf32>
    %concatenate3A_2961 = tpu.concatenate %slice3A_2959, %slice3A_2960 in 1 : vector<64x64xf32>, vector<64x448xf32> -> vector<64x512xf32>
    %broadcast_in_dim3A_2962 = vector.shape_cast %eq3A_2955 : vector<1x512xi1> to vector<1x512xi1>
    %broadcast_in_dim3A_2963 = vector.broadcast %broadcast_in_dim3A_2962 : vector<1x512xi1> to vector<64x512xi1>
    %select_n3A_2964 = arith.select %broadcast_in_dim3A_2963, %concatenate3A_2958, %concatenate3A_2961 : vector<64x512xi1>, vector<64x512xf32>
    %and3A_2965 = arith.constant 32 : i32
    %and3A_2966 = vector.broadcast %and3A_2965 : i32 to vector<1x512xi32>
    %and3A_2967 = arith.andi %iota3A, %and3A_2966 : vector<1x512xi32>
    %eq3A_2968 = arith.constant 0 : i32
    %eq3A_2969 = vector.broadcast %eq3A_2968 : i32 to vector<1x512xi32>
    %eq3A_2970 = arith.cmpi eq, %and3A_2967, %eq3A_2969 : vector<1x512xi32>
    %slice3A_2971 = vector.extract_strided_slice %select_n3A_2964 {offsets = [0, 32], sizes = [64, 480], strides = [1, 1]} : vector<64x512xf32> to vector<64x480xf32>
    %slice3A_2972 = vector.extract_strided_slice %select_n3A_2964 {offsets = [0, 0], sizes = [64, 32], strides = [1, 1]} : vector<64x512xf32> to vector<64x32xf32>
    %concatenate3A_2973 = tpu.concatenate %slice3A_2971, %slice3A_2972 in 1 : vector<64x480xf32>, vector<64x32xf32> -> vector<64x512xf32>
    %slice3A_2974 = vector.extract_strided_slice %select_n3A_2964 {offsets = [0, 480], sizes = [64, 32], strides = [1, 1]} : vector<64x512xf32> to vector<64x32xf32>
    %slice3A_2975 = vector.extract_strided_slice %select_n3A_2964 {offsets = [0, 0], sizes = [64, 480], strides = [1, 1]} : vector<64x512xf32> to vector<64x480xf32>
    %concatenate3A_2976 = tpu.concatenate %slice3A_2974, %slice3A_2975 in 1 : vector<64x32xf32>, vector<64x480xf32> -> vector<64x512xf32>
    %broadcast_in_dim3A_2977 = vector.shape_cast %eq3A_2970 : vector<1x512xi1> to vector<1x512xi1>
    %broadcast_in_dim3A_2978 = vector.broadcast %broadcast_in_dim3A_2977 : vector<1x512xi1> to vector<64x512xi1>
    %select_n3A_2979 = arith.select %broadcast_in_dim3A_2978, %concatenate3A_2973, %concatenate3A_2976 : vector<64x512xi1>, vector<64x512xf32>
    %and3A_2980 = arith.constant 16 : i32
    %and3A_2981 = vector.broadcast %and3A_2980 : i32 to vector<1x512xi32>
    %and3A_2982 = arith.andi %iota3A, %and3A_2981 : vector<1x512xi32>
    %eq3A_2983 = arith.constant 0 : i32
    %eq3A_2984 = vector.broadcast %eq3A_2983 : i32 to vector<1x512xi32>
    %eq3A_2985 = arith.cmpi eq, %and3A_2982, %eq3A_2984 : vector<1x512xi32>
    %slice3A_2986 = vector.extract_strided_slice %select_n3A_2979 {offsets = [0, 16], sizes = [64, 496], strides = [1, 1]} : vector<64x512xf32> to vector<64x496xf32>
    %slice3A_2987 = vector.extract_strided_slice %select_n3A_2979 {offsets = [0, 0], sizes = [64, 16], strides = [1, 1]} : vector<64x512xf32> to vector<64x16xf32>
    %concatenate3A_2988 = tpu.concatenate %slice3A_2986, %slice3A_2987 in 1 : vector<64x496xf32>, vector<64x16xf32> -> vector<64x512xf32>
    %slice3A_2989 = vector.extract_strided_slice %select_n3A_2979 {offsets = [0, 496], sizes = [64, 16], strides = [1, 1]} : vector<64x512xf32> to vector<64x16xf32>
    %slice3A_2990 = vector.extract_strided_slice %select_n3A_2979 {offsets = [0, 0], sizes = [64, 496], strides = [1, 1]} : vector<64x512xf32> to vector<64x496xf32>
    %concatenate3A_2991 = tpu.concatenate %slice3A_2989, %slice3A_2990 in 1 : vector<64x16xf32>, vector<64x496xf32> -> vector<64x512xf32>
    %broadcast_in_dim3A_2992 = vector.shape_cast %eq3A_2985 : vector<1x512xi1> to vector<1x512xi1>
    %broadcast_in_dim3A_2993 = vector.broadcast %broadcast_in_dim3A_2992 : vector<1x512xi1> to vector<64x512xi1>
    %select_n3A_2994 = arith.select %broadcast_in_dim3A_2993, %concatenate3A_2988, %concatenate3A_2991 : vector<64x512xi1>, vector<64x512xf32>
    %and3A_2995 = arith.constant 8 : i32
    %and3A_2996 = vector.broadcast %and3A_2995 : i32 to vector<1x512xi32>
    %and3A_2997 = arith.andi %iota3A, %and3A_2996 : vector<1x512xi32>
    %eq3A_2998 = arith.constant 0 : i32
    %eq3A_2999 = vector.broadcast %eq3A_2998 : i32 to vector<1x512xi32>
    %eq3A_3000 = arith.cmpi eq, %and3A_2997, %eq3A_2999 : vector<1x512xi32>
    %slice3A_3001 = vector.extract_strided_slice %select_n3A_2994 {offsets = [0, 8], sizes = [64, 504], strides = [1, 1]} : vector<64x512xf32> to vector<64x504xf32>
    %slice3A_3002 = vector.extract_strided_slice %select_n3A_2994 {offsets = [0, 0], sizes = [64, 8], strides = [1, 1]} : vector<64x512xf32> to vector<64x8xf32>
    %concatenate3A_3003 = tpu.concatenate %slice3A_3001, %slice3A_3002 in 1 : vector<64x504xf32>, vector<64x8xf32> -> vector<64x512xf32>
    %slice3A_3004 = vector.extract_strided_slice %select_n3A_2994 {offsets = [0, 504], sizes = [64, 8], strides = [1, 1]} : vector<64x512xf32> to vector<64x8xf32>
    %slice3A_3005 = vector.extract_strided_slice %select_n3A_2994 {offsets = [0, 0], sizes = [64, 504], strides = [1, 1]} : vector<64x512xf32> to vector<64x504xf32>
    %concatenate3A_3006 = tpu.concatenate %slice3A_3004, %slice3A_3005 in 1 : vector<64x8xf32>, vector<64x504xf32> -> vector<64x512xf32>
    %broadcast_in_dim3A_3007 = vector.shape_cast %eq3A_3000 : vector<1x512xi1> to vector<1x512xi1>
    %broadcast_in_dim3A_3008 = vector.broadcast %broadcast_in_dim3A_3007 : vector<1x512xi1> to vector<64x512xi1>
    %select_n3A_3009 = arith.select %broadcast_in_dim3A_3008, %concatenate3A_3003, %concatenate3A_3006 : vector<64x512xi1>, vector<64x512xf32>
    %and3A_3010 = arith.constant 4 : i32
    %and3A_3011 = vector.broadcast %and3A_3010 : i32 to vector<1x512xi32>
    %and3A_3012 = arith.andi %iota3A, %and3A_3011 : vector<1x512xi32>
    %eq3A_3013 = arith.constant 0 : i32
    %eq3A_3014 = vector.broadcast %eq3A_3013 : i32 to vector<1x512xi32>
    %eq3A_3015 = arith.cmpi eq, %and3A_3012, %eq3A_3014 : vector<1x512xi32>
    %slice3A_3016 = vector.extract_strided_slice %select_n3A_3009 {offsets = [0, 4], sizes = [64, 508], strides = [1, 1]} : vector<64x512xf32> to vector<64x508xf32>
    %slice3A_3017 = vector.extract_strided_slice %select_n3A_3009 {offsets = [0, 0], sizes = [64, 4], strides = [1, 1]} : vector<64x512xf32> to vector<64x4xf32>
    %concatenate3A_3018 = tpu.concatenate %slice3A_3016, %slice3A_3017 in 1 : vector<64x508xf32>, vector<64x4xf32> -> vector<64x512xf32>
    %slice3A_3019 = vector.extract_strided_slice %select_n3A_3009 {offsets = [0, 508], sizes = [64, 4], strides = [1, 1]} : vector<64x512xf32> to vector<64x4xf32>
    %slice3A_3020 = vector.extract_strided_slice %select_n3A_3009 {offsets = [0, 0], sizes = [64, 508], strides = [1, 1]} : vector<64x512xf32> to vector<64x508xf32>
    %concatenate3A_3021 = tpu.concatenate %slice3A_3019, %slice3A_3020 in 1 : vector<64x4xf32>, vector<64x508xf32> -> vector<64x512xf32>
    %broadcast_in_dim3A_3022 = vector.shape_cast %eq3A_3015 : vector<1x512xi1> to vector<1x512xi1>
    %broadcast_in_dim3A_3023 = vector.broadcast %broadcast_in_dim3A_3022 : vector<1x512xi1> to vector<64x512xi1>
    %select_n3A_3024 = arith.select %broadcast_in_dim3A_3023, %concatenate3A_3018, %concatenate3A_3021 : vector<64x512xi1>, vector<64x512xf32>
    %and3A_3025 = arith.constant 2 : i32
    %and3A_3026 = vector.broadcast %and3A_3025 : i32 to vector<1x512xi32>
    %and3A_3027 = arith.andi %iota3A, %and3A_3026 : vector<1x512xi32>
    %eq3A_3028 = arith.constant 0 : i32
    %eq3A_3029 = vector.broadcast %eq3A_3028 : i32 to vector<1x512xi32>
    %eq3A_3030 = arith.cmpi eq, %and3A_3027, %eq3A_3029 : vector<1x512xi32>
    %slice3A_3031 = vector.extract_strided_slice %select_n3A_3024 {offsets = [0, 2], sizes = [64, 510], strides = [1, 1]} : vector<64x512xf32> to vector<64x510xf32>
    %slice3A_3032 = vector.extract_strided_slice %select_n3A_3024 {offsets = [0, 0], sizes = [64, 2], strides = [1, 1]} : vector<64x512xf32> to vector<64x2xf32>
    %concatenate3A_3033 = tpu.concatenate %slice3A_3031, %slice3A_3032 in 1 : vector<64x510xf32>, vector<64x2xf32> -> vector<64x512xf32>
    %slice3A_3034 = vector.extract_strided_slice %select_n3A_3024 {offsets = [0, 510], sizes = [64, 2], strides = [1, 1]} : vector<64x512xf32> to vector<64x2xf32>
    %slice3A_3035 = vector.extract_strided_slice %select_n3A_3024 {offsets = [0, 0], sizes = [64, 510], strides = [1, 1]} : vector<64x512xf32> to vector<64x510xf32>
    %concatenate3A_3036 = tpu.concatenate %slice3A_3034, %slice3A_3035 in 1 : vector<64x2xf32>, vector<64x510xf32> -> vector<64x512xf32>
    %broadcast_in_dim3A_3037 = vector.shape_cast %eq3A_3030 : vector<1x512xi1> to vector<1x512xi1>
    %broadcast_in_dim3A_3038 = vector.broadcast %broadcast_in_dim3A_3037 : vector<1x512xi1> to vector<64x512xi1>
    %select_n3A_3039 = arith.select %broadcast_in_dim3A_3038, %concatenate3A_3033, %concatenate3A_3036 : vector<64x512xi1>, vector<64x512xf32>
    %and3A_3040 = arith.constant 1 : i32
    %and3A_3041 = vector.broadcast %and3A_3040 : i32 to vector<1x512xi32>
    %and3A_3042 = arith.andi %iota3A, %and3A_3041 : vector<1x512xi32>
    %eq3A_3043 = arith.constant 0 : i32
    %eq3A_3044 = vector.broadcast %eq3A_3043 : i32 to vector<1x512xi32>
    %eq3A_3045 = arith.cmpi eq, %and3A_3042, %eq3A_3044 : vector<1x512xi32>
    %slice3A_3046 = vector.extract_strided_slice %select_n3A_3039 {offsets = [0, 1], sizes = [64, 511], strides = [1, 1]} : vector<64x512xf32> to vector<64x511xf32>
    %slice3A_3047 = vector.extract_strided_slice %select_n3A_3039 {offsets = [0, 0], sizes = [64, 1], strides = [1, 1]} : vector<64x512xf32> to vector<64x1xf32>
    %concatenate3A_3048 = tpu.concatenate %slice3A_3046, %slice3A_3047 in 1 : vector<64x511xf32>, vector<64x1xf32> -> vector<64x512xf32>
    %slice3A_3049 = vector.extract_strided_slice %select_n3A_3039 {offsets = [0, 511], sizes = [64, 1], strides = [1, 1]} : vector<64x512xf32> to vector<64x1xf32>
    %slice3A_3050 = vector.extract_strided_slice %select_n3A_3039 {offsets = [0, 0], sizes = [64, 511], strides = [1, 1]} : vector<64x512xf32> to vector<64x511xf32>
    %concatenate3A_3051 = tpu.concatenate %slice3A_3049, %slice3A_3050 in 1 : vector<64x1xf32>, vector<64x511xf32> -> vector<64x512xf32>
    %broadcast_in_dim3A_3052 = vector.shape_cast %eq3A_3045 : vector<1x512xi1> to vector<1x512xi1>
    %broadcast_in_dim3A_3053 = vector.broadcast %broadcast_in_dim3A_3052 : vector<1x512xi1> to vector<64x512xi1>
    %select_n3A_3054 = arith.select %broadcast_in_dim3A_3053, %concatenate3A_3048, %concatenate3A_3051 : vector<64x512xi1>, vector<64x512xf32>
    %slice3A_3055 = vector.extract_strided_slice %select_n3A_2904 {offsets = [4, 0], sizes = [60, 512], strides = [1, 1]} : vector<64x512xi32> to vector<60x512xi32>
    %slice3A_3056 = vector.extract_strided_slice %select_n3A_2904 {offsets = [0, 0], sizes = [4, 512], strides = [1, 1]} : vector<64x512xi32> to vector<4x512xi32>
    %concatenate3A_3057 = tpu.concatenate %slice3A_3055, %slice3A_3056 in 0 : vector<60x512xi32>, vector<4x512xi32> -> vector<64x512xi32>
    %slice3A_3058 = vector.extract_strided_slice %select_n3A_2904 {offsets = [60, 0], sizes = [4, 512], strides = [1, 1]} : vector<64x512xi32> to vector<4x512xi32>
    %slice3A_3059 = vector.extract_strided_slice %select_n3A_2904 {offsets = [0, 0], sizes = [60, 512], strides = [1, 1]} : vector<64x512xi32> to vector<60x512xi32>
    %concatenate3A_3060 = tpu.concatenate %slice3A_3058, %slice3A_3059 in 0 : vector<4x512xi32>, vector<60x512xi32> -> vector<64x512xi32>
    %broadcast_in_dim3A_3061 = vector.shape_cast %eq3A_2910 : vector<64x1xi1> to vector<64x1xi1>
    %broadcast_in_dim3A_3062 = vector.broadcast %broadcast_in_dim3A_3061 : vector<64x1xi1> to vector<64x512xi1>
    %select_n3A_3063 = arith.select %broadcast_in_dim3A_3062, %concatenate3A_3057, %concatenate3A_3060 : vector<64x512xi1>, vector<64x512xi32>
    %and3A_3064 = arith.constant 256 : i32
    %and3A_3065 = vector.broadcast %and3A_3064 : i32 to vector<1x512xi32>
    %and3A_3066 = arith.andi %iota3A, %and3A_3065 : vector<1x512xi32>
    %eq3A_3067 = arith.constant 0 : i32
    %eq3A_3068 = vector.broadcast %eq3A_3067 : i32 to vector<1x512xi32>
    %eq3A_3069 = arith.cmpi eq, %and3A_3066, %eq3A_3068 : vector<1x512xi32>
    %slice3A_3070 = vector.extract_strided_slice %select_n3A_3063 {offsets = [0, 256], sizes = [64, 256], strides = [1, 1]} : vector<64x512xi32> to vector<64x256xi32>
    %slice3A_3071 = vector.extract_strided_slice %select_n3A_3063 {offsets = [0, 0], sizes = [64, 256], strides = [1, 1]} : vector<64x512xi32> to vector<64x256xi32>
    %concatenate3A_3072 = tpu.concatenate %slice3A_3070, %slice3A_3071 in 1 : vector<64x256xi32>, vector<64x256xi32> -> vector<64x512xi32>
    %slice3A_3073 = vector.extract_strided_slice %select_n3A_3063 {offsets = [0, 256], sizes = [64, 256], strides = [1, 1]} : vector<64x512xi32> to vector<64x256xi32>
    %slice3A_3074 = vector.extract_strided_slice %select_n3A_3063 {offsets = [0, 0], sizes = [64, 256], strides = [1, 1]} : vector<64x512xi32> to vector<64x256xi32>
    %concatenate3A_3075 = tpu.concatenate %slice3A_3073, %slice3A_3074 in 1 : vector<64x256xi32>, vector<64x256xi32> -> vector<64x512xi32>
    %broadcast_in_dim3A_3076 = vector.shape_cast %eq3A_3069 : vector<1x512xi1> to vector<1x512xi1>
    %broadcast_in_dim3A_3077 = vector.broadcast %broadcast_in_dim3A_3076 : vector<1x512xi1> to vector<64x512xi1>
    %select_n3A_3078 = arith.select %broadcast_in_dim3A_3077, %concatenate3A_3072, %concatenate3A_3075 : vector<64x512xi1>, vector<64x512xi32>
    %and3A_3079 = arith.constant 128 : i32
    %and3A_3080 = vector.broadcast %and3A_3079 : i32 to vector<1x512xi32>
    %and3A_3081 = arith.andi %iota3A, %and3A_3080 : vector<1x512xi32>
    %eq3A_3082 = arith.constant 0 : i32
    %eq3A_3083 = vector.broadcast %eq3A_3082 : i32 to vector<1x512xi32>
    %eq3A_3084 = arith.cmpi eq, %and3A_3081, %eq3A_3083 : vector<1x512xi32>
    %slice3A_3085 = vector.extract_strided_slice %select_n3A_3078 {offsets = [0, 128], sizes = [64, 384], strides = [1, 1]} : vector<64x512xi32> to vector<64x384xi32>
    %slice3A_3086 = vector.extract_strided_slice %select_n3A_3078 {offsets = [0, 0], sizes = [64, 128], strides = [1, 1]} : vector<64x512xi32> to vector<64x128xi32>
    %concatenate3A_3087 = tpu.concatenate %slice3A_3085, %slice3A_3086 in 1 : vector<64x384xi32>, vector<64x128xi32> -> vector<64x512xi32>
    %slice3A_3088 = vector.extract_strided_slice %select_n3A_3078 {offsets = [0, 384], sizes = [64, 128], strides = [1, 1]} : vector<64x512xi32> to vector<64x128xi32>
    %slice3A_3089 = vector.extract_strided_slice %select_n3A_3078 {offsets = [0, 0], sizes = [64, 384], strides = [1, 1]} : vector<64x512xi32> to vector<64x384xi32>
    %concatenate3A_3090 = tpu.concatenate %slice3A_3088, %slice3A_3089 in 1 : vector<64x128xi32>, vector<64x384xi32> -> vector<64x512xi32>
    %broadcast_in_dim3A_3091 = vector.shape_cast %eq3A_3084 : vector<1x512xi1> to vector<1x512xi1>
    %broadcast_in_dim3A_3092 = vector.broadcast %broadcast_in_dim3A_3091 : vector<1x512xi1> to vector<64x512xi1>
    %select_n3A_3093 = arith.select %broadcast_in_dim3A_3092, %concatenate3A_3087, %concatenate3A_3090 : vector<64x512xi1>, vector<64x512xi32>
    %and3A_3094 = arith.constant 64 : i32
    %and3A_3095 = vector.broadcast %and3A_3094 : i32 to vector<1x512xi32>
    %and3A_3096 = arith.andi %iota3A, %and3A_3095 : vector<1x512xi32>
    %eq3A_3097 = arith.constant 0 : i32
    %eq3A_3098 = vector.broadcast %eq3A_3097 : i32 to vector<1x512xi32>
    %eq3A_3099 = arith.cmpi eq, %and3A_3096, %eq3A_3098 : vector<1x512xi32>
    %slice3A_3100 = vector.extract_strided_slice %select_n3A_3093 {offsets = [0, 64], sizes = [64, 448], strides = [1, 1]} : vector<64x512xi32> to vector<64x448xi32>
    %slice3A_3101 = vector.extract_strided_slice %select_n3A_3093 {offsets = [0, 0], sizes = [64, 64], strides = [1, 1]} : vector<64x512xi32> to vector<64x64xi32>
    %concatenate3A_3102 = tpu.concatenate %slice3A_3100, %slice3A_3101 in 1 : vector<64x448xi32>, vector<64x64xi32> -> vector<64x512xi32>
    %slice3A_3103 = vector.extract_strided_slice %select_n3A_3093 {offsets = [0, 448], sizes = [64, 64], strides = [1, 1]} : vector<64x512xi32> to vector<64x64xi32>
    %slice3A_3104 = vector.extract_strided_slice %select_n3A_3093 {offsets = [0, 0], sizes = [64, 448], strides = [1, 1]} : vector<64x512xi32> to vector<64x448xi32>
    %concatenate3A_3105 = tpu.concatenate %slice3A_3103, %slice3A_3104 in 1 : vector<64x64xi32>, vector<64x448xi32> -> vector<64x512xi32>
    %broadcast_in_dim3A_3106 = vector.shape_cast %eq3A_3099 : vector<1x512xi1> to vector<1x512xi1>
    %broadcast_in_dim3A_3107 = vector.broadcast %broadcast_in_dim3A_3106 : vector<1x512xi1> to vector<64x512xi1>
    %select_n3A_3108 = arith.select %broadcast_in_dim3A_3107, %concatenate3A_3102, %concatenate3A_3105 : vector<64x512xi1>, vector<64x512xi32>
    %and3A_3109 = arith.constant 32 : i32
    %and3A_3110 = vector.broadcast %and3A_3109 : i32 to vector<1x512xi32>
    %and3A_3111 = arith.andi %iota3A, %and3A_3110 : vector<1x512xi32>
    %eq3A_3112 = arith.constant 0 : i32
    %eq3A_3113 = vector.broadcast %eq3A_3112 : i32 to vector<1x512xi32>
    %eq3A_3114 = arith.cmpi eq, %and3A_3111, %eq3A_3113 : vector<1x512xi32>
    %slice3A_3115 = vector.extract_strided_slice %select_n3A_3108 {offsets = [0, 32], sizes = [64, 480], strides = [1, 1]} : vector<64x512xi32> to vector<64x480xi32>
    %slice3A_3116 = vector.extract_strided_slice %select_n3A_3108 {offsets = [0, 0], sizes = [64, 32], strides = [1, 1]} : vector<64x512xi32> to vector<64x32xi32>
    %concatenate3A_3117 = tpu.concatenate %slice3A_3115, %slice3A_3116 in 1 : vector<64x480xi32>, vector<64x32xi32> -> vector<64x512xi32>
    %slice3A_3118 = vector.extract_strided_slice %select_n3A_3108 {offsets = [0, 480], sizes = [64, 32], strides = [1, 1]} : vector<64x512xi32> to vector<64x32xi32>
    %slice3A_3119 = vector.extract_strided_slice %select_n3A_3108 {offsets = [0, 0], sizes = [64, 480], strides = [1, 1]} : vector<64x512xi32> to vector<64x480xi32>
    %concatenate3A_3120 = tpu.concatenate %slice3A_3118, %slice3A_3119 in 1 : vector<64x32xi32>, vector<64x480xi32> -> vector<64x512xi32>
    %broadcast_in_dim3A_3121 = vector.shape_cast %eq3A_3114 : vector<1x512xi1> to vector<1x512xi1>
    %broadcast_in_dim3A_3122 = vector.broadcast %broadcast_in_dim3A_3121 : vector<1x512xi1> to vector<64x512xi1>
    %select_n3A_3123 = arith.select %broadcast_in_dim3A_3122, %concatenate3A_3117, %concatenate3A_3120 : vector<64x512xi1>, vector<64x512xi32>
    %and3A_3124 = arith.constant 16 : i32
    %and3A_3125 = vector.broadcast %and3A_3124 : i32 to vector<1x512xi32>
    %and3A_3126 = arith.andi %iota3A, %and3A_3125 : vector<1x512xi32>
    %eq3A_3127 = arith.constant 0 : i32
    %eq3A_3128 = vector.broadcast %eq3A_3127 : i32 to vector<1x512xi32>
    %eq3A_3129 = arith.cmpi eq, %and3A_3126, %eq3A_3128 : vector<1x512xi32>
    %slice3A_3130 = vector.extract_strided_slice %select_n3A_3123 {offsets = [0, 16], sizes = [64, 496], strides = [1, 1]} : vector<64x512xi32> to vector<64x496xi32>
    %slice3A_3131 = vector.extract_strided_slice %select_n3A_3123 {offsets = [0, 0], sizes = [64, 16], strides = [1, 1]} : vector<64x512xi32> to vector<64x16xi32>
    %concatenate3A_3132 = tpu.concatenate %slice3A_3130, %slice3A_3131 in 1 : vector<64x496xi32>, vector<64x16xi32> -> vector<64x512xi32>
    %slice3A_3133 = vector.extract_strided_slice %select_n3A_3123 {offsets = [0, 496], sizes = [64, 16], strides = [1, 1]} : vector<64x512xi32> to vector<64x16xi32>
    %slice3A_3134 = vector.extract_strided_slice %select_n3A_3123 {offsets = [0, 0], sizes = [64, 496], strides = [1, 1]} : vector<64x512xi32> to vector<64x496xi32>
    %concatenate3A_3135 = tpu.concatenate %slice3A_3133, %slice3A_3134 in 1 : vector<64x16xi32>, vector<64x496xi32> -> vector<64x512xi32>
    %broadcast_in_dim3A_3136 = vector.shape_cast %eq3A_3129 : vector<1x512xi1> to vector<1x512xi1>
    %broadcast_in_dim3A_3137 = vector.broadcast %broadcast_in_dim3A_3136 : vector<1x512xi1> to vector<64x512xi1>
    %select_n3A_3138 = arith.select %broadcast_in_dim3A_3137, %concatenate3A_3132, %concatenate3A_3135 : vector<64x512xi1>, vector<64x512xi32>
    %and3A_3139 = arith.constant 8 : i32
    %and3A_3140 = vector.broadcast %and3A_3139 : i32 to vector<1x512xi32>
    %and3A_3141 = arith.andi %iota3A, %and3A_3140 : vector<1x512xi32>
    %eq3A_3142 = arith.constant 0 : i32
    %eq3A_3143 = vector.broadcast %eq3A_3142 : i32 to vector<1x512xi32>
    %eq3A_3144 = arith.cmpi eq, %and3A_3141, %eq3A_3143 : vector<1x512xi32>
    %slice3A_3145 = vector.extract_strided_slice %select_n3A_3138 {offsets = [0, 8], sizes = [64, 504], strides = [1, 1]} : vector<64x512xi32> to vector<64x504xi32>
    %slice3A_3146 = vector.extract_strided_slice %select_n3A_3138 {offsets = [0, 0], sizes = [64, 8], strides = [1, 1]} : vector<64x512xi32> to vector<64x8xi32>
    %concatenate3A_3147 = tpu.concatenate %slice3A_3145, %slice3A_3146 in 1 : vector<64x504xi32>, vector<64x8xi32> -> vector<64x512xi32>
    %slice3A_3148 = vector.extract_strided_slice %select_n3A_3138 {offsets = [0, 504], sizes = [64, 8], strides = [1, 1]} : vector<64x512xi32> to vector<64x8xi32>
    %slice3A_3149 = vector.extract_strided_slice %select_n3A_3138 {offsets = [0, 0], sizes = [64, 504], strides = [1, 1]} : vector<64x512xi32> to vector<64x504xi32>
    %concatenate3A_3150 = tpu.concatenate %slice3A_3148, %slice3A_3149 in 1 : vector<64x8xi32>, vector<64x504xi32> -> vector<64x512xi32>
    %broadcast_in_dim3A_3151 = vector.shape_cast %eq3A_3144 : vector<1x512xi1> to vector<1x512xi1>
    %broadcast_in_dim3A_3152 = vector.broadcast %broadcast_in_dim3A_3151 : vector<1x512xi1> to vector<64x512xi1>
    %select_n3A_3153 = arith.select %broadcast_in_dim3A_3152, %concatenate3A_3147, %concatenate3A_3150 : vector<64x512xi1>, vector<64x512xi32>
    %and3A_3154 = arith.constant 4 : i32
    %and3A_3155 = vector.broadcast %and3A_3154 : i32 to vector<1x512xi32>
    %and3A_3156 = arith.andi %iota3A, %and3A_3155 : vector<1x512xi32>
    %eq3A_3157 = arith.constant 0 : i32
    %eq3A_3158 = vector.broadcast %eq3A_3157 : i32 to vector<1x512xi32>
    %eq3A_3159 = arith.cmpi eq, %and3A_3156, %eq3A_3158 : vector<1x512xi32>
    %slice3A_3160 = vector.extract_strided_slice %select_n3A_3153 {offsets = [0, 4], sizes = [64, 508], strides = [1, 1]} : vector<64x512xi32> to vector<64x508xi32>
    %slice3A_3161 = vector.extract_strided_slice %select_n3A_3153 {offsets = [0, 0], sizes = [64, 4], strides = [1, 1]} : vector<64x512xi32> to vector<64x4xi32>
    %concatenate3A_3162 = tpu.concatenate %slice3A_3160, %slice3A_3161 in 1 : vector<64x508xi32>, vector<64x4xi32> -> vector<64x512xi32>
    %slice3A_3163 = vector.extract_strided_slice %select_n3A_3153 {offsets = [0, 508], sizes = [64, 4], strides = [1, 1]} : vector<64x512xi32> to vector<64x4xi32>
    %slice3A_3164 = vector.extract_strided_slice %select_n3A_3153 {offsets = [0, 0], sizes = [64, 508], strides = [1, 1]} : vector<64x512xi32> to vector<64x508xi32>
    %concatenate3A_3165 = tpu.concatenate %slice3A_3163, %slice3A_3164 in 1 : vector<64x4xi32>, vector<64x508xi32> -> vector<64x512xi32>
    %broadcast_in_dim3A_3166 = vector.shape_cast %eq3A_3159 : vector<1x512xi1> to vector<1x512xi1>
    %broadcast_in_dim3A_3167 = vector.broadcast %broadcast_in_dim3A_3166 : vector<1x512xi1> to vector<64x512xi1>
    %select_n3A_3168 = arith.select %broadcast_in_dim3A_3167, %concatenate3A_3162, %concatenate3A_3165 : vector<64x512xi1>, vector<64x512xi32>
    %and3A_3169 = arith.constant 2 : i32
    %and3A_3170 = vector.broadcast %and3A_3169 : i32 to vector<1x512xi32>
    %and3A_3171 = arith.andi %iota3A, %and3A_3170 : vector<1x512xi32>
    %eq3A_3172 = arith.constant 0 : i32
    %eq3A_3173 = vector.broadcast %eq3A_3172 : i32 to vector<1x512xi32>
    %eq3A_3174 = arith.cmpi eq, %and3A_3171, %eq3A_3173 : vector<1x512xi32>
    %slice3A_3175 = vector.extract_strided_slice %select_n3A_3168 {offsets = [0, 2], sizes = [64, 510], strides = [1, 1]} : vector<64x512xi32> to vector<64x510xi32>
    %slice3A_3176 = vector.extract_strided_slice %select_n3A_3168 {offsets = [0, 0], sizes = [64, 2], strides = [1, 1]} : vector<64x512xi32> to vector<64x2xi32>
    %concatenate3A_3177 = tpu.concatenate %slice3A_3175, %slice3A_3176 in 1 : vector<64x510xi32>, vector<64x2xi32> -> vector<64x512xi32>
    %slice3A_3178 = vector.extract_strided_slice %select_n3A_3168 {offsets = [0, 510], sizes = [64, 2], strides = [1, 1]} : vector<64x512xi32> to vector<64x2xi32>
    %slice3A_3179 = vector.extract_strided_slice %select_n3A_3168 {offsets = [0, 0], sizes = [64, 510], strides = [1, 1]} : vector<64x512xi32> to vector<64x510xi32>
    %concatenate3A_3180 = tpu.concatenate %slice3A_3178, %slice3A_3179 in 1 : vector<64x2xi32>, vector<64x510xi32> -> vector<64x512xi32>
    %broadcast_in_dim3A_3181 = vector.shape_cast %eq3A_3174 : vector<1x512xi1> to vector<1x512xi1>
    %broadcast_in_dim3A_3182 = vector.broadcast %broadcast_in_dim3A_3181 : vector<1x512xi1> to vector<64x512xi1>
    %select_n3A_3183 = arith.select %broadcast_in_dim3A_3182, %concatenate3A_3177, %concatenate3A_3180 : vector<64x512xi1>, vector<64x512xi32>
    %and3A_3184 = arith.constant 1 : i32
    %and3A_3185 = vector.broadcast %and3A_3184 : i32 to vector<1x512xi32>
    %and3A_3186 = arith.andi %iota3A, %and3A_3185 : vector<1x512xi32>
    %eq3A_3187 = arith.constant 0 : i32
    %eq3A_3188 = vector.broadcast %eq3A_3187 : i32 to vector<1x512xi32>
    %eq3A_3189 = arith.cmpi eq, %and3A_3186, %eq3A_3188 : vector<1x512xi32>
    %slice3A_3190 = vector.extract_strided_slice %select_n3A_3183 {offsets = [0, 1], sizes = [64, 511], strides = [1, 1]} : vector<64x512xi32> to vector<64x511xi32>
    %slice3A_3191 = vector.extract_strided_slice %select_n3A_3183 {offsets = [0, 0], sizes = [64, 1], strides = [1, 1]} : vector<64x512xi32> to vector<64x1xi32>
    %concatenate3A_3192 = tpu.concatenate %slice3A_3190, %slice3A_3191 in 1 : vector<64x511xi32>, vector<64x1xi32> -> vector<64x512xi32>
    %slice3A_3193 = vector.extract_strided_slice %select_n3A_3183 {offsets = [0, 511], sizes = [64, 1], strides = [1, 1]} : vector<64x512xi32> to vector<64x1xi32>
    %slice3A_3194 = vector.extract_strided_slice %select_n3A_3183 {offsets = [0, 0], sizes = [64, 511], strides = [1, 1]} : vector<64x512xi32> to vector<64x511xi32>
    %concatenate3A_3195 = tpu.concatenate %slice3A_3193, %slice3A_3194 in 1 : vector<64x1xi32>, vector<64x511xi32> -> vector<64x512xi32>
    %broadcast_in_dim3A_3196 = vector.shape_cast %eq3A_3189 : vector<1x512xi1> to vector<1x512xi1>
    %broadcast_in_dim3A_3197 = vector.broadcast %broadcast_in_dim3A_3196 : vector<1x512xi1> to vector<64x512xi1>
    %select_n3A_3198 = arith.select %broadcast_in_dim3A_3197, %concatenate3A_3192, %concatenate3A_3195 : vector<64x512xi1>, vector<64x512xi32>
    %gt3A_3199 = arith.cmpf ogt, %select_n3A_2903, %select_n3A_3054 : vector<64x512xf32>
    %eq3A_3200 = arith.cmpf oeq, %select_n3A_2903, %select_n3A_3054 : vector<64x512xf32>
    %lt3A_3201 = arith.cmpi slt, %select_n3A_2904, %select_n3A_3198 : vector<64x512xi32>
    %and3A_3202 = arith.andi %eq3A_3200, %lt3A_3201 : vector<64x512xi1>
    %or3A_3203 = arith.ori %gt3A_3199, %and3A_3202 : vector<64x512xi1>
    %not3A_3204 = arith.constant dense<true> : vector<64x1xi1>
    %not3A_3205 = arith.xori %eq3A_2910, %not3A_3204 : vector<64x1xi1>
    %xor3A_3206 = vector.broadcast %not3A_3205 : vector<64x1xi1> to vector<64x512xi1>
    %xor3A_3207 = arith.xori %or3A_3203, %xor3A_3206 : vector<64x512xi1>
    %select_n3A_3208 = arith.select %xor3A_3207, %select_n3A_2903, %select_n3A_3054 : vector<64x512xi1>, vector<64x512xf32>
    %select_n3A_3209 = arith.select %xor3A_3207, %select_n3A_2904, %select_n3A_3198 : vector<64x512xi1>, vector<64x512xi32>
    %and3A_3210 = arith.constant 256 : i32
    %and3A_3211 = vector.broadcast %and3A_3210 : i32 to vector<1x512xi32>
    %and3A_3212 = arith.andi %iota3A, %and3A_3211 : vector<1x512xi32>
    %eq3A_3213 = arith.constant 0 : i32
    %eq3A_3214 = vector.broadcast %eq3A_3213 : i32 to vector<1x512xi32>
    %eq3A_3215 = arith.cmpi eq, %and3A_3212, %eq3A_3214 : vector<1x512xi32>
    %slice3A_3216 = vector.extract_strided_slice %select_n3A_3208 {offsets = [0, 256], sizes = [64, 256], strides = [1, 1]} : vector<64x512xf32> to vector<64x256xf32>
    %slice3A_3217 = vector.extract_strided_slice %select_n3A_3208 {offsets = [0, 0], sizes = [64, 256], strides = [1, 1]} : vector<64x512xf32> to vector<64x256xf32>
    %concatenate3A_3218 = tpu.concatenate %slice3A_3216, %slice3A_3217 in 1 : vector<64x256xf32>, vector<64x256xf32> -> vector<64x512xf32>
    %slice3A_3219 = vector.extract_strided_slice %select_n3A_3208 {offsets = [0, 256], sizes = [64, 256], strides = [1, 1]} : vector<64x512xf32> to vector<64x256xf32>
    %slice3A_3220 = vector.extract_strided_slice %select_n3A_3208 {offsets = [0, 0], sizes = [64, 256], strides = [1, 1]} : vector<64x512xf32> to vector<64x256xf32>
    %concatenate3A_3221 = tpu.concatenate %slice3A_3219, %slice3A_3220 in 1 : vector<64x256xf32>, vector<64x256xf32> -> vector<64x512xf32>
    %broadcast_in_dim3A_3222 = vector.shape_cast %eq3A_3215 : vector<1x512xi1> to vector<1x512xi1>
    %broadcast_in_dim3A_3223 = vector.broadcast %broadcast_in_dim3A_3222 : vector<1x512xi1> to vector<64x512xi1>
    %select_n3A_3224 = arith.select %broadcast_in_dim3A_3223, %concatenate3A_3218, %concatenate3A_3221 : vector<64x512xi1>, vector<64x512xf32>
    %slice3A_3225 = vector.extract_strided_slice %select_n3A_3209 {offsets = [0, 256], sizes = [64, 256], strides = [1, 1]} : vector<64x512xi32> to vector<64x256xi32>
    %slice3A_3226 = vector.extract_strided_slice %select_n3A_3209 {offsets = [0, 0], sizes = [64, 256], strides = [1, 1]} : vector<64x512xi32> to vector<64x256xi32>
    %concatenate3A_3227 = tpu.concatenate %slice3A_3225, %slice3A_3226 in 1 : vector<64x256xi32>, vector<64x256xi32> -> vector<64x512xi32>
    %slice3A_3228 = vector.extract_strided_slice %select_n3A_3209 {offsets = [0, 256], sizes = [64, 256], strides = [1, 1]} : vector<64x512xi32> to vector<64x256xi32>
    %slice3A_3229 = vector.extract_strided_slice %select_n3A_3209 {offsets = [0, 0], sizes = [64, 256], strides = [1, 1]} : vector<64x512xi32> to vector<64x256xi32>
    %concatenate3A_3230 = tpu.concatenate %slice3A_3228, %slice3A_3229 in 1 : vector<64x256xi32>, vector<64x256xi32> -> vector<64x512xi32>
    %broadcast_in_dim3A_3231 = vector.shape_cast %eq3A_3215 : vector<1x512xi1> to vector<1x512xi1>
    %broadcast_in_dim3A_3232 = vector.broadcast %broadcast_in_dim3A_3231 : vector<1x512xi1> to vector<64x512xi1>
    %select_n3A_3233 = arith.select %broadcast_in_dim3A_3232, %concatenate3A_3227, %concatenate3A_3230 : vector<64x512xi1>, vector<64x512xi32>
    %gt3A_3234 = arith.cmpf ogt, %select_n3A_3208, %select_n3A_3224 : vector<64x512xf32>
    %eq3A_3235 = arith.cmpf oeq, %select_n3A_3208, %select_n3A_3224 : vector<64x512xf32>
    %lt3A_3236 = arith.cmpi slt, %select_n3A_3209, %select_n3A_3233 : vector<64x512xi32>
    %and3A_3237 = arith.andi %eq3A_3235, %lt3A_3236 : vector<64x512xi1>
    %or3A_3238 = arith.ori %gt3A_3234, %and3A_3237 : vector<64x512xi1>
    %xor3A_3239 = vector.broadcast %eq3A_3215 : vector<1x512xi1> to vector<64x512xi1>
    %xor3A_3240 = arith.xori %xor3A_3239, %or3A_3238 : vector<64x512xi1>
    %xor3A_3241 = arith.constant true
    %xor3A_3242 = vector.broadcast %xor3A_3241 : i1 to vector<64x512xi1>
    %xor3A_3243 = arith.xori %xor3A_3240, %xor3A_3242 : vector<64x512xi1>
    %select_n3A_3244 = arith.select %xor3A_3243, %select_n3A_3208, %select_n3A_3224 : vector<64x512xi1>, vector<64x512xf32>
    %select_n3A_3245 = arith.select %xor3A_3243, %select_n3A_3209, %select_n3A_3233 : vector<64x512xi1>, vector<64x512xi32>
    %and3A_3246 = arith.constant 128 : i32
    %and3A_3247 = vector.broadcast %and3A_3246 : i32 to vector<1x512xi32>
    %and3A_3248 = arith.andi %iota3A, %and3A_3247 : vector<1x512xi32>
    %eq3A_3249 = arith.constant 0 : i32
    %eq3A_3250 = vector.broadcast %eq3A_3249 : i32 to vector<1x512xi32>
    %eq3A_3251 = arith.cmpi eq, %and3A_3248, %eq3A_3250 : vector<1x512xi32>
    %slice3A_3252 = vector.extract_strided_slice %select_n3A_3244 {offsets = [0, 128], sizes = [64, 384], strides = [1, 1]} : vector<64x512xf32> to vector<64x384xf32>
    %slice3A_3253 = vector.extract_strided_slice %select_n3A_3244 {offsets = [0, 0], sizes = [64, 128], strides = [1, 1]} : vector<64x512xf32> to vector<64x128xf32>
    %concatenate3A_3254 = tpu.concatenate %slice3A_3252, %slice3A_3253 in 1 : vector<64x384xf32>, vector<64x128xf32> -> vector<64x512xf32>
    %slice3A_3255 = vector.extract_strided_slice %select_n3A_3244 {offsets = [0, 384], sizes = [64, 128], strides = [1, 1]} : vector<64x512xf32> to vector<64x128xf32>
    %slice3A_3256 = vector.extract_strided_slice %select_n3A_3244 {offsets = [0, 0], sizes = [64, 384], strides = [1, 1]} : vector<64x512xf32> to vector<64x384xf32>
    %concatenate3A_3257 = tpu.concatenate %slice3A_3255, %slice3A_3256 in 1 : vector<64x128xf32>, vector<64x384xf32> -> vector<64x512xf32>
    %broadcast_in_dim3A_3258 = vector.shape_cast %eq3A_3251 : vector<1x512xi1> to vector<1x512xi1>
    %broadcast_in_dim3A_3259 = vector.broadcast %broadcast_in_dim3A_3258 : vector<1x512xi1> to vector<64x512xi1>
    %select_n3A_3260 = arith.select %broadcast_in_dim3A_3259, %concatenate3A_3254, %concatenate3A_3257 : vector<64x512xi1>, vector<64x512xf32>
    %slice3A_3261 = vector.extract_strided_slice %select_n3A_3245 {offsets = [0, 128], sizes = [64, 384], strides = [1, 1]} : vector<64x512xi32> to vector<64x384xi32>
    %slice3A_3262 = vector.extract_strided_slice %select_n3A_3245 {offsets = [0, 0], sizes = [64, 128], strides = [1, 1]} : vector<64x512xi32> to vector<64x128xi32>
    %concatenate3A_3263 = tpu.concatenate %slice3A_3261, %slice3A_3262 in 1 : vector<64x384xi32>, vector<64x128xi32> -> vector<64x512xi32>
    %slice3A_3264 = vector.extract_strided_slice %select_n3A_3245 {offsets = [0, 384], sizes = [64, 128], strides = [1, 1]} : vector<64x512xi32> to vector<64x128xi32>
    %slice3A_3265 = vector.extract_strided_slice %select_n3A_3245 {offsets = [0, 0], sizes = [64, 384], strides = [1, 1]} : vector<64x512xi32> to vector<64x384xi32>
    %concatenate3A_3266 = tpu.concatenate %slice3A_3264, %slice3A_3265 in 1 : vector<64x128xi32>, vector<64x384xi32> -> vector<64x512xi32>
    %broadcast_in_dim3A_3267 = vector.shape_cast %eq3A_3251 : vector<1x512xi1> to vector<1x512xi1>
    %broadcast_in_dim3A_3268 = vector.broadcast %broadcast_in_dim3A_3267 : vector<1x512xi1> to vector<64x512xi1>
    %select_n3A_3269 = arith.select %broadcast_in_dim3A_3268, %concatenate3A_3263, %concatenate3A_3266 : vector<64x512xi1>, vector<64x512xi32>
    %gt3A_3270 = arith.cmpf ogt, %select_n3A_3244, %select_n3A_3260 : vector<64x512xf32>
    %eq3A_3271 = arith.cmpf oeq, %select_n3A_3244, %select_n3A_3260 : vector<64x512xf32>
    %lt3A_3272 = arith.cmpi slt, %select_n3A_3245, %select_n3A_3269 : vector<64x512xi32>
    %and3A_3273 = arith.andi %eq3A_3271, %lt3A_3272 : vector<64x512xi1>
    %or3A_3274 = arith.ori %gt3A_3270, %and3A_3273 : vector<64x512xi1>
    %xor3A_3275 = vector.broadcast %eq3A_3251 : vector<1x512xi1> to vector<64x512xi1>
    %xor3A_3276 = arith.xori %xor3A_3275, %or3A_3274 : vector<64x512xi1>
    %xor3A_3277 = arith.constant true
    %xor3A_3278 = vector.broadcast %xor3A_3277 : i1 to vector<64x512xi1>
    %xor3A_3279 = arith.xori %xor3A_3276, %xor3A_3278 : vector<64x512xi1>
    %select_n3A_3280 = arith.select %xor3A_3279, %select_n3A_3244, %select_n3A_3260 : vector<64x512xi1>, vector<64x512xf32>
    %select_n3A_3281 = arith.select %xor3A_3279, %select_n3A_3245, %select_n3A_3269 : vector<64x512xi1>, vector<64x512xi32>
    %and3A_3282 = arith.constant 64 : i32
    %and3A_3283 = vector.broadcast %and3A_3282 : i32 to vector<1x512xi32>
    %and3A_3284 = arith.andi %iota3A, %and3A_3283 : vector<1x512xi32>
    %eq3A_3285 = arith.constant 0 : i32
    %eq3A_3286 = vector.broadcast %eq3A_3285 : i32 to vector<1x512xi32>
    %eq3A_3287 = arith.cmpi eq, %and3A_3284, %eq3A_3286 : vector<1x512xi32>
    %slice3A_3288 = vector.extract_strided_slice %select_n3A_3280 {offsets = [0, 64], sizes = [64, 448], strides = [1, 1]} : vector<64x512xf32> to vector<64x448xf32>
    %slice3A_3289 = vector.extract_strided_slice %select_n3A_3280 {offsets = [0, 0], sizes = [64, 64], strides = [1, 1]} : vector<64x512xf32> to vector<64x64xf32>
    %concatenate3A_3290 = tpu.concatenate %slice3A_3288, %slice3A_3289 in 1 : vector<64x448xf32>, vector<64x64xf32> -> vector<64x512xf32>
    %slice3A_3291 = vector.extract_strided_slice %select_n3A_3280 {offsets = [0, 448], sizes = [64, 64], strides = [1, 1]} : vector<64x512xf32> to vector<64x64xf32>
    %slice3A_3292 = vector.extract_strided_slice %select_n3A_3280 {offsets = [0, 0], sizes = [64, 448], strides = [1, 1]} : vector<64x512xf32> to vector<64x448xf32>
    %concatenate3A_3293 = tpu.concatenate %slice3A_3291, %slice3A_3292 in 1 : vector<64x64xf32>, vector<64x448xf32> -> vector<64x512xf32>
    %broadcast_in_dim3A_3294 = vector.shape_cast %eq3A_3287 : vector<1x512xi1> to vector<1x512xi1>
    %broadcast_in_dim3A_3295 = vector.broadcast %broadcast_in_dim3A_3294 : vector<1x512xi1> to vector<64x512xi1>
    %select_n3A_3296 = arith.select %broadcast_in_dim3A_3295, %concatenate3A_3290, %concatenate3A_3293 : vector<64x512xi1>, vector<64x512xf32>
    %slice3A_3297 = vector.extract_strided_slice %select_n3A_3281 {offsets = [0, 64], sizes = [64, 448], strides = [1, 1]} : vector<64x512xi32> to vector<64x448xi32>
    %slice3A_3298 = vector.extract_strided_slice %select_n3A_3281 {offsets = [0, 0], sizes = [64, 64], strides = [1, 1]} : vector<64x512xi32> to vector<64x64xi32>
    %concatenate3A_3299 = tpu.concatenate %slice3A_3297, %slice3A_3298 in 1 : vector<64x448xi32>, vector<64x64xi32> -> vector<64x512xi32>
    %slice3A_3300 = vector.extract_strided_slice %select_n3A_3281 {offsets = [0, 448], sizes = [64, 64], strides = [1, 1]} : vector<64x512xi32> to vector<64x64xi32>
    %slice3A_3301 = vector.extract_strided_slice %select_n3A_3281 {offsets = [0, 0], sizes = [64, 448], strides = [1, 1]} : vector<64x512xi32> to vector<64x448xi32>
    %concatenate3A_3302 = tpu.concatenate %slice3A_3300, %slice3A_3301 in 1 : vector<64x64xi32>, vector<64x448xi32> -> vector<64x512xi32>
    %broadcast_in_dim3A_3303 = vector.shape_cast %eq3A_3287 : vector<1x512xi1> to vector<1x512xi1>
    %broadcast_in_dim3A_3304 = vector.broadcast %broadcast_in_dim3A_3303 : vector<1x512xi1> to vector<64x512xi1>
    %select_n3A_3305 = arith.select %broadcast_in_dim3A_3304, %concatenate3A_3299, %concatenate3A_3302 : vector<64x512xi1>, vector<64x512xi32>
    %gt3A_3306 = arith.cmpf ogt, %select_n3A_3280, %select_n3A_3296 : vector<64x512xf32>
    %eq3A_3307 = arith.cmpf oeq, %select_n3A_3280, %select_n3A_3296 : vector<64x512xf32>
    %lt3A_3308 = arith.cmpi slt, %select_n3A_3281, %select_n3A_3305 : vector<64x512xi32>
    %and3A_3309 = arith.andi %eq3A_3307, %lt3A_3308 : vector<64x512xi1>
    %or3A_3310 = arith.ori %gt3A_3306, %and3A_3309 : vector<64x512xi1>
    %xor3A_3311 = vector.broadcast %eq3A_3287 : vector<1x512xi1> to vector<64x512xi1>
    %xor3A_3312 = arith.xori %xor3A_3311, %or3A_3310 : vector<64x512xi1>
    %xor3A_3313 = arith.constant true
    %xor3A_3314 = vector.broadcast %xor3A_3313 : i1 to vector<64x512xi1>
    %xor3A_3315 = arith.xori %xor3A_3312, %xor3A_3314 : vector<64x512xi1>
    %select_n3A_3316 = arith.select %xor3A_3315, %select_n3A_3280, %select_n3A_3296 : vector<64x512xi1>, vector<64x512xf32>
    %select_n3A_3317 = arith.select %xor3A_3315, %select_n3A_3281, %select_n3A_3305 : vector<64x512xi1>, vector<64x512xi32>
    %and3A_3318 = arith.constant 32 : i32
    %and3A_3319 = vector.broadcast %and3A_3318 : i32 to vector<1x512xi32>
    %and3A_3320 = arith.andi %iota3A, %and3A_3319 : vector<1x512xi32>
    %eq3A_3321 = arith.constant 0 : i32
    %eq3A_3322 = vector.broadcast %eq3A_3321 : i32 to vector<1x512xi32>
    %eq3A_3323 = arith.cmpi eq, %and3A_3320, %eq3A_3322 : vector<1x512xi32>
    %slice3A_3324 = vector.extract_strided_slice %select_n3A_3316 {offsets = [0, 32], sizes = [64, 480], strides = [1, 1]} : vector<64x512xf32> to vector<64x480xf32>
    %slice3A_3325 = vector.extract_strided_slice %select_n3A_3316 {offsets = [0, 0], sizes = [64, 32], strides = [1, 1]} : vector<64x512xf32> to vector<64x32xf32>
    %concatenate3A_3326 = tpu.concatenate %slice3A_3324, %slice3A_3325 in 1 : vector<64x480xf32>, vector<64x32xf32> -> vector<64x512xf32>
    %slice3A_3327 = vector.extract_strided_slice %select_n3A_3316 {offsets = [0, 480], sizes = [64, 32], strides = [1, 1]} : vector<64x512xf32> to vector<64x32xf32>
    %slice3A_3328 = vector.extract_strided_slice %select_n3A_3316 {offsets = [0, 0], sizes = [64, 480], strides = [1, 1]} : vector<64x512xf32> to vector<64x480xf32>
    %concatenate3A_3329 = tpu.concatenate %slice3A_3327, %slice3A_3328 in 1 : vector<64x32xf32>, vector<64x480xf32> -> vector<64x512xf32>
    %broadcast_in_dim3A_3330 = vector.shape_cast %eq3A_3323 : vector<1x512xi1> to vector<1x512xi1>
    %broadcast_in_dim3A_3331 = vector.broadcast %broadcast_in_dim3A_3330 : vector<1x512xi1> to vector<64x512xi1>
    %select_n3A_3332 = arith.select %broadcast_in_dim3A_3331, %concatenate3A_3326, %concatenate3A_3329 : vector<64x512xi1>, vector<64x512xf32>
    %slice3A_3333 = vector.extract_strided_slice %select_n3A_3317 {offsets = [0, 32], sizes = [64, 480], strides = [1, 1]} : vector<64x512xi32> to vector<64x480xi32>
    %slice3A_3334 = vector.extract_strided_slice %select_n3A_3317 {offsets = [0, 0], sizes = [64, 32], strides = [1, 1]} : vector<64x512xi32> to vector<64x32xi32>
    %concatenate3A_3335 = tpu.concatenate %slice3A_3333, %slice3A_3334 in 1 : vector<64x480xi32>, vector<64x32xi32> -> vector<64x512xi32>
    %slice3A_3336 = vector.extract_strided_slice %select_n3A_3317 {offsets = [0, 480], sizes = [64, 32], strides = [1, 1]} : vector<64x512xi32> to vector<64x32xi32>
    %slice3A_3337 = vector.extract_strided_slice %select_n3A_3317 {offsets = [0, 0], sizes = [64, 480], strides = [1, 1]} : vector<64x512xi32> to vector<64x480xi32>
    %concatenate3A_3338 = tpu.concatenate %slice3A_3336, %slice3A_3337 in 1 : vector<64x32xi32>, vector<64x480xi32> -> vector<64x512xi32>
    %broadcast_in_dim3A_3339 = vector.shape_cast %eq3A_3323 : vector<1x512xi1> to vector<1x512xi1>
    %broadcast_in_dim3A_3340 = vector.broadcast %broadcast_in_dim3A_3339 : vector<1x512xi1> to vector<64x512xi1>
    %select_n3A_3341 = arith.select %broadcast_in_dim3A_3340, %concatenate3A_3335, %concatenate3A_3338 : vector<64x512xi1>, vector<64x512xi32>
    %gt3A_3342 = arith.cmpf ogt, %select_n3A_3316, %select_n3A_3332 : vector<64x512xf32>
    %eq3A_3343 = arith.cmpf oeq, %select_n3A_3316, %select_n3A_3332 : vector<64x512xf32>
    %lt3A_3344 = arith.cmpi slt, %select_n3A_3317, %select_n3A_3341 : vector<64x512xi32>
    %and3A_3345 = arith.andi %eq3A_3343, %lt3A_3344 : vector<64x512xi1>
    %or3A_3346 = arith.ori %gt3A_3342, %and3A_3345 : vector<64x512xi1>
    %xor3A_3347 = vector.broadcast %eq3A_3323 : vector<1x512xi1> to vector<64x512xi1>
    %xor3A_3348 = arith.xori %xor3A_3347, %or3A_3346 : vector<64x512xi1>
    %xor3A_3349 = arith.constant true
    %xor3A_3350 = vector.broadcast %xor3A_3349 : i1 to vector<64x512xi1>
    %xor3A_3351 = arith.xori %xor3A_3348, %xor3A_3350 : vector<64x512xi1>
    %select_n3A_3352 = arith.select %xor3A_3351, %select_n3A_3316, %select_n3A_3332 : vector<64x512xi1>, vector<64x512xf32>
    %select_n3A_3353 = arith.select %xor3A_3351, %select_n3A_3317, %select_n3A_3341 : vector<64x512xi1>, vector<64x512xi32>
    %and3A_3354 = arith.constant 16 : i32
    %and3A_3355 = vector.broadcast %and3A_3354 : i32 to vector<1x512xi32>
    %and3A_3356 = arith.andi %iota3A, %and3A_3355 : vector<1x512xi32>
    %eq3A_3357 = arith.constant 0 : i32
    %eq3A_3358 = vector.broadcast %eq3A_3357 : i32 to vector<1x512xi32>
    %eq3A_3359 = arith.cmpi eq, %and3A_3356, %eq3A_3358 : vector<1x512xi32>
    %slice3A_3360 = vector.extract_strided_slice %select_n3A_3352 {offsets = [0, 16], sizes = [64, 496], strides = [1, 1]} : vector<64x512xf32> to vector<64x496xf32>
    %slice3A_3361 = vector.extract_strided_slice %select_n3A_3352 {offsets = [0, 0], sizes = [64, 16], strides = [1, 1]} : vector<64x512xf32> to vector<64x16xf32>
    %concatenate3A_3362 = tpu.concatenate %slice3A_3360, %slice3A_3361 in 1 : vector<64x496xf32>, vector<64x16xf32> -> vector<64x512xf32>
    %slice3A_3363 = vector.extract_strided_slice %select_n3A_3352 {offsets = [0, 496], sizes = [64, 16], strides = [1, 1]} : vector<64x512xf32> to vector<64x16xf32>
    %slice3A_3364 = vector.extract_strided_slice %select_n3A_3352 {offsets = [0, 0], sizes = [64, 496], strides = [1, 1]} : vector<64x512xf32> to vector<64x496xf32>
    %concatenate3A_3365 = tpu.concatenate %slice3A_3363, %slice3A_3364 in 1 : vector<64x16xf32>, vector<64x496xf32> -> vector<64x512xf32>
    %broadcast_in_dim3A_3366 = vector.shape_cast %eq3A_3359 : vector<1x512xi1> to vector<1x512xi1>
    %broadcast_in_dim3A_3367 = vector.broadcast %broadcast_in_dim3A_3366 : vector<1x512xi1> to vector<64x512xi1>
    %select_n3A_3368 = arith.select %broadcast_in_dim3A_3367, %concatenate3A_3362, %concatenate3A_3365 : vector<64x512xi1>, vector<64x512xf32>
    %slice3A_3369 = vector.extract_strided_slice %select_n3A_3353 {offsets = [0, 16], sizes = [64, 496], strides = [1, 1]} : vector<64x512xi32> to vector<64x496xi32>
    %slice3A_3370 = vector.extract_strided_slice %select_n3A_3353 {offsets = [0, 0], sizes = [64, 16], strides = [1, 1]} : vector<64x512xi32> to vector<64x16xi32>
    %concatenate3A_3371 = tpu.concatenate %slice3A_3369, %slice3A_3370 in 1 : vector<64x496xi32>, vector<64x16xi32> -> vector<64x512xi32>
    %slice3A_3372 = vector.extract_strided_slice %select_n3A_3353 {offsets = [0, 496], sizes = [64, 16], strides = [1, 1]} : vector<64x512xi32> to vector<64x16xi32>
    %slice3A_3373 = vector.extract_strided_slice %select_n3A_3353 {offsets = [0, 0], sizes = [64, 496], strides = [1, 1]} : vector<64x512xi32> to vector<64x496xi32>
    %concatenate3A_3374 = tpu.concatenate %slice3A_3372, %slice3A_3373 in 1 : vector<64x16xi32>, vector<64x496xi32> -> vector<64x512xi32>
    %broadcast_in_dim3A_3375 = vector.shape_cast %eq3A_3359 : vector<1x512xi1> to vector<1x512xi1>
    %broadcast_in_dim3A_3376 = vector.broadcast %broadcast_in_dim3A_3375 : vector<1x512xi1> to vector<64x512xi1>
    %select_n3A_3377 = arith.select %broadcast_in_dim3A_3376, %concatenate3A_3371, %concatenate3A_3374 : vector<64x512xi1>, vector<64x512xi32>
    %gt3A_3378 = arith.cmpf ogt, %select_n3A_3352, %select_n3A_3368 : vector<64x512xf32>
    %eq3A_3379 = arith.cmpf oeq, %select_n3A_3352, %select_n3A_3368 : vector<64x512xf32>
    %lt3A_3380 = arith.cmpi slt, %select_n3A_3353, %select_n3A_3377 : vector<64x512xi32>
    %and3A_3381 = arith.andi %eq3A_3379, %lt3A_3380 : vector<64x512xi1>
    %or3A_3382 = arith.ori %gt3A_3378, %and3A_3381 : vector<64x512xi1>
    %xor3A_3383 = vector.broadcast %eq3A_3359 : vector<1x512xi1> to vector<64x512xi1>
    %xor3A_3384 = arith.xori %xor3A_3383, %or3A_3382 : vector<64x512xi1>
    %xor3A_3385 = arith.constant true
    %xor3A_3386 = vector.broadcast %xor3A_3385 : i1 to vector<64x512xi1>
    %xor3A_3387 = arith.xori %xor3A_3384, %xor3A_3386 : vector<64x512xi1>
    %select_n3A_3388 = arith.select %xor3A_3387, %select_n3A_3352, %select_n3A_3368 : vector<64x512xi1>, vector<64x512xf32>
    %select_n3A_3389 = arith.select %xor3A_3387, %select_n3A_3353, %select_n3A_3377 : vector<64x512xi1>, vector<64x512xi32>
    %and3A_3390 = arith.constant 8 : i32
    %and3A_3391 = vector.broadcast %and3A_3390 : i32 to vector<1x512xi32>
    %and3A_3392 = arith.andi %iota3A, %and3A_3391 : vector<1x512xi32>
    %eq3A_3393 = arith.constant 0 : i32
    %eq3A_3394 = vector.broadcast %eq3A_3393 : i32 to vector<1x512xi32>
    %eq3A_3395 = arith.cmpi eq, %and3A_3392, %eq3A_3394 : vector<1x512xi32>
    %slice3A_3396 = vector.extract_strided_slice %select_n3A_3388 {offsets = [0, 8], sizes = [64, 504], strides = [1, 1]} : vector<64x512xf32> to vector<64x504xf32>
    %slice3A_3397 = vector.extract_strided_slice %select_n3A_3388 {offsets = [0, 0], sizes = [64, 8], strides = [1, 1]} : vector<64x512xf32> to vector<64x8xf32>
    %concatenate3A_3398 = tpu.concatenate %slice3A_3396, %slice3A_3397 in 1 : vector<64x504xf32>, vector<64x8xf32> -> vector<64x512xf32>
    %slice3A_3399 = vector.extract_strided_slice %select_n3A_3388 {offsets = [0, 504], sizes = [64, 8], strides = [1, 1]} : vector<64x512xf32> to vector<64x8xf32>
    %slice3A_3400 = vector.extract_strided_slice %select_n3A_3388 {offsets = [0, 0], sizes = [64, 504], strides = [1, 1]} : vector<64x512xf32> to vector<64x504xf32>
    %concatenate3A_3401 = tpu.concatenate %slice3A_3399, %slice3A_3400 in 1 : vector<64x8xf32>, vector<64x504xf32> -> vector<64x512xf32>
    %broadcast_in_dim3A_3402 = vector.shape_cast %eq3A_3395 : vector<1x512xi1> to vector<1x512xi1>
    %broadcast_in_dim3A_3403 = vector.broadcast %broadcast_in_dim3A_3402 : vector<1x512xi1> to vector<64x512xi1>
    %select_n3A_3404 = arith.select %broadcast_in_dim3A_3403, %concatenate3A_3398, %concatenate3A_3401 : vector<64x512xi1>, vector<64x512xf32>
    %slice3A_3405 = vector.extract_strided_slice %select_n3A_3389 {offsets = [0, 8], sizes = [64, 504], strides = [1, 1]} : vector<64x512xi32> to vector<64x504xi32>
    %slice3A_3406 = vector.extract_strided_slice %select_n3A_3389 {offsets = [0, 0], sizes = [64, 8], strides = [1, 1]} : vector<64x512xi32> to vector<64x8xi32>
    %concatenate3A_3407 = tpu.concatenate %slice3A_3405, %slice3A_3406 in 1 : vector<64x504xi32>, vector<64x8xi32> -> vector<64x512xi32>
    %slice3A_3408 = vector.extract_strided_slice %select_n3A_3389 {offsets = [0, 504], sizes = [64, 8], strides = [1, 1]} : vector<64x512xi32> to vector<64x8xi32>
    %slice3A_3409 = vector.extract_strided_slice %select_n3A_3389 {offsets = [0, 0], sizes = [64, 504], strides = [1, 1]} : vector<64x512xi32> to vector<64x504xi32>
    %concatenate3A_3410 = tpu.concatenate %slice3A_3408, %slice3A_3409 in 1 : vector<64x8xi32>, vector<64x504xi32> -> vector<64x512xi32>
    %broadcast_in_dim3A_3411 = vector.shape_cast %eq3A_3395 : vector<1x512xi1> to vector<1x512xi1>
    %broadcast_in_dim3A_3412 = vector.broadcast %broadcast_in_dim3A_3411 : vector<1x512xi1> to vector<64x512xi1>
    %select_n3A_3413 = arith.select %broadcast_in_dim3A_3412, %concatenate3A_3407, %concatenate3A_3410 : vector<64x512xi1>, vector<64x512xi32>
    %gt3A_3414 = arith.cmpf ogt, %select_n3A_3388, %select_n3A_3404 : vector<64x512xf32>
    %eq3A_3415 = arith.cmpf oeq, %select_n3A_3388, %select_n3A_3404 : vector<64x512xf32>
    %lt3A_3416 = arith.cmpi slt, %select_n3A_3389, %select_n3A_3413 : vector<64x512xi32>
    %and3A_3417 = arith.andi %eq3A_3415, %lt3A_3416 : vector<64x512xi1>
    %or3A_3418 = arith.ori %gt3A_3414, %and3A_3417 : vector<64x512xi1>
    %xor3A_3419 = vector.broadcast %eq3A_3395 : vector<1x512xi1> to vector<64x512xi1>
    %xor3A_3420 = arith.xori %xor3A_3419, %or3A_3418 : vector<64x512xi1>
    %xor3A_3421 = arith.constant true
    %xor3A_3422 = vector.broadcast %xor3A_3421 : i1 to vector<64x512xi1>
    %xor3A_3423 = arith.xori %xor3A_3420, %xor3A_3422 : vector<64x512xi1>
    %select_n3A_3424 = arith.select %xor3A_3423, %select_n3A_3388, %select_n3A_3404 : vector<64x512xi1>, vector<64x512xf32>
    %select_n3A_3425 = arith.select %xor3A_3423, %select_n3A_3389, %select_n3A_3413 : vector<64x512xi1>, vector<64x512xi32>
    %and3A_3426 = arith.constant 4 : i32
    %and3A_3427 = vector.broadcast %and3A_3426 : i32 to vector<1x512xi32>
    %and3A_3428 = arith.andi %iota3A, %and3A_3427 : vector<1x512xi32>
    %eq3A_3429 = arith.constant 0 : i32
    %eq3A_3430 = vector.broadcast %eq3A_3429 : i32 to vector<1x512xi32>
    %eq3A_3431 = arith.cmpi eq, %and3A_3428, %eq3A_3430 : vector<1x512xi32>
    %slice3A_3432 = vector.extract_strided_slice %select_n3A_3424 {offsets = [0, 4], sizes = [64, 508], strides = [1, 1]} : vector<64x512xf32> to vector<64x508xf32>
    %slice3A_3433 = vector.extract_strided_slice %select_n3A_3424 {offsets = [0, 0], sizes = [64, 4], strides = [1, 1]} : vector<64x512xf32> to vector<64x4xf32>
    %concatenate3A_3434 = tpu.concatenate %slice3A_3432, %slice3A_3433 in 1 : vector<64x508xf32>, vector<64x4xf32> -> vector<64x512xf32>
    %slice3A_3435 = vector.extract_strided_slice %select_n3A_3424 {offsets = [0, 508], sizes = [64, 4], strides = [1, 1]} : vector<64x512xf32> to vector<64x4xf32>
    %slice3A_3436 = vector.extract_strided_slice %select_n3A_3424 {offsets = [0, 0], sizes = [64, 508], strides = [1, 1]} : vector<64x512xf32> to vector<64x508xf32>
    %concatenate3A_3437 = tpu.concatenate %slice3A_3435, %slice3A_3436 in 1 : vector<64x4xf32>, vector<64x508xf32> -> vector<64x512xf32>
    %broadcast_in_dim3A_3438 = vector.shape_cast %eq3A_3431 : vector<1x512xi1> to vector<1x512xi1>
    %broadcast_in_dim3A_3439 = vector.broadcast %broadcast_in_dim3A_3438 : vector<1x512xi1> to vector<64x512xi1>
    %select_n3A_3440 = arith.select %broadcast_in_dim3A_3439, %concatenate3A_3434, %concatenate3A_3437 : vector<64x512xi1>, vector<64x512xf32>
    %slice3A_3441 = vector.extract_strided_slice %select_n3A_3425 {offsets = [0, 4], sizes = [64, 508], strides = [1, 1]} : vector<64x512xi32> to vector<64x508xi32>
    %slice3A_3442 = vector.extract_strided_slice %select_n3A_3425 {offsets = [0, 0], sizes = [64, 4], strides = [1, 1]} : vector<64x512xi32> to vector<64x4xi32>
    %concatenate3A_3443 = tpu.concatenate %slice3A_3441, %slice3A_3442 in 1 : vector<64x508xi32>, vector<64x4xi32> -> vector<64x512xi32>
    %slice3A_3444 = vector.extract_strided_slice %select_n3A_3425 {offsets = [0, 508], sizes = [64, 4], strides = [1, 1]} : vector<64x512xi32> to vector<64x4xi32>
    %slice3A_3445 = vector.extract_strided_slice %select_n3A_3425 {offsets = [0, 0], sizes = [64, 508], strides = [1, 1]} : vector<64x512xi32> to vector<64x508xi32>
    %concatenate3A_3446 = tpu.concatenate %slice3A_3444, %slice3A_3445 in 1 : vector<64x4xi32>, vector<64x508xi32> -> vector<64x512xi32>
    %broadcast_in_dim3A_3447 = vector.shape_cast %eq3A_3431 : vector<1x512xi1> to vector<1x512xi1>
    %broadcast_in_dim3A_3448 = vector.broadcast %broadcast_in_dim3A_3447 : vector<1x512xi1> to vector<64x512xi1>
    %select_n3A_3449 = arith.select %broadcast_in_dim3A_3448, %concatenate3A_3443, %concatenate3A_3446 : vector<64x512xi1>, vector<64x512xi32>
    %gt3A_3450 = arith.cmpf ogt, %select_n3A_3424, %select_n3A_3440 : vector<64x512xf32>
    %eq3A_3451 = arith.cmpf oeq, %select_n3A_3424, %select_n3A_3440 : vector<64x512xf32>
    %lt3A_3452 = arith.cmpi slt, %select_n3A_3425, %select_n3A_3449 : vector<64x512xi32>
    %and3A_3453 = arith.andi %eq3A_3451, %lt3A_3452 : vector<64x512xi1>
    %or3A_3454 = arith.ori %gt3A_3450, %and3A_3453 : vector<64x512xi1>
    %xor3A_3455 = vector.broadcast %eq3A_3431 : vector<1x512xi1> to vector<64x512xi1>
    %xor3A_3456 = arith.xori %xor3A_3455, %or3A_3454 : vector<64x512xi1>
    %xor3A_3457 = arith.constant true
    %xor3A_3458 = vector.broadcast %xor3A_3457 : i1 to vector<64x512xi1>
    %xor3A_3459 = arith.xori %xor3A_3456, %xor3A_3458 : vector<64x512xi1>
    %select_n3A_3460 = arith.select %xor3A_3459, %select_n3A_3424, %select_n3A_3440 : vector<64x512xi1>, vector<64x512xf32>
    %select_n3A_3461 = arith.select %xor3A_3459, %select_n3A_3425, %select_n3A_3449 : vector<64x512xi1>, vector<64x512xi32>
    %and3A_3462 = arith.constant 2 : i32
    %and3A_3463 = vector.broadcast %and3A_3462 : i32 to vector<1x512xi32>
    %and3A_3464 = arith.andi %iota3A, %and3A_3463 : vector<1x512xi32>
    %eq3A_3465 = arith.constant 0 : i32
    %eq3A_3466 = vector.broadcast %eq3A_3465 : i32 to vector<1x512xi32>
    %eq3A_3467 = arith.cmpi eq, %and3A_3464, %eq3A_3466 : vector<1x512xi32>
    %slice3A_3468 = vector.extract_strided_slice %select_n3A_3460 {offsets = [0, 2], sizes = [64, 510], strides = [1, 1]} : vector<64x512xf32> to vector<64x510xf32>
    %slice3A_3469 = vector.extract_strided_slice %select_n3A_3460 {offsets = [0, 0], sizes = [64, 2], strides = [1, 1]} : vector<64x512xf32> to vector<64x2xf32>
    %concatenate3A_3470 = tpu.concatenate %slice3A_3468, %slice3A_3469 in 1 : vector<64x510xf32>, vector<64x2xf32> -> vector<64x512xf32>
    %slice3A_3471 = vector.extract_strided_slice %select_n3A_3460 {offsets = [0, 510], sizes = [64, 2], strides = [1, 1]} : vector<64x512xf32> to vector<64x2xf32>
    %slice3A_3472 = vector.extract_strided_slice %select_n3A_3460 {offsets = [0, 0], sizes = [64, 510], strides = [1, 1]} : vector<64x512xf32> to vector<64x510xf32>
    %concatenate3A_3473 = tpu.concatenate %slice3A_3471, %slice3A_3472 in 1 : vector<64x2xf32>, vector<64x510xf32> -> vector<64x512xf32>
    %broadcast_in_dim3A_3474 = vector.shape_cast %eq3A_3467 : vector<1x512xi1> to vector<1x512xi1>
    %broadcast_in_dim3A_3475 = vector.broadcast %broadcast_in_dim3A_3474 : vector<1x512xi1> to vector<64x512xi1>
    %select_n3A_3476 = arith.select %broadcast_in_dim3A_3475, %concatenate3A_3470, %concatenate3A_3473 : vector<64x512xi1>, vector<64x512xf32>
    %slice3A_3477 = vector.extract_strided_slice %select_n3A_3461 {offsets = [0, 2], sizes = [64, 510], strides = [1, 1]} : vector<64x512xi32> to vector<64x510xi32>
    %slice3A_3478 = vector.extract_strided_slice %select_n3A_3461 {offsets = [0, 0], sizes = [64, 2], strides = [1, 1]} : vector<64x512xi32> to vector<64x2xi32>
    %concatenate3A_3479 = tpu.concatenate %slice3A_3477, %slice3A_3478 in 1 : vector<64x510xi32>, vector<64x2xi32> -> vector<64x512xi32>
    %slice3A_3480 = vector.extract_strided_slice %select_n3A_3461 {offsets = [0, 510], sizes = [64, 2], strides = [1, 1]} : vector<64x512xi32> to vector<64x2xi32>
    %slice3A_3481 = vector.extract_strided_slice %select_n3A_3461 {offsets = [0, 0], sizes = [64, 510], strides = [1, 1]} : vector<64x512xi32> to vector<64x510xi32>
    %concatenate3A_3482 = tpu.concatenate %slice3A_3480, %slice3A_3481 in 1 : vector<64x2xi32>, vector<64x510xi32> -> vector<64x512xi32>
    %broadcast_in_dim3A_3483 = vector.shape_cast %eq3A_3467 : vector<1x512xi1> to vector<1x512xi1>
    %broadcast_in_dim3A_3484 = vector.broadcast %broadcast_in_dim3A_3483 : vector<1x512xi1> to vector<64x512xi1>
    %select_n3A_3485 = arith.select %broadcast_in_dim3A_3484, %concatenate3A_3479, %concatenate3A_3482 : vector<64x512xi1>, vector<64x512xi32>
    %gt3A_3486 = arith.cmpf ogt, %select_n3A_3460, %select_n3A_3476 : vector<64x512xf32>
    %eq3A_3487 = arith.cmpf oeq, %select_n3A_3460, %select_n3A_3476 : vector<64x512xf32>
    %lt3A_3488 = arith.cmpi slt, %select_n3A_3461, %select_n3A_3485 : vector<64x512xi32>
    %and3A_3489 = arith.andi %eq3A_3487, %lt3A_3488 : vector<64x512xi1>
    %or3A_3490 = arith.ori %gt3A_3486, %and3A_3489 : vector<64x512xi1>
    %xor3A_3491 = vector.broadcast %eq3A_3467 : vector<1x512xi1> to vector<64x512xi1>
    %xor3A_3492 = arith.xori %xor3A_3491, %or3A_3490 : vector<64x512xi1>
    %xor3A_3493 = arith.constant true
    %xor3A_3494 = vector.broadcast %xor3A_3493 : i1 to vector<64x512xi1>
    %xor3A_3495 = arith.xori %xor3A_3492, %xor3A_3494 : vector<64x512xi1>
    %select_n3A_3496 = arith.select %xor3A_3495, %select_n3A_3460, %select_n3A_3476 : vector<64x512xi1>, vector<64x512xf32>
    %select_n3A_3497 = arith.select %xor3A_3495, %select_n3A_3461, %select_n3A_3485 : vector<64x512xi1>, vector<64x512xi32>
    %and3A_3498 = arith.constant 1 : i32
    %and3A_3499 = vector.broadcast %and3A_3498 : i32 to vector<1x512xi32>
    %and3A_3500 = arith.andi %iota3A, %and3A_3499 : vector<1x512xi32>
    %eq3A_3501 = arith.constant 0 : i32
    %eq3A_3502 = vector.broadcast %eq3A_3501 : i32 to vector<1x512xi32>
    %eq3A_3503 = arith.cmpi eq, %and3A_3500, %eq3A_3502 : vector<1x512xi32>
    %slice3A_3504 = vector.extract_strided_slice %select_n3A_3496 {offsets = [0, 1], sizes = [64, 511], strides = [1, 1]} : vector<64x512xf32> to vector<64x511xf32>
    %slice3A_3505 = vector.extract_strided_slice %select_n3A_3496 {offsets = [0, 0], sizes = [64, 1], strides = [1, 1]} : vector<64x512xf32> to vector<64x1xf32>
    %concatenate3A_3506 = tpu.concatenate %slice3A_3504, %slice3A_3505 in 1 : vector<64x511xf32>, vector<64x1xf32> -> vector<64x512xf32>
    %slice3A_3507 = vector.extract_strided_slice %select_n3A_3496 {offsets = [0, 511], sizes = [64, 1], strides = [1, 1]} : vector<64x512xf32> to vector<64x1xf32>
    %slice3A_3508 = vector.extract_strided_slice %select_n3A_3496 {offsets = [0, 0], sizes = [64, 511], strides = [1, 1]} : vector<64x512xf32> to vector<64x511xf32>
    %concatenate3A_3509 = tpu.concatenate %slice3A_3507, %slice3A_3508 in 1 : vector<64x1xf32>, vector<64x511xf32> -> vector<64x512xf32>
    %broadcast_in_dim3A_3510 = vector.shape_cast %eq3A_3503 : vector<1x512xi1> to vector<1x512xi1>
    %broadcast_in_dim3A_3511 = vector.broadcast %broadcast_in_dim3A_3510 : vector<1x512xi1> to vector<64x512xi1>
    %select_n3A_3512 = arith.select %broadcast_in_dim3A_3511, %concatenate3A_3506, %concatenate3A_3509 : vector<64x512xi1>, vector<64x512xf32>
    %slice3A_3513 = vector.extract_strided_slice %select_n3A_3497 {offsets = [0, 1], sizes = [64, 511], strides = [1, 1]} : vector<64x512xi32> to vector<64x511xi32>
    %slice3A_3514 = vector.extract_strided_slice %select_n3A_3497 {offsets = [0, 0], sizes = [64, 1], strides = [1, 1]} : vector<64x512xi32> to vector<64x1xi32>
    %concatenate3A_3515 = tpu.concatenate %slice3A_3513, %slice3A_3514 in 1 : vector<64x511xi32>, vector<64x1xi32> -> vector<64x512xi32>
    %slice3A_3516 = vector.extract_strided_slice %select_n3A_3497 {offsets = [0, 511], sizes = [64, 1], strides = [1, 1]} : vector<64x512xi32> to vector<64x1xi32>
    %slice3A_3517 = vector.extract_strided_slice %select_n3A_3497 {offsets = [0, 0], sizes = [64, 511], strides = [1, 1]} : vector<64x512xi32> to vector<64x511xi32>
    %concatenate3A_3518 = tpu.concatenate %slice3A_3516, %slice3A_3517 in 1 : vector<64x1xi32>, vector<64x511xi32> -> vector<64x512xi32>
    %broadcast_in_dim3A_3519 = vector.shape_cast %eq3A_3503 : vector<1x512xi1> to vector<1x512xi1>
    %broadcast_in_dim3A_3520 = vector.broadcast %broadcast_in_dim3A_3519 : vector<1x512xi1> to vector<64x512xi1>
    %select_n3A_3521 = arith.select %broadcast_in_dim3A_3520, %concatenate3A_3515, %concatenate3A_3518 : vector<64x512xi1>, vector<64x512xi32>
    %gt3A_3522 = arith.cmpf ogt, %select_n3A_3496, %select_n3A_3512 : vector<64x512xf32>
    %eq3A_3523 = arith.cmpf oeq, %select_n3A_3496, %select_n3A_3512 : vector<64x512xf32>
    %lt3A_3524 = arith.cmpi slt, %select_n3A_3497, %select_n3A_3521 : vector<64x512xi32>
    %and3A_3525 = arith.andi %eq3A_3523, %lt3A_3524 : vector<64x512xi1>
    %or3A_3526 = arith.ori %gt3A_3522, %and3A_3525 : vector<64x512xi1>
    %xor3A_3527 = vector.broadcast %eq3A_3503 : vector<1x512xi1> to vector<64x512xi1>
    %xor3A_3528 = arith.xori %xor3A_3527, %or3A_3526 : vector<64x512xi1>
    %xor3A_3529 = arith.constant true
    %xor3A_3530 = vector.broadcast %xor3A_3529 : i1 to vector<64x512xi1>
    %xor3A_3531 = arith.xori %xor3A_3528, %xor3A_3530 : vector<64x512xi1>
    %select_n3A_3532 = arith.select %xor3A_3531, %select_n3A_3496, %select_n3A_3512 : vector<64x512xi1>, vector<64x512xf32>
    %select_n3A_3533 = arith.select %xor3A_3531, %select_n3A_3497, %select_n3A_3521 : vector<64x512xi1>, vector<64x512xi32>
    %and3A_3534 = arith.constant 8 : i32
    %and3A_3535 = vector.broadcast %and3A_3534 : i32 to vector<64x1xi32>
    %and3A_3536 = arith.andi %select_n3A_19, %and3A_3535 : vector<64x1xi32>
    %eq3A_3537 = arith.constant 0 : i32
    %eq3A_3538 = vector.broadcast %eq3A_3537 : i32 to vector<64x1xi32>
    %eq3A_3539 = arith.cmpi eq, %and3A_3536, %eq3A_3538 : vector<64x1xi32>
    %slice3A_3540 = vector.extract_strided_slice %select_n3A_3532 {offsets = [8, 0], sizes = [56, 512], strides = [1, 1]} : vector<64x512xf32> to vector<56x512xf32>
    %slice3A_3541 = vector.extract_strided_slice %select_n3A_3532 {offsets = [0, 0], sizes = [8, 512], strides = [1, 1]} : vector<64x512xf32> to vector<8x512xf32>
    %concatenate3A_3542 = tpu.concatenate %slice3A_3540, %slice3A_3541 in 0 : vector<56x512xf32>, vector<8x512xf32> -> vector<64x512xf32>
    %slice3A_3543 = vector.extract_strided_slice %select_n3A_3532 {offsets = [56, 0], sizes = [8, 512], strides = [1, 1]} : vector<64x512xf32> to vector<8x512xf32>
    %slice3A_3544 = vector.extract_strided_slice %select_n3A_3532 {offsets = [0, 0], sizes = [56, 512], strides = [1, 1]} : vector<64x512xf32> to vector<56x512xf32>
    %concatenate3A_3545 = tpu.concatenate %slice3A_3543, %slice3A_3544 in 0 : vector<8x512xf32>, vector<56x512xf32> -> vector<64x512xf32>
    %broadcast_in_dim3A_3546 = vector.shape_cast %eq3A_3539 : vector<64x1xi1> to vector<64x1xi1>
    %broadcast_in_dim3A_3547 = vector.broadcast %broadcast_in_dim3A_3546 : vector<64x1xi1> to vector<64x512xi1>
    %select_n3A_3548 = arith.select %broadcast_in_dim3A_3547, %concatenate3A_3542, %concatenate3A_3545 : vector<64x512xi1>, vector<64x512xf32>
    %and3A_3549 = arith.constant 256 : i32
    %and3A_3550 = vector.broadcast %and3A_3549 : i32 to vector<1x512xi32>
    %and3A_3551 = arith.andi %iota3A, %and3A_3550 : vector<1x512xi32>
    %eq3A_3552 = arith.constant 0 : i32
    %eq3A_3553 = vector.broadcast %eq3A_3552 : i32 to vector<1x512xi32>
    %eq3A_3554 = arith.cmpi eq, %and3A_3551, %eq3A_3553 : vector<1x512xi32>
    %slice3A_3555 = vector.extract_strided_slice %select_n3A_3548 {offsets = [0, 256], sizes = [64, 256], strides = [1, 1]} : vector<64x512xf32> to vector<64x256xf32>
    %slice3A_3556 = vector.extract_strided_slice %select_n3A_3548 {offsets = [0, 0], sizes = [64, 256], strides = [1, 1]} : vector<64x512xf32> to vector<64x256xf32>
    %concatenate3A_3557 = tpu.concatenate %slice3A_3555, %slice3A_3556 in 1 : vector<64x256xf32>, vector<64x256xf32> -> vector<64x512xf32>
    %slice3A_3558 = vector.extract_strided_slice %select_n3A_3548 {offsets = [0, 256], sizes = [64, 256], strides = [1, 1]} : vector<64x512xf32> to vector<64x256xf32>
    %slice3A_3559 = vector.extract_strided_slice %select_n3A_3548 {offsets = [0, 0], sizes = [64, 256], strides = [1, 1]} : vector<64x512xf32> to vector<64x256xf32>
    %concatenate3A_3560 = tpu.concatenate %slice3A_3558, %slice3A_3559 in 1 : vector<64x256xf32>, vector<64x256xf32> -> vector<64x512xf32>
    %broadcast_in_dim3A_3561 = vector.shape_cast %eq3A_3554 : vector<1x512xi1> to vector<1x512xi1>
    %broadcast_in_dim3A_3562 = vector.broadcast %broadcast_in_dim3A_3561 : vector<1x512xi1> to vector<64x512xi1>
    %select_n3A_3563 = arith.select %broadcast_in_dim3A_3562, %concatenate3A_3557, %concatenate3A_3560 : vector<64x512xi1>, vector<64x512xf32>
    %and3A_3564 = arith.constant 128 : i32
    %and3A_3565 = vector.broadcast %and3A_3564 : i32 to vector<1x512xi32>
    %and3A_3566 = arith.andi %iota3A, %and3A_3565 : vector<1x512xi32>
    %eq3A_3567 = arith.constant 0 : i32
    %eq3A_3568 = vector.broadcast %eq3A_3567 : i32 to vector<1x512xi32>
    %eq3A_3569 = arith.cmpi eq, %and3A_3566, %eq3A_3568 : vector<1x512xi32>
    %slice3A_3570 = vector.extract_strided_slice %select_n3A_3563 {offsets = [0, 128], sizes = [64, 384], strides = [1, 1]} : vector<64x512xf32> to vector<64x384xf32>
    %slice3A_3571 = vector.extract_strided_slice %select_n3A_3563 {offsets = [0, 0], sizes = [64, 128], strides = [1, 1]} : vector<64x512xf32> to vector<64x128xf32>
    %concatenate3A_3572 = tpu.concatenate %slice3A_3570, %slice3A_3571 in 1 : vector<64x384xf32>, vector<64x128xf32> -> vector<64x512xf32>
    %slice3A_3573 = vector.extract_strided_slice %select_n3A_3563 {offsets = [0, 384], sizes = [64, 128], strides = [1, 1]} : vector<64x512xf32> to vector<64x128xf32>
    %slice3A_3574 = vector.extract_strided_slice %select_n3A_3563 {offsets = [0, 0], sizes = [64, 384], strides = [1, 1]} : vector<64x512xf32> to vector<64x384xf32>
    %concatenate3A_3575 = tpu.concatenate %slice3A_3573, %slice3A_3574 in 1 : vector<64x128xf32>, vector<64x384xf32> -> vector<64x512xf32>
    %broadcast_in_dim3A_3576 = vector.shape_cast %eq3A_3569 : vector<1x512xi1> to vector<1x512xi1>
    %broadcast_in_dim3A_3577 = vector.broadcast %broadcast_in_dim3A_3576 : vector<1x512xi1> to vector<64x512xi1>
    %select_n3A_3578 = arith.select %broadcast_in_dim3A_3577, %concatenate3A_3572, %concatenate3A_3575 : vector<64x512xi1>, vector<64x512xf32>
    %and3A_3579 = arith.constant 64 : i32
    %and3A_3580 = vector.broadcast %and3A_3579 : i32 to vector<1x512xi32>
    %and3A_3581 = arith.andi %iota3A, %and3A_3580 : vector<1x512xi32>
    %eq3A_3582 = arith.constant 0 : i32
    %eq3A_3583 = vector.broadcast %eq3A_3582 : i32 to vector<1x512xi32>
    %eq3A_3584 = arith.cmpi eq, %and3A_3581, %eq3A_3583 : vector<1x512xi32>
    %slice3A_3585 = vector.extract_strided_slice %select_n3A_3578 {offsets = [0, 64], sizes = [64, 448], strides = [1, 1]} : vector<64x512xf32> to vector<64x448xf32>
    %slice3A_3586 = vector.extract_strided_slice %select_n3A_3578 {offsets = [0, 0], sizes = [64, 64], strides = [1, 1]} : vector<64x512xf32> to vector<64x64xf32>
    %concatenate3A_3587 = tpu.concatenate %slice3A_3585, %slice3A_3586 in 1 : vector<64x448xf32>, vector<64x64xf32> -> vector<64x512xf32>
    %slice3A_3588 = vector.extract_strided_slice %select_n3A_3578 {offsets = [0, 448], sizes = [64, 64], strides = [1, 1]} : vector<64x512xf32> to vector<64x64xf32>
    %slice3A_3589 = vector.extract_strided_slice %select_n3A_3578 {offsets = [0, 0], sizes = [64, 448], strides = [1, 1]} : vector<64x512xf32> to vector<64x448xf32>
    %concatenate3A_3590 = tpu.concatenate %slice3A_3588, %slice3A_3589 in 1 : vector<64x64xf32>, vector<64x448xf32> -> vector<64x512xf32>
    %broadcast_in_dim3A_3591 = vector.shape_cast %eq3A_3584 : vector<1x512xi1> to vector<1x512xi1>
    %broadcast_in_dim3A_3592 = vector.broadcast %broadcast_in_dim3A_3591 : vector<1x512xi1> to vector<64x512xi1>
    %select_n3A_3593 = arith.select %broadcast_in_dim3A_3592, %concatenate3A_3587, %concatenate3A_3590 : vector<64x512xi1>, vector<64x512xf32>
    %and3A_3594 = arith.constant 32 : i32
    %and3A_3595 = vector.broadcast %and3A_3594 : i32 to vector<1x512xi32>
    %and3A_3596 = arith.andi %iota3A, %and3A_3595 : vector<1x512xi32>
    %eq3A_3597 = arith.constant 0 : i32
    %eq3A_3598 = vector.broadcast %eq3A_3597 : i32 to vector<1x512xi32>
    %eq3A_3599 = arith.cmpi eq, %and3A_3596, %eq3A_3598 : vector<1x512xi32>
    %slice3A_3600 = vector.extract_strided_slice %select_n3A_3593 {offsets = [0, 32], sizes = [64, 480], strides = [1, 1]} : vector<64x512xf32> to vector<64x480xf32>
    %slice3A_3601 = vector.extract_strided_slice %select_n3A_3593 {offsets = [0, 0], sizes = [64, 32], strides = [1, 1]} : vector<64x512xf32> to vector<64x32xf32>
    %concatenate3A_3602 = tpu.concatenate %slice3A_3600, %slice3A_3601 in 1 : vector<64x480xf32>, vector<64x32xf32> -> vector<64x512xf32>
    %slice3A_3603 = vector.extract_strided_slice %select_n3A_3593 {offsets = [0, 480], sizes = [64, 32], strides = [1, 1]} : vector<64x512xf32> to vector<64x32xf32>
    %slice3A_3604 = vector.extract_strided_slice %select_n3A_3593 {offsets = [0, 0], sizes = [64, 480], strides = [1, 1]} : vector<64x512xf32> to vector<64x480xf32>
    %concatenate3A_3605 = tpu.concatenate %slice3A_3603, %slice3A_3604 in 1 : vector<64x32xf32>, vector<64x480xf32> -> vector<64x512xf32>
    %broadcast_in_dim3A_3606 = vector.shape_cast %eq3A_3599 : vector<1x512xi1> to vector<1x512xi1>
    %broadcast_in_dim3A_3607 = vector.broadcast %broadcast_in_dim3A_3606 : vector<1x512xi1> to vector<64x512xi1>
    %select_n3A_3608 = arith.select %broadcast_in_dim3A_3607, %concatenate3A_3602, %concatenate3A_3605 : vector<64x512xi1>, vector<64x512xf32>
    %and3A_3609 = arith.constant 16 : i32
    %and3A_3610 = vector.broadcast %and3A_3609 : i32 to vector<1x512xi32>
    %and3A_3611 = arith.andi %iota3A, %and3A_3610 : vector<1x512xi32>
    %eq3A_3612 = arith.constant 0 : i32
    %eq3A_3613 = vector.broadcast %eq3A_3612 : i32 to vector<1x512xi32>
    %eq3A_3614 = arith.cmpi eq, %and3A_3611, %eq3A_3613 : vector<1x512xi32>
    %slice3A_3615 = vector.extract_strided_slice %select_n3A_3608 {offsets = [0, 16], sizes = [64, 496], strides = [1, 1]} : vector<64x512xf32> to vector<64x496xf32>
    %slice3A_3616 = vector.extract_strided_slice %select_n3A_3608 {offsets = [0, 0], sizes = [64, 16], strides = [1, 1]} : vector<64x512xf32> to vector<64x16xf32>
    %concatenate3A_3617 = tpu.concatenate %slice3A_3615, %slice3A_3616 in 1 : vector<64x496xf32>, vector<64x16xf32> -> vector<64x512xf32>
    %slice3A_3618 = vector.extract_strided_slice %select_n3A_3608 {offsets = [0, 496], sizes = [64, 16], strides = [1, 1]} : vector<64x512xf32> to vector<64x16xf32>
    %slice3A_3619 = vector.extract_strided_slice %select_n3A_3608 {offsets = [0, 0], sizes = [64, 496], strides = [1, 1]} : vector<64x512xf32> to vector<64x496xf32>
    %concatenate3A_3620 = tpu.concatenate %slice3A_3618, %slice3A_3619 in 1 : vector<64x16xf32>, vector<64x496xf32> -> vector<64x512xf32>
    %broadcast_in_dim3A_3621 = vector.shape_cast %eq3A_3614 : vector<1x512xi1> to vector<1x512xi1>
    %broadcast_in_dim3A_3622 = vector.broadcast %broadcast_in_dim3A_3621 : vector<1x512xi1> to vector<64x512xi1>
    %select_n3A_3623 = arith.select %broadcast_in_dim3A_3622, %concatenate3A_3617, %concatenate3A_3620 : vector<64x512xi1>, vector<64x512xf32>
    %and3A_3624 = arith.constant 8 : i32
    %and3A_3625 = vector.broadcast %and3A_3624 : i32 to vector<1x512xi32>
    %and3A_3626 = arith.andi %iota3A, %and3A_3625 : vector<1x512xi32>
    %eq3A_3627 = arith.constant 0 : i32
    %eq3A_3628 = vector.broadcast %eq3A_3627 : i32 to vector<1x512xi32>
    %eq3A_3629 = arith.cmpi eq, %and3A_3626, %eq3A_3628 : vector<1x512xi32>
    %slice3A_3630 = vector.extract_strided_slice %select_n3A_3623 {offsets = [0, 8], sizes = [64, 504], strides = [1, 1]} : vector<64x512xf32> to vector<64x504xf32>
    %slice3A_3631 = vector.extract_strided_slice %select_n3A_3623 {offsets = [0, 0], sizes = [64, 8], strides = [1, 1]} : vector<64x512xf32> to vector<64x8xf32>
    %concatenate3A_3632 = tpu.concatenate %slice3A_3630, %slice3A_3631 in 1 : vector<64x504xf32>, vector<64x8xf32> -> vector<64x512xf32>
    %slice3A_3633 = vector.extract_strided_slice %select_n3A_3623 {offsets = [0, 504], sizes = [64, 8], strides = [1, 1]} : vector<64x512xf32> to vector<64x8xf32>
    %slice3A_3634 = vector.extract_strided_slice %select_n3A_3623 {offsets = [0, 0], sizes = [64, 504], strides = [1, 1]} : vector<64x512xf32> to vector<64x504xf32>
    %concatenate3A_3635 = tpu.concatenate %slice3A_3633, %slice3A_3634 in 1 : vector<64x8xf32>, vector<64x504xf32> -> vector<64x512xf32>
    %broadcast_in_dim3A_3636 = vector.shape_cast %eq3A_3629 : vector<1x512xi1> to vector<1x512xi1>
    %broadcast_in_dim3A_3637 = vector.broadcast %broadcast_in_dim3A_3636 : vector<1x512xi1> to vector<64x512xi1>
    %select_n3A_3638 = arith.select %broadcast_in_dim3A_3637, %concatenate3A_3632, %concatenate3A_3635 : vector<64x512xi1>, vector<64x512xf32>
    %and3A_3639 = arith.constant 4 : i32
    %and3A_3640 = vector.broadcast %and3A_3639 : i32 to vector<1x512xi32>
    %and3A_3641 = arith.andi %iota3A, %and3A_3640 : vector<1x512xi32>
    %eq3A_3642 = arith.constant 0 : i32
    %eq3A_3643 = vector.broadcast %eq3A_3642 : i32 to vector<1x512xi32>
    %eq3A_3644 = arith.cmpi eq, %and3A_3641, %eq3A_3643 : vector<1x512xi32>
    %slice3A_3645 = vector.extract_strided_slice %select_n3A_3638 {offsets = [0, 4], sizes = [64, 508], strides = [1, 1]} : vector<64x512xf32> to vector<64x508xf32>
    %slice3A_3646 = vector.extract_strided_slice %select_n3A_3638 {offsets = [0, 0], sizes = [64, 4], strides = [1, 1]} : vector<64x512xf32> to vector<64x4xf32>
    %concatenate3A_3647 = tpu.concatenate %slice3A_3645, %slice3A_3646 in 1 : vector<64x508xf32>, vector<64x4xf32> -> vector<64x512xf32>
    %slice3A_3648 = vector.extract_strided_slice %select_n3A_3638 {offsets = [0, 508], sizes = [64, 4], strides = [1, 1]} : vector<64x512xf32> to vector<64x4xf32>
    %slice3A_3649 = vector.extract_strided_slice %select_n3A_3638 {offsets = [0, 0], sizes = [64, 508], strides = [1, 1]} : vector<64x512xf32> to vector<64x508xf32>
    %concatenate3A_3650 = tpu.concatenate %slice3A_3648, %slice3A_3649 in 1 : vector<64x4xf32>, vector<64x508xf32> -> vector<64x512xf32>
    %broadcast_in_dim3A_3651 = vector.shape_cast %eq3A_3644 : vector<1x512xi1> to vector<1x512xi1>
    %broadcast_in_dim3A_3652 = vector.broadcast %broadcast_in_dim3A_3651 : vector<1x512xi1> to vector<64x512xi1>
    %select_n3A_3653 = arith.select %broadcast_in_dim3A_3652, %concatenate3A_3647, %concatenate3A_3650 : vector<64x512xi1>, vector<64x512xf32>
    %and3A_3654 = arith.constant 2 : i32
    %and3A_3655 = vector.broadcast %and3A_3654 : i32 to vector<1x512xi32>
    %and3A_3656 = arith.andi %iota3A, %and3A_3655 : vector<1x512xi32>
    %eq3A_3657 = arith.constant 0 : i32
    %eq3A_3658 = vector.broadcast %eq3A_3657 : i32 to vector<1x512xi32>
    %eq3A_3659 = arith.cmpi eq, %and3A_3656, %eq3A_3658 : vector<1x512xi32>
    %slice3A_3660 = vector.extract_strided_slice %select_n3A_3653 {offsets = [0, 2], sizes = [64, 510], strides = [1, 1]} : vector<64x512xf32> to vector<64x510xf32>
    %slice3A_3661 = vector.extract_strided_slice %select_n3A_3653 {offsets = [0, 0], sizes = [64, 2], strides = [1, 1]} : vector<64x512xf32> to vector<64x2xf32>
    %concatenate3A_3662 = tpu.concatenate %slice3A_3660, %slice3A_3661 in 1 : vector<64x510xf32>, vector<64x2xf32> -> vector<64x512xf32>
    %slice3A_3663 = vector.extract_strided_slice %select_n3A_3653 {offsets = [0, 510], sizes = [64, 2], strides = [1, 1]} : vector<64x512xf32> to vector<64x2xf32>
    %slice3A_3664 = vector.extract_strided_slice %select_n3A_3653 {offsets = [0, 0], sizes = [64, 510], strides = [1, 1]} : vector<64x512xf32> to vector<64x510xf32>
    %concatenate3A_3665 = tpu.concatenate %slice3A_3663, %slice3A_3664 in 1 : vector<64x2xf32>, vector<64x510xf32> -> vector<64x512xf32>
    %broadcast_in_dim3A_3666 = vector.shape_cast %eq3A_3659 : vector<1x512xi1> to vector<1x512xi1>
    %broadcast_in_dim3A_3667 = vector.broadcast %broadcast_in_dim3A_3666 : vector<1x512xi1> to vector<64x512xi1>
    %select_n3A_3668 = arith.select %broadcast_in_dim3A_3667, %concatenate3A_3662, %concatenate3A_3665 : vector<64x512xi1>, vector<64x512xf32>
    %and3A_3669 = arith.constant 1 : i32
    %and3A_3670 = vector.broadcast %and3A_3669 : i32 to vector<1x512xi32>
    %and3A_3671 = arith.andi %iota3A, %and3A_3670 : vector<1x512xi32>
    %eq3A_3672 = arith.constant 0 : i32
    %eq3A_3673 = vector.broadcast %eq3A_3672 : i32 to vector<1x512xi32>
    %eq3A_3674 = arith.cmpi eq, %and3A_3671, %eq3A_3673 : vector<1x512xi32>
    %slice3A_3675 = vector.extract_strided_slice %select_n3A_3668 {offsets = [0, 1], sizes = [64, 511], strides = [1, 1]} : vector<64x512xf32> to vector<64x511xf32>
    %slice3A_3676 = vector.extract_strided_slice %select_n3A_3668 {offsets = [0, 0], sizes = [64, 1], strides = [1, 1]} : vector<64x512xf32> to vector<64x1xf32>
    %concatenate3A_3677 = tpu.concatenate %slice3A_3675, %slice3A_3676 in 1 : vector<64x511xf32>, vector<64x1xf32> -> vector<64x512xf32>
    %slice3A_3678 = vector.extract_strided_slice %select_n3A_3668 {offsets = [0, 511], sizes = [64, 1], strides = [1, 1]} : vector<64x512xf32> to vector<64x1xf32>
    %slice3A_3679 = vector.extract_strided_slice %select_n3A_3668 {offsets = [0, 0], sizes = [64, 511], strides = [1, 1]} : vector<64x512xf32> to vector<64x511xf32>
    %concatenate3A_3680 = tpu.concatenate %slice3A_3678, %slice3A_3679 in 1 : vector<64x1xf32>, vector<64x511xf32> -> vector<64x512xf32>
    %broadcast_in_dim3A_3681 = vector.shape_cast %eq3A_3674 : vector<1x512xi1> to vector<1x512xi1>
    %broadcast_in_dim3A_3682 = vector.broadcast %broadcast_in_dim3A_3681 : vector<1x512xi1> to vector<64x512xi1>
    %select_n3A_3683 = arith.select %broadcast_in_dim3A_3682, %concatenate3A_3677, %concatenate3A_3680 : vector<64x512xi1>, vector<64x512xf32>
    %slice3A_3684 = vector.extract_strided_slice %select_n3A_3533 {offsets = [8, 0], sizes = [56, 512], strides = [1, 1]} : vector<64x512xi32> to vector<56x512xi32>
    %slice3A_3685 = vector.extract_strided_slice %select_n3A_3533 {offsets = [0, 0], sizes = [8, 512], strides = [1, 1]} : vector<64x512xi32> to vector<8x512xi32>
    %concatenate3A_3686 = tpu.concatenate %slice3A_3684, %slice3A_3685 in 0 : vector<56x512xi32>, vector<8x512xi32> -> vector<64x512xi32>
    %slice3A_3687 = vector.extract_strided_slice %select_n3A_3533 {offsets = [56, 0], sizes = [8, 512], strides = [1, 1]} : vector<64x512xi32> to vector<8x512xi32>
    %slice3A_3688 = vector.extract_strided_slice %select_n3A_3533 {offsets = [0, 0], sizes = [56, 512], strides = [1, 1]} : vector<64x512xi32> to vector<56x512xi32>
    %concatenate3A_3689 = tpu.concatenate %slice3A_3687, %slice3A_3688 in 0 : vector<8x512xi32>, vector<56x512xi32> -> vector<64x512xi32>
    %broadcast_in_dim3A_3690 = vector.shape_cast %eq3A_3539 : vector<64x1xi1> to vector<64x1xi1>
    %broadcast_in_dim3A_3691 = vector.broadcast %broadcast_in_dim3A_3690 : vector<64x1xi1> to vector<64x512xi1>
    %select_n3A_3692 = arith.select %broadcast_in_dim3A_3691, %concatenate3A_3686, %concatenate3A_3689 : vector<64x512xi1>, vector<64x512xi32>
    %and3A_3693 = arith.constant 256 : i32
    %and3A_3694 = vector.broadcast %and3A_3693 : i32 to vector<1x512xi32>
    %and3A_3695 = arith.andi %iota3A, %and3A_3694 : vector<1x512xi32>
    %eq3A_3696 = arith.constant 0 : i32
    %eq3A_3697 = vector.broadcast %eq3A_3696 : i32 to vector<1x512xi32>
    %eq3A_3698 = arith.cmpi eq, %and3A_3695, %eq3A_3697 : vector<1x512xi32>
    %slice3A_3699 = vector.extract_strided_slice %select_n3A_3692 {offsets = [0, 256], sizes = [64, 256], strides = [1, 1]} : vector<64x512xi32> to vector<64x256xi32>
    %slice3A_3700 = vector.extract_strided_slice %select_n3A_3692 {offsets = [0, 0], sizes = [64, 256], strides = [1, 1]} : vector<64x512xi32> to vector<64x256xi32>
    %concatenate3A_3701 = tpu.concatenate %slice3A_3699, %slice3A_3700 in 1 : vector<64x256xi32>, vector<64x256xi32> -> vector<64x512xi32>
    %slice3A_3702 = vector.extract_strided_slice %select_n3A_3692 {offsets = [0, 256], sizes = [64, 256], strides = [1, 1]} : vector<64x512xi32> to vector<64x256xi32>
    %slice3A_3703 = vector.extract_strided_slice %select_n3A_3692 {offsets = [0, 0], sizes = [64, 256], strides = [1, 1]} : vector<64x512xi32> to vector<64x256xi32>
    %concatenate3A_3704 = tpu.concatenate %slice3A_3702, %slice3A_3703 in 1 : vector<64x256xi32>, vector<64x256xi32> -> vector<64x512xi32>
    %broadcast_in_dim3A_3705 = vector.shape_cast %eq3A_3698 : vector<1x512xi1> to vector<1x512xi1>
    %broadcast_in_dim3A_3706 = vector.broadcast %broadcast_in_dim3A_3705 : vector<1x512xi1> to vector<64x512xi1>
    %select_n3A_3707 = arith.select %broadcast_in_dim3A_3706, %concatenate3A_3701, %concatenate3A_3704 : vector<64x512xi1>, vector<64x512xi32>
    %and3A_3708 = arith.constant 128 : i32
    %and3A_3709 = vector.broadcast %and3A_3708 : i32 to vector<1x512xi32>
    %and3A_3710 = arith.andi %iota3A, %and3A_3709 : vector<1x512xi32>
    %eq3A_3711 = arith.constant 0 : i32
    %eq3A_3712 = vector.broadcast %eq3A_3711 : i32 to vector<1x512xi32>
    %eq3A_3713 = arith.cmpi eq, %and3A_3710, %eq3A_3712 : vector<1x512xi32>
    %slice3A_3714 = vector.extract_strided_slice %select_n3A_3707 {offsets = [0, 128], sizes = [64, 384], strides = [1, 1]} : vector<64x512xi32> to vector<64x384xi32>
    %slice3A_3715 = vector.extract_strided_slice %select_n3A_3707 {offsets = [0, 0], sizes = [64, 128], strides = [1, 1]} : vector<64x512xi32> to vector<64x128xi32>
    %concatenate3A_3716 = tpu.concatenate %slice3A_3714, %slice3A_3715 in 1 : vector<64x384xi32>, vector<64x128xi32> -> vector<64x512xi32>
    %slice3A_3717 = vector.extract_strided_slice %select_n3A_3707 {offsets = [0, 384], sizes = [64, 128], strides = [1, 1]} : vector<64x512xi32> to vector<64x128xi32>
    %slice3A_3718 = vector.extract_strided_slice %select_n3A_3707 {offsets = [0, 0], sizes = [64, 384], strides = [1, 1]} : vector<64x512xi32> to vector<64x384xi32>
    %concatenate3A_3719 = tpu.concatenate %slice3A_3717, %slice3A_3718 in 1 : vector<64x128xi32>, vector<64x384xi32> -> vector<64x512xi32>
    %broadcast_in_dim3A_3720 = vector.shape_cast %eq3A_3713 : vector<1x512xi1> to vector<1x512xi1>
    %broadcast_in_dim3A_3721 = vector.broadcast %broadcast_in_dim3A_3720 : vector<1x512xi1> to vector<64x512xi1>
    %select_n3A_3722 = arith.select %broadcast_in_dim3A_3721, %concatenate3A_3716, %concatenate3A_3719 : vector<64x512xi1>, vector<64x512xi32>
    %and3A_3723 = arith.constant 64 : i32
    %and3A_3724 = vector.broadcast %and3A_3723 : i32 to vector<1x512xi32>
    %and3A_3725 = arith.andi %iota3A, %and3A_3724 : vector<1x512xi32>
    %eq3A_3726 = arith.constant 0 : i32
    %eq3A_3727 = vector.broadcast %eq3A_3726 : i32 to vector<1x512xi32>
    %eq3A_3728 = arith.cmpi eq, %and3A_3725, %eq3A_3727 : vector<1x512xi32>
    %slice3A_3729 = vector.extract_strided_slice %select_n3A_3722 {offsets = [0, 64], sizes = [64, 448], strides = [1, 1]} : vector<64x512xi32> to vector<64x448xi32>
    %slice3A_3730 = vector.extract_strided_slice %select_n3A_3722 {offsets = [0, 0], sizes = [64, 64], strides = [1, 1]} : vector<64x512xi32> to vector<64x64xi32>
    %concatenate3A_3731 = tpu.concatenate %slice3A_3729, %slice3A_3730 in 1 : vector<64x448xi32>, vector<64x64xi32> -> vector<64x512xi32>
    %slice3A_3732 = vector.extract_strided_slice %select_n3A_3722 {offsets = [0, 448], sizes = [64, 64], strides = [1, 1]} : vector<64x512xi32> to vector<64x64xi32>
    %slice3A_3733 = vector.extract_strided_slice %select_n3A_3722 {offsets = [0, 0], sizes = [64, 448], strides = [1, 1]} : vector<64x512xi32> to vector<64x448xi32>
    %concatenate3A_3734 = tpu.concatenate %slice3A_3732, %slice3A_3733 in 1 : vector<64x64xi32>, vector<64x448xi32> -> vector<64x512xi32>
    %broadcast_in_dim3A_3735 = vector.shape_cast %eq3A_3728 : vector<1x512xi1> to vector<1x512xi1>
    %broadcast_in_dim3A_3736 = vector.broadcast %broadcast_in_dim3A_3735 : vector<1x512xi1> to vector<64x512xi1>
    %select_n3A_3737 = arith.select %broadcast_in_dim3A_3736, %concatenate3A_3731, %concatenate3A_3734 : vector<64x512xi1>, vector<64x512xi32>
    %and3A_3738 = arith.constant 32 : i32
    %and3A_3739 = vector.broadcast %and3A_3738 : i32 to vector<1x512xi32>
    %and3A_3740 = arith.andi %iota3A, %and3A_3739 : vector<1x512xi32>
    %eq3A_3741 = arith.constant 0 : i32
    %eq3A_3742 = vector.broadcast %eq3A_3741 : i32 to vector<1x512xi32>
    %eq3A_3743 = arith.cmpi eq, %and3A_3740, %eq3A_3742 : vector<1x512xi32>
    %slice3A_3744 = vector.extract_strided_slice %select_n3A_3737 {offsets = [0, 32], sizes = [64, 480], strides = [1, 1]} : vector<64x512xi32> to vector<64x480xi32>
    %slice3A_3745 = vector.extract_strided_slice %select_n3A_3737 {offsets = [0, 0], sizes = [64, 32], strides = [1, 1]} : vector<64x512xi32> to vector<64x32xi32>
    %concatenate3A_3746 = tpu.concatenate %slice3A_3744, %slice3A_3745 in 1 : vector<64x480xi32>, vector<64x32xi32> -> vector<64x512xi32>
    %slice3A_3747 = vector.extract_strided_slice %select_n3A_3737 {offsets = [0, 480], sizes = [64, 32], strides = [1, 1]} : vector<64x512xi32> to vector<64x32xi32>
    %slice3A_3748 = vector.extract_strided_slice %select_n3A_3737 {offsets = [0, 0], sizes = [64, 480], strides = [1, 1]} : vector<64x512xi32> to vector<64x480xi32>
    %concatenate3A_3749 = tpu.concatenate %slice3A_3747, %slice3A_3748 in 1 : vector<64x32xi32>, vector<64x480xi32> -> vector<64x512xi32>
    %broadcast_in_dim3A_3750 = vector.shape_cast %eq3A_3743 : vector<1x512xi1> to vector<1x512xi1>
    %broadcast_in_dim3A_3751 = vector.broadcast %broadcast_in_dim3A_3750 : vector<1x512xi1> to vector<64x512xi1>
    %select_n3A_3752 = arith.select %broadcast_in_dim3A_3751, %concatenate3A_3746, %concatenate3A_3749 : vector<64x512xi1>, vector<64x512xi32>
    %and3A_3753 = arith.constant 16 : i32
    %and3A_3754 = vector.broadcast %and3A_3753 : i32 to vector<1x512xi32>
    %and3A_3755 = arith.andi %iota3A, %and3A_3754 : vector<1x512xi32>
    %eq3A_3756 = arith.constant 0 : i32
    %eq3A_3757 = vector.broadcast %eq3A_3756 : i32 to vector<1x512xi32>
    %eq3A_3758 = arith.cmpi eq, %and3A_3755, %eq3A_3757 : vector<1x512xi32>
    %slice3A_3759 = vector.extract_strided_slice %select_n3A_3752 {offsets = [0, 16], sizes = [64, 496], strides = [1, 1]} : vector<64x512xi32> to vector<64x496xi32>
    %slice3A_3760 = vector.extract_strided_slice %select_n3A_3752 {offsets = [0, 0], sizes = [64, 16], strides = [1, 1]} : vector<64x512xi32> to vector<64x16xi32>
    %concatenate3A_3761 = tpu.concatenate %slice3A_3759, %slice3A_3760 in 1 : vector<64x496xi32>, vector<64x16xi32> -> vector<64x512xi32>
    %slice3A_3762 = vector.extract_strided_slice %select_n3A_3752 {offsets = [0, 496], sizes = [64, 16], strides = [1, 1]} : vector<64x512xi32> to vector<64x16xi32>
    %slice3A_3763 = vector.extract_strided_slice %select_n3A_3752 {offsets = [0, 0], sizes = [64, 496], strides = [1, 1]} : vector<64x512xi32> to vector<64x496xi32>
    %concatenate3A_3764 = tpu.concatenate %slice3A_3762, %slice3A_3763 in 1 : vector<64x16xi32>, vector<64x496xi32> -> vector<64x512xi32>
    %broadcast_in_dim3A_3765 = vector.shape_cast %eq3A_3758 : vector<1x512xi1> to vector<1x512xi1>
    %broadcast_in_dim3A_3766 = vector.broadcast %broadcast_in_dim3A_3765 : vector<1x512xi1> to vector<64x512xi1>
    %select_n3A_3767 = arith.select %broadcast_in_dim3A_3766, %concatenate3A_3761, %concatenate3A_3764 : vector<64x512xi1>, vector<64x512xi32>
    %and3A_3768 = arith.constant 8 : i32
    %and3A_3769 = vector.broadcast %and3A_3768 : i32 to vector<1x512xi32>
    %and3A_3770 = arith.andi %iota3A, %and3A_3769 : vector<1x512xi32>
    %eq3A_3771 = arith.constant 0 : i32
    %eq3A_3772 = vector.broadcast %eq3A_3771 : i32 to vector<1x512xi32>
    %eq3A_3773 = arith.cmpi eq, %and3A_3770, %eq3A_3772 : vector<1x512xi32>
    %slice3A_3774 = vector.extract_strided_slice %select_n3A_3767 {offsets = [0, 8], sizes = [64, 504], strides = [1, 1]} : vector<64x512xi32> to vector<64x504xi32>
    %slice3A_3775 = vector.extract_strided_slice %select_n3A_3767 {offsets = [0, 0], sizes = [64, 8], strides = [1, 1]} : vector<64x512xi32> to vector<64x8xi32>
    %concatenate3A_3776 = tpu.concatenate %slice3A_3774, %slice3A_3775 in 1 : vector<64x504xi32>, vector<64x8xi32> -> vector<64x512xi32>
    %slice3A_3777 = vector.extract_strided_slice %select_n3A_3767 {offsets = [0, 504], sizes = [64, 8], strides = [1, 1]} : vector<64x512xi32> to vector<64x8xi32>
    %slice3A_3778 = vector.extract_strided_slice %select_n3A_3767 {offsets = [0, 0], sizes = [64, 504], strides = [1, 1]} : vector<64x512xi32> to vector<64x504xi32>
    %concatenate3A_3779 = tpu.concatenate %slice3A_3777, %slice3A_3778 in 1 : vector<64x8xi32>, vector<64x504xi32> -> vector<64x512xi32>
    %broadcast_in_dim3A_3780 = vector.shape_cast %eq3A_3773 : vector<1x512xi1> to vector<1x512xi1>
    %broadcast_in_dim3A_3781 = vector.broadcast %broadcast_in_dim3A_3780 : vector<1x512xi1> to vector<64x512xi1>
    %select_n3A_3782 = arith.select %broadcast_in_dim3A_3781, %concatenate3A_3776, %concatenate3A_3779 : vector<64x512xi1>, vector<64x512xi32>
    %and3A_3783 = arith.constant 4 : i32
    %and3A_3784 = vector.broadcast %and3A_3783 : i32 to vector<1x512xi32>
    %and3A_3785 = arith.andi %iota3A, %and3A_3784 : vector<1x512xi32>
    %eq3A_3786 = arith.constant 0 : i32
    %eq3A_3787 = vector.broadcast %eq3A_3786 : i32 to vector<1x512xi32>
    %eq3A_3788 = arith.cmpi eq, %and3A_3785, %eq3A_3787 : vector<1x512xi32>
    %slice3A_3789 = vector.extract_strided_slice %select_n3A_3782 {offsets = [0, 4], sizes = [64, 508], strides = [1, 1]} : vector<64x512xi32> to vector<64x508xi32>
    %slice3A_3790 = vector.extract_strided_slice %select_n3A_3782 {offsets = [0, 0], sizes = [64, 4], strides = [1, 1]} : vector<64x512xi32> to vector<64x4xi32>
    %concatenate3A_3791 = tpu.concatenate %slice3A_3789, %slice3A_3790 in 1 : vector<64x508xi32>, vector<64x4xi32> -> vector<64x512xi32>
    %slice3A_3792 = vector.extract_strided_slice %select_n3A_3782 {offsets = [0, 508], sizes = [64, 4], strides = [1, 1]} : vector<64x512xi32> to vector<64x4xi32>
    %slice3A_3793 = vector.extract_strided_slice %select_n3A_3782 {offsets = [0, 0], sizes = [64, 508], strides = [1, 1]} : vector<64x512xi32> to vector<64x508xi32>
    %concatenate3A_3794 = tpu.concatenate %slice3A_3792, %slice3A_3793 in 1 : vector<64x4xi32>, vector<64x508xi32> -> vector<64x512xi32>
    %broadcast_in_dim3A_3795 = vector.shape_cast %eq3A_3788 : vector<1x512xi1> to vector<1x512xi1>
    %broadcast_in_dim3A_3796 = vector.broadcast %broadcast_in_dim3A_3795 : vector<1x512xi1> to vector<64x512xi1>
    %select_n3A_3797 = arith.select %broadcast_in_dim3A_3796, %concatenate3A_3791, %concatenate3A_3794 : vector<64x512xi1>, vector<64x512xi32>
    %and3A_3798 = arith.constant 2 : i32
    %and3A_3799 = vector.broadcast %and3A_3798 : i32 to vector<1x512xi32>
    %and3A_3800 = arith.andi %iota3A, %and3A_3799 : vector<1x512xi32>
    %eq3A_3801 = arith.constant 0 : i32
    %eq3A_3802 = vector.broadcast %eq3A_3801 : i32 to vector<1x512xi32>
    %eq3A_3803 = arith.cmpi eq, %and3A_3800, %eq3A_3802 : vector<1x512xi32>
    %slice3A_3804 = vector.extract_strided_slice %select_n3A_3797 {offsets = [0, 2], sizes = [64, 510], strides = [1, 1]} : vector<64x512xi32> to vector<64x510xi32>
    %slice3A_3805 = vector.extract_strided_slice %select_n3A_3797 {offsets = [0, 0], sizes = [64, 2], strides = [1, 1]} : vector<64x512xi32> to vector<64x2xi32>
    %concatenate3A_3806 = tpu.concatenate %slice3A_3804, %slice3A_3805 in 1 : vector<64x510xi32>, vector<64x2xi32> -> vector<64x512xi32>
    %slice3A_3807 = vector.extract_strided_slice %select_n3A_3797 {offsets = [0, 510], sizes = [64, 2], strides = [1, 1]} : vector<64x512xi32> to vector<64x2xi32>
    %slice3A_3808 = vector.extract_strided_slice %select_n3A_3797 {offsets = [0, 0], sizes = [64, 510], strides = [1, 1]} : vector<64x512xi32> to vector<64x510xi32>
    %concatenate3A_3809 = tpu.concatenate %slice3A_3807, %slice3A_3808 in 1 : vector<64x2xi32>, vector<64x510xi32> -> vector<64x512xi32>
    %broadcast_in_dim3A_3810 = vector.shape_cast %eq3A_3803 : vector<1x512xi1> to vector<1x512xi1>
    %broadcast_in_dim3A_3811 = vector.broadcast %broadcast_in_dim3A_3810 : vector<1x512xi1> to vector<64x512xi1>
    %select_n3A_3812 = arith.select %broadcast_in_dim3A_3811, %concatenate3A_3806, %concatenate3A_3809 : vector<64x512xi1>, vector<64x512xi32>
    %and3A_3813 = arith.constant 1 : i32
    %and3A_3814 = vector.broadcast %and3A_3813 : i32 to vector<1x512xi32>
    %and3A_3815 = arith.andi %iota3A, %and3A_3814 : vector<1x512xi32>
    %eq3A_3816 = arith.constant 0 : i32
    %eq3A_3817 = vector.broadcast %eq3A_3816 : i32 to vector<1x512xi32>
    %eq3A_3818 = arith.cmpi eq, %and3A_3815, %eq3A_3817 : vector<1x512xi32>
    %slice3A_3819 = vector.extract_strided_slice %select_n3A_3812 {offsets = [0, 1], sizes = [64, 511], strides = [1, 1]} : vector<64x512xi32> to vector<64x511xi32>
    %slice3A_3820 = vector.extract_strided_slice %select_n3A_3812 {offsets = [0, 0], sizes = [64, 1], strides = [1, 1]} : vector<64x512xi32> to vector<64x1xi32>
    %concatenate3A_3821 = tpu.concatenate %slice3A_3819, %slice3A_3820 in 1 : vector<64x511xi32>, vector<64x1xi32> -> vector<64x512xi32>
    %slice3A_3822 = vector.extract_strided_slice %select_n3A_3812 {offsets = [0, 511], sizes = [64, 1], strides = [1, 1]} : vector<64x512xi32> to vector<64x1xi32>
    %slice3A_3823 = vector.extract_strided_slice %select_n3A_3812 {offsets = [0, 0], sizes = [64, 511], strides = [1, 1]} : vector<64x512xi32> to vector<64x511xi32>
    %concatenate3A_3824 = tpu.concatenate %slice3A_3822, %slice3A_3823 in 1 : vector<64x1xi32>, vector<64x511xi32> -> vector<64x512xi32>
    %broadcast_in_dim3A_3825 = vector.shape_cast %eq3A_3818 : vector<1x512xi1> to vector<1x512xi1>
    %broadcast_in_dim3A_3826 = vector.broadcast %broadcast_in_dim3A_3825 : vector<1x512xi1> to vector<64x512xi1>
    %select_n3A_3827 = arith.select %broadcast_in_dim3A_3826, %concatenate3A_3821, %concatenate3A_3824 : vector<64x512xi1>, vector<64x512xi32>
    %gt3A_3828 = arith.cmpf ogt, %select_n3A_3532, %select_n3A_3683 : vector<64x512xf32>
    %eq3A_3829 = arith.cmpf oeq, %select_n3A_3532, %select_n3A_3683 : vector<64x512xf32>
    %lt3A_3830 = arith.cmpi slt, %select_n3A_3533, %select_n3A_3827 : vector<64x512xi32>
    %and3A_3831 = arith.andi %eq3A_3829, %lt3A_3830 : vector<64x512xi1>
    %or3A_3832 = arith.ori %gt3A_3828, %and3A_3831 : vector<64x512xi1>
    %not3A_3833 = arith.constant dense<true> : vector<64x1xi1>
    %not3A_3834 = arith.xori %eq3A_3539, %not3A_3833 : vector<64x1xi1>
    %xor3A_3835 = vector.broadcast %not3A_3834 : vector<64x1xi1> to vector<64x512xi1>
    %xor3A_3836 = arith.xori %or3A_3832, %xor3A_3835 : vector<64x512xi1>
    %select_n3A_3837 = arith.select %xor3A_3836, %select_n3A_3532, %select_n3A_3683 : vector<64x512xi1>, vector<64x512xf32>
    %select_n3A_3838 = arith.select %xor3A_3836, %select_n3A_3533, %select_n3A_3827 : vector<64x512xi1>, vector<64x512xi32>
    %and3A_3839 = arith.constant 256 : i32
    %and3A_3840 = vector.broadcast %and3A_3839 : i32 to vector<1x512xi32>
    %and3A_3841 = arith.andi %iota3A, %and3A_3840 : vector<1x512xi32>
    %eq3A_3842 = arith.constant 0 : i32
    %eq3A_3843 = vector.broadcast %eq3A_3842 : i32 to vector<1x512xi32>
    %eq3A_3844 = arith.cmpi eq, %and3A_3841, %eq3A_3843 : vector<1x512xi32>
    %slice3A_3845 = vector.extract_strided_slice %select_n3A_3837 {offsets = [0, 256], sizes = [64, 256], strides = [1, 1]} : vector<64x512xf32> to vector<64x256xf32>
    %slice3A_3846 = vector.extract_strided_slice %select_n3A_3837 {offsets = [0, 0], sizes = [64, 256], strides = [1, 1]} : vector<64x512xf32> to vector<64x256xf32>
    %concatenate3A_3847 = tpu.concatenate %slice3A_3845, %slice3A_3846 in 1 : vector<64x256xf32>, vector<64x256xf32> -> vector<64x512xf32>
    %slice3A_3848 = vector.extract_strided_slice %select_n3A_3837 {offsets = [0, 256], sizes = [64, 256], strides = [1, 1]} : vector<64x512xf32> to vector<64x256xf32>
    %slice3A_3849 = vector.extract_strided_slice %select_n3A_3837 {offsets = [0, 0], sizes = [64, 256], strides = [1, 1]} : vector<64x512xf32> to vector<64x256xf32>
    %concatenate3A_3850 = tpu.concatenate %slice3A_3848, %slice3A_3849 in 1 : vector<64x256xf32>, vector<64x256xf32> -> vector<64x512xf32>
    %broadcast_in_dim3A_3851 = vector.shape_cast %eq3A_3844 : vector<1x512xi1> to vector<1x512xi1>
    %broadcast_in_dim3A_3852 = vector.broadcast %broadcast_in_dim3A_3851 : vector<1x512xi1> to vector<64x512xi1>
    %select_n3A_3853 = arith.select %broadcast_in_dim3A_3852, %concatenate3A_3847, %concatenate3A_3850 : vector<64x512xi1>, vector<64x512xf32>
    %slice3A_3854 = vector.extract_strided_slice %select_n3A_3838 {offsets = [0, 256], sizes = [64, 256], strides = [1, 1]} : vector<64x512xi32> to vector<64x256xi32>
    %slice3A_3855 = vector.extract_strided_slice %select_n3A_3838 {offsets = [0, 0], sizes = [64, 256], strides = [1, 1]} : vector<64x512xi32> to vector<64x256xi32>
    %concatenate3A_3856 = tpu.concatenate %slice3A_3854, %slice3A_3855 in 1 : vector<64x256xi32>, vector<64x256xi32> -> vector<64x512xi32>
    %slice3A_3857 = vector.extract_strided_slice %select_n3A_3838 {offsets = [0, 256], sizes = [64, 256], strides = [1, 1]} : vector<64x512xi32> to vector<64x256xi32>
    %slice3A_3858 = vector.extract_strided_slice %select_n3A_3838 {offsets = [0, 0], sizes = [64, 256], strides = [1, 1]} : vector<64x512xi32> to vector<64x256xi32>
    %concatenate3A_3859 = tpu.concatenate %slice3A_3857, %slice3A_3858 in 1 : vector<64x256xi32>, vector<64x256xi32> -> vector<64x512xi32>
    %broadcast_in_dim3A_3860 = vector.shape_cast %eq3A_3844 : vector<1x512xi1> to vector<1x512xi1>
    %broadcast_in_dim3A_3861 = vector.broadcast %broadcast_in_dim3A_3860 : vector<1x512xi1> to vector<64x512xi1>
    %select_n3A_3862 = arith.select %broadcast_in_dim3A_3861, %concatenate3A_3856, %concatenate3A_3859 : vector<64x512xi1>, vector<64x512xi32>
    %gt3A_3863 = arith.cmpf ogt, %select_n3A_3837, %select_n3A_3853 : vector<64x512xf32>
    %eq3A_3864 = arith.cmpf oeq, %select_n3A_3837, %select_n3A_3853 : vector<64x512xf32>
    %lt3A_3865 = arith.cmpi slt, %select_n3A_3838, %select_n3A_3862 : vector<64x512xi32>
    %and3A_3866 = arith.andi %eq3A_3864, %lt3A_3865 : vector<64x512xi1>
    %or3A_3867 = arith.ori %gt3A_3863, %and3A_3866 : vector<64x512xi1>
    %xor3A_3868 = vector.broadcast %eq3A_3844 : vector<1x512xi1> to vector<64x512xi1>
    %xor3A_3869 = arith.xori %xor3A_3868, %or3A_3867 : vector<64x512xi1>
    %xor3A_3870 = arith.constant true
    %xor3A_3871 = vector.broadcast %xor3A_3870 : i1 to vector<64x512xi1>
    %xor3A_3872 = arith.xori %xor3A_3869, %xor3A_3871 : vector<64x512xi1>
    %select_n3A_3873 = arith.select %xor3A_3872, %select_n3A_3837, %select_n3A_3853 : vector<64x512xi1>, vector<64x512xf32>
    %select_n3A_3874 = arith.select %xor3A_3872, %select_n3A_3838, %select_n3A_3862 : vector<64x512xi1>, vector<64x512xi32>
    %and3A_3875 = arith.constant 128 : i32
    %and3A_3876 = vector.broadcast %and3A_3875 : i32 to vector<1x512xi32>
    %and3A_3877 = arith.andi %iota3A, %and3A_3876 : vector<1x512xi32>
    %eq3A_3878 = arith.constant 0 : i32
    %eq3A_3879 = vector.broadcast %eq3A_3878 : i32 to vector<1x512xi32>
    %eq3A_3880 = arith.cmpi eq, %and3A_3877, %eq3A_3879 : vector<1x512xi32>
    %slice3A_3881 = vector.extract_strided_slice %select_n3A_3873 {offsets = [0, 128], sizes = [64, 384], strides = [1, 1]} : vector<64x512xf32> to vector<64x384xf32>
    %slice3A_3882 = vector.extract_strided_slice %select_n3A_3873 {offsets = [0, 0], sizes = [64, 128], strides = [1, 1]} : vector<64x512xf32> to vector<64x128xf32>
    %concatenate3A_3883 = tpu.concatenate %slice3A_3881, %slice3A_3882 in 1 : vector<64x384xf32>, vector<64x128xf32> -> vector<64x512xf32>
    %slice3A_3884 = vector.extract_strided_slice %select_n3A_3873 {offsets = [0, 384], sizes = [64, 128], strides = [1, 1]} : vector<64x512xf32> to vector<64x128xf32>
    %slice3A_3885 = vector.extract_strided_slice %select_n3A_3873 {offsets = [0, 0], sizes = [64, 384], strides = [1, 1]} : vector<64x512xf32> to vector<64x384xf32>
    %concatenate3A_3886 = tpu.concatenate %slice3A_3884, %slice3A_3885 in 1 : vector<64x128xf32>, vector<64x384xf32> -> vector<64x512xf32>
    %broadcast_in_dim3A_3887 = vector.shape_cast %eq3A_3880 : vector<1x512xi1> to vector<1x512xi1>
    %broadcast_in_dim3A_3888 = vector.broadcast %broadcast_in_dim3A_3887 : vector<1x512xi1> to vector<64x512xi1>
    %select_n3A_3889 = arith.select %broadcast_in_dim3A_3888, %concatenate3A_3883, %concatenate3A_3886 : vector<64x512xi1>, vector<64x512xf32>
    %slice3A_3890 = vector.extract_strided_slice %select_n3A_3874 {offsets = [0, 128], sizes = [64, 384], strides = [1, 1]} : vector<64x512xi32> to vector<64x384xi32>
    %slice3A_3891 = vector.extract_strided_slice %select_n3A_3874 {offsets = [0, 0], sizes = [64, 128], strides = [1, 1]} : vector<64x512xi32> to vector<64x128xi32>
    %concatenate3A_3892 = tpu.concatenate %slice3A_3890, %slice3A_3891 in 1 : vector<64x384xi32>, vector<64x128xi32> -> vector<64x512xi32>
    %slice3A_3893 = vector.extract_strided_slice %select_n3A_3874 {offsets = [0, 384], sizes = [64, 128], strides = [1, 1]} : vector<64x512xi32> to vector<64x128xi32>
    %slice3A_3894 = vector.extract_strided_slice %select_n3A_3874 {offsets = [0, 0], sizes = [64, 384], strides = [1, 1]} : vector<64x512xi32> to vector<64x384xi32>
    %concatenate3A_3895 = tpu.concatenate %slice3A_3893, %slice3A_3894 in 1 : vector<64x128xi32>, vector<64x384xi32> -> vector<64x512xi32>
    %broadcast_in_dim3A_3896 = vector.shape_cast %eq3A_3880 : vector<1x512xi1> to vector<1x512xi1>
    %broadcast_in_dim3A_3897 = vector.broadcast %broadcast_in_dim3A_3896 : vector<1x512xi1> to vector<64x512xi1>
    %select_n3A_3898 = arith.select %broadcast_in_dim3A_3897, %concatenate3A_3892, %concatenate3A_3895 : vector<64x512xi1>, vector<64x512xi32>
    %gt3A_3899 = arith.cmpf ogt, %select_n3A_3873, %select_n3A_3889 : vector<64x512xf32>
    %eq3A_3900 = arith.cmpf oeq, %select_n3A_3873, %select_n3A_3889 : vector<64x512xf32>
    %lt3A_3901 = arith.cmpi slt, %select_n3A_3874, %select_n3A_3898 : vector<64x512xi32>
    %and3A_3902 = arith.andi %eq3A_3900, %lt3A_3901 : vector<64x512xi1>
    %or3A_3903 = arith.ori %gt3A_3899, %and3A_3902 : vector<64x512xi1>
    %xor3A_3904 = vector.broadcast %eq3A_3880 : vector<1x512xi1> to vector<64x512xi1>
    %xor3A_3905 = arith.xori %xor3A_3904, %or3A_3903 : vector<64x512xi1>
    %xor3A_3906 = arith.constant true
    %xor3A_3907 = vector.broadcast %xor3A_3906 : i1 to vector<64x512xi1>
    %xor3A_3908 = arith.xori %xor3A_3905, %xor3A_3907 : vector<64x512xi1>
    %select_n3A_3909 = arith.select %xor3A_3908, %select_n3A_3873, %select_n3A_3889 : vector<64x512xi1>, vector<64x512xf32>
    %select_n3A_3910 = arith.select %xor3A_3908, %select_n3A_3874, %select_n3A_3898 : vector<64x512xi1>, vector<64x512xi32>
    %and3A_3911 = arith.constant 64 : i32
    %and3A_3912 = vector.broadcast %and3A_3911 : i32 to vector<1x512xi32>
    %and3A_3913 = arith.andi %iota3A, %and3A_3912 : vector<1x512xi32>
    %eq3A_3914 = arith.constant 0 : i32
    %eq3A_3915 = vector.broadcast %eq3A_3914 : i32 to vector<1x512xi32>
    %eq3A_3916 = arith.cmpi eq, %and3A_3913, %eq3A_3915 : vector<1x512xi32>
    %slice3A_3917 = vector.extract_strided_slice %select_n3A_3909 {offsets = [0, 64], sizes = [64, 448], strides = [1, 1]} : vector<64x512xf32> to vector<64x448xf32>
    %slice3A_3918 = vector.extract_strided_slice %select_n3A_3909 {offsets = [0, 0], sizes = [64, 64], strides = [1, 1]} : vector<64x512xf32> to vector<64x64xf32>
    %concatenate3A_3919 = tpu.concatenate %slice3A_3917, %slice3A_3918 in 1 : vector<64x448xf32>, vector<64x64xf32> -> vector<64x512xf32>
    %slice3A_3920 = vector.extract_strided_slice %select_n3A_3909 {offsets = [0, 448], sizes = [64, 64], strides = [1, 1]} : vector<64x512xf32> to vector<64x64xf32>
    %slice3A_3921 = vector.extract_strided_slice %select_n3A_3909 {offsets = [0, 0], sizes = [64, 448], strides = [1, 1]} : vector<64x512xf32> to vector<64x448xf32>
    %concatenate3A_3922 = tpu.concatenate %slice3A_3920, %slice3A_3921 in 1 : vector<64x64xf32>, vector<64x448xf32> -> vector<64x512xf32>
    %broadcast_in_dim3A_3923 = vector.shape_cast %eq3A_3916 : vector<1x512xi1> to vector<1x512xi1>
    %broadcast_in_dim3A_3924 = vector.broadcast %broadcast_in_dim3A_3923 : vector<1x512xi1> to vector<64x512xi1>
    %select_n3A_3925 = arith.select %broadcast_in_dim3A_3924, %concatenate3A_3919, %concatenate3A_3922 : vector<64x512xi1>, vector<64x512xf32>
    %slice3A_3926 = vector.extract_strided_slice %select_n3A_3910 {offsets = [0, 64], sizes = [64, 448], strides = [1, 1]} : vector<64x512xi32> to vector<64x448xi32>
    %slice3A_3927 = vector.extract_strided_slice %select_n3A_3910 {offsets = [0, 0], sizes = [64, 64], strides = [1, 1]} : vector<64x512xi32> to vector<64x64xi32>
    %concatenate3A_3928 = tpu.concatenate %slice3A_3926, %slice3A_3927 in 1 : vector<64x448xi32>, vector<64x64xi32> -> vector<64x512xi32>
    %slice3A_3929 = vector.extract_strided_slice %select_n3A_3910 {offsets = [0, 448], sizes = [64, 64], strides = [1, 1]} : vector<64x512xi32> to vector<64x64xi32>
    %slice3A_3930 = vector.extract_strided_slice %select_n3A_3910 {offsets = [0, 0], sizes = [64, 448], strides = [1, 1]} : vector<64x512xi32> to vector<64x448xi32>
    %concatenate3A_3931 = tpu.concatenate %slice3A_3929, %slice3A_3930 in 1 : vector<64x64xi32>, vector<64x448xi32> -> vector<64x512xi32>
    %broadcast_in_dim3A_3932 = vector.shape_cast %eq3A_3916 : vector<1x512xi1> to vector<1x512xi1>
    %broadcast_in_dim3A_3933 = vector.broadcast %broadcast_in_dim3A_3932 : vector<1x512xi1> to vector<64x512xi1>
    %select_n3A_3934 = arith.select %broadcast_in_dim3A_3933, %concatenate3A_3928, %concatenate3A_3931 : vector<64x512xi1>, vector<64x512xi32>
    %gt3A_3935 = arith.cmpf ogt, %select_n3A_3909, %select_n3A_3925 : vector<64x512xf32>
    %eq3A_3936 = arith.cmpf oeq, %select_n3A_3909, %select_n3A_3925 : vector<64x512xf32>
    %lt3A_3937 = arith.cmpi slt, %select_n3A_3910, %select_n3A_3934 : vector<64x512xi32>
    %and3A_3938 = arith.andi %eq3A_3936, %lt3A_3937 : vector<64x512xi1>
    %or3A_3939 = arith.ori %gt3A_3935, %and3A_3938 : vector<64x512xi1>
    %xor3A_3940 = vector.broadcast %eq3A_3916 : vector<1x512xi1> to vector<64x512xi1>
    %xor3A_3941 = arith.xori %xor3A_3940, %or3A_3939 : vector<64x512xi1>
    %xor3A_3942 = arith.constant true
    %xor3A_3943 = vector.broadcast %xor3A_3942 : i1 to vector<64x512xi1>
    %xor3A_3944 = arith.xori %xor3A_3941, %xor3A_3943 : vector<64x512xi1>
    %select_n3A_3945 = arith.select %xor3A_3944, %select_n3A_3909, %select_n3A_3925 : vector<64x512xi1>, vector<64x512xf32>
    %select_n3A_3946 = arith.select %xor3A_3944, %select_n3A_3910, %select_n3A_3934 : vector<64x512xi1>, vector<64x512xi32>
    %and3A_3947 = arith.constant 32 : i32
    %and3A_3948 = vector.broadcast %and3A_3947 : i32 to vector<1x512xi32>
    %and3A_3949 = arith.andi %iota3A, %and3A_3948 : vector<1x512xi32>
    %eq3A_3950 = arith.constant 0 : i32
    %eq3A_3951 = vector.broadcast %eq3A_3950 : i32 to vector<1x512xi32>
    %eq3A_3952 = arith.cmpi eq, %and3A_3949, %eq3A_3951 : vector<1x512xi32>
    %slice3A_3953 = vector.extract_strided_slice %select_n3A_3945 {offsets = [0, 32], sizes = [64, 480], strides = [1, 1]} : vector<64x512xf32> to vector<64x480xf32>
    %slice3A_3954 = vector.extract_strided_slice %select_n3A_3945 {offsets = [0, 0], sizes = [64, 32], strides = [1, 1]} : vector<64x512xf32> to vector<64x32xf32>
    %concatenate3A_3955 = tpu.concatenate %slice3A_3953, %slice3A_3954 in 1 : vector<64x480xf32>, vector<64x32xf32> -> vector<64x512xf32>
    %slice3A_3956 = vector.extract_strided_slice %select_n3A_3945 {offsets = [0, 480], sizes = [64, 32], strides = [1, 1]} : vector<64x512xf32> to vector<64x32xf32>
    %slice3A_3957 = vector.extract_strided_slice %select_n3A_3945 {offsets = [0, 0], sizes = [64, 480], strides = [1, 1]} : vector<64x512xf32> to vector<64x480xf32>
    %concatenate3A_3958 = tpu.concatenate %slice3A_3956, %slice3A_3957 in 1 : vector<64x32xf32>, vector<64x480xf32> -> vector<64x512xf32>
    %broadcast_in_dim3A_3959 = vector.shape_cast %eq3A_3952 : vector<1x512xi1> to vector<1x512xi1>
    %broadcast_in_dim3A_3960 = vector.broadcast %broadcast_in_dim3A_3959 : vector<1x512xi1> to vector<64x512xi1>
    %select_n3A_3961 = arith.select %broadcast_in_dim3A_3960, %concatenate3A_3955, %concatenate3A_3958 : vector<64x512xi1>, vector<64x512xf32>
    %slice3A_3962 = vector.extract_strided_slice %select_n3A_3946 {offsets = [0, 32], sizes = [64, 480], strides = [1, 1]} : vector<64x512xi32> to vector<64x480xi32>
    %slice3A_3963 = vector.extract_strided_slice %select_n3A_3946 {offsets = [0, 0], sizes = [64, 32], strides = [1, 1]} : vector<64x512xi32> to vector<64x32xi32>
    %concatenate3A_3964 = tpu.concatenate %slice3A_3962, %slice3A_3963 in 1 : vector<64x480xi32>, vector<64x32xi32> -> vector<64x512xi32>
    %slice3A_3965 = vector.extract_strided_slice %select_n3A_3946 {offsets = [0, 480], sizes = [64, 32], strides = [1, 1]} : vector<64x512xi32> to vector<64x32xi32>
    %slice3A_3966 = vector.extract_strided_slice %select_n3A_3946 {offsets = [0, 0], sizes = [64, 480], strides = [1, 1]} : vector<64x512xi32> to vector<64x480xi32>
    %concatenate3A_3967 = tpu.concatenate %slice3A_3965, %slice3A_3966 in 1 : vector<64x32xi32>, vector<64x480xi32> -> vector<64x512xi32>
    %broadcast_in_dim3A_3968 = vector.shape_cast %eq3A_3952 : vector<1x512xi1> to vector<1x512xi1>
    %broadcast_in_dim3A_3969 = vector.broadcast %broadcast_in_dim3A_3968 : vector<1x512xi1> to vector<64x512xi1>
    %select_n3A_3970 = arith.select %broadcast_in_dim3A_3969, %concatenate3A_3964, %concatenate3A_3967 : vector<64x512xi1>, vector<64x512xi32>
    %gt3A_3971 = arith.cmpf ogt, %select_n3A_3945, %select_n3A_3961 : vector<64x512xf32>
    %eq3A_3972 = arith.cmpf oeq, %select_n3A_3945, %select_n3A_3961 : vector<64x512xf32>
    %lt3A_3973 = arith.cmpi slt, %select_n3A_3946, %select_n3A_3970 : vector<64x512xi32>
    %and3A_3974 = arith.andi %eq3A_3972, %lt3A_3973 : vector<64x512xi1>
    %or3A_3975 = arith.ori %gt3A_3971, %and3A_3974 : vector<64x512xi1>
    %xor3A_3976 = vector.broadcast %eq3A_3952 : vector<1x512xi1> to vector<64x512xi1>
    %xor3A_3977 = arith.xori %xor3A_3976, %or3A_3975 : vector<64x512xi1>
    %xor3A_3978 = arith.constant true
    %xor3A_3979 = vector.broadcast %xor3A_3978 : i1 to vector<64x512xi1>
    %xor3A_3980 = arith.xori %xor3A_3977, %xor3A_3979 : vector<64x512xi1>
    %select_n3A_3981 = arith.select %xor3A_3980, %select_n3A_3945, %select_n3A_3961 : vector<64x512xi1>, vector<64x512xf32>
    %select_n3A_3982 = arith.select %xor3A_3980, %select_n3A_3946, %select_n3A_3970 : vector<64x512xi1>, vector<64x512xi32>
    %and3A_3983 = arith.constant 16 : i32
    %and3A_3984 = vector.broadcast %and3A_3983 : i32 to vector<1x512xi32>
    %and3A_3985 = arith.andi %iota3A, %and3A_3984 : vector<1x512xi32>
    %eq3A_3986 = arith.constant 0 : i32
    %eq3A_3987 = vector.broadcast %eq3A_3986 : i32 to vector<1x512xi32>
    %eq3A_3988 = arith.cmpi eq, %and3A_3985, %eq3A_3987 : vector<1x512xi32>
    %slice3A_3989 = vector.extract_strided_slice %select_n3A_3981 {offsets = [0, 16], sizes = [64, 496], strides = [1, 1]} : vector<64x512xf32> to vector<64x496xf32>
    %slice3A_3990 = vector.extract_strided_slice %select_n3A_3981 {offsets = [0, 0], sizes = [64, 16], strides = [1, 1]} : vector<64x512xf32> to vector<64x16xf32>
    %concatenate3A_3991 = tpu.concatenate %slice3A_3989, %slice3A_3990 in 1 : vector<64x496xf32>, vector<64x16xf32> -> vector<64x512xf32>
    %slice3A_3992 = vector.extract_strided_slice %select_n3A_3981 {offsets = [0, 496], sizes = [64, 16], strides = [1, 1]} : vector<64x512xf32> to vector<64x16xf32>
    %slice3A_3993 = vector.extract_strided_slice %select_n3A_3981 {offsets = [0, 0], sizes = [64, 496], strides = [1, 1]} : vector<64x512xf32> to vector<64x496xf32>
    %concatenate3A_3994 = tpu.concatenate %slice3A_3992, %slice3A_3993 in 1 : vector<64x16xf32>, vector<64x496xf32> -> vector<64x512xf32>
    %broadcast_in_dim3A_3995 = vector.shape_cast %eq3A_3988 : vector<1x512xi1> to vector<1x512xi1>
    %broadcast_in_dim3A_3996 = vector.broadcast %broadcast_in_dim3A_3995 : vector<1x512xi1> to vector<64x512xi1>
    %select_n3A_3997 = arith.select %broadcast_in_dim3A_3996, %concatenate3A_3991, %concatenate3A_3994 : vector<64x512xi1>, vector<64x512xf32>
    %slice3A_3998 = vector.extract_strided_slice %select_n3A_3982 {offsets = [0, 16], sizes = [64, 496], strides = [1, 1]} : vector<64x512xi32> to vector<64x496xi32>
    %slice3A_3999 = vector.extract_strided_slice %select_n3A_3982 {offsets = [0, 0], sizes = [64, 16], strides = [1, 1]} : vector<64x512xi32> to vector<64x16xi32>
    %concatenate3A_4000 = tpu.concatenate %slice3A_3998, %slice3A_3999 in 1 : vector<64x496xi32>, vector<64x16xi32> -> vector<64x512xi32>
    %slice3A_4001 = vector.extract_strided_slice %select_n3A_3982 {offsets = [0, 496], sizes = [64, 16], strides = [1, 1]} : vector<64x512xi32> to vector<64x16xi32>
    %slice3A_4002 = vector.extract_strided_slice %select_n3A_3982 {offsets = [0, 0], sizes = [64, 496], strides = [1, 1]} : vector<64x512xi32> to vector<64x496xi32>
    %concatenate3A_4003 = tpu.concatenate %slice3A_4001, %slice3A_4002 in 1 : vector<64x16xi32>, vector<64x496xi32> -> vector<64x512xi32>
    %broadcast_in_dim3A_4004 = vector.shape_cast %eq3A_3988 : vector<1x512xi1> to vector<1x512xi1>
    %broadcast_in_dim3A_4005 = vector.broadcast %broadcast_in_dim3A_4004 : vector<1x512xi1> to vector<64x512xi1>
    %select_n3A_4006 = arith.select %broadcast_in_dim3A_4005, %concatenate3A_4000, %concatenate3A_4003 : vector<64x512xi1>, vector<64x512xi32>
    %gt3A_4007 = arith.cmpf ogt, %select_n3A_3981, %select_n3A_3997 : vector<64x512xf32>
    %eq3A_4008 = arith.cmpf oeq, %select_n3A_3981, %select_n3A_3997 : vector<64x512xf32>
    %lt3A_4009 = arith.cmpi slt, %select_n3A_3982, %select_n3A_4006 : vector<64x512xi32>
    %and3A_4010 = arith.andi %eq3A_4008, %lt3A_4009 : vector<64x512xi1>
    %or3A_4011 = arith.ori %gt3A_4007, %and3A_4010 : vector<64x512xi1>
    %xor3A_4012 = vector.broadcast %eq3A_3988 : vector<1x512xi1> to vector<64x512xi1>
    %xor3A_4013 = arith.xori %xor3A_4012, %or3A_4011 : vector<64x512xi1>
    %xor3A_4014 = arith.constant true
    %xor3A_4015 = vector.broadcast %xor3A_4014 : i1 to vector<64x512xi1>
    %xor3A_4016 = arith.xori %xor3A_4013, %xor3A_4015 : vector<64x512xi1>
    %select_n3A_4017 = arith.select %xor3A_4016, %select_n3A_3981, %select_n3A_3997 : vector<64x512xi1>, vector<64x512xf32>
    %select_n3A_4018 = arith.select %xor3A_4016, %select_n3A_3982, %select_n3A_4006 : vector<64x512xi1>, vector<64x512xi32>
    %and3A_4019 = arith.constant 8 : i32
    %and3A_4020 = vector.broadcast %and3A_4019 : i32 to vector<1x512xi32>
    %and3A_4021 = arith.andi %iota3A, %and3A_4020 : vector<1x512xi32>
    %eq3A_4022 = arith.constant 0 : i32
    %eq3A_4023 = vector.broadcast %eq3A_4022 : i32 to vector<1x512xi32>
    %eq3A_4024 = arith.cmpi eq, %and3A_4021, %eq3A_4023 : vector<1x512xi32>
    %slice3A_4025 = vector.extract_strided_slice %select_n3A_4017 {offsets = [0, 8], sizes = [64, 504], strides = [1, 1]} : vector<64x512xf32> to vector<64x504xf32>
    %slice3A_4026 = vector.extract_strided_slice %select_n3A_4017 {offsets = [0, 0], sizes = [64, 8], strides = [1, 1]} : vector<64x512xf32> to vector<64x8xf32>
    %concatenate3A_4027 = tpu.concatenate %slice3A_4025, %slice3A_4026 in 1 : vector<64x504xf32>, vector<64x8xf32> -> vector<64x512xf32>
    %slice3A_4028 = vector.extract_strided_slice %select_n3A_4017 {offsets = [0, 504], sizes = [64, 8], strides = [1, 1]} : vector<64x512xf32> to vector<64x8xf32>
    %slice3A_4029 = vector.extract_strided_slice %select_n3A_4017 {offsets = [0, 0], sizes = [64, 504], strides = [1, 1]} : vector<64x512xf32> to vector<64x504xf32>
    %concatenate3A_4030 = tpu.concatenate %slice3A_4028, %slice3A_4029 in 1 : vector<64x8xf32>, vector<64x504xf32> -> vector<64x512xf32>
    %broadcast_in_dim3A_4031 = vector.shape_cast %eq3A_4024 : vector<1x512xi1> to vector<1x512xi1>
    %broadcast_in_dim3A_4032 = vector.broadcast %broadcast_in_dim3A_4031 : vector<1x512xi1> to vector<64x512xi1>
    %select_n3A_4033 = arith.select %broadcast_in_dim3A_4032, %concatenate3A_4027, %concatenate3A_4030 : vector<64x512xi1>, vector<64x512xf32>
    %slice3A_4034 = vector.extract_strided_slice %select_n3A_4018 {offsets = [0, 8], sizes = [64, 504], strides = [1, 1]} : vector<64x512xi32> to vector<64x504xi32>
    %slice3A_4035 = vector.extract_strided_slice %select_n3A_4018 {offsets = [0, 0], sizes = [64, 8], strides = [1, 1]} : vector<64x512xi32> to vector<64x8xi32>
    %concatenate3A_4036 = tpu.concatenate %slice3A_4034, %slice3A_4035 in 1 : vector<64x504xi32>, vector<64x8xi32> -> vector<64x512xi32>
    %slice3A_4037 = vector.extract_strided_slice %select_n3A_4018 {offsets = [0, 504], sizes = [64, 8], strides = [1, 1]} : vector<64x512xi32> to vector<64x8xi32>
    %slice3A_4038 = vector.extract_strided_slice %select_n3A_4018 {offsets = [0, 0], sizes = [64, 504], strides = [1, 1]} : vector<64x512xi32> to vector<64x504xi32>
    %concatenate3A_4039 = tpu.concatenate %slice3A_4037, %slice3A_4038 in 1 : vector<64x8xi32>, vector<64x504xi32> -> vector<64x512xi32>
    %broadcast_in_dim3A_4040 = vector.shape_cast %eq3A_4024 : vector<1x512xi1> to vector<1x512xi1>
    %broadcast_in_dim3A_4041 = vector.broadcast %broadcast_in_dim3A_4040 : vector<1x512xi1> to vector<64x512xi1>
    %select_n3A_4042 = arith.select %broadcast_in_dim3A_4041, %concatenate3A_4036, %concatenate3A_4039 : vector<64x512xi1>, vector<64x512xi32>
    %gt3A_4043 = arith.cmpf ogt, %select_n3A_4017, %select_n3A_4033 : vector<64x512xf32>
    %eq3A_4044 = arith.cmpf oeq, %select_n3A_4017, %select_n3A_4033 : vector<64x512xf32>
    %lt3A_4045 = arith.cmpi slt, %select_n3A_4018, %select_n3A_4042 : vector<64x512xi32>
    %and3A_4046 = arith.andi %eq3A_4044, %lt3A_4045 : vector<64x512xi1>
    %or3A_4047 = arith.ori %gt3A_4043, %and3A_4046 : vector<64x512xi1>
    %xor3A_4048 = vector.broadcast %eq3A_4024 : vector<1x512xi1> to vector<64x512xi1>
    %xor3A_4049 = arith.xori %xor3A_4048, %or3A_4047 : vector<64x512xi1>
    %xor3A_4050 = arith.constant true
    %xor3A_4051 = vector.broadcast %xor3A_4050 : i1 to vector<64x512xi1>
    %xor3A_4052 = arith.xori %xor3A_4049, %xor3A_4051 : vector<64x512xi1>
    %select_n3A_4053 = arith.select %xor3A_4052, %select_n3A_4017, %select_n3A_4033 : vector<64x512xi1>, vector<64x512xf32>
    %select_n3A_4054 = arith.select %xor3A_4052, %select_n3A_4018, %select_n3A_4042 : vector<64x512xi1>, vector<64x512xi32>
    %and3A_4055 = arith.constant 4 : i32
    %and3A_4056 = vector.broadcast %and3A_4055 : i32 to vector<1x512xi32>
    %and3A_4057 = arith.andi %iota3A, %and3A_4056 : vector<1x512xi32>
    %eq3A_4058 = arith.constant 0 : i32
    %eq3A_4059 = vector.broadcast %eq3A_4058 : i32 to vector<1x512xi32>
    %eq3A_4060 = arith.cmpi eq, %and3A_4057, %eq3A_4059 : vector<1x512xi32>
    %slice3A_4061 = vector.extract_strided_slice %select_n3A_4053 {offsets = [0, 4], sizes = [64, 508], strides = [1, 1]} : vector<64x512xf32> to vector<64x508xf32>
    %slice3A_4062 = vector.extract_strided_slice %select_n3A_4053 {offsets = [0, 0], sizes = [64, 4], strides = [1, 1]} : vector<64x512xf32> to vector<64x4xf32>
    %concatenate3A_4063 = tpu.concatenate %slice3A_4061, %slice3A_4062 in 1 : vector<64x508xf32>, vector<64x4xf32> -> vector<64x512xf32>
    %slice3A_4064 = vector.extract_strided_slice %select_n3A_4053 {offsets = [0, 508], sizes = [64, 4], strides = [1, 1]} : vector<64x512xf32> to vector<64x4xf32>
    %slice3A_4065 = vector.extract_strided_slice %select_n3A_4053 {offsets = [0, 0], sizes = [64, 508], strides = [1, 1]} : vector<64x512xf32> to vector<64x508xf32>
    %concatenate3A_4066 = tpu.concatenate %slice3A_4064, %slice3A_4065 in 1 : vector<64x4xf32>, vector<64x508xf32> -> vector<64x512xf32>
    %broadcast_in_dim3A_4067 = vector.shape_cast %eq3A_4060 : vector<1x512xi1> to vector<1x512xi1>
    %broadcast_in_dim3A_4068 = vector.broadcast %broadcast_in_dim3A_4067 : vector<1x512xi1> to vector<64x512xi1>
    %select_n3A_4069 = arith.select %broadcast_in_dim3A_4068, %concatenate3A_4063, %concatenate3A_4066 : vector<64x512xi1>, vector<64x512xf32>
    %slice3A_4070 = vector.extract_strided_slice %select_n3A_4054 {offsets = [0, 4], sizes = [64, 508], strides = [1, 1]} : vector<64x512xi32> to vector<64x508xi32>
    %slice3A_4071 = vector.extract_strided_slice %select_n3A_4054 {offsets = [0, 0], sizes = [64, 4], strides = [1, 1]} : vector<64x512xi32> to vector<64x4xi32>
    %concatenate3A_4072 = tpu.concatenate %slice3A_4070, %slice3A_4071 in 1 : vector<64x508xi32>, vector<64x4xi32> -> vector<64x512xi32>
    %slice3A_4073 = vector.extract_strided_slice %select_n3A_4054 {offsets = [0, 508], sizes = [64, 4], strides = [1, 1]} : vector<64x512xi32> to vector<64x4xi32>
    %slice3A_4074 = vector.extract_strided_slice %select_n3A_4054 {offsets = [0, 0], sizes = [64, 508], strides = [1, 1]} : vector<64x512xi32> to vector<64x508xi32>
    %concatenate3A_4075 = tpu.concatenate %slice3A_4073, %slice3A_4074 in 1 : vector<64x4xi32>, vector<64x508xi32> -> vector<64x512xi32>
    %broadcast_in_dim3A_4076 = vector.shape_cast %eq3A_4060 : vector<1x512xi1> to vector<1x512xi1>
    %broadcast_in_dim3A_4077 = vector.broadcast %broadcast_in_dim3A_4076 : vector<1x512xi1> to vector<64x512xi1>
    %select_n3A_4078 = arith.select %broadcast_in_dim3A_4077, %concatenate3A_4072, %concatenate3A_4075 : vector<64x512xi1>, vector<64x512xi32>
    %gt3A_4079 = arith.cmpf ogt, %select_n3A_4053, %select_n3A_4069 : vector<64x512xf32>
    %eq3A_4080 = arith.cmpf oeq, %select_n3A_4053, %select_n3A_4069 : vector<64x512xf32>
    %lt3A_4081 = arith.cmpi slt, %select_n3A_4054, %select_n3A_4078 : vector<64x512xi32>
    %and3A_4082 = arith.andi %eq3A_4080, %lt3A_4081 : vector<64x512xi1>
    %or3A_4083 = arith.ori %gt3A_4079, %and3A_4082 : vector<64x512xi1>
    %xor3A_4084 = vector.broadcast %eq3A_4060 : vector<1x512xi1> to vector<64x512xi1>
    %xor3A_4085 = arith.xori %xor3A_4084, %or3A_4083 : vector<64x512xi1>
    %xor3A_4086 = arith.constant true
    %xor3A_4087 = vector.broadcast %xor3A_4086 : i1 to vector<64x512xi1>
    %xor3A_4088 = arith.xori %xor3A_4085, %xor3A_4087 : vector<64x512xi1>
    %select_n3A_4089 = arith.select %xor3A_4088, %select_n3A_4053, %select_n3A_4069 : vector<64x512xi1>, vector<64x512xf32>
    %select_n3A_4090 = arith.select %xor3A_4088, %select_n3A_4054, %select_n3A_4078 : vector<64x512xi1>, vector<64x512xi32>
    %and3A_4091 = arith.constant 2 : i32
    %and3A_4092 = vector.broadcast %and3A_4091 : i32 to vector<1x512xi32>
    %and3A_4093 = arith.andi %iota3A, %and3A_4092 : vector<1x512xi32>
    %eq3A_4094 = arith.constant 0 : i32
    %eq3A_4095 = vector.broadcast %eq3A_4094 : i32 to vector<1x512xi32>
    %eq3A_4096 = arith.cmpi eq, %and3A_4093, %eq3A_4095 : vector<1x512xi32>
    %slice3A_4097 = vector.extract_strided_slice %select_n3A_4089 {offsets = [0, 2], sizes = [64, 510], strides = [1, 1]} : vector<64x512xf32> to vector<64x510xf32>
    %slice3A_4098 = vector.extract_strided_slice %select_n3A_4089 {offsets = [0, 0], sizes = [64, 2], strides = [1, 1]} : vector<64x512xf32> to vector<64x2xf32>
    %concatenate3A_4099 = tpu.concatenate %slice3A_4097, %slice3A_4098 in 1 : vector<64x510xf32>, vector<64x2xf32> -> vector<64x512xf32>
    %slice3A_4100 = vector.extract_strided_slice %select_n3A_4089 {offsets = [0, 510], sizes = [64, 2], strides = [1, 1]} : vector<64x512xf32> to vector<64x2xf32>
    %slice3A_4101 = vector.extract_strided_slice %select_n3A_4089 {offsets = [0, 0], sizes = [64, 510], strides = [1, 1]} : vector<64x512xf32> to vector<64x510xf32>
    %concatenate3A_4102 = tpu.concatenate %slice3A_4100, %slice3A_4101 in 1 : vector<64x2xf32>, vector<64x510xf32> -> vector<64x512xf32>
    %broadcast_in_dim3A_4103 = vector.shape_cast %eq3A_4096 : vector<1x512xi1> to vector<1x512xi1>
    %broadcast_in_dim3A_4104 = vector.broadcast %broadcast_in_dim3A_4103 : vector<1x512xi1> to vector<64x512xi1>
    %select_n3A_4105 = arith.select %broadcast_in_dim3A_4104, %concatenate3A_4099, %concatenate3A_4102 : vector<64x512xi1>, vector<64x512xf32>
    %slice3A_4106 = vector.extract_strided_slice %select_n3A_4090 {offsets = [0, 2], sizes = [64, 510], strides = [1, 1]} : vector<64x512xi32> to vector<64x510xi32>
    %slice3A_4107 = vector.extract_strided_slice %select_n3A_4090 {offsets = [0, 0], sizes = [64, 2], strides = [1, 1]} : vector<64x512xi32> to vector<64x2xi32>
    %concatenate3A_4108 = tpu.concatenate %slice3A_4106, %slice3A_4107 in 1 : vector<64x510xi32>, vector<64x2xi32> -> vector<64x512xi32>
    %slice3A_4109 = vector.extract_strided_slice %select_n3A_4090 {offsets = [0, 510], sizes = [64, 2], strides = [1, 1]} : vector<64x512xi32> to vector<64x2xi32>
    %slice3A_4110 = vector.extract_strided_slice %select_n3A_4090 {offsets = [0, 0], sizes = [64, 510], strides = [1, 1]} : vector<64x512xi32> to vector<64x510xi32>
    %concatenate3A_4111 = tpu.concatenate %slice3A_4109, %slice3A_4110 in 1 : vector<64x2xi32>, vector<64x510xi32> -> vector<64x512xi32>
    %broadcast_in_dim3A_4112 = vector.shape_cast %eq3A_4096 : vector<1x512xi1> to vector<1x512xi1>
    %broadcast_in_dim3A_4113 = vector.broadcast %broadcast_in_dim3A_4112 : vector<1x512xi1> to vector<64x512xi1>
    %select_n3A_4114 = arith.select %broadcast_in_dim3A_4113, %concatenate3A_4108, %concatenate3A_4111 : vector<64x512xi1>, vector<64x512xi32>
    %gt3A_4115 = arith.cmpf ogt, %select_n3A_4089, %select_n3A_4105 : vector<64x512xf32>
    %eq3A_4116 = arith.cmpf oeq, %select_n3A_4089, %select_n3A_4105 : vector<64x512xf32>
    %lt3A_4117 = arith.cmpi slt, %select_n3A_4090, %select_n3A_4114 : vector<64x512xi32>
    %and3A_4118 = arith.andi %eq3A_4116, %lt3A_4117 : vector<64x512xi1>
    %or3A_4119 = arith.ori %gt3A_4115, %and3A_4118 : vector<64x512xi1>
    %xor3A_4120 = vector.broadcast %eq3A_4096 : vector<1x512xi1> to vector<64x512xi1>
    %xor3A_4121 = arith.xori %xor3A_4120, %or3A_4119 : vector<64x512xi1>
    %xor3A_4122 = arith.constant true
    %xor3A_4123 = vector.broadcast %xor3A_4122 : i1 to vector<64x512xi1>
    %xor3A_4124 = arith.xori %xor3A_4121, %xor3A_4123 : vector<64x512xi1>
    %select_n3A_4125 = arith.select %xor3A_4124, %select_n3A_4089, %select_n3A_4105 : vector<64x512xi1>, vector<64x512xf32>
    %select_n3A_4126 = arith.select %xor3A_4124, %select_n3A_4090, %select_n3A_4114 : vector<64x512xi1>, vector<64x512xi32>
    %and3A_4127 = arith.constant 1 : i32
    %and3A_4128 = vector.broadcast %and3A_4127 : i32 to vector<1x512xi32>
    %and3A_4129 = arith.andi %iota3A, %and3A_4128 : vector<1x512xi32>
    %eq3A_4130 = arith.constant 0 : i32
    %eq3A_4131 = vector.broadcast %eq3A_4130 : i32 to vector<1x512xi32>
    %eq3A_4132 = arith.cmpi eq, %and3A_4129, %eq3A_4131 : vector<1x512xi32>
    %slice3A_4133 = vector.extract_strided_slice %select_n3A_4125 {offsets = [0, 1], sizes = [64, 511], strides = [1, 1]} : vector<64x512xf32> to vector<64x511xf32>
    %slice3A_4134 = vector.extract_strided_slice %select_n3A_4125 {offsets = [0, 0], sizes = [64, 1], strides = [1, 1]} : vector<64x512xf32> to vector<64x1xf32>
    %concatenate3A_4135 = tpu.concatenate %slice3A_4133, %slice3A_4134 in 1 : vector<64x511xf32>, vector<64x1xf32> -> vector<64x512xf32>
    %slice3A_4136 = vector.extract_strided_slice %select_n3A_4125 {offsets = [0, 511], sizes = [64, 1], strides = [1, 1]} : vector<64x512xf32> to vector<64x1xf32>
    %slice3A_4137 = vector.extract_strided_slice %select_n3A_4125 {offsets = [0, 0], sizes = [64, 511], strides = [1, 1]} : vector<64x512xf32> to vector<64x511xf32>
    %concatenate3A_4138 = tpu.concatenate %slice3A_4136, %slice3A_4137 in 1 : vector<64x1xf32>, vector<64x511xf32> -> vector<64x512xf32>
    %broadcast_in_dim3A_4139 = vector.shape_cast %eq3A_4132 : vector<1x512xi1> to vector<1x512xi1>
    %broadcast_in_dim3A_4140 = vector.broadcast %broadcast_in_dim3A_4139 : vector<1x512xi1> to vector<64x512xi1>
    %select_n3A_4141 = arith.select %broadcast_in_dim3A_4140, %concatenate3A_4135, %concatenate3A_4138 : vector<64x512xi1>, vector<64x512xf32>
    %slice3A_4142 = vector.extract_strided_slice %select_n3A_4126 {offsets = [0, 1], sizes = [64, 511], strides = [1, 1]} : vector<64x512xi32> to vector<64x511xi32>
    %slice3A_4143 = vector.extract_strided_slice %select_n3A_4126 {offsets = [0, 0], sizes = [64, 1], strides = [1, 1]} : vector<64x512xi32> to vector<64x1xi32>
    %concatenate3A_4144 = tpu.concatenate %slice3A_4142, %slice3A_4143 in 1 : vector<64x511xi32>, vector<64x1xi32> -> vector<64x512xi32>
    %slice3A_4145 = vector.extract_strided_slice %select_n3A_4126 {offsets = [0, 511], sizes = [64, 1], strides = [1, 1]} : vector<64x512xi32> to vector<64x1xi32>
    %slice3A_4146 = vector.extract_strided_slice %select_n3A_4126 {offsets = [0, 0], sizes = [64, 511], strides = [1, 1]} : vector<64x512xi32> to vector<64x511xi32>
    %concatenate3A_4147 = tpu.concatenate %slice3A_4145, %slice3A_4146 in 1 : vector<64x1xi32>, vector<64x511xi32> -> vector<64x512xi32>
    %broadcast_in_dim3A_4148 = vector.shape_cast %eq3A_4132 : vector<1x512xi1> to vector<1x512xi1>
    %broadcast_in_dim3A_4149 = vector.broadcast %broadcast_in_dim3A_4148 : vector<1x512xi1> to vector<64x512xi1>
    %select_n3A_4150 = arith.select %broadcast_in_dim3A_4149, %concatenate3A_4144, %concatenate3A_4147 : vector<64x512xi1>, vector<64x512xi32>
    %gt3A_4151 = arith.cmpf ogt, %select_n3A_4125, %select_n3A_4141 : vector<64x512xf32>
    %eq3A_4152 = arith.cmpf oeq, %select_n3A_4125, %select_n3A_4141 : vector<64x512xf32>
    %lt3A_4153 = arith.cmpi slt, %select_n3A_4126, %select_n3A_4150 : vector<64x512xi32>
    %and3A_4154 = arith.andi %eq3A_4152, %lt3A_4153 : vector<64x512xi1>
    %or3A_4155 = arith.ori %gt3A_4151, %and3A_4154 : vector<64x512xi1>
    %xor3A_4156 = vector.broadcast %eq3A_4132 : vector<1x512xi1> to vector<64x512xi1>
    %xor3A_4157 = arith.xori %xor3A_4156, %or3A_4155 : vector<64x512xi1>
    %xor3A_4158 = arith.constant true
    %xor3A_4159 = vector.broadcast %xor3A_4158 : i1 to vector<64x512xi1>
    %xor3A_4160 = arith.xori %xor3A_4157, %xor3A_4159 : vector<64x512xi1>
    %select_n3A_4161 = arith.select %xor3A_4160, %select_n3A_4126, %select_n3A_4150 : vector<64x512xi1>, vector<64x512xi32>
    %slice3A_4162 = vector.extract_strided_slice %select_n3A_4161 {offsets = [0, 0], sizes = [1, 512], strides = [1, 1]} : vector<64x512xi32> to vector<1x512xi32>
    %slice3A_4163 = vector.extract_strided_slice %select_n3A_4161 {offsets = [16, 0], sizes = [1, 512], strides = [1, 1]} : vector<64x512xi32> to vector<1x512xi32>
    %slice3A_4164 = vector.extract_strided_slice %select_n3A_4161 {offsets = [32, 0], sizes = [1, 512], strides = [1, 1]} : vector<64x512xi32> to vector<1x512xi32>
    %slice3A_4165 = vector.extract_strided_slice %select_n3A_4161 {offsets = [48, 0], sizes = [1, 512], strides = [1, 1]} : vector<64x512xi32> to vector<1x512xi32>
    %concatenate3A_4166 = tpu.concatenate %slice3A_4162, %slice3A_4163, %slice3A_4164, %slice3A_4165 in 0 : vector<1x512xi32>, vector<1x512xi32>, vector<1x512xi32>, vector<1x512xi32> -> vector<4x512xi32>
    %swap3A = arith.constant 0 : index
    %swap3A_4167 = arith.constant 0 : index
    %swap3A_4168 = vector.load %arg2[%swap3A, %swap3A_4167] : memref<4x512xi32, #tpu.memory_space<vmem>>, vector<4x512xi32>
    tpu.vector_store %arg2[%swap3A, %swap3A_4167], %concatenate3A_4166 {strides = array<i32>} : memref<4x512xi32, #tpu.memory_space<vmem>>, vector<4x512xi32>,
    return
  }
}

</mosaic_0001>

<sc_bundles>
// kernel: kernel.6.cloned.1.call-start
scs
__scs_entry_jumppad:
0x0: {  	(pc) =	sbr.rel $0x88, $3  }
0x1: {  	(tag) =	ssettag $0x0;
	lr =	simm.s32 $0x1  }
0x2: {  	[smem:$0x3F9D] =	sst lr;
	_ =	strace $0xD0000000  }
0x3: {  	_ = 	snop  }
0x4: {  	_ = 	snop  }
0x5: {  	_ = 	snop  }
0x6: {  	_ = 	snop  }
0x7: {  	_ = 	snop  }
__scs_overlays_trampoline_lowered:
0x8: {  	[smem:$0x3FAC] =	sst s0  }
0x9: {  	[smem:$0x3FAD] =	sst s1  }
0xa: {  	[smem:$0x3FAE] =	sst s2  }
0xb: {  	[smem:$0x3FAF] =	sst s3  }
0xc: {  	[smem:$0x3FB0] =	sst s4  }
0xd: {  	[smem:$0x3FB1] =	sst s5  }
0xe: {  	[smem:$0x3FB2] =	sst s6  }
0xf: {  	[smem:$0x3FB3] =	sst s7  }
0x10: {  	[smem:$0x3FB4] =	sst s8  }
0x11: {  	[smem:$0x3FB5] =	sst s9;
	s0 =	simm.s32 @!p0 $0x0  }
0x12: {  	s1 =	sld [smem:$0x3F9B];
	s0 =	simm.s32 @p0 $0x1  }
0x13: {  	[smem:$0x3FB6] =	sst s0;
	s0 =	simm.s32 @!p1 $0x0  }
0x14: {  	s2 =	sld [smem:$0x3F9A];
	s0 =	simm.s32 @p1 $0x1  }
0x15: {  	[smem:$0x3FB7] =	sst s0;
	s0 =	simm.s32 @!p2 $0x0  }
0x16: {  	s3 =	sld [smem:$0x3FDB];
	s0 =	simm.s32 @p2 $0x1  }
0x17: {  	s4 =	simm.s32 $0x1BF5;
	[smem:$0x3FB9] =	sst s0  }
0x18: {  	s0 =	sld [smem:$0x3F9C];
	_ =	swait.ge [sflag:s4], $0x0  }
0x19: {  	s7 =	sld [smem:$0x3F9D]  }
0x1a: {  	s8 =	sadd.s32 $0xFFFFE003, lr  }
0x1b: {  	s9 =	sadd.s32 $0xFFFFFEF7, lr;
	s5 =	simm.s32 $0xFFFFFFFF;
	p2 =	slt.u32 s8, $0xFFFFF086  }
0x1c: {  	p1 =	slt.u32 s9, $0xF7A;
	s5 =	simm.s32 @!p2 $0x0  }
0x1d: {  	s5 =	simm.s32 @p1 $0x1;
	p0 =	seq.s32 s7, s2  }
0x1e: {  	s7 =	smul.u32 @!p0 $0xF7A, s2;
	p2 =	seq.s32 @!p0 s5, $0x0  }
0x1f: {  	s9 =	smul.u32 $0xF7A, s1;
	s8 =	simm.s32 @!p0 $0x1BF5;
	p2 =	por !p2, p0  }
0x20: {  	[sflag:s8] =	ssyncset.s32 @!p0 $0xFFFFF086;
	s6 =	sadd.s32 @!p0 s3, s7;
	s7 =	simm.s32 @!p0 $0x108  }
0x21: {  	s3 =	sadd.s32 s3, s9;
	s6 =	sadd.s32 @!p0 $0x88, s6;
	s7 =	simm.s32 @p2 $0x1082  }
0x22: {  	[simem:s7], [sflag:s8] =	dma.local @!p0 [hbm:s6], $0xF7A  }
0x23: {  	s9 =	sor.u32 $0xD0000000, s2;
	s6 =	simm.s32 $0x108;
	_ =	swait.ge @!p0 [sflag:s8], $0x0  }
0x24: {  	s3 =	sadd.s32 $0x88, s3;
	s6 =	simm.s32 @!p1 $0x1082;
	[sflag:s4] =	ssyncset.s32 $0xFFFFF086  }
0x25: {  	[simem:s6], [sflag:s4] =	dma.local [hbm:s3], $0xF7A  }
0x26: {  	[smem:$0x3F9D] =	sst s1;
	(tag) =	ssettag s2;
	_ =	strace s9  }
0x27: {  	s1 =	sld [smem:$0x3FAD]  }
0x28: {  	s2 =	sld [smem:$0x3FAE]  }
0x29: {  	s4 =	sld [smem:$0x3FB0]  }
0x2a: {  	p0 =	seq.s32 s5, $0x0;
	s5 =	sld [smem:$0x3FB1]  }
0x2b: {  	s6 =	sld [smem:$0x3FB2]  }
0x2c: {  	s7 =	sld [smem:$0x3FB3]  }
0x2d: {  	s3 =	simm.s32 $0x108;
	s8 =	sld [smem:$0x3FB4]  }
0x2e: {  	s3 =	simm.s32 @!p0 $0x1082;
	s9 =	sld [smem:$0x3FB5]  }
0x2f: {  	lr =	sadd.s32 s0, s3;
	s0 =	sld [smem:$0x3FAC]  }
0x30: {  	s3 =	sld [smem:$0x3FAF]  }
0x31: {  	[smem:$0x3FB8] =	sst s10  }
0x32: {  	s10 =	sld [smem:$0x3FB6];
	_ =	sdelay $0x3  }
0x33: {  	p0 =	seq.s32 s10, $0x1;
	s10 =	sld [smem:$0x3FB8];
	_ =	sdelay $0x3  }
0x34: {  	[smem:$0x3FB8] =	sst s10  }
0x35: {  	s10 =	sld [smem:$0x3FB7];
	_ =	sdelay $0x3  }
0x36: {  	p1 =	seq.s32 s10, $0x1;
	s10 =	sld [smem:$0x3FB8];
	_ =	sdelay $0x3  }
0x37: {  	[smem:$0x3FB8] =	sst s10  }
0x38: {  	s10 =	sld [smem:$0x3FB9]  }
0x39: {  	_ = 	snop;
	(pc) =	sbr.ind lr, $3  }
0x3a: {  	_ = 	snop  }
0x3b: {  	_ = 	snop  }
0x3c: {  	p2 =	seq.s32 s10, $0x1;
	s10 =	sld [smem:$0x3FB8]  }
0x3d: {  	_ =	shalt  }
0x3e: {  	_ =	shalt  }
0x3f: {  	_ =	shalt  }
0x40: {  	_ =	shalt  }
0x41: {  	_ =	shalt  }
0x42: {  	_ =	shalt  }
0x43: {  	_ =	shalt  }
0x44: {  	_ =	shalt  }
0x45: {  	_ =	shalt  }
0x46: {  	_ =	shalt  }
0x47: {  	_ =	shalt  }
0x48: {  	_ =	shalt  }
0x49: {  	_ =	shalt  }
0x4a: {  	_ =	shalt  }
0x4b: {  	_ =	shalt  }
0x4c: {  	_ =	shalt  }
0x4d: {  	_ =	shalt  }
0x4e: {  	_ =	shalt  }
0x4f: {  	_ =	shalt  }
0x50: {  	_ =	shalt  }
0x51: {  	_ =	shalt  }
0x52: {  	_ =	shalt  }
0x53: {  	_ =	shalt  }
0x54: {  	_ =	shalt  }
0x55: {  	_ =	shalt  }
0x56: {  	_ =	shalt  }
0x57: {  	_ =	shalt  }
0x58: {  	_ =	shalt  }
0x59: {  	_ =	shalt  }
0x5a: {  	_ =	shalt  }
0x5b: {  	_ =	shalt  }
0x5c: {  	_ =	shalt  }
0x5d: {  	_ =	shalt  }
0x5e: {  	_ =	shalt  }
0x5f: {  	_ =	shalt  }
0x60: {  	_ =	shalt  }
0x61: {  	_ =	shalt  }
0x62: {  	_ =	shalt  }
0x63: {  	_ =	shalt  }
0x64: {  	_ =	shalt  }
0x65: {  	_ =	shalt  }
0x66: {  	_ =	shalt  }
0x67: {  	_ =	shalt  }
0x68: {  	_ =	shalt  }
0x69: {  	_ =	shalt  }
0x6a: {  	_ =	shalt  }
0x6b: {  	_ =	shalt  }
0x6c: {  	_ =	shalt  }
0x6d: {  	_ =	shalt  }
0x6e: {  	_ =	shalt  }
0x6f: {  	_ =	shalt  }
0x70: {  	_ =	shalt  }
0x71: {  	_ =	shalt  }
0x72: {  	_ =	shalt  }
0x73: {  	_ =	shalt  }
0x74: {  	_ =	shalt  }
0x75: {  	_ =	shalt  }
0x76: {  	_ =	shalt  }
0x77: {  	_ =	shalt  }
0x78: {  	_ =	shalt  }
0x79: {  	_ =	shalt  }
0x7a: {  	_ =	shalt  }
0x7b: {  	_ =	shalt  }
0x7c: {  	_ =	shalt  }
0x7d: {  	_ =	shalt  }
0x7e: {  	_ =	shalt  }
0x7f: {  	_ =	shalt  }
0x80: {  	_ =	shalt  }
0x81: {  	_ =	shalt  }
0x82: {  	_ =	shalt  }
0x83: {  	_ =	shalt  }
0x84: {  	_ =	shalt  }
0x85: {  	_ =	shalt  }
0x86: {  	_ =	shalt  }
0x87: {  	_ =	shalt  }
.Lfunc_end0:
.L_simem_size_0:
called_computation_lowered:
.L_overlay_start_0:
0x88: {  	s2 =	sld [smem:$0x3FD9]  }
0x89: {  	s3 =	sld [smem:$0x3FFE];
	_ =	sdelay $0x1  }
0x8a: {  	s1 =	srdreg.scid  }
0x8b: {  	s0 =	sand.u32 $0x1, s1  }
0x8c: {  	s14 =	sshll.u32 s0, $0xA;
	s2 =	sadd.s32 s3, s2  }
0x8d: {  	s2 =	sadd.s32 s2, s14  }
0x8e: {  	[smem:$0x3FC4] =	sst s2  }
0x8f: {  	_ = 	snop  }
0x90: {  	s2 =	sld [smem:$0x3FD0];
	_ =	sdelay $0x2  }
0x91: {  	s4 =	simm.s32 $0xA;
	s5 =	simm.s32 $0x10;
	s15 =	sld [smem:$0x3FC8]  }
0x92: {  	[smem:s5], [sflag:s4] =	dma.local [hbm:s2], $0x1  }
0x93: {  	_ =	swait.eq [sflag:s4], $0x1  }
0x94: {  	[sflag:s4] =	ssyncset.done $0x0  }
0x95: {  	[sflag:s4] =	ssyncadd.s32 $0xFFFFFFFF  }
0x96: {  	s16 =	sld [smem:$0x11];
	(tm) =	ssettm $0x1  }
0x97: {  	s17 =	sld [smem:$0x3FFB];
	_ =	sdelay $0x3  }
0x98: {  	_ =	strace s17  }
0x99: {  	s4 =	sld [smem:$0x3FFC];
	_ =	sdelay $0x3  }
0x9a: {  	_ =	strace s4  }
0x9b: {  	s4 =	sld [smem:$0x3FFD];
	_ =	sdelay $0x3  }
0x9c: {  	_ =	strace s4  }
0x9d: {  	_ =	strace $0x8FFFFFFF  }
0x9e: {  	s18 =	sld [smem:$0x3FDB];
	_ =	sdelay $0x1  }
0x9f: {  	s19 =	simm.s32 $_scs_section_size  }
0xa0: {  	s6 =	simm.s32 $_size__tile_overlayer_lowered;
	s7 =	simm.s32 $_tile_overlayer_lowered  }
0xa1: {  	s22 =	simm.s32 $0x1BFF;
	s21 =	sshll.u32 s7, $0x1;
	s4 =	sadd.s32 s19, s18  }
0xa2: {  	s8 =	simm.s32 $0x0;
	s20 =	sshll.u32 s6, $0x1;
	s6 =	sadd.s32 s21, s4  }
0xa3: {  	[timem:s8], [sflag:s22] =	dma.local [hbm:s6], s20  }
0xa4: {  	_ =	swait.ge [sflag:s22], s20  }
0xa5: {  	s5 =	ssub.s32 $0x0, s20;
	[sflag:s22] =	ssyncset.done $0x0  }
0xa6: {  	[sflag:s22] =	ssyncadd.s32 s5;
	_ =	sdelay $0x1  }
0xa7: {  	s23 =	simm.s32 $0x1B8B  }
0xa8: {  	_ =	swait.ge [sflag:s23], $0x1  }
0xa9: {  	[sflag:s23] =	ssyncset.done $0x0  }
0xaa: {  	s25 =	simm.s32 $0x1B8E;
	s24 =	sld [smem:$0x3FFE];
	[sflag:s23] =	ssyncadd.s32 $0xFFFFFFFF  }
0xab: {  	s26 =	simm.s32 $execute0_lowered;
	[smem:$0x3FD2] =	sst s25  }
0xac: {  	s6 =	sshll.u32 s26, $0x1;
	_ =	strace $0x80000046;
	[dreg:$0x1] =	wrdreg $0xFFFFFFFF  }
0xad: {  	s28 =	simm.s32 $_size_execute0_lowered;
	s4 =	sadd.s32 s4, s6;
	[dreg:$0x0] =	wrdreg $0x0  }
0xae: {  	s6 =	sshll.u32 s28, $0x1;
	[dreg:$0x2] =	wrdreg s4  }
0xaf: {  	[dreg:$0x3] =	wrdreg s6  }
0xb0: {  	[dreg:$0x4] =	wrdreg $0xC0  }
0xb1: {  	_ =	task [dreg:s8], $0x5FFFF  }
0xb2: {  	[dreg:$0x1] =	wrdreg $0xFFFFFFFF  }
0xb3: {  	[dreg:$0x0] =	wrdreg $0x60  }
0xb4: {  	[dreg:$0x2] =	wrdreg s15  }
0xb5: {  	[dreg:$0x3] =	wrdreg s24  }
0xb6: {  	[dreg:$0x4] =	wrdreg s16  }
0xb7: {  	[dreg:$0x5] =	wrdreg $0x9  }
0xb8: {  	_ =	task.clear_ibuf [dreg:s8], $0x6FFFF;
	_ =	strace $0x90000046  }
0xb9: {  	s29 =	simm.s32 $0x9;
	_ =	strace $0x80000048  }
0xba: {  	_ =	swait.ge [sflag:s29], $0x1  }
0xbb: {  	[sflag:s29] =	ssyncadd.s32 $0xFFFFFFFF  }
0xbc: {  	_ =	strace $0x90000048  }
0xbd: {  	_ =	sfence  }
0xbe: {  	s30 =	sld [smem:$0x0];
	_ =	sdelay $0x2  }
0xbf: {  	s31 =	sshll.u32 s1, $0xD;
	s1 =	sshrl.u32 s1, $0x2  }
0xc0: {  	s3 =	sand.u32 $0x4000, s31;
	s1 =	sadd.s32 s1, s30  }
0xc1: {  	s0 =	sor.u32 s3, s0;
	s1 =	sshll.u32 s1, $0x11  }
0xc2: {  	s0 =	sor.u32 s1, s0  }
0xc3: {  	s0 =	sadd.s32 $0x8F2B, s0  }
0xc4: {  	[sflag:s0] =	ssyncadd.remote.s32 $0x1  }
0xc5: {  	_ =	sfence.sel $0xFFFF  }
0xc6: {  	[dreg:$0x0] =	wrdreg $0xFFFFFFFF;
	(pc) =	sbr.abs _section_cstart, $3  }
0xc7: {  	[dreg:$0x1] =	wrdreg $0xFFFFFFFF  }
0xc8: {  	_ =	task.clear_ibuf [dreg:s8], $0x2FFFF;
	_ =	strace $0x9FFFFFFF  }
0xc9: {  	(tm) =	ssettm $0x7FFFFFFF  }
tec
execute0_lowered:
.L_overlay_start_1:
0x0: {  	(tag) =	ssettag $0x1  }
0x1: {  	s1 =	rddreg [dreg:$0x0]  }
0x2: {  	s0 =	rddreg [dreg:$0x1];
	s2 =	srdreg.scid  }
0x3: {  	s6 =	stileid.u32;
	s8 =	rddreg [dreg:$0x2]  }
0x4: {  	s3 =	simm.s32 $0x0;
	s30 =	simm.s32 $0x80;
	s13 =	simm.s32 $0x2  }
0x5: {  	s28 =	simm.s32 $0x1;
	s31 =	simm.s32 $0x1100;
	s15 =	simm.s32 $0x3100  }
0x6: {  	s16 =	simm.s32 $0x3900;
	s17 =	simm.s32 $0x4100;
	s18 =	simm.s32 $0x4900  }
0x7: {  	s19 =	simm.s32 $0x5100;
	s20 =	simm.s32 $0x5900;
	s21 =	simm.s32 $0x6100  }
0x8: {  	s22 =	simm.s32 $0x6900;
	s14 =	simm.s32 $0x9100;
	s2 =	sand.u32 $0x1, s2  }
0x9: {  	s4 =	sshll.u32 s6, $0x1;
	[smem:$0x7FF] =	sst s3;
	s25 =	sshll.u32 s6, $0xF  }
0xa: {  	s6 =	sadd.s32 $0x300, s1;
	s7 =	sadd.s32 $0x400, s1;
	s9 =	sadd.s32 $0x500, s1  }
0xb: {  	s10 =	sadd.s32 $0x600, s1;
	s11 =	sadd.s32 $0x700, s1;
	s4 =	sor.u32 s2, s4  }
0xc: {  	s2 =	ssub.s32 $0x2, s2;
	_ =	strace $0x80000047;
	s29 =	sand.u32 $0x60000, s25  }
0xd: {  	[dreg:$0x7] =	wrdreg s30;
	s25 =	simm.s32 $0x8100;
	s5 =	sshll.u32 s4, $0x3  }
0xe: {  	s23 =	sshrl.u32 s2, $0x1;
	s4 =	sshll.u32 s4, $0xE;
	s0 =	sadd.s32 s5, s0  }
0xf: {  	s2 =	ssub.s32 s2, s23;
	s26 =	sand.u32 $0x1C000, s4;
	s5 =	sadd.s32 $0x200, s1  }
0x10: {  	s4 =	sadd.s32 $0x100, s1;
	s24 =	sadd.s32 $0x200600, s0;
	s0 =	sadd.s32 $0x200604, s0  }
0x11: {  	s1 =	simm.s32 $0x100;
	[dreg:$0x5] =	wrdreg s0;
	s0 =	sor.u32 s29, s26  }
0x12: {  	v2 =	vlaneseq.u32;
	s23 =	simm.s32 $0x7100;
	[dreg:$0x4] =	wrdreg s24;
	s0 =	sadd.s32 s8, s0  }
0x13: {  	vm0 =	vmmov $0xffff;
	v1 =	vshrl.u32 v2, $0x3;
	s12 =	smax.u32 s2, $0x1;
	[dreg:$0x8] =	wrdreg s0;
	s0 =	sadd.s32 $0x2000, s0  }
0x14: {  	v0 =	vand.u32 $0x7, v2;
	v2 =	vor.u32 $0x8, v2;
	v1 =	vmul.u32 $0x8, v1;
	s24 =	simm.s32 $0x7900;
	s26 =	simm.s32 $0x8900;
	[dreg:$0x6] =	wrdreg s0  }
.LBB2_1:
0x15: {  	s29 =	rddreg [dreg:$0x4]  }
0x16: {  	[tilespmem:s3], [sflag:$0x2] =	stream.linear.gather [hbm4b:s29+s3], $0x20, $0x38;
	[tilespmem:$0x10100] =	vst v63  }
0x17: {  	_ =	swait.ge [sflag:s13], $0x20  }
0x18: {  	s8 =	rddreg [dreg:$0x5];
	[sflag:s13] =	ssyncset.done $0x0  }
0x19: {  	s30 =	rddreg [dreg:$0x7];
	[sflag:s13] =	ssyncadd.s32 $0xFFFFFFE0  }
0x1a: {  	[tilespmem:s30], [sflag:$0x2] =	stream.linear.gather [hbm4b:s8+s3], $0x20, $0x38;
	[tilespmem:$0x10100] =	vst v63  }
0x1b: {  	_ =	swait.ge [sflag:s13], $0x20  }
0x1c: {  	[sflag:s13] =	ssyncset.done $0x0  }
0x1d: {  	[sflag:s13] =	ssyncadd.s32 $0xFFFFFFE0  }
0x1e: {  	v3 =	vld [tilespmem:$0x0];
	_ =	sdelay $0x4  }
0x1f: {  	v4 =	vshll.u32 v3, $0x4  }
0x20: {  	v3 =	vand.u32 $0x7, v3;
	v4 =	vand.u32 $0xFFFFFF80, v4  }
0x21: {  	v3 =	vor.u32 v3, v4  }
0x22: {  	v4 =	vperm.xlane v3, v0;
	_ =	sdelay $0x1  }
0x23: {  	v4 =	vadd.s32 v1, v4;
	_ =	sdelay $0x3  }
0x24: {  	s0 =	rddreg [dreg:$0x0]  }
0x25: {  	[tilespmem:s1], [sflag:$0x1] =	stream.indirect_vreg.gather [hbm4b:s0+s3], $0x80, v4, vm0, $0xb8;
	[tilespmem:$0x10100] =	vst v63  }
0x26: {  	s30 =	simm.s32 $0x900  }
0x27: {  	[tilespmem:s30], [sflag:$0x1] =	stream.indirect_vreg.gather [hbm4b:s4+s3], $0x80, v4, vm0, $0xb8;
	[tilespmem:$0x10100] =	vst v63  }
0x28: {  	_ = 	snop  }
0x29: {  	[tilespmem:s31], [sflag:$0x1] =	stream.indirect_vreg.gather [hbm4b:s5+s3], $0x80, v4, vm0, $0xb8;
	[tilespmem:$0x10100] =	vst v63  }
0x2a: {  	s2 =	simm.s32 $0x1900  }
0x2b: {  	[tilespmem:s2], [sflag:$0x1] =	stream.indirect_vreg.gather [hbm4b:s6+s3], $0x80, v4, vm0, $0xb8;
	[tilespmem:$0x10100] =	vst v63  }
0x2c: {  	s8 =	simm.s32 $0x2100  }
0x2d: {  	[tilespmem:s8], [sflag:$0x1] =	stream.indirect_vreg.gather [hbm4b:s7+s3], $0x80, v4, vm0, $0xb8;
	[tilespmem:$0x10100] =	vst v63  }
0x2e: {  	v3 =	vperm.xlane v3, v2;
	s8 =	simm.s32 $0x2900  }
0x2f: {  	[tilespmem:s8], [sflag:$0x1] =	stream.indirect_vreg.gather [hbm4b:s9+s3], $0x80, v4, vm0, $0xb8;
	[tilespmem:$0x10100] =	vst v63  }
0x30: {  	v3 =	vadd.s32 v1, v3  }
0x31: {  	[tilespmem:s15], [sflag:$0x1] =	stream.indirect_vreg.gather [hbm4b:s10+s3], $0x80, v4, vm0, $0xb8;
	[tilespmem:$0x10100] =	vst v63  }
0x32: {  	_ = 	snop  }
0x33: {  	[tilespmem:s16], [sflag:$0x1] =	stream.indirect_vreg.gather [hbm4b:s11+s3], $0x80, v4, vm0, $0xb8;
	[tilespmem:$0x10100] =	vst v63  }
0x34: {  	_ = 	snop  }
0x35: {  	[tilespmem:s17], [sflag:$0x1] =	stream.indirect_vreg.gather [hbm4b:s0+s3], $0x80, v3, vm0, $0xb8;
	[tilespmem:$0x10100] =	vst v63  }
0x36: {  	_ = 	snop  }
0x37: {  	[tilespmem:s18], [sflag:$0x1] =	stream.indirect_vreg.gather [hbm4b:s4+s3], $0x80, v3, vm0, $0xb8;
	[tilespmem:$0x10100] =	vst v63  }
0x38: {  	_ = 	snop  }
0x39: {  	[tilespmem:s19], [sflag:$0x1] =	stream.indirect_vreg.gather [hbm4b:s5+s3], $0x80, v3, vm0, $0xb8;
	[tilespmem:$0x10100] =	vst v63  }
0x3a: {  	_ = 	snop  }
0x3b: {  	[tilespmem:s20], [sflag:$0x1] =	stream.indirect_vreg.gather [hbm4b:s6+s3], $0x80, v3, vm0, $0xb8;
	[tilespmem:$0x10100] =	vst v63  }
0x3c: {  	_ = 	snop  }
0x3d: {  	[tilespmem:s21], [sflag:$0x1] =	stream.indirect_vreg.gather [hbm4b:s7+s3], $0x80, v3, vm0, $0xb8;
	[tilespmem:$0x10100] =	vst v63  }
0x3e: {  	_ = 	snop  }
0x3f: {  	[tilespmem:s22], [sflag:$0x1] =	stream.indirect_vreg.gather [hbm4b:s9+s3], $0x80, v3, vm0, $0xb8;
	[tilespmem:$0x10100] =	vst v63  }
0x40: {  	_ = 	snop  }
0x41: {  	[tilespmem:s23], [sflag:$0x1] =	stream.indirect_vreg.gather [hbm4b:s10+s3], $0x80, v3, vm0, $0xb8;
	[tilespmem:$0x10100] =	vst v63  }
0x42: {  	_ = 	snop  }
0x43: {  	[tilespmem:s24], [sflag:$0x1] =	stream.indirect_vreg.gather [hbm4b:s11+s3], $0x80, v3, vm0, $0xb8;
	[tilespmem:$0x10100] =	vst v63  }
0x44: {  	v3 =	vld [tilespmem:$0x10];
	_ =	sdelay $0x4  }
0x45: {  	v61 =	vshll.u32 v3, $0x4  }
0x46: {  	v3 =	vand.u32 $0x7, v3;
	v4 =	vand.u32 $0xFFFFFF80, v61  }
0x47: {  	v3 =	vor.u32 v3, v4  }
0x48: {  	v4 =	vperm.xlane v3, v0;
	_ =	sdelay $0x1  }
0x49: {  	v4 =	vadd.s32 v1, v4;
	_ =	sdelay $0x4  }
0x4a: {  	[tilespmem:s25], [sflag:$0x1] =	stream.indirect_vreg.gather [hbm4b:s0+s3], $0x80, v4, vm0, $0xb8;
	[tilespmem:$0x10100] =	vst v63  }
0x4b: {  	_ = 	snop  }
0x4c: {  	[tilespmem:s26], [sflag:$0x1] =	stream.indirect_vreg.gather [hbm4b:s4+s3], $0x80, v4, vm0, $0xb8;
	[tilespmem:$0x10100] =	vst v63  }
0x4d: {  	_ = 	snop  }
0x4e: {  	[tilespmem:s14], [sflag:$0x1] =	stream.indirect_vreg.gather [hbm4b:s5+s3], $0x80, v4, vm0, $0xb8;
	[tilespmem:$0x10100] =	vst v63  }
0x4f: {  	s29 =	simm.s32 $0x9900  }
0x50: {  	[tilespmem:s29], [sflag:$0x1] =	stream.indirect_vreg.gather [hbm4b:s6+s3], $0x80, v4, vm0, $0xb8;
	[tilespmem:$0x10100] =	vst v63  }
0x51: {  	s29 =	simm.s32 $0xA100  }
0x52: {  	[tilespmem:s29], [sflag:$0x1] =	stream.indirect_vreg.gather [hbm4b:s7+s3], $0x80, v4, vm0, $0xb8;
	[tilespmem:$0x10100] =	vst v63  }
0x53: {  	v3 =	vperm.xlane v3, v2;
	s29 =	simm.s32 $0xA900  }
0x54: {  	[tilespmem:s29], [sflag:$0x1] =	stream.indirect_vreg.gather [hbm4b:s9+s3], $0x80, v4, vm0, $0xb8;
	[tilespmem:$0x10100] =	vst v63  }
0x55: {  	v3 =	vadd.s32 v1, v3;
	s29 =	simm.s32 $0xB100  }
0x56: {  	[tilespmem:s29], [sflag:$0x1] =	stream.indirect_vreg.gather [hbm4b:s10+s3], $0x80, v4, vm0, $0xb8;
	[tilespmem:$0x10100] =	vst v63  }
0x57: {  	s29 =	simm.s32 $0xB900  }
0x58: {  	[tilespmem:s29], [sflag:$0x1] =	stream.indirect_vreg.gather [hbm4b:s11+s3], $0x80, v4, vm0, $0xb8;
	[tilespmem:$0x10100] =	vst v63  }
0x59: {  	s29 =	simm.s32 $0xC100  }
0x5a: {  	[tilespmem:s29], [sflag:$0x1] =	stream.indirect_vreg.gather [hbm4b:s0+s3], $0x80, v3, vm0, $0xb8;
	[tilespmem:$0x10100] =	vst v63  }
0x5b: {  	s29 =	simm.s32 $0xC900  }
0x5c: {  	[tilespmem:s29], [sflag:$0x1] =	stream.indirect_vreg.gather [hbm4b:s4+s3], $0x80, v3, vm0, $0xb8;
	[tilespmem:$0x10100] =	vst v63  }
0x5d: {  	s29 =	simm.s32 $0xD100  }
0x5e: {  	[tilespmem:s29], [sflag:$0x1] =	stream.indirect_vreg.gather [hbm4b:s5+s3], $0x80, v3, vm0, $0xb8;
	[tilespmem:$0x10100] =	vst v63  }
0x5f: {  	s29 =	simm.s32 $0xD900  }
0x60: {  	[tilespmem:s29], [sflag:$0x1] =	stream.indirect_vreg.gather [hbm4b:s6+s3], $0x80, v3, vm0, $0xb8;
	[tilespmem:$0x10100] =	vst v63  }
0x61: {  	s29 =	simm.s32 $0xE100  }
0x62: {  	[tilespmem:s29], [sflag:$0x1] =	stream.indirect_vreg.gather [hbm4b:s7+s3], $0x80, v3, vm0, $0xb8;
	[tilespmem:$0x10100] =	vst v63  }
0x63: {  	s29 =	simm.s32 $0xE900  }
0x64: {  	[tilespmem:s29], [sflag:$0x1] =	stream.indirect_vreg.gather [hbm4b:s9+s3], $0x80, v3, vm0, $0xb8;
	[tilespmem:$0x10100] =	vst v63  }
0x65: {  	s29 =	simm.s32 $0xF100  }
0x66: {  	[tilespmem:s29], [sflag:$0x1] =	stream.indirect_vreg.gather [hbm4b:s10+s3], $0x80, v3, vm0, $0xb8;
	[tilespmem:$0x10100] =	vst v63  }
0x67: {  	s29 =	simm.s32 $0xF900  }
0x68: {  	[tilespmem:s29], [sflag:$0x1] =	stream.indirect_vreg.gather [hbm4b:s11+s3], $0x80, v3, vm0, $0xb8;
	[tilespmem:$0x10100] =	vst v63  }
0x69: {  	_ =	swait.ge [sflag:s28], $0x10000  }
0x6a: {  	[sflag:s28] =	ssyncset.done $0x0  }
0x6b: {  	s29 =	rddreg [dreg:$0x8];
	[sflag:s28] =	ssyncadd.s32 $0xFFFF0000  }
0x6c: {  	[hbm4b:s29+s3] =	stream.linear.scatter [tilespmem:s1], [sflag:$0x2], $0x10000, $0x38;
	[tilespmem:$0x10100] =	vst v63  }
0x6d: {  	_ =	swait.ge [sflag:s13], $0x10000  }
0x6e: {  	[sflag:s13] =	ssyncset.done $0x0  }
0x6f: {  	[sflag:s13] =	ssyncadd.s32 $0xFFFF0000  }
0x70: {  	v3 =	vld [tilespmem:$0x80];
	_ =	sdelay $0x4  }
0x71: {  	v62 =	vshll.u32 v3, $0x4  }
0x72: {  	v3 =	vand.u32 $0x7, v3;
	v4 =	vand.u32 $0xFFFFFF80, v62  }
0x73: {  	v3 =	vor.u32 v3, v4  }
0x74: {  	v4 =	vperm.xlane v3, v0;
	_ =	sdelay $0x1  }
0x75: {  	v4 =	vadd.s32 v1, v4;
	_ =	sdelay $0x4  }
0x76: {  	[tilespmem:s1], [sflag:$0x1] =	stream.indirect_vreg.gather [hbm4b:s0+s3], $0x80, v4, vm0, $0xb8;
	[tilespmem:$0x10100] =	vst v63  }
0x77: {  	_ = 	snop  }
0x78: {  	[tilespmem:s30], [sflag:$0x1] =	stream.indirect_vreg.gather [hbm4b:s4+s3], $0x80, v4, vm0, $0xb8;
	[tilespmem:$0x10100] =	vst v63  }
0x79: {  	_ = 	snop  }
0x7a: {  	[tilespmem:s31], [sflag:$0x1] =	stream.indirect_vreg.gather [hbm4b:s5+s3], $0x80, v4, vm0, $0xb8;
	[tilespmem:$0x10100] =	vst v63  }
0x7b: {  	_ = 	snop  }
0x7c: {  	[tilespmem:s2], [sflag:$0x1] =	stream.indirect_vreg.gather [hbm4b:s6+s3], $0x80, v4, vm0, $0xb8;
	[tilespmem:$0x10100] =	vst v63  }
0x7d: {  	s30 =	simm.s32 $0x2100  }
0x7e: {  	[tilespmem:s30], [sflag:$0x1] =	stream.indirect_vreg.gather [hbm4b:s7+s3], $0x80, v4, vm0, $0xb8;
	[tilespmem:$0x10100] =	vst v63  }
0x7f: {  	v3 =	vperm.xlane v3, v2  }
0x80: {  	[tilespmem:s8], [sflag:$0x1] =	stream.indirect_vreg.gather [hbm4b:s9+s3], $0x80, v4, vm0, $0xb8;
	[tilespmem:$0x10100] =	vst v63  }
0x81: {  	v3 =	vadd.s32 v1, v3  }
0x82: {  	[tilespmem:s15], [sflag:$0x1] =	stream.indirect_vreg.gather [hbm4b:s10+s3], $0x80, v4, vm0, $0xb8;
	[tilespmem:$0x10100] =	vst v63  }
0x83: {  	_ = 	snop  }
0x84: {  	[tilespmem:s16], [sflag:$0x1] =	stream.indirect_vreg.gather [hbm4b:s11+s3], $0x80, v4, vm0, $0xb8;
	[tilespmem:$0x10100] =	vst v63  }
0x85: {  	_ = 	snop  }
0x86: {  	[tilespmem:s17], [sflag:$0x1] =	stream.indirect_vreg.gather [hbm4b:s0+s3], $0x80, v3, vm0, $0xb8;
	[tilespmem:$0x10100] =	vst v63  }
0x87: {  	_ = 	snop  }
0x88: {  	[tilespmem:s18], [sflag:$0x1] =	stream.indirect_vreg.gather [hbm4b:s4+s3], $0x80, v3, vm0, $0xb8;
	[tilespmem:$0x10100] =	vst v63  }
0x89: {  	_ = 	snop  }
0x8a: {  	[tilespmem:s19], [sflag:$0x1] =	stream.indirect_vreg.gather [hbm4b:s5+s3], $0x80, v3, vm0, $0xb8;
	[tilespmem:$0x10100] =	vst v63  }
0x8b: {  	_ = 	snop  }
0x8c: {  	[tilespmem:s20], [sflag:$0x1] =	stream.indirect_vreg.gather [hbm4b:s6+s3], $0x80, v3, vm0, $0xb8;
	[tilespmem:$0x10100] =	vst v63  }
0x8d: {  	_ = 	snop  }
0x8e: {  	[tilespmem:s21], [sflag:$0x1] =	stream.indirect_vreg.gather [hbm4b:s7+s3], $0x80, v3, vm0, $0xb8;
	[tilespmem:$0x10100] =	vst v63  }
0x8f: {  	_ = 	snop  }
0x90: {  	[tilespmem:s22], [sflag:$0x1] =	stream.indirect_vreg.gather [hbm4b:s9+s3], $0x80, v3, vm0, $0xb8;
	[tilespmem:$0x10100] =	vst v63  }
0x91: {  	_ = 	snop  }
0x92: {  	[tilespmem:s23], [sflag:$0x1] =	stream.indirect_vreg.gather [hbm4b:s10+s3], $0x80, v3, vm0, $0xb8;
	[tilespmem:$0x10100] =	vst v63  }
0x93: {  	_ = 	snop  }
0x94: {  	[tilespmem:s24], [sflag:$0x1] =	stream.indirect_vreg.gather [hbm4b:s11+s3], $0x80, v3, vm0, $0xb8;
	[tilespmem:$0x10100] =	vst v63  }
0x95: {  	v3 =	vld [tilespmem:$0x90];
	_ =	sdelay $0x4  }
0x96: {  	v63 =	vshll.u32 v3, $0x4  }
0x97: {  	v3 =	vand.u32 $0x7, v3;
	v4 =	vand.u32 $0xFFFFFF80, v63  }
0x98: {  	v3 =	vor.u32 v3, v4  }
0x99: {  	v4 =	vperm.xlane v3, v0;
	_ =	sdelay $0x1  }
0x9a: {  	v4 =	vadd.s32 v1, v4;
	_ =	sdelay $0x4  }
0x9b: {  	[tilespmem:s25], [sflag:$0x1] =	stream.indirect_vreg.gather [hbm4b:s0+s3], $0x80, v4, vm0, $0xb8;
	[tilespmem:$0x10100] =	vst v63  }
0x9c: {  	_ = 	snop  }
0x9d: {  	[tilespmem:s26], [sflag:$0x1] =	stream.indirect_vreg.gather [hbm4b:s4+s3], $0x80, v4, vm0, $0xb8;
	[tilespmem:$0x10100] =	vst v63  }
0x9e: {  	_ = 	snop  }
0x9f: {  	[tilespmem:s14], [sflag:$0x1] =	stream.indirect_vreg.gather [hbm4b:s5+s3], $0x80, v4, vm0, $0xb8;
	[tilespmem:$0x10100] =	vst v63  }
0xa0: {  	s8 =	simm.s32 $0x9900  }
0xa1: {  	[tilespmem:s8], [sflag:$0x1] =	stream.indirect_vreg.gather [hbm4b:s6+s3], $0x80, v4, vm0, $0xb8;
	[tilespmem:$0x10100] =	vst v63  }
0xa2: {  	s29 =	simm.s32 $0xA100  }
0xa3: {  	[tilespmem:s29], [sflag:$0x1] =	stream.indirect_vreg.gather [hbm4b:s7+s3], $0x80, v4, vm0, $0xb8;
	[tilespmem:$0x10100] =	vst v63  }
0xa4: {  	s30 =	simm.s32 $0xA900;
	v3 =	vperm.xlane v3, v2  }
0xa5: {  	[tilespmem:s30], [sflag:$0x1] =	stream.indirect_vreg.gather [hbm4b:s9+s3], $0x80, v4, vm0, $0xb8;
	[tilespmem:$0x10100] =	vst v63  }
0xa6: {  	v3 =	vadd.s32 v1, v3;
	s8 =	simm.s32 $0xB100  }
0xa7: {  	[tilespmem:s8], [sflag:$0x1] =	stream.indirect_vreg.gather [hbm4b:s10+s3], $0x80, v4, vm0, $0xb8;
	[tilespmem:$0x10100] =	vst v63  }
0xa8: {  	s29 =	simm.s32 $0xB900  }
0xa9: {  	[tilespmem:s29], [sflag:$0x1] =	stream.indirect_vreg.gather [hbm4b:s11+s3], $0x80, v4, vm0, $0xb8;
	[tilespmem:$0x10100] =	vst v63  }
0xaa: {  	s30 =	simm.s32 $0xC100  }
0xab: {  	[tilespmem:s30], [sflag:$0x1] =	stream.indirect_vreg.gather [hbm4b:s0+s3], $0x80, v3, vm0, $0xb8;
	[tilespmem:$0x10100] =	vst v63  }
0xac: {  	s2 =	simm.s32 $0xC900  }
0xad: {  	[tilespmem:s2], [sflag:$0x1] =	stream.indirect_vreg.gather [hbm4b:s4+s3], $0x80, v3, vm0, $0xb8;
	[tilespmem:$0x10100] =	vst v63  }
0xae: {  	s8 =	simm.s32 $0xD100  }
0xaf: {  	[tilespmem:s8], [sflag:$0x1] =	stream.indirect_vreg.gather [hbm4b:s5+s3], $0x80, v3, vm0, $0xb8;
	[tilespmem:$0x10100] =	vst v63  }
0xb0: {  	s29 =	simm.s32 $0xD900  }
0xb1: {  	[tilespmem:s29], [sflag:$0x1] =	stream.indirect_vreg.gather [hbm4b:s6+s3], $0x80, v3, vm0, $0xb8;
	[tilespmem:$0x10100] =	vst v63  }
0xb2: {  	s30 =	simm.s32 $0xE100  }
0xb3: {  	[tilespmem:s30], [sflag:$0x1] =	stream.indirect_vreg.gather [hbm4b:s7+s3], $0x80, v3, vm0, $0xb8;
	[tilespmem:$0x10100] =	vst v63  }
0xb4: {  	s2 =	simm.s32 $0xE900  }
0xb5: {  	[tilespmem:s2], [sflag:$0x1] =	stream.indirect_vreg.gather [hbm4b:s9+s3], $0x80, v3, vm0, $0xb8;
	[tilespmem:$0x10100] =	vst v63  }
0xb6: {  	s8 =	simm.s32 $0xF100  }
0xb7: {  	[tilespmem:s8], [sflag:$0x1] =	stream.indirect_vreg.gather [hbm4b:s10+s3], $0x80, v3, vm0, $0xb8;
	[tilespmem:$0x10100] =	vst v63  }
0xb8: {  	s29 =	simm.s32 $0xF900  }
0xb9: {  	[tilespmem:s29], [sflag:$0x1] =	stream.indirect_vreg.gather [hbm4b:s11+s3], $0x80, v3, vm0, $0xb8;
	[tilespmem:$0x10100] =	vst v63  }
0xba: {  	_ =	swait.ge [sflag:s28], $0x10000  }
0xbb: {  	p0 =	sne.s32 s12, $0x1;
	[sflag:s28] =	ssyncset.done $0x0  }
.Ltmp0:
0xbc: {  	s30 =	rddreg [dreg:$0x6];
	[sflag:s28] =	ssyncadd.s32 $0xFFFF0000;
	(pc) =	sbr.rel @p0 .LBB2_1-.Ltmp0, $4  }
0xbd: {  	[hbm4b:s30+s3] =	stream.linear.scatter [tilespmem:s1], [sflag:$0x2], $0x10000, $0x38;
	[tilespmem:$0x10100] =	vst v63  }
0xbe: {  	_ =	swait.ge [sflag:s13], $0x10000  }
0xbf: {  	[sflag:s13] =	ssyncset.done $0x0  }
0xc0: {  	s12 =	sadd.s32 $0xFFFFFFFF, s12;
	[sflag:s13] =	ssyncadd.s32 $0xFFFF0000  }
0xc1: {  	_ =	sfence.sel $0x180000  }
0xc2: {  	[bflag:$0x0] =	sbarrier.arrive $0xFFFF  }
0xc3: {  	_ =	strace $0x90000047  }
0xc4: {  	s0 =	stileid.u32;
	[bflag:$0x2] =	sbarrier.arrive $0xFFFF  }
0xc5: {  	p0 =	sne.s32 s0, $0x0;
	s0 =	rddreg [dreg:$0x3]  }
0xc6: {  	s0 =	sadd.s32 @!p0 $0x100000, s0  }
0xc7: {  	[sflag:s0] =	ssyncadd.tile.s32 @!p0 $0x1;
	_ =	shalt  }
.Lfunc_end2:
_tile_overlayer_lowered:
.L_overlay_start_2:
0xc8: {  	(tag) =	ssettag $0x2  }
0xc9: {  	s0 =	rddreg [dreg:$0x0];
	s2 =	stileid.u32  }
0xca: {  	s1 =	rddreg [dreg:$0x1];
	p0 =	sne.s32 s2, $0x0  }
0xcb: {  	s3 =	rddreg [dreg:$0x2];
	[bflag:$0x3] =	sbarrier.arrive $0xFFFF;
	s2 =	simm.s32 @!p0 $0x1C02  }
0xcc: {  	[timem:s3], [sflag:s2] =	dma.local @!p0 [hbm:s0], s1  }
0xcd: {  	s0 =	simm.s32 @!p0 $0x2  }
0xce: {  	_ =	swait.ge @!p0 [sflag:s0], s1  }
0xcf: {  	s1 =	ssub.s32 @!p0 $0x0, s1;
	[sflag:s0] =	ssyncset.done @!p0 $0x0  }
0xd0: {  	[sflag:s0] =	ssyncadd.s32 @!p0 s1  }
0xd1: {  	[bflag:$0x3] =	sbarrier.arrive $0xFFFF  }
0xd2: {  	_ =	shalt  }

</sc_bundles>
